<compile_context>
chip_gen: v7x
topology: tpu7x:2x2x1
jax: 0.10.2.dev20260603
libtpu: 0.0.44.dev20260713+nightly
codegen_flags: <defaults>
</compile_context>

<pallas_src>
import functools

import jax
import jax.numpy as jnp
from jax import lax
from jax.experimental import pallas as pl
from jax.experimental.pallas import tpu as pltpu
from jax.experimental.pallas import tpu_sc as plsc

N = 10000
E = 320000
F = 128
CW = 16
CHUNK = 128
EPAD = 2560 * CHUNK
CPW = 2560 // 32
HALF = CPW // 2
NACC = 10240
ROWS_PER_TILE = NACC // 16
CNT_PER_TILE = N // 16
OWN = 632
OWN_LAST = N - 15 * OWN

_f32 = jnp.float32



def _finish_h_body(parts_ref, cnts_ref, wenc_ref, benc_ref, h_ref):
    tot = parts_ref[0] + parts_ref[1]
    cnt = (cnts_ref[0] + cnts_ref[1])[:, 0:1]
    xm = tot * (1.0 / jnp.maximum(cnt, 1.0))
    h = jnp.dot(xm, wenc_ref[...], preferred_element_type=_f32)
    h_ref[...] = jnp.maximum(h + benc_ref[...], 0.0)


def _finish_h(parts, cnts, wenc, benc, blk=1000):
    grid = N // blk
    mat = pl.BlockSpec((F, F), lambda i: (0, 0))
    vec = pl.BlockSpec((1, F), lambda i: (0, 0))
    return pl.pallas_call(
        _finish_h_body,
        grid=(grid,),
        in_specs=[
            pl.BlockSpec((2, blk, F), lambda i: (0, i, 0)),
            pl.BlockSpec((2, blk, CW), lambda i: (0, i, 0)),
            mat, vec,
        ],
        out_specs=pl.BlockSpec((blk, F), lambda i: (i, 0)),
        out_shape=jax.ShapeDtypeStruct((N, F), _f32),
    )(parts, cnts, wenc, benc)


def _mlp_body(in_ref, w1_ref, b1_ref, w2_ref, b2_ref, out_ref):
    t = jnp.dot(in_ref[...], w1_ref[...], preferred_element_type=_f32)
    t = jnp.maximum(t + b1_ref[...], 0.0)
    out_ref[...] = (
        jnp.dot(t, w2_ref[...], preferred_element_type=_f32) + b2_ref[...]
    )


def _mlp(inp, w1, b1, w2, b2, blk=1000):
    grid = N // blk
    mat = pl.BlockSpec((F, F), lambda i: (0, 0))
    vec = pl.BlockSpec((1, F), lambda i: (0, 0))
    return pl.pallas_call(
        _mlp_body,
        grid=(grid,),
        in_specs=[
            pl.BlockSpec((blk, F), lambda i: (i, 0)),
            mat, vec, mat, vec,
        ],
        out_specs=pl.BlockSpec((blk, F), lambda i: (i, 0)),
        out_shape=jax.ShapeDtypeStruct((N, F), _f32),
    )(inp, w1, b1, w2, b2)


def _finish_mlp_body(parts_ref, cnts_ref, w1_ref, b1_ref, w2_ref, b2_ref,
                     out_ref):
    tot = parts_ref[0] + parts_ref[1]
    cnt = (cnts_ref[0] + cnts_ref[1])[:, 0:1]
    hb = tot * (1.0 / jnp.maximum(cnt, 1.0))
    t = jnp.dot(hb, w1_ref[...], preferred_element_type=_f32)
    t = jnp.maximum(t + b1_ref[...], 0.0)
    out_ref[...] = (
        jnp.dot(t, w2_ref[...], preferred_element_type=_f32) + b2_ref[...]
    )


def _finish_mlp(parts, cnts, w1, b1, w2, b2, blk=1000):
    grid = N // blk
    mat = pl.BlockSpec((F, F), lambda i: (0, 0))
    vec = pl.BlockSpec((1, F), lambda i: (0, 0))
    return pl.pallas_call(
        _finish_mlp_body,
        grid=(grid,),
        in_specs=[
            pl.BlockSpec((2, blk, F), lambda i: (0, i, 0)),
            pl.BlockSpec((2, blk, CW), lambda i: (0, i, 0)),
            mat, vec, mat, vec,
        ],
        out_specs=pl.BlockSpec((blk, F), lambda i: (i, 0)),
        out_shape=jax.ShapeDtypeStruct((N, F), _f32),
    )(parts, cnts, w1, b1, w2, b2)



def _fill_zbuf(zbuf, width):
    z = jnp.zeros((16,), _f32)
    for i in range(16):
        for k in range(width // 16):
            zbuf[i, pl.ds(k * 16, 16)] = z


def _zero_rows(zbuf, acc, row0, nrows16, tail):
    def zero_body(i, carry):
        pltpu.sync_copy(zbuf, acc.at[pl.ds(row0 + i * 16, 16)])
        return carry

    lax.fori_loop(0, nrows16, zero_body, 0)
    if tail:
        pltpu.sync_copy(
            zbuf.at[pl.ds(0, tail)],
            acc.at[pl.ds(row0 + nrows16 * 16, tail)],
        )


def _agg_body(table, src2d, dst2d, out, src_v, dst_v, rows_a, rows_b, zbuf,
              acc, sem_a, sem_b):
    c = lax.axis_index("c")
    s = lax.axis_index("s")
    wid = c * 16 + s
    _fill_zbuf(zbuf, F)
    _zero_rows(zbuf, acc, s * ROWS_PER_TILE, ROWS_PER_TILE // 16, 0)
    plsc.subcore_barrier()

    for half in range(2):
        base = wid * CPW + half * HALF
        pltpu.sync_copy(src2d.at[pl.ds(base, HALF)], src_v)
        pltpu.sync_copy(dst2d.at[pl.ds(base, HALF)], dst_v)
        pltpu.async_copy(table.at[src_v.at[0]], rows_a, sem_a)

        def chunk_body(j, carry):
            jj = 2 * j
            pltpu.async_copy(table.at[src_v.at[jj + 1]], rows_b, sem_b)
            pltpu.make_async_copy(table.at[src_v.at[jj]], rows_a, sem_a).wait()
            pltpu.sync_copy(rows_a, acc.at[dst_v.at[jj]], add=True)
            nxt = jnp.minimum(jj + 2, HALF - 1)
            pltpu.async_copy(table.at[src_v.at[nxt]], rows_a, sem_a)
            pltpu.make_async_copy(table.at[src_v.at[jj]], rows_b, sem_b).wait()
            pltpu.sync_copy(rows_b, acc.at[dst_v.at[jj + 1]], add=True)
            return carry

        lax.fori_loop(0, HALF // 2, chunk_body, 0)
        pltpu.make_async_copy(table.at[src_v.at[0]], rows_a, sem_a).wait()
    plsc.subcore_barrier()

    @pl.when(s < 15)
    def _flush_main():
        pltpu.sync_copy(
            acc.at[pl.ds(s * OWN, OWN)],
            out.at[c, pl.ds(s * OWN, OWN)],
        )

    @pl.when(s == 15)
    def _flush_last():
        pltpu.sync_copy(
            acc.at[pl.ds(15 * OWN, OWN_LAST)],
            out.at[c, pl.ds(15 * OWN, OWN_LAST)],
        )


def _aggregate(table, src2d, dst2d):
    mesh = plsc.VectorSubcoreMesh(core_axis_name="c", subcore_axis_name="s")
    kern = functools.partial(
        pl.kernel,
        mesh=mesh,
        out_type=jax.ShapeDtypeStruct((2, N, F), _f32),
        scratch_types=[
            pltpu.VMEM((HALF, CHUNK), jnp.int32),
            pltpu.VMEM((HALF, CHUNK), jnp.int32),
            pltpu.VMEM((CHUNK, F), _f32),
            pltpu.VMEM((CHUNK, F), _f32),
            pltpu.VMEM((16, F), _f32),
            pltpu.VMEM_SHARED((NACC, F), _f32),
            pltpu.SemaphoreType.DMA,
            pltpu.SemaphoreType.DMA,
        ],
    )(_agg_body)
    return kern(table, src2d, dst2d)


def _count_body(dst2d, out_cnt, dst_v, ones_v, zbuf, cacc):
    c = lax.axis_index("c")
    s = lax.axis_index("s")
    wid = c * 16 + s
    _fill_zbuf(zbuf, CW)
    _zero_rows(zbuf, cacc, s * ROWS_PER_TILE, ROWS_PER_TILE // 16, 0)
    onehot = jnp.where(lax.iota(jnp.int32, 16) == 0, 1.0, 0.0).astype(_f32)
    for i in range(CHUNK):
        ones_v[i, pl.ds(0, CW)] = onehot
    plsc.subcore_barrier()

    pltpu.sync_copy(dst2d.at[pl.ds(wid * CPW, CPW)], dst_v)

    def chunk_body(j, carry):
        pltpu.sync_copy(ones_v, cacc.at[dst_v.at[j]], add=True)
        return carry

    lax.fori_loop(0, CPW, chunk_body, 0)
    plsc.subcore_barrier()

    pltpu.sync_copy(
        cacc.at[pl.ds(s * CNT_PER_TILE, CNT_PER_TILE)],
        out_cnt.at[c, pl.ds(s * CNT_PER_TILE, CNT_PER_TILE)],
    )


def _count(dst2d):
    mesh = plsc.VectorSubcoreMesh(core_axis_name="c", subcore_axis_name="s")
    kern = functools.partial(
        pl.kernel,
        mesh=mesh,
        out_type=jax.ShapeDtypeStruct((2, N, CW), _f32),
        scratch_types=[
            pltpu.VMEM((CPW, CHUNK), jnp.int32),
            pltpu.VMEM((CHUNK, CW), _f32),
            pltpu.VMEM((16, CW), _f32),
            pltpu.VMEM_SHARED((NACC, CW), _f32),
        ],
        compiler_params=pltpu.CompilerParams(use_tc_tiling_on_sc=False),
    )(_count_body)
    return kern(dst2d)



def kernel(x, edge_index, W_enc, b_enc, Wx1, bx1, Wx2, bx2, Wh1, bh1, Wh2, bh2):
    pad = EPAD - E
    pad_ids = lax.iota(jnp.int32, pad)
    srcp = jnp.concatenate([edge_index[0], pad_ids % N]).reshape(-1, CHUNK)
    dstp = jnp.concatenate(
        [edge_index[1], N + pad_ids % (NACC - N)]).reshape(-1, CHUNK)

    cnts = _count(dstp)
    parts1 = _aggregate(x, srcp, dstp)
    h_full = _finish_h(parts1, cnts, W_enc, b_enc.reshape(1, F))
    parts2 = _aggregate(h_full, srcp, dstp)
    x_hat = _mlp(h_full, Wx1, bx1.reshape(1, F), Wx2, bx2.reshape(1, F))
    m_hat = _finish_mlp(
        parts2, cnts, Wh1, bh1.reshape(1, F), Wh2, bh2.reshape(1, F),
    )

    return (h_full, x_hat, m_hat)

# --- scband reference (transcript-rebuilt; emitter-appended) ---
"""Pipeline reference for scband-consistency-21835613733615 (READ-ONLY COPY).

The authoritative reference and input builder live on the scoring server;
editing this copy changes nothing except your own understanding.
"""

import jax, jax.numpy as jnp
import numpy as np

N = 10000
E = 320000
F = 128
H = 128
DH = 128


def neighbor_mean(feat, edge_index, num_nodes):
    src = edge_index[0]
    dst = edge_index[1]
    sums = jax.ops.segment_sum(feat[src], dst, num_segments=num_nodes)
    cnt = jax.ops.segment_sum(jnp.ones((src.shape[0], 1), feat.dtype), dst, num_segments=num_nodes)
    return sums / jnp.maximum(cnt, 1.0)


def setup_inputs(seed: int = 0) -> dict:
    key = jax.random.key(seed)
    ks = jax.random.split(key, 14)
    x = jax.random.normal(ks[0], (N, F), dtype=jnp.float32)
    edge_index = jax.random.randint(ks[1], (2, E), 0, N, dtype=jnp.int32)
    s = 0.05
    W_enc = jax.random.normal(ks[2], (F, H), dtype=jnp.float32) * s
    b_enc = jnp.zeros((H,), dtype=jnp.float32)
    Wx1 = jax.random.normal(ks[3], (H, DH), dtype=jnp.float32) * s
    bx1 = jnp.zeros((DH,), dtype=jnp.float32)
    Wx2 = jax.random.normal(ks[4], (DH, F), dtype=jnp.float32) * s
    bx2 = jnp.zeros((F,), dtype=jnp.float32)
    Wh1 = jax.random.normal(ks[5], (H, DH), dtype=jnp.float32) * s
    bh1 = jnp.zeros((DH,), dtype=jnp.float32)
    Wh2 = jax.random.normal(ks[6], (DH, F), dtype=jnp.float32) * s
    bh2 = jnp.zeros((F,), dtype=jnp.float32)
    return {"x": x, "edge_index": edge_index, "W_enc": W_enc, "b_enc": b_enc,
            "Wx1": Wx1, "bx1": bx1, "Wx2": Wx2, "bx2": bx2,
            "Wh1": Wh1, "bh1": bh1, "Wh2": Wh2, "bh2": bh2}


def reference(x, edge_index, W_enc, b_enc, Wx1, bx1, Wx2, bx2, Wh1, bh1, Wh2, bh2):
    num_nodes = x.shape[0]
    # encoder get_h: one-layer GCN (mean aggregation) -> ReLU
    h = jax.nn.relu(neighbor_mean(x @ W_enc, edge_index, num_nodes) + b_enc)
    # dec_x MLP: Linear -> ReLU -> (Dropout p=0) -> Linear
    x_hat = jax.nn.relu(h @ Wx1 + bx1) @ Wx2 + bx2
    # neighbor mean of h, then dec_homo MLP
    h_bar = neighbor_mean(h, edge_index, num_nodes)
    m_hat = jax.nn.relu(h_bar @ Wh1 + bh1) @ Wh2 + bh2
    return (h, x_hat, m_hat)

if __name__ == "__main__":
    import jax
    _d = setup_inputs()
    print(jax.jit(kernel)(*tuple(_d.values())))

</pallas_src>

<mosaic_0001>
#map = affine_map<(d0, d1) -> (0, 0)>
#map1 = affine_map<(d0, d1) -> (0, 0, 0)>
module attributes {stable_mosaic.version = 14 : i64} {
  func.func @_count_body(%arg0: i32, %arg1: i32, %arg2: memref<2560x128xi32, #tpu.memory_space<hbm>>, %arg3: memref<2x10000x16xf32, #tpu.memory_space<hbm>>, %arg4: memref<80x128xi32, #tpu.memory_space<vmem>>, %arg5: memref<128x16xf32, #tpu.memory_space<vmem>>, %arg6: memref<16x16xf32, #tpu.memory_space<vmem>>, %arg7: memref<10240x16xf32, #tpu.memory_space<vmem_shared>>) attributes {dimension_semantics = [#tpu.dimension_semantics<core_parallel>, #tpu.dimension_semantics<subcore_parallel>], iteration_bounds = array<i64: 2, 16>, scalar_prefetch = 0 : i64, scratch_operands = 4 : i64, tpu.core_type = #tpu.core_type<sc_vector_subcore>, window_params = [{transform_indices = #map}, {transform_indices = #map1}]} {
    %mul3A = arith.constant 16 : i32
    %mul3A_0 = arith.muli %arg0, %mul3A : i32
    %add3A = arith.addi %mul3A_0, %arg1 : i32
    %broadcast_in_dim3A = arith.constant 0.000000e+00 : f32
    %broadcast_in_dim3A_1 = vector.broadcast %broadcast_in_dim3A : f32 to vector<16xf32>
    %swap3A = arith.constant 0 : i32
    %swap3A_2 = arith.index_cast %swap3A : i32 to index
    %swap3A_3 = arith.constant 0 : index
    %swap3A_4 = tpu.vector_load %arg6[%swap3A_2, %swap3A_3] {strides = array<i32>} : memref<16x16xf32, #tpu.memory_space<vmem>>, vector<1x16xf32>,
    %swap3A_5 = vector.shape_cast %swap3A_4 : vector<1x16xf32> to vector<16xf32>
    %swap3A_6 = vector.shape_cast %broadcast_in_dim3A_1 : vector<16xf32> to vector<1x16xf32>
    tpu.vector_store %arg6[%swap3A_2, %swap3A_3], %swap3A_6 {strides = array<i32>} : memref<16x16xf32, #tpu.memory_space<vmem>>, vector<1x16xf32>,
    %swap3A_7 = arith.constant 1 : i32
    %swap3A_8 = arith.index_cast %swap3A_7 : i32 to index
    %swap3A_9 = arith.constant 0 : index
    %swap3A_10 = tpu.vector_load %arg6[%swap3A_8, %swap3A_9] {strides = array<i32>} : memref<16x16xf32, #tpu.memory_space<vmem>>, vector<1x16xf32>,
    %swap3A_11 = vector.shape_cast %swap3A_10 : vector<1x16xf32> to vector<16xf32>
    %swap3A_12 = vector.shape_cast %broadcast_in_dim3A_1 : vector<16xf32> to vector<1x16xf32>
    tpu.vector_store %arg6[%swap3A_8, %swap3A_9], %swap3A_12 {strides = array<i32>} : memref<16x16xf32, #tpu.memory_space<vmem>>, vector<1x16xf32>,
    %swap3A_13 = arith.constant 2 : i32
    %swap3A_14 = arith.index_cast %swap3A_13 : i32 to index
    %swap3A_15 = arith.constant 0 : index
    %swap3A_16 = tpu.vector_load %arg6[%swap3A_14, %swap3A_15] {strides = array<i32>} : memref<16x16xf32, #tpu.memory_space<vmem>>, vector<1x16xf32>,
    %swap3A_17 = vector.shape_cast %swap3A_16 : vector<1x16xf32> to vector<16xf32>
    %swap3A_18 = vector.shape_cast %broadcast_in_dim3A_1 : vector<16xf32> to vector<1x16xf32>
    tpu.vector_store %arg6[%swap3A_14, %swap3A_15], %swap3A_18 {strides = array<i32>} : memref<16x16xf32, #tpu.memory_space<vmem>>, vector<1x16xf32>,
    %swap3A_19 = arith.constant 3 : i32
    %swap3A_20 = arith.index_cast %swap3A_19 : i32 to index
    %swap3A_21 = arith.constant 0 : index
    %swap3A_22 = tpu.vector_load %arg6[%swap3A_20, %swap3A_21] {strides = array<i32>} : memref<16x16xf32, #tpu.memory_space<vmem>>, vector<1x16xf32>,
    %swap3A_23 = vector.shape_cast %swap3A_22 : vector<1x16xf32> to vector<16xf32>
    %swap3A_24 = vector.shape_cast %broadcast_in_dim3A_1 : vector<16xf32> to vector<1x16xf32>
    tpu.vector_store %arg6[%swap3A_20, %swap3A_21], %swap3A_24 {strides = array<i32>} : memref<16x16xf32, #tpu.memory_space<vmem>>, vector<1x16xf32>,
    %swap3A_25 = arith.constant 4 : i32
    %swap3A_26 = arith.index_cast %swap3A_25 : i32 to index
    %swap3A_27 = arith.constant 0 : index
    %swap3A_28 = tpu.vector_load %arg6[%swap3A_26, %swap3A_27] {strides = array<i32>} : memref<16x16xf32, #tpu.memory_space<vmem>>, vector<1x16xf32>,
    %swap3A_29 = vector.shape_cast %swap3A_28 : vector<1x16xf32> to vector<16xf32>
    %swap3A_30 = vector.shape_cast %broadcast_in_dim3A_1 : vector<16xf32> to vector<1x16xf32>
    tpu.vector_store %arg6[%swap3A_26, %swap3A_27], %swap3A_30 {strides = array<i32>} : memref<16x16xf32, #tpu.memory_space<vmem>>, vector<1x16xf32>,
    %swap3A_31 = arith.constant 5 : i32
    %swap3A_32 = arith.index_cast %swap3A_31 : i32 to index
    %swap3A_33 = arith.constant 0 : index
    %swap3A_34 = tpu.vector_load %arg6[%swap3A_32, %swap3A_33] {strides = array<i32>} : memref<16x16xf32, #tpu.memory_space<vmem>>, vector<1x16xf32>,
    %swap3A_35 = vector.shape_cast %swap3A_34 : vector<1x16xf32> to vector<16xf32>
    %swap3A_36 = vector.shape_cast %broadcast_in_dim3A_1 : vector<16xf32> to vector<1x16xf32>
    tpu.vector_store %arg6[%swap3A_32, %swap3A_33], %swap3A_36 {strides = array<i32>} : memref<16x16xf32, #tpu.memory_space<vmem>>, vector<1x16xf32>,
    %swap3A_37 = arith.constant 6 : i32
    %swap3A_38 = arith.index_cast %swap3A_37 : i32 to index
    %swap3A_39 = arith.constant 0 : index
    %swap3A_40 = tpu.vector_load %arg6[%swap3A_38, %swap3A_39] {strides = array<i32>} : memref<16x16xf32, #tpu.memory_space<vmem>>, vector<1x16xf32>,
    %swap3A_41 = vector.shape_cast %swap3A_40 : vector<1x16xf32> to vector<16xf32>
    %swap3A_42 = vector.shape_cast %broadcast_in_dim3A_1 : vector<16xf32> to vector<1x16xf32>
    tpu.vector_store %arg6[%swap3A_38, %swap3A_39], %swap3A_42 {strides = array<i32>} : memref<16x16xf32, #tpu.memory_space<vmem>>, vector<1x16xf32>,
    %swap3A_43 = arith.constant 7 : i32
    %swap3A_44 = arith.index_cast %swap3A_43 : i32 to index
    %swap3A_45 = arith.constant 0 : index
    %swap3A_46 = tpu.vector_load %arg6[%swap3A_44, %swap3A_45] {strides = array<i32>} : memref<16x16xf32, #tpu.memory_space<vmem>>, vector<1x16xf32>,
    %swap3A_47 = vector.shape_cast %swap3A_46 : vector<1x16xf32> to vector<16xf32>
    %swap3A_48 = vector.shape_cast %broadcast_in_dim3A_1 : vector<16xf32> to vector<1x16xf32>
    tpu.vector_store %arg6[%swap3A_44, %swap3A_45], %swap3A_48 {strides = array<i32>} : memref<16x16xf32, #tpu.memory_space<vmem>>, vector<1x16xf32>,
    %swap3A_49 = arith.constant 8 : i32
    %swap3A_50 = arith.index_cast %swap3A_49 : i32 to index
    %swap3A_51 = arith.constant 0 : index
    %swap3A_52 = tpu.vector_load %arg6[%swap3A_50, %swap3A_51] {strides = array<i32>} : memref<16x16xf32, #tpu.memory_space<vmem>>, vector<1x16xf32>,
    %swap3A_53 = vector.shape_cast %swap3A_52 : vector<1x16xf32> to vector<16xf32>
    %swap3A_54 = vector.shape_cast %broadcast_in_dim3A_1 : vector<16xf32> to vector<1x16xf32>
    tpu.vector_store %arg6[%swap3A_50, %swap3A_51], %swap3A_54 {strides = array<i32>} : memref<16x16xf32, #tpu.memory_space<vmem>>, vector<1x16xf32>,
    %swap3A_55 = arith.constant 9 : i32
    %swap3A_56 = arith.index_cast %swap3A_55 : i32 to index
    %swap3A_57 = arith.constant 0 : index
    %swap3A_58 = tpu.vector_load %arg6[%swap3A_56, %swap3A_57] {strides = array<i32>} : memref<16x16xf32, #tpu.memory_space<vmem>>, vector<1x16xf32>,
    %swap3A_59 = vector.shape_cast %swap3A_58 : vector<1x16xf32> to vector<16xf32>
    %swap3A_60 = vector.shape_cast %broadcast_in_dim3A_1 : vector<16xf32> to vector<1x16xf32>
    tpu.vector_store %arg6[%swap3A_56, %swap3A_57], %swap3A_60 {strides = array<i32>} : memref<16x16xf32, #tpu.memory_space<vmem>>, vector<1x16xf32>,
    %swap3A_61 = arith.constant 10 : i32
    %swap3A_62 = arith.index_cast %swap3A_61 : i32 to index
    %swap3A_63 = arith.constant 0 : index
    %swap3A_64 = tpu.vector_load %arg6[%swap3A_62, %swap3A_63] {strides = array<i32>} : memref<16x16xf32, #tpu.memory_space<vmem>>, vector<1x16xf32>,
    %swap3A_65 = vector.shape_cast %swap3A_64 : vector<1x16xf32> to vector<16xf32>
    %swap3A_66 = vector.shape_cast %broadcast_in_dim3A_1 : vector<16xf32> to vector<1x16xf32>
    tpu.vector_store %arg6[%swap3A_62, %swap3A_63], %swap3A_66 {strides = array<i32>} : memref<16x16xf32, #tpu.memory_space<vmem>>, vector<1x16xf32>,
    %swap3A_67 = arith.constant 11 : i32
    %swap3A_68 = arith.index_cast %swap3A_67 : i32 to index
    %swap3A_69 = arith.constant 0 : index
    %swap3A_70 = tpu.vector_load %arg6[%swap3A_68, %swap3A_69] {strides = array<i32>} : memref<16x16xf32, #tpu.memory_space<vmem>>, vector<1x16xf32>,
    %swap3A_71 = vector.shape_cast %swap3A_70 : vector<1x16xf32> to vector<16xf32>
    %swap3A_72 = vector.shape_cast %broadcast_in_dim3A_1 : vector<16xf32> to vector<1x16xf32>
    tpu.vector_store %arg6[%swap3A_68, %swap3A_69], %swap3A_72 {strides = array<i32>} : memref<16x16xf32, #tpu.memory_space<vmem>>, vector<1x16xf32>,
    %swap3A_73 = arith.constant 12 : i32
    %swap3A_74 = arith.index_cast %swap3A_73 : i32 to index
    %swap3A_75 = arith.constant 0 : index
    %swap3A_76 = tpu.vector_load %arg6[%swap3A_74, %swap3A_75] {strides = array<i32>} : memref<16x16xf32, #tpu.memory_space<vmem>>, vector<1x16xf32>,
    %swap3A_77 = vector.shape_cast %swap3A_76 : vector<1x16xf32> to vector<16xf32>
    %swap3A_78 = vector.shape_cast %broadcast_in_dim3A_1 : vector<16xf32> to vector<1x16xf32>
    tpu.vector_store %arg6[%swap3A_74, %swap3A_75], %swap3A_78 {strides = array<i32>} : memref<16x16xf32, #tpu.memory_space<vmem>>, vector<1x16xf32>,
    %swap3A_79 = arith.constant 13 : i32
    %swap3A_80 = arith.index_cast %swap3A_79 : i32 to index
    %swap3A_81 = arith.constant 0 : index
    %swap3A_82 = tpu.vector_load %arg6[%swap3A_80, %swap3A_81] {strides = array<i32>} : memref<16x16xf32, #tpu.memory_space<vmem>>, vector<1x16xf32>,
    %swap3A_83 = vector.shape_cast %swap3A_82 : vector<1x16xf32> to vector<16xf32>
    %swap3A_84 = vector.shape_cast %broadcast_in_dim3A_1 : vector<16xf32> to vector<1x16xf32>
    tpu.vector_store %arg6[%swap3A_80, %swap3A_81], %swap3A_84 {strides = array<i32>} : memref<16x16xf32, #tpu.memory_space<vmem>>, vector<1x16xf32>,
    %swap3A_85 = arith.constant 14 : i32
    %swap3A_86 = arith.index_cast %swap3A_85 : i32 to index
    %swap3A_87 = arith.constant 0 : index
    %swap3A_88 = tpu.vector_load %arg6[%swap3A_86, %swap3A_87] {strides = array<i32>} : memref<16x16xf32, #tpu.memory_space<vmem>>, vector<1x16xf32>,
    %swap3A_89 = vector.shape_cast %swap3A_88 : vector<1x16xf32> to vector<16xf32>
    %swap3A_90 = vector.shape_cast %broadcast_in_dim3A_1 : vector<16xf32> to vector<1x16xf32>
    tpu.vector_store %arg6[%swap3A_86, %swap3A_87], %swap3A_90 {strides = array<i32>} : memref<16x16xf32, #tpu.memory_space<vmem>>, vector<1x16xf32>,
    %swap3A_91 = arith.constant 15 : i32
    %swap3A_92 = arith.index_cast %swap3A_91 : i32 to index
    %swap3A_93 = arith.constant 0 : index
    %swap3A_94 = tpu.vector_load %arg6[%swap3A_92, %swap3A_93] {strides = array<i32>} : memref<16x16xf32, #tpu.memory_space<vmem>>, vector<1x16xf32>,
    %swap3A_95 = vector.shape_cast %swap3A_94 : vector<1x16xf32> to vector<16xf32>
    %swap3A_96 = vector.shape_cast %broadcast_in_dim3A_1 : vector<16xf32> to vector<1x16xf32>
    tpu.vector_store %arg6[%swap3A_92, %swap3A_93], %swap3A_96 {strides = array<i32>} : memref<16x16xf32, #tpu.memory_space<vmem>>, vector<1x16xf32>,
    %mul3A_97 = arith.constant 640 : i32
    %mul3A_98 = arith.muli %arg1, %mul3A_97 : i32
    %scan3A = arith.constant 0 : i32
    %scan3A_99 = arith.constant 0 : i32
    %scan3A_100 = arith.constant 40 : i32
    %scan3A_101 = arith.addi %scan3A_99, %scan3A_100 : i32
    %scan3A_102 = arith.constant 1 : i32
    scf.for %scan3A_890 = %scan3A_99 to %scan3A_101 step %scan3A_102  : i32 {
      %mul3A_891 = arith.constant 16 : i32
      %mul3A_892 = arith.muli %scan3A_890, %mul3A_891 : i32
      %add3A_893 = arith.addi %mul3A_98, %mul3A_892 : i32
      "tpu.region"() ({
        %run_scoped3A = tpu.sem_alloc : memref<!tpu.dma_semaphore, #tpu.memory_space<semaphore_mem>>
        %dma_start3A = arith.constant 0 : i32
        %dma_start3A_894 = tpu.memref_slice %arg7[%add3A_893, %dma_start3A] : memref<10240x16xf32, #tpu.memory_space<vmem_shared>> -> memref<16x16xf32, #tpu.memory_space<vmem_shared>>
        %dma_start3A_895 = arith.constant 0 : i32
        %dma_start3A_896 = tpu.memref_slice %arg7[%add3A_893, %dma_start3A_895] : memref<10240x16xf32, #tpu.memory_space<vmem_shared>> -> memref<16x16xf32, #tpu.memory_space<vmem_shared>>
        tpu.enqueue_dma source(%arg6 : memref<16x16xf32, #tpu.memory_space<vmem>>) target(%dma_start3A_896 : memref<16x16xf32, #tpu.memory_space<vmem_shared>>) target_semaphore(%run_scoped3A : memref<!tpu.dma_semaphore, #tpu.memory_space<semaphore_mem>>)
        %dma_wait3A = arith.constant 0 : i32
        %dma_wait3A_897 = tpu.memref_slice %arg7[%add3A_893, %dma_wait3A] : memref<10240x16xf32, #tpu.memory_space<vmem_shared>> -> memref<16x16xf32, #tpu.memory_space<vmem_shared>>
        %dma_wait3A_898 = arith.constant 0 : i32
        %dma_wait3A_899 = tpu.memref_slice %arg7[%add3A_893, %dma_wait3A_898] : memref<10240x16xf32, #tpu.memory_space<vmem_shared>> -> memref<16x16xf32, #tpu.memory_space<vmem_shared>>
        tpu.wait_dma2 semaphore(%run_scoped3A : memref<!tpu.dma_semaphore, #tpu.memory_space<semaphore_mem>>) src(%arg6 : memref<16x16xf32, #tpu.memory_space<vmem>>) dst(%dma_wait3A_899 : memref<16x16xf32, #tpu.memory_space<vmem_shared>>)
        tpu.yield
      }) : () -> ()
    }
    %scan3A_103 = arith.constant 40 : i32
    %iota3A = tpu.iota {dimensions = array<i32: 0>} : vector<16xi32>
    %eq3A = arith.constant 0 : i32
    %eq3A_104 = vector.broadcast %eq3A : i32 to vector<16xi32>
    %eq3A_105 = arith.cmpi eq, %iota3A, %eq3A_104 : vector<16xi32>
    %jit3A = arith.constant 1.000000e+00 : f32
    %jit3A_106 = arith.constant 0.000000e+00 : f32
    %broadcast_in_dim3A_107 = vector.broadcast %jit3A : f32 to vector<16xf32>
    %broadcast_in_dim3A_108 = vector.broadcast %jit3A_106 : f32 to vector<16xf32>
    %select_n3A = arith.select %eq3A_105, %broadcast_in_dim3A_107, %broadcast_in_dim3A_108 : vector<16xi1>, vector<16xf32>
    %swap3A_109 = arith.constant 0 : i32
    %swap3A_110 = arith.index_cast %swap3A_109 : i32 to index
    %swap3A_111 = arith.constant 0 : index
    %swap3A_112 = tpu.vector_load %arg5[%swap3A_110, %swap3A_111] {strides = array<i32>} : memref<128x16xf32, #tpu.memory_space<vmem>>, vector<1x16xf32>,
    %swap3A_113 = vector.shape_cast %swap3A_112 : vector<1x16xf32> to vector<16xf32>
    %swap3A_114 = vector.shape_cast %select_n3A : vector<16xf32> to vector<1x16xf32>
    tpu.vector_store %arg5[%swap3A_110, %swap3A_111], %swap3A_114 {strides = array<i32>} : memref<128x16xf32, #tpu.memory_space<vmem>>, vector<1x16xf32>,
    %swap3A_115 = arith.constant 1 : i32
    %swap3A_116 = arith.index_cast %swap3A_115 : i32 to index
    %swap3A_117 = arith.constant 0 : index
    %swap3A_118 = tpu.vector_load %arg5[%swap3A_116, %swap3A_117] {strides = array<i32>} : memref<128x16xf32, #tpu.memory_space<vmem>>, vector<1x16xf32>,
    %swap3A_119 = vector.shape_cast %swap3A_118 : vector<1x16xf32> to vector<16xf32>
    %swap3A_120 = vector.shape_cast %select_n3A : vector<16xf32> to vector<1x16xf32>
    tpu.vector_store %arg5[%swap3A_116, %swap3A_117], %swap3A_120 {strides = array<i32>} : memref<128x16xf32, #tpu.memory_space<vmem>>, vector<1x16xf32>,
    %swap3A_121 = arith.constant 2 : i32
    %swap3A_122 = arith.index_cast %swap3A_121 : i32 to index
    %swap3A_123 = arith.constant 0 : index
    %swap3A_124 = tpu.vector_load %arg5[%swap3A_122, %swap3A_123] {strides = array<i32>} : memref<128x16xf32, #tpu.memory_space<vmem>>, vector<1x16xf32>,
    %swap3A_125 = vector.shape_cast %swap3A_124 : vector<1x16xf32> to vector<16xf32>
    %swap3A_126 = vector.shape_cast %select_n3A : vector<16xf32> to vector<1x16xf32>
    tpu.vector_store %arg5[%swap3A_122, %swap3A_123], %swap3A_126 {strides = array<i32>} : memref<128x16xf32, #tpu.memory_space<vmem>>, vector<1x16xf32>,
    %swap3A_127 = arith.constant 3 : i32
    %swap3A_128 = arith.index_cast %swap3A_127 : i32 to index
    %swap3A_129 = arith.constant 0 : index
    %swap3A_130 = tpu.vector_load %arg5[%swap3A_128, %swap3A_129] {strides = array<i32>} : memref<128x16xf32, #tpu.memory_space<vmem>>, vector<1x16xf32>,
    %swap3A_131 = vector.shape_cast %swap3A_130 : vector<1x16xf32> to vector<16xf32>
    %swap3A_132 = vector.shape_cast %select_n3A : vector<16xf32> to vector<1x16xf32>
    tpu.vector_store %arg5[%swap3A_128, %swap3A_129], %swap3A_132 {strides = array<i32>} : memref<128x16xf32, #tpu.memory_space<vmem>>, vector<1x16xf32>,
    %swap3A_133 = arith.constant 4 : i32
    %swap3A_134 = arith.index_cast %swap3A_133 : i32 to index
    %swap3A_135 = arith.constant 0 : index
    %swap3A_136 = tpu.vector_load %arg5[%swap3A_134, %swap3A_135] {strides = array<i32>} : memref<128x16xf32, #tpu.memory_space<vmem>>, vector<1x16xf32>,
    %swap3A_137 = vector.shape_cast %swap3A_136 : vector<1x16xf32> to vector<16xf32>
    %swap3A_138 = vector.shape_cast %select_n3A : vector<16xf32> to vector<1x16xf32>
    tpu.vector_store %arg5[%swap3A_134, %swap3A_135], %swap3A_138 {strides = array<i32>} : memref<128x16xf32, #tpu.memory_space<vmem>>, vector<1x16xf32>,
    %swap3A_139 = arith.constant 5 : i32
    %swap3A_140 = arith.index_cast %swap3A_139 : i32 to index
    %swap3A_141 = arith.constant 0 : index
    %swap3A_142 = tpu.vector_load %arg5[%swap3A_140, %swap3A_141] {strides = array<i32>} : memref<128x16xf32, #tpu.memory_space<vmem>>, vector<1x16xf32>,
    %swap3A_143 = vector.shape_cast %swap3A_142 : vector<1x16xf32> to vector<16xf32>
    %swap3A_144 = vector.shape_cast %select_n3A : vector<16xf32> to vector<1x16xf32>
    tpu.vector_store %arg5[%swap3A_140, %swap3A_141], %swap3A_144 {strides = array<i32>} : memref<128x16xf32, #tpu.memory_space<vmem>>, vector<1x16xf32>,
    %swap3A_145 = arith.constant 6 : i32
    %swap3A_146 = arith.index_cast %swap3A_145 : i32 to index
    %swap3A_147 = arith.constant 0 : index
    %swap3A_148 = tpu.vector_load %arg5[%swap3A_146, %swap3A_147] {strides = array<i32>} : memref<128x16xf32, #tpu.memory_space<vmem>>, vector<1x16xf32>,
    %swap3A_149 = vector.shape_cast %swap3A_148 : vector<1x16xf32> to vector<16xf32>
    %swap3A_150 = vector.shape_cast %select_n3A : vector<16xf32> to vector<1x16xf32>
    tpu.vector_store %arg5[%swap3A_146, %swap3A_147], %swap3A_150 {strides = array<i32>} : memref<128x16xf32, #tpu.memory_space<vmem>>, vector<1x16xf32>,
    %swap3A_151 = arith.constant 7 : i32
    %swap3A_152 = arith.index_cast %swap3A_151 : i32 to index
    %swap3A_153 = arith.constant 0 : index
    %swap3A_154 = tpu.vector_load %arg5[%swap3A_152, %swap3A_153] {strides = array<i32>} : memref<128x16xf32, #tpu.memory_space<vmem>>, vector<1x16xf32>,
    %swap3A_155 = vector.shape_cast %swap3A_154 : vector<1x16xf32> to vector<16xf32>
    %swap3A_156 = vector.shape_cast %select_n3A : vector<16xf32> to vector<1x16xf32>
    tpu.vector_store %arg5[%swap3A_152, %swap3A_153], %swap3A_156 {strides = array<i32>} : memref<128x16xf32, #tpu.memory_space<vmem>>, vector<1x16xf32>,
    %swap3A_157 = arith.constant 8 : i32
    %swap3A_158 = arith.index_cast %swap3A_157 : i32 to index
    %swap3A_159 = arith.constant 0 : index
    %swap3A_160 = tpu.vector_load %arg5[%swap3A_158, %swap3A_159] {strides = array<i32>} : memref<128x16xf32, #tpu.memory_space<vmem>>, vector<1x16xf32>,
    %swap3A_161 = vector.shape_cast %swap3A_160 : vector<1x16xf32> to vector<16xf32>
    %swap3A_162 = vector.shape_cast %select_n3A : vector<16xf32> to vector<1x16xf32>
    tpu.vector_store %arg5[%swap3A_158, %swap3A_159], %swap3A_162 {strides = array<i32>} : memref<128x16xf32, #tpu.memory_space<vmem>>, vector<1x16xf32>,
    %swap3A_163 = arith.constant 9 : i32
    %swap3A_164 = arith.index_cast %swap3A_163 : i32 to index
    %swap3A_165 = arith.constant 0 : index
    %swap3A_166 = tpu.vector_load %arg5[%swap3A_164, %swap3A_165] {strides = array<i32>} : memref<128x16xf32, #tpu.memory_space<vmem>>, vector<1x16xf32>,
    %swap3A_167 = vector.shape_cast %swap3A_166 : vector<1x16xf32> to vector<16xf32>
    %swap3A_168 = vector.shape_cast %select_n3A : vector<16xf32> to vector<1x16xf32>
    tpu.vector_store %arg5[%swap3A_164, %swap3A_165], %swap3A_168 {strides = array<i32>} : memref<128x16xf32, #tpu.memory_space<vmem>>, vector<1x16xf32>,
    %swap3A_169 = arith.constant 10 : i32
    %swap3A_170 = arith.index_cast %swap3A_169 : i32 to index
    %swap3A_171 = arith.constant 0 : index
    %swap3A_172 = tpu.vector_load %arg5[%swap3A_170, %swap3A_171] {strides = array<i32>} : memref<128x16xf32, #tpu.memory_space<vmem>>, vector<1x16xf32>,
    %swap3A_173 = vector.shape_cast %swap3A_172 : vector<1x16xf32> to vector<16xf32>
    %swap3A_174 = vector.shape_cast %select_n3A : vector<16xf32> to vector<1x16xf32>
    tpu.vector_store %arg5[%swap3A_170, %swap3A_171], %swap3A_174 {strides = array<i32>} : memref<128x16xf32, #tpu.memory_space<vmem>>, vector<1x16xf32>,
    %swap3A_175 = arith.constant 11 : i32
    %swap3A_176 = arith.index_cast %swap3A_175 : i32 to index
    %swap3A_177 = arith.constant 0 : index
    %swap3A_178 = tpu.vector_load %arg5[%swap3A_176, %swap3A_177] {strides = array<i32>} : memref<128x16xf32, #tpu.memory_space<vmem>>, vector<1x16xf32>,
    %swap3A_179 = vector.shape_cast %swap3A_178 : vector<1x16xf32> to vector<16xf32>
    %swap3A_180 = vector.shape_cast %select_n3A : vector<16xf32> to vector<1x16xf32>
    tpu.vector_store %arg5[%swap3A_176, %swap3A_177], %swap3A_180 {strides = array<i32>} : memref<128x16xf32, #tpu.memory_space<vmem>>, vector<1x16xf32>,
    %swap3A_181 = arith.constant 12 : i32
    %swap3A_182 = arith.index_cast %swap3A_181 : i32 to index
    %swap3A_183 = arith.constant 0 : index
    %swap3A_184 = tpu.vector_load %arg5[%swap3A_182, %swap3A_183] {strides = array<i32>} : memref<128x16xf32, #tpu.memory_space<vmem>>, vector<1x16xf32>,
    %swap3A_185 = vector.shape_cast %swap3A_184 : vector<1x16xf32> to vector<16xf32>
    %swap3A_186 = vector.shape_cast %select_n3A : vector<16xf32> to vector<1x16xf32>
    tpu.vector_store %arg5[%swap3A_182, %swap3A_183], %swap3A_186 {strides = array<i32>} : memref<128x16xf32, #tpu.memory_space<vmem>>, vector<1x16xf32>,
    %swap3A_187 = arith.constant 13 : i32
    %swap3A_188 = arith.index_cast %swap3A_187 : i32 to index
    %swap3A_189 = arith.constant 0 : index
    %swap3A_190 = tpu.vector_load %arg5[%swap3A_188, %swap3A_189] {strides = array<i32>} : memref<128x16xf32, #tpu.memory_space<vmem>>, vector<1x16xf32>,
    %swap3A_191 = vector.shape_cast %swap3A_190 : vector<1x16xf32> to vector<16xf32>
    %swap3A_192 = vector.shape_cast %select_n3A : vector<16xf32> to vector<1x16xf32>
    tpu.vector_store %arg5[%swap3A_188, %swap3A_189], %swap3A_192 {strides = array<i32>} : memref<128x16xf32, #tpu.memory_space<vmem>>, vector<1x16xf32>,
    %swap3A_193 = arith.constant 14 : i32
    %swap3A_194 = arith.index_cast %swap3A_193 : i32 to index
    %swap3A_195 = arith.constant 0 : index
    %swap3A_196 = tpu.vector_load %arg5[%swap3A_194, %swap3A_195] {strides = array<i32>} : memref<128x16xf32, #tpu.memory_space<vmem>>, vector<1x16xf32>,
    %swap3A_197 = vector.shape_cast %swap3A_196 : vector<1x16xf32> to vector<16xf32>
    %swap3A_198 = vector.shape_cast %select_n3A : vector<16xf32> to vector<1x16xf32>
    tpu.vector_store %arg5[%swap3A_194, %swap3A_195], %swap3A_198 {strides = array<i32>} : memref<128x16xf32, #tpu.memory_space<vmem>>, vector<1x16xf32>,
    %swap3A_199 = arith.constant 15 : i32
    %swap3A_200 = arith.index_cast %swap3A_199 : i32 to index
    %swap3A_201 = arith.constant 0 : index
    %swap3A_202 = tpu.vector_load %arg5[%swap3A_200, %swap3A_201] {strides = array<i32>} : memref<128x16xf32, #tpu.memory_space<vmem>>, vector<1x16xf32>,
    %swap3A_203 = vector.shape_cast %swap3A_202 : vector<1x16xf32> to vector<16xf32>
    %swap3A_204 = vector.shape_cast %select_n3A : vector<16xf32> to vector<1x16xf32>
    tpu.vector_store %arg5[%swap3A_200, %swap3A_201], %swap3A_204 {strides = array<i32>} : memref<128x16xf32, #tpu.memory_space<vmem>>, vector<1x16xf32>,
    %swap3A_205 = arith.constant 16 : i32
    %swap3A_206 = arith.index_cast %swap3A_205 : i32 to index
    %swap3A_207 = arith.constant 0 : index
    %swap3A_208 = tpu.vector_load %arg5[%swap3A_206, %swap3A_207] {strides = array<i32>} : memref<128x16xf32, #tpu.memory_space<vmem>>, vector<1x16xf32>,
    %swap3A_209 = vector.shape_cast %swap3A_208 : vector<1x16xf32> to vector<16xf32>
    %swap3A_210 = vector.shape_cast %select_n3A : vector<16xf32> to vector<1x16xf32>
    tpu.vector_store %arg5[%swap3A_206, %swap3A_207], %swap3A_210 {strides = array<i32>} : memref<128x16xf32, #tpu.memory_space<vmem>>, vector<1x16xf32>,
    %swap3A_211 = arith.constant 17 : i32
    %swap3A_212 = arith.index_cast %swap3A_211 : i32 to index
    %swap3A_213 = arith.constant 0 : index
    %swap3A_214 = tpu.vector_load %arg5[%swap3A_212, %swap3A_213] {strides = array<i32>} : memref<128x16xf32, #tpu.memory_space<vmem>>, vector<1x16xf32>,
    %swap3A_215 = vector.shape_cast %swap3A_214 : vector<1x16xf32> to vector<16xf32>
    %swap3A_216 = vector.shape_cast %select_n3A : vector<16xf32> to vector<1x16xf32>
    tpu.vector_store %arg5[%swap3A_212, %swap3A_213], %swap3A_216 {strides = array<i32>} : memref<128x16xf32, #tpu.memory_space<vmem>>, vector<1x16xf32>,
    %swap3A_217 = arith.constant 18 : i32
    %swap3A_218 = arith.index_cast %swap3A_217 : i32 to index
    %swap3A_219 = arith.constant 0 : index
    %swap3A_220 = tpu.vector_load %arg5[%swap3A_218, %swap3A_219] {strides = array<i32>} : memref<128x16xf32, #tpu.memory_space<vmem>>, vector<1x16xf32>,
    %swap3A_221 = vector.shape_cast %swap3A_220 : vector<1x16xf32> to vector<16xf32>
    %swap3A_222 = vector.shape_cast %select_n3A : vector<16xf32> to vector<1x16xf32>
    tpu.vector_store %arg5[%swap3A_218, %swap3A_219], %swap3A_222 {strides = array<i32>} : memref<128x16xf32, #tpu.memory_space<vmem>>, vector<1x16xf32>,
    %swap3A_223 = arith.constant 19 : i32
    %swap3A_224 = arith.index_cast %swap3A_223 : i32 to index
    %swap3A_225 = arith.constant 0 : index
    %swap3A_226 = tpu.vector_load %arg5[%swap3A_224, %swap3A_225] {strides = array<i32>} : memref<128x16xf32, #tpu.memory_space<vmem>>, vector<1x16xf32>,
    %swap3A_227 = vector.shape_cast %swap3A_226 : vector<1x16xf32> to vector<16xf32>
    %swap3A_228 = vector.shape_cast %select_n3A : vector<16xf32> to vector<1x16xf32>
    tpu.vector_store %arg5[%swap3A_224, %swap3A_225], %swap3A_228 {strides = array<i32>} : memref<128x16xf32, #tpu.memory_space<vmem>>, vector<1x16xf32>,
    %swap3A_229 = arith.constant 20 : i32
    %swap3A_230 = arith.index_cast %swap3A_229 : i32 to index
    %swap3A_231 = arith.constant 0 : index
    %swap3A_232 = tpu.vector_load %arg5[%swap3A_230, %swap3A_231] {strides = array<i32>} : memref<128x16xf32, #tpu.memory_space<vmem>>, vector<1x16xf32>,
    %swap3A_233 = vector.shape_cast %swap3A_232 : vector<1x16xf32> to vector<16xf32>
    %swap3A_234 = vector.shape_cast %select_n3A : vector<16xf32> to vector<1x16xf32>
    tpu.vector_store %arg5[%swap3A_230, %swap3A_231], %swap3A_234 {strides = array<i32>} : memref<128x16xf32, #tpu.memory_space<vmem>>, vector<1x16xf32>,
    %swap3A_235 = arith.constant 21 : i32
    %swap3A_236 = arith.index_cast %swap3A_235 : i32 to index
    %swap3A_237 = arith.constant 0 : index
    %swap3A_238 = tpu.vector_load %arg5[%swap3A_236, %swap3A_237] {strides = array<i32>} : memref<128x16xf32, #tpu.memory_space<vmem>>, vector<1x16xf32>,
    %swap3A_239 = vector.shape_cast %swap3A_238 : vector<1x16xf32> to vector<16xf32>
    %swap3A_240 = vector.shape_cast %select_n3A : vector<16xf32> to vector<1x16xf32>
    tpu.vector_store %arg5[%swap3A_236, %swap3A_237], %swap3A_240 {strides = array<i32>} : memref<128x16xf32, #tpu.memory_space<vmem>>, vector<1x16xf32>,
    %swap3A_241 = arith.constant 22 : i32
    %swap3A_242 = arith.index_cast %swap3A_241 : i32 to index
    %swap3A_243 = arith.constant 0 : index
    %swap3A_244 = tpu.vector_load %arg5[%swap3A_242, %swap3A_243] {strides = array<i32>} : memref<128x16xf32, #tpu.memory_space<vmem>>, vector<1x16xf32>,
    %swap3A_245 = vector.shape_cast %swap3A_244 : vector<1x16xf32> to vector<16xf32>
    %swap3A_246 = vector.shape_cast %select_n3A : vector<16xf32> to vector<1x16xf32>
    tpu.vector_store %arg5[%swap3A_242, %swap3A_243], %swap3A_246 {strides = array<i32>} : memref<128x16xf32, #tpu.memory_space<vmem>>, vector<1x16xf32>,
    %swap3A_247 = arith.constant 23 : i32
    %swap3A_248 = arith.index_cast %swap3A_247 : i32 to index
    %swap3A_249 = arith.constant 0 : index
    %swap3A_250 = tpu.vector_load %arg5[%swap3A_248, %swap3A_249] {strides = array<i32>} : memref<128x16xf32, #tpu.memory_space<vmem>>, vector<1x16xf32>,
    %swap3A_251 = vector.shape_cast %swap3A_250 : vector<1x16xf32> to vector<16xf32>
    %swap3A_252 = vector.shape_cast %select_n3A : vector<16xf32> to vector<1x16xf32>
    tpu.vector_store %arg5[%swap3A_248, %swap3A_249], %swap3A_252 {strides = array<i32>} : memref<128x16xf32, #tpu.memory_space<vmem>>, vector<1x16xf32>,
    %swap3A_253 = arith.constant 24 : i32
    %swap3A_254 = arith.index_cast %swap3A_253 : i32 to index
    %swap3A_255 = arith.constant 0 : index
    %swap3A_256 = tpu.vector_load %arg5[%swap3A_254, %swap3A_255] {strides = array<i32>} : memref<128x16xf32, #tpu.memory_space<vmem>>, vector<1x16xf32>,
    %swap3A_257 = vector.shape_cast %swap3A_256 : vector<1x16xf32> to vector<16xf32>
    %swap3A_258 = vector.shape_cast %select_n3A : vector<16xf32> to vector<1x16xf32>
    tpu.vector_store %arg5[%swap3A_254, %swap3A_255], %swap3A_258 {strides = array<i32>} : memref<128x16xf32, #tpu.memory_space<vmem>>, vector<1x16xf32>,
    %swap3A_259 = arith.constant 25 : i32
    %swap3A_260 = arith.index_cast %swap3A_259 : i32 to index
    %swap3A_261 = arith.constant 0 : index
    %swap3A_262 = tpu.vector_load %arg5[%swap3A_260, %swap3A_261] {strides = array<i32>} : memref<128x16xf32, #tpu.memory_space<vmem>>, vector<1x16xf32>,
    %swap3A_263 = vector.shape_cast %swap3A_262 : vector<1x16xf32> to vector<16xf32>
    %swap3A_264 = vector.shape_cast %select_n3A : vector<16xf32> to vector<1x16xf32>
    tpu.vector_store %arg5[%swap3A_260, %swap3A_261], %swap3A_264 {strides = array<i32>} : memref<128x16xf32, #tpu.memory_space<vmem>>, vector<1x16xf32>,
    %swap3A_265 = arith.constant 26 : i32
    %swap3A_266 = arith.index_cast %swap3A_265 : i32 to index
    %swap3A_267 = arith.constant 0 : index
    %swap3A_268 = tpu.vector_load %arg5[%swap3A_266, %swap3A_267] {strides = array<i32>} : memref<128x16xf32, #tpu.memory_space<vmem>>, vector<1x16xf32>,
    %swap3A_269 = vector.shape_cast %swap3A_268 : vector<1x16xf32> to vector<16xf32>
    %swap3A_270 = vector.shape_cast %select_n3A : vector<16xf32> to vector<1x16xf32>
    tpu.vector_store %arg5[%swap3A_266, %swap3A_267], %swap3A_270 {strides = array<i32>} : memref<128x16xf32, #tpu.memory_space<vmem>>, vector<1x16xf32>,
    %swap3A_271 = arith.constant 27 : i32
    %swap3A_272 = arith.index_cast %swap3A_271 : i32 to index
    %swap3A_273 = arith.constant 0 : index
    %swap3A_274 = tpu.vector_load %arg5[%swap3A_272, %swap3A_273] {strides = array<i32>} : memref<128x16xf32, #tpu.memory_space<vmem>>, vector<1x16xf32>,
    %swap3A_275 = vector.shape_cast %swap3A_274 : vector<1x16xf32> to vector<16xf32>
    %swap3A_276 = vector.shape_cast %select_n3A : vector<16xf32> to vector<1x16xf32>
    tpu.vector_store %arg5[%swap3A_272, %swap3A_273], %swap3A_276 {strides = array<i32>} : memref<128x16xf32, #tpu.memory_space<vmem>>, vector<1x16xf32>,
    %swap3A_277 = arith.constant 28 : i32
    %swap3A_278 = arith.index_cast %swap3A_277 : i32 to index
    %swap3A_279 = arith.constant 0 : index
    %swap3A_280 = tpu.vector_load %arg5[%swap3A_278, %swap3A_279] {strides = array<i32>} : memref<128x16xf32, #tpu.memory_space<vmem>>, vector<1x16xf32>,
    %swap3A_281 = vector.shape_cast %swap3A_280 : vector<1x16xf32> to vector<16xf32>
    %swap3A_282 = vector.shape_cast %select_n3A : vector<16xf32> to vector<1x16xf32>
    tpu.vector_store %arg5[%swap3A_278, %swap3A_279], %swap3A_282 {strides = array<i32>} : memref<128x16xf32, #tpu.memory_space<vmem>>, vector<1x16xf32>,
    %swap3A_283 = arith.constant 29 : i32
    %swap3A_284 = arith.index_cast %swap3A_283 : i32 to index
    %swap3A_285 = arith.constant 0 : index
    %swap3A_286 = tpu.vector_load %arg5[%swap3A_284, %swap3A_285] {strides = array<i32>} : memref<128x16xf32, #tpu.memory_space<vmem>>, vector<1x16xf32>,
    %swap3A_287 = vector.shape_cast %swap3A_286 : vector<1x16xf32> to vector<16xf32>
    %swap3A_288 = vector.shape_cast %select_n3A : vector<16xf32> to vector<1x16xf32>
    tpu.vector_store %arg5[%swap3A_284, %swap3A_285], %swap3A_288 {strides = array<i32>} : memref<128x16xf32, #tpu.memory_space<vmem>>, vector<1x16xf32>,
    %swap3A_289 = arith.constant 30 : i32
    %swap3A_290 = arith.index_cast %swap3A_289 : i32 to index
    %swap3A_291 = arith.constant 0 : index
    %swap3A_292 = tpu.vector_load %arg5[%swap3A_290, %swap3A_291] {strides = array<i32>} : memref<128x16xf32, #tpu.memory_space<vmem>>, vector<1x16xf32>,
    %swap3A_293 = vector.shape_cast %swap3A_292 : vector<1x16xf32> to vector<16xf32>
    %swap3A_294 = vector.shape_cast %select_n3A : vector<16xf32> to vector<1x16xf32>
    tpu.vector_store %arg5[%swap3A_290, %swap3A_291], %swap3A_294 {strides = array<i32>} : memref<128x16xf32, #tpu.memory_space<vmem>>, vector<1x16xf32>,
    %swap3A_295 = arith.constant 31 : i32
    %swap3A_296 = arith.index_cast %swap3A_295 : i32 to index
    %swap3A_297 = arith.constant 0 : index
    %swap3A_298 = tpu.vector_load %arg5[%swap3A_296, %swap3A_297] {strides = array<i32>} : memref<128x16xf32, #tpu.memory_space<vmem>>, vector<1x16xf32>,
    %swap3A_299 = vector.shape_cast %swap3A_298 : vector<1x16xf32> to vector<16xf32>
    %swap3A_300 = vector.shape_cast %select_n3A : vector<16xf32> to vector<1x16xf32>
    tpu.vector_store %arg5[%swap3A_296, %swap3A_297], %swap3A_300 {strides = array<i32>} : memref<128x16xf32, #tpu.memory_space<vmem>>, vector<1x16xf32>,
    %swap3A_301 = arith.constant 32 : i32
    %swap3A_302 = arith.index_cast %swap3A_301 : i32 to index
    %swap3A_303 = arith.constant 0 : index
    %swap3A_304 = tpu.vector_load %arg5[%swap3A_302, %swap3A_303] {strides = array<i32>} : memref<128x16xf32, #tpu.memory_space<vmem>>, vector<1x16xf32>,
    %swap3A_305 = vector.shape_cast %swap3A_304 : vector<1x16xf32> to vector<16xf32>
    %swap3A_306 = vector.shape_cast %select_n3A : vector<16xf32> to vector<1x16xf32>
    tpu.vector_store %arg5[%swap3A_302, %swap3A_303], %swap3A_306 {strides = array<i32>} : memref<128x16xf32, #tpu.memory_space<vmem>>, vector<1x16xf32>,
    %swap3A_307 = arith.constant 33 : i32
    %swap3A_308 = arith.index_cast %swap3A_307 : i32 to index
    %swap3A_309 = arith.constant 0 : index
    %swap3A_310 = tpu.vector_load %arg5[%swap3A_308, %swap3A_309] {strides = array<i32>} : memref<128x16xf32, #tpu.memory_space<vmem>>, vector<1x16xf32>,
    %swap3A_311 = vector.shape_cast %swap3A_310 : vector<1x16xf32> to vector<16xf32>
    %swap3A_312 = vector.shape_cast %select_n3A : vector<16xf32> to vector<1x16xf32>
    tpu.vector_store %arg5[%swap3A_308, %swap3A_309], %swap3A_312 {strides = array<i32>} : memref<128x16xf32, #tpu.memory_space<vmem>>, vector<1x16xf32>,
    %swap3A_313 = arith.constant 34 : i32
    %swap3A_314 = arith.index_cast %swap3A_313 : i32 to index
    %swap3A_315 = arith.constant 0 : index
    %swap3A_316 = tpu.vector_load %arg5[%swap3A_314, %swap3A_315] {strides = array<i32>} : memref<128x16xf32, #tpu.memory_space<vmem>>, vector<1x16xf32>,
    %swap3A_317 = vector.shape_cast %swap3A_316 : vector<1x16xf32> to vector<16xf32>
    %swap3A_318 = vector.shape_cast %select_n3A : vector<16xf32> to vector<1x16xf32>
    tpu.vector_store %arg5[%swap3A_314, %swap3A_315], %swap3A_318 {strides = array<i32>} : memref<128x16xf32, #tpu.memory_space<vmem>>, vector<1x16xf32>,
    %swap3A_319 = arith.constant 35 : i32
    %swap3A_320 = arith.index_cast %swap3A_319 : i32 to index
    %swap3A_321 = arith.constant 0 : index
    %swap3A_322 = tpu.vector_load %arg5[%swap3A_320, %swap3A_321] {strides = array<i32>} : memref<128x16xf32, #tpu.memory_space<vmem>>, vector<1x16xf32>,
    %swap3A_323 = vector.shape_cast %swap3A_322 : vector<1x16xf32> to vector<16xf32>
    %swap3A_324 = vector.shape_cast %select_n3A : vector<16xf32> to vector<1x16xf32>
    tpu.vector_store %arg5[%swap3A_320, %swap3A_321], %swap3A_324 {strides = array<i32>} : memref<128x16xf32, #tpu.memory_space<vmem>>, vector<1x16xf32>,
    %swap3A_325 = arith.constant 36 : i32
    %swap3A_326 = arith.index_cast %swap3A_325 : i32 to index
    %swap3A_327 = arith.constant 0 : index
    %swap3A_328 = tpu.vector_load %arg5[%swap3A_326, %swap3A_327] {strides = array<i32>} : memref<128x16xf32, #tpu.memory_space<vmem>>, vector<1x16xf32>,
    %swap3A_329 = vector.shape_cast %swap3A_328 : vector<1x16xf32> to vector<16xf32>
    %swap3A_330 = vector.shape_cast %select_n3A : vector<16xf32> to vector<1x16xf32>
    tpu.vector_store %arg5[%swap3A_326, %swap3A_327], %swap3A_330 {strides = array<i32>} : memref<128x16xf32, #tpu.memory_space<vmem>>, vector<1x16xf32>,
    %swap3A_331 = arith.constant 37 : i32
    %swap3A_332 = arith.index_cast %swap3A_331 : i32 to index
    %swap3A_333 = arith.constant 0 : index
    %swap3A_334 = tpu.vector_load %arg5[%swap3A_332, %swap3A_333] {strides = array<i32>} : memref<128x16xf32, #tpu.memory_space<vmem>>, vector<1x16xf32>,
    %swap3A_335 = vector.shape_cast %swap3A_334 : vector<1x16xf32> to vector<16xf32>
    %swap3A_336 = vector.shape_cast %select_n3A : vector<16xf32> to vector<1x16xf32>
    tpu.vector_store %arg5[%swap3A_332, %swap3A_333], %swap3A_336 {strides = array<i32>} : memref<128x16xf32, #tpu.memory_space<vmem>>, vector<1x16xf32>,
    %swap3A_337 = arith.constant 38 : i32
    %swap3A_338 = arith.index_cast %swap3A_337 : i32 to index
    %swap3A_339 = arith.constant 0 : index
    %swap3A_340 = tpu.vector_load %arg5[%swap3A_338, %swap3A_339] {strides = array<i32>} : memref<128x16xf32, #tpu.memory_space<vmem>>, vector<1x16xf32>,
    %swap3A_341 = vector.shape_cast %swap3A_340 : vector<1x16xf32> to vector<16xf32>
    %swap3A_342 = vector.shape_cast %select_n3A : vector<16xf32> to vector<1x16xf32>
    tpu.vector_store %arg5[%swap3A_338, %swap3A_339], %swap3A_342 {strides = array<i32>} : memref<128x16xf32, #tpu.memory_space<vmem>>, vector<1x16xf32>,
    %swap3A_343 = arith.constant 39 : i32
    %swap3A_344 = arith.index_cast %swap3A_343 : i32 to index
    %swap3A_345 = arith.constant 0 : index
    %swap3A_346 = tpu.vector_load %arg5[%swap3A_344, %swap3A_345] {strides = array<i32>} : memref<128x16xf32, #tpu.memory_space<vmem>>, vector<1x16xf32>,
    %swap3A_347 = vector.shape_cast %swap3A_346 : vector<1x16xf32> to vector<16xf32>
    %swap3A_348 = vector.shape_cast %select_n3A : vector<16xf32> to vector<1x16xf32>
    tpu.vector_store %arg5[%swap3A_344, %swap3A_345], %swap3A_348 {strides = array<i32>} : memref<128x16xf32, #tpu.memory_space<vmem>>, vector<1x16xf32>,
    %swap3A_349 = arith.constant 40 : i32
    %swap3A_350 = arith.index_cast %swap3A_349 : i32 to index
    %swap3A_351 = arith.constant 0 : index
    %swap3A_352 = tpu.vector_load %arg5[%swap3A_350, %swap3A_351] {strides = array<i32>} : memref<128x16xf32, #tpu.memory_space<vmem>>, vector<1x16xf32>,
    %swap3A_353 = vector.shape_cast %swap3A_352 : vector<1x16xf32> to vector<16xf32>
    %swap3A_354 = vector.shape_cast %select_n3A : vector<16xf32> to vector<1x16xf32>
    tpu.vector_store %arg5[%swap3A_350, %swap3A_351], %swap3A_354 {strides = array<i32>} : memref<128x16xf32, #tpu.memory_space<vmem>>, vector<1x16xf32>,
    %swap3A_355 = arith.constant 41 : i32
    %swap3A_356 = arith.index_cast %swap3A_355 : i32 to index
    %swap3A_357 = arith.constant 0 : index
    %swap3A_358 = tpu.vector_load %arg5[%swap3A_356, %swap3A_357] {strides = array<i32>} : memref<128x16xf32, #tpu.memory_space<vmem>>, vector<1x16xf32>,
    %swap3A_359 = vector.shape_cast %swap3A_358 : vector<1x16xf32> to vector<16xf32>
    %swap3A_360 = vector.shape_cast %select_n3A : vector<16xf32> to vector<1x16xf32>
    tpu.vector_store %arg5[%swap3A_356, %swap3A_357], %swap3A_360 {strides = array<i32>} : memref<128x16xf32, #tpu.memory_space<vmem>>, vector<1x16xf32>,
    %swap3A_361 = arith.constant 42 : i32
    %swap3A_362 = arith.index_cast %swap3A_361 : i32 to index
    %swap3A_363 = arith.constant 0 : index
    %swap3A_364 = tpu.vector_load %arg5[%swap3A_362, %swap3A_363] {strides = array<i32>} : memref<128x16xf32, #tpu.memory_space<vmem>>, vector<1x16xf32>,
    %swap3A_365 = vector.shape_cast %swap3A_364 : vector<1x16xf32> to vector<16xf32>
    %swap3A_366 = vector.shape_cast %select_n3A : vector<16xf32> to vector<1x16xf32>
    tpu.vector_store %arg5[%swap3A_362, %swap3A_363], %swap3A_366 {strides = array<i32>} : memref<128x16xf32, #tpu.memory_space<vmem>>, vector<1x16xf32>,
    %swap3A_367 = arith.constant 43 : i32
    %swap3A_368 = arith.index_cast %swap3A_367 : i32 to index
    %swap3A_369 = arith.constant 0 : index
    %swap3A_370 = tpu.vector_load %arg5[%swap3A_368, %swap3A_369] {strides = array<i32>} : memref<128x16xf32, #tpu.memory_space<vmem>>, vector<1x16xf32>,
    %swap3A_371 = vector.shape_cast %swap3A_370 : vector<1x16xf32> to vector<16xf32>
    %swap3A_372 = vector.shape_cast %select_n3A : vector<16xf32> to vector<1x16xf32>
    tpu.vector_store %arg5[%swap3A_368, %swap3A_369], %swap3A_372 {strides = array<i32>} : memref<128x16xf32, #tpu.memory_space<vmem>>, vector<1x16xf32>,
    %swap3A_373 = arith.constant 44 : i32
    %swap3A_374 = arith.index_cast %swap3A_373 : i32 to index
    %swap3A_375 = arith.constant 0 : index
    %swap3A_376 = tpu.vector_load %arg5[%swap3A_374, %swap3A_375] {strides = array<i32>} : memref<128x16xf32, #tpu.memory_space<vmem>>, vector<1x16xf32>,
    %swap3A_377 = vector.shape_cast %swap3A_376 : vector<1x16xf32> to vector<16xf32>
    %swap3A_378 = vector.shape_cast %select_n3A : vector<16xf32> to vector<1x16xf32>
    tpu.vector_store %arg5[%swap3A_374, %swap3A_375], %swap3A_378 {strides = array<i32>} : memref<128x16xf32, #tpu.memory_space<vmem>>, vector<1x16xf32>,
    %swap3A_379 = arith.constant 45 : i32
    %swap3A_380 = arith.index_cast %swap3A_379 : i32 to index
    %swap3A_381 = arith.constant 0 : index
    %swap3A_382 = tpu.vector_load %arg5[%swap3A_380, %swap3A_381] {strides = array<i32>} : memref<128x16xf32, #tpu.memory_space<vmem>>, vector<1x16xf32>,
    %swap3A_383 = vector.shape_cast %swap3A_382 : vector<1x16xf32> to vector<16xf32>
    %swap3A_384 = vector.shape_cast %select_n3A : vector<16xf32> to vector<1x16xf32>
    tpu.vector_store %arg5[%swap3A_380, %swap3A_381], %swap3A_384 {strides = array<i32>} : memref<128x16xf32, #tpu.memory_space<vmem>>, vector<1x16xf32>,
    %swap3A_385 = arith.constant 46 : i32
    %swap3A_386 = arith.index_cast %swap3A_385 : i32 to index
    %swap3A_387 = arith.constant 0 : index
    %swap3A_388 = tpu.vector_load %arg5[%swap3A_386, %swap3A_387] {strides = array<i32>} : memref<128x16xf32, #tpu.memory_space<vmem>>, vector<1x16xf32>,
    %swap3A_389 = vector.shape_cast %swap3A_388 : vector<1x16xf32> to vector<16xf32>
    %swap3A_390 = vector.shape_cast %select_n3A : vector<16xf32> to vector<1x16xf32>
    tpu.vector_store %arg5[%swap3A_386, %swap3A_387], %swap3A_390 {strides = array<i32>} : memref<128x16xf32, #tpu.memory_space<vmem>>, vector<1x16xf32>,
    %swap3A_391 = arith.constant 47 : i32
    %swap3A_392 = arith.index_cast %swap3A_391 : i32 to index
    %swap3A_393 = arith.constant 0 : index
    %swap3A_394 = tpu.vector_load %arg5[%swap3A_392, %swap3A_393] {strides = array<i32>} : memref<128x16xf32, #tpu.memory_space<vmem>>, vector<1x16xf32>,
    %swap3A_395 = vector.shape_cast %swap3A_394 : vector<1x16xf32> to vector<16xf32>
    %swap3A_396 = vector.shape_cast %select_n3A : vector<16xf32> to vector<1x16xf32>
    tpu.vector_store %arg5[%swap3A_392, %swap3A_393], %swap3A_396 {strides = array<i32>} : memref<128x16xf32, #tpu.memory_space<vmem>>, vector<1x16xf32>,
    %swap3A_397 = arith.constant 48 : i32
    %swap3A_398 = arith.index_cast %swap3A_397 : i32 to index
    %swap3A_399 = arith.constant 0 : index
    %swap3A_400 = tpu.vector_load %arg5[%swap3A_398, %swap3A_399] {strides = array<i32>} : memref<128x16xf32, #tpu.memory_space<vmem>>, vector<1x16xf32>,
    %swap3A_401 = vector.shape_cast %swap3A_400 : vector<1x16xf32> to vector<16xf32>
    %swap3A_402 = vector.shape_cast %select_n3A : vector<16xf32> to vector<1x16xf32>
    tpu.vector_store %arg5[%swap3A_398, %swap3A_399], %swap3A_402 {strides = array<i32>} : memref<128x16xf32, #tpu.memory_space<vmem>>, vector<1x16xf32>,
    %swap3A_403 = arith.constant 49 : i32
    %swap3A_404 = arith.index_cast %swap3A_403 : i32 to index
    %swap3A_405 = arith.constant 0 : index
    %swap3A_406 = tpu.vector_load %arg5[%swap3A_404, %swap3A_405] {strides = array<i32>} : memref<128x16xf32, #tpu.memory_space<vmem>>, vector<1x16xf32>,
    %swap3A_407 = vector.shape_cast %swap3A_406 : vector<1x16xf32> to vector<16xf32>
    %swap3A_408 = vector.shape_cast %select_n3A : vector<16xf32> to vector<1x16xf32>
    tpu.vector_store %arg5[%swap3A_404, %swap3A_405], %swap3A_408 {strides = array<i32>} : memref<128x16xf32, #tpu.memory_space<vmem>>, vector<1x16xf32>,
    %swap3A_409 = arith.constant 50 : i32
    %swap3A_410 = arith.index_cast %swap3A_409 : i32 to index
    %swap3A_411 = arith.constant 0 : index
    %swap3A_412 = tpu.vector_load %arg5[%swap3A_410, %swap3A_411] {strides = array<i32>} : memref<128x16xf32, #tpu.memory_space<vmem>>, vector<1x16xf32>,
    %swap3A_413 = vector.shape_cast %swap3A_412 : vector<1x16xf32> to vector<16xf32>
    %swap3A_414 = vector.shape_cast %select_n3A : vector<16xf32> to vector<1x16xf32>
    tpu.vector_store %arg5[%swap3A_410, %swap3A_411], %swap3A_414 {strides = array<i32>} : memref<128x16xf32, #tpu.memory_space<vmem>>, vector<1x16xf32>,
    %swap3A_415 = arith.constant 51 : i32
    %swap3A_416 = arith.index_cast %swap3A_415 : i32 to index
    %swap3A_417 = arith.constant 0 : index
    %swap3A_418 = tpu.vector_load %arg5[%swap3A_416, %swap3A_417] {strides = array<i32>} : memref<128x16xf32, #tpu.memory_space<vmem>>, vector<1x16xf32>,
    %swap3A_419 = vector.shape_cast %swap3A_418 : vector<1x16xf32> to vector<16xf32>
    %swap3A_420 = vector.shape_cast %select_n3A : vector<16xf32> to vector<1x16xf32>
    tpu.vector_store %arg5[%swap3A_416, %swap3A_417], %swap3A_420 {strides = array<i32>} : memref<128x16xf32, #tpu.memory_space<vmem>>, vector<1x16xf32>,
    %swap3A_421 = arith.constant 52 : i32
    %swap3A_422 = arith.index_cast %swap3A_421 : i32 to index
    %swap3A_423 = arith.constant 0 : index
    %swap3A_424 = tpu.vector_load %arg5[%swap3A_422, %swap3A_423] {strides = array<i32>} : memref<128x16xf32, #tpu.memory_space<vmem>>, vector<1x16xf32>,
    %swap3A_425 = vector.shape_cast %swap3A_424 : vector<1x16xf32> to vector<16xf32>
    %swap3A_426 = vector.shape_cast %select_n3A : vector<16xf32> to vector<1x16xf32>
    tpu.vector_store %arg5[%swap3A_422, %swap3A_423], %swap3A_426 {strides = array<i32>} : memref<128x16xf32, #tpu.memory_space<vmem>>, vector<1x16xf32>,
    %swap3A_427 = arith.constant 53 : i32
    %swap3A_428 = arith.index_cast %swap3A_427 : i32 to index
    %swap3A_429 = arith.constant 0 : index
    %swap3A_430 = tpu.vector_load %arg5[%swap3A_428, %swap3A_429] {strides = array<i32>} : memref<128x16xf32, #tpu.memory_space<vmem>>, vector<1x16xf32>,
    %swap3A_431 = vector.shape_cast %swap3A_430 : vector<1x16xf32> to vector<16xf32>
    %swap3A_432 = vector.shape_cast %select_n3A : vector<16xf32> to vector<1x16xf32>
    tpu.vector_store %arg5[%swap3A_428, %swap3A_429], %swap3A_432 {strides = array<i32>} : memref<128x16xf32, #tpu.memory_space<vmem>>, vector<1x16xf32>,
    %swap3A_433 = arith.constant 54 : i32
    %swap3A_434 = arith.index_cast %swap3A_433 : i32 to index
    %swap3A_435 = arith.constant 0 : index
    %swap3A_436 = tpu.vector_load %arg5[%swap3A_434, %swap3A_435] {strides = array<i32>} : memref<128x16xf32, #tpu.memory_space<vmem>>, vector<1x16xf32>,
    %swap3A_437 = vector.shape_cast %swap3A_436 : vector<1x16xf32> to vector<16xf32>
    %swap3A_438 = vector.shape_cast %select_n3A : vector<16xf32> to vector<1x16xf32>
    tpu.vector_store %arg5[%swap3A_434, %swap3A_435], %swap3A_438 {strides = array<i32>} : memref<128x16xf32, #tpu.memory_space<vmem>>, vector<1x16xf32>,
    %swap3A_439 = arith.constant 55 : i32
    %swap3A_440 = arith.index_cast %swap3A_439 : i32 to index
    %swap3A_441 = arith.constant 0 : index
    %swap3A_442 = tpu.vector_load %arg5[%swap3A_440, %swap3A_441] {strides = array<i32>} : memref<128x16xf32, #tpu.memory_space<vmem>>, vector<1x16xf32>,
    %swap3A_443 = vector.shape_cast %swap3A_442 : vector<1x16xf32> to vector<16xf32>
    %swap3A_444 = vector.shape_cast %select_n3A : vector<16xf32> to vector<1x16xf32>
    tpu.vector_store %arg5[%swap3A_440, %swap3A_441], %swap3A_444 {strides = array<i32>} : memref<128x16xf32, #tpu.memory_space<vmem>>, vector<1x16xf32>,
    %swap3A_445 = arith.constant 56 : i32
    %swap3A_446 = arith.index_cast %swap3A_445 : i32 to index
    %swap3A_447 = arith.constant 0 : index
    %swap3A_448 = tpu.vector_load %arg5[%swap3A_446, %swap3A_447] {strides = array<i32>} : memref<128x16xf32, #tpu.memory_space<vmem>>, vector<1x16xf32>,
    %swap3A_449 = vector.shape_cast %swap3A_448 : vector<1x16xf32> to vector<16xf32>
    %swap3A_450 = vector.shape_cast %select_n3A : vector<16xf32> to vector<1x16xf32>
    tpu.vector_store %arg5[%swap3A_446, %swap3A_447], %swap3A_450 {strides = array<i32>} : memref<128x16xf32, #tpu.memory_space<vmem>>, vector<1x16xf32>,
    %swap3A_451 = arith.constant 57 : i32
    %swap3A_452 = arith.index_cast %swap3A_451 : i32 to index
    %swap3A_453 = arith.constant 0 : index
    %swap3A_454 = tpu.vector_load %arg5[%swap3A_452, %swap3A_453] {strides = array<i32>} : memref<128x16xf32, #tpu.memory_space<vmem>>, vector<1x16xf32>,
    %swap3A_455 = vector.shape_cast %swap3A_454 : vector<1x16xf32> to vector<16xf32>
    %swap3A_456 = vector.shape_cast %select_n3A : vector<16xf32> to vector<1x16xf32>
    tpu.vector_store %arg5[%swap3A_452, %swap3A_453], %swap3A_456 {strides = array<i32>} : memref<128x16xf32, #tpu.memory_space<vmem>>, vector<1x16xf32>,
    %swap3A_457 = arith.constant 58 : i32
    %swap3A_458 = arith.index_cast %swap3A_457 : i32 to index
    %swap3A_459 = arith.constant 0 : index
    %swap3A_460 = tpu.vector_load %arg5[%swap3A_458, %swap3A_459] {strides = array<i32>} : memref<128x16xf32, #tpu.memory_space<vmem>>, vector<1x16xf32>,
    %swap3A_461 = vector.shape_cast %swap3A_460 : vector<1x16xf32> to vector<16xf32>
    %swap3A_462 = vector.shape_cast %select_n3A : vector<16xf32> to vector<1x16xf32>
    tpu.vector_store %arg5[%swap3A_458, %swap3A_459], %swap3A_462 {strides = array<i32>} : memref<128x16xf32, #tpu.memory_space<vmem>>, vector<1x16xf32>,
    %swap3A_463 = arith.constant 59 : i32
    %swap3A_464 = arith.index_cast %swap3A_463 : i32 to index
    %swap3A_465 = arith.constant 0 : index
    %swap3A_466 = tpu.vector_load %arg5[%swap3A_464, %swap3A_465] {strides = array<i32>} : memref<128x16xf32, #tpu.memory_space<vmem>>, vector<1x16xf32>,
    %swap3A_467 = vector.shape_cast %swap3A_466 : vector<1x16xf32> to vector<16xf32>
    %swap3A_468 = vector.shape_cast %select_n3A : vector<16xf32> to vector<1x16xf32>
    tpu.vector_store %arg5[%swap3A_464, %swap3A_465], %swap3A_468 {strides = array<i32>} : memref<128x16xf32, #tpu.memory_space<vmem>>, vector<1x16xf32>,
    %swap3A_469 = arith.constant 60 : i32
    %swap3A_470 = arith.index_cast %swap3A_469 : i32 to index
    %swap3A_471 = arith.constant 0 : index
    %swap3A_472 = tpu.vector_load %arg5[%swap3A_470, %swap3A_471] {strides = array<i32>} : memref<128x16xf32, #tpu.memory_space<vmem>>, vector<1x16xf32>,
    %swap3A_473 = vector.shape_cast %swap3A_472 : vector<1x16xf32> to vector<16xf32>
    %swap3A_474 = vector.shape_cast %select_n3A : vector<16xf32> to vector<1x16xf32>
    tpu.vector_store %arg5[%swap3A_470, %swap3A_471], %swap3A_474 {strides = array<i32>} : memref<128x16xf32, #tpu.memory_space<vmem>>, vector<1x16xf32>,
    %swap3A_475 = arith.constant 61 : i32
    %swap3A_476 = arith.index_cast %swap3A_475 : i32 to index
    %swap3A_477 = arith.constant 0 : index
    %swap3A_478 = tpu.vector_load %arg5[%swap3A_476, %swap3A_477] {strides = array<i32>} : memref<128x16xf32, #tpu.memory_space<vmem>>, vector<1x16xf32>,
    %swap3A_479 = vector.shape_cast %swap3A_478 : vector<1x16xf32> to vector<16xf32>
    %swap3A_480 = vector.shape_cast %select_n3A : vector<16xf32> to vector<1x16xf32>
    tpu.vector_store %arg5[%swap3A_476, %swap3A_477], %swap3A_480 {strides = array<i32>} : memref<128x16xf32, #tpu.memory_space<vmem>>, vector<1x16xf32>,
    %swap3A_481 = arith.constant 62 : i32
    %swap3A_482 = arith.index_cast %swap3A_481 : i32 to index
    %swap3A_483 = arith.constant 0 : index
    %swap3A_484 = tpu.vector_load %arg5[%swap3A_482, %swap3A_483] {strides = array<i32>} : memref<128x16xf32, #tpu.memory_space<vmem>>, vector<1x16xf32>,
    %swap3A_485 = vector.shape_cast %swap3A_484 : vector<1x16xf32> to vector<16xf32>
    %swap3A_486 = vector.shape_cast %select_n3A : vector<16xf32> to vector<1x16xf32>
    tpu.vector_store %arg5[%swap3A_482, %swap3A_483], %swap3A_486 {strides = array<i32>} : memref<128x16xf32, #tpu.memory_space<vmem>>, vector<1x16xf32>,
    %swap3A_487 = arith.constant 63 : i32
    %swap3A_488 = arith.index_cast %swap3A_487 : i32 to index
    %swap3A_489 = arith.constant 0 : index
    %swap3A_490 = tpu.vector_load %arg5[%swap3A_488, %swap3A_489] {strides = array<i32>} : memref<128x16xf32, #tpu.memory_space<vmem>>, vector<1x16xf32>,
    %swap3A_491 = vector.shape_cast %swap3A_490 : vector<1x16xf32> to vector<16xf32>
    %swap3A_492 = vector.shape_cast %select_n3A : vector<16xf32> to vector<1x16xf32>
    tpu.vector_store %arg5[%swap3A_488, %swap3A_489], %swap3A_492 {strides = array<i32>} : memref<128x16xf32, #tpu.memory_space<vmem>>, vector<1x16xf32>,
    %swap3A_493 = arith.constant 64 : i32
    %swap3A_494 = arith.index_cast %swap3A_493 : i32 to index
    %swap3A_495 = arith.constant 0 : index
    %swap3A_496 = tpu.vector_load %arg5[%swap3A_494, %swap3A_495] {strides = array<i32>} : memref<128x16xf32, #tpu.memory_space<vmem>>, vector<1x16xf32>,
    %swap3A_497 = vector.shape_cast %swap3A_496 : vector<1x16xf32> to vector<16xf32>
    %swap3A_498 = vector.shape_cast %select_n3A : vector<16xf32> to vector<1x16xf32>
    tpu.vector_store %arg5[%swap3A_494, %swap3A_495], %swap3A_498 {strides = array<i32>} : memref<128x16xf32, #tpu.memory_space<vmem>>, vector<1x16xf32>,
    %swap3A_499 = arith.constant 65 : i32
    %swap3A_500 = arith.index_cast %swap3A_499 : i32 to index
    %swap3A_501 = arith.constant 0 : index
    %swap3A_502 = tpu.vector_load %arg5[%swap3A_500, %swap3A_501] {strides = array<i32>} : memref<128x16xf32, #tpu.memory_space<vmem>>, vector<1x16xf32>,
    %swap3A_503 = vector.shape_cast %swap3A_502 : vector<1x16xf32> to vector<16xf32>
    %swap3A_504 = vector.shape_cast %select_n3A : vector<16xf32> to vector<1x16xf32>
    tpu.vector_store %arg5[%swap3A_500, %swap3A_501], %swap3A_504 {strides = array<i32>} : memref<128x16xf32, #tpu.memory_space<vmem>>, vector<1x16xf32>,
    %swap3A_505 = arith.constant 66 : i32
    %swap3A_506 = arith.index_cast %swap3A_505 : i32 to index
    %swap3A_507 = arith.constant 0 : index
    %swap3A_508 = tpu.vector_load %arg5[%swap3A_506, %swap3A_507] {strides = array<i32>} : memref<128x16xf32, #tpu.memory_space<vmem>>, vector<1x16xf32>,
    %swap3A_509 = vector.shape_cast %swap3A_508 : vector<1x16xf32> to vector<16xf32>
    %swap3A_510 = vector.shape_cast %select_n3A : vector<16xf32> to vector<1x16xf32>
    tpu.vector_store %arg5[%swap3A_506, %swap3A_507], %swap3A_510 {strides = array<i32>} : memref<128x16xf32, #tpu.memory_space<vmem>>, vector<1x16xf32>,
    %swap3A_511 = arith.constant 67 : i32
    %swap3A_512 = arith.index_cast %swap3A_511 : i32 to index
    %swap3A_513 = arith.constant 0 : index
    %swap3A_514 = tpu.vector_load %arg5[%swap3A_512, %swap3A_513] {strides = array<i32>} : memref<128x16xf32, #tpu.memory_space<vmem>>, vector<1x16xf32>,
    %swap3A_515 = vector.shape_cast %swap3A_514 : vector<1x16xf32> to vector<16xf32>
    %swap3A_516 = vector.shape_cast %select_n3A : vector<16xf32> to vector<1x16xf32>
    tpu.vector_store %arg5[%swap3A_512, %swap3A_513], %swap3A_516 {strides = array<i32>} : memref<128x16xf32, #tpu.memory_space<vmem>>, vector<1x16xf32>,
    %swap3A_517 = arith.constant 68 : i32
    %swap3A_518 = arith.index_cast %swap3A_517 : i32 to index
    %swap3A_519 = arith.constant 0 : index
    %swap3A_520 = tpu.vector_load %arg5[%swap3A_518, %swap3A_519] {strides = array<i32>} : memref<128x16xf32, #tpu.memory_space<vmem>>, vector<1x16xf32>,
    %swap3A_521 = vector.shape_cast %swap3A_520 : vector<1x16xf32> to vector<16xf32>
    %swap3A_522 = vector.shape_cast %select_n3A : vector<16xf32> to vector<1x16xf32>
    tpu.vector_store %arg5[%swap3A_518, %swap3A_519], %swap3A_522 {strides = array<i32>} : memref<128x16xf32, #tpu.memory_space<vmem>>, vector<1x16xf32>,
    %swap3A_523 = arith.constant 69 : i32
    %swap3A_524 = arith.index_cast %swap3A_523 : i32 to index
    %swap3A_525 = arith.constant 0 : index
    %swap3A_526 = tpu.vector_load %arg5[%swap3A_524, %swap3A_525] {strides = array<i32>} : memref<128x16xf32, #tpu.memory_space<vmem>>, vector<1x16xf32>,
    %swap3A_527 = vector.shape_cast %swap3A_526 : vector<1x16xf32> to vector<16xf32>
    %swap3A_528 = vector.shape_cast %select_n3A : vector<16xf32> to vector<1x16xf32>
    tpu.vector_store %arg5[%swap3A_524, %swap3A_525], %swap3A_528 {strides = array<i32>} : memref<128x16xf32, #tpu.memory_space<vmem>>, vector<1x16xf32>,
    %swap3A_529 = arith.constant 70 : i32
    %swap3A_530 = arith.index_cast %swap3A_529 : i32 to index
    %swap3A_531 = arith.constant 0 : index
    %swap3A_532 = tpu.vector_load %arg5[%swap3A_530, %swap3A_531] {strides = array<i32>} : memref<128x16xf32, #tpu.memory_space<vmem>>, vector<1x16xf32>,
    %swap3A_533 = vector.shape_cast %swap3A_532 : vector<1x16xf32> to vector<16xf32>
    %swap3A_534 = vector.shape_cast %select_n3A : vector<16xf32> to vector<1x16xf32>
    tpu.vector_store %arg5[%swap3A_530, %swap3A_531], %swap3A_534 {strides = array<i32>} : memref<128x16xf32, #tpu.memory_space<vmem>>, vector<1x16xf32>,
    %swap3A_535 = arith.constant 71 : i32
    %swap3A_536 = arith.index_cast %swap3A_535 : i32 to index
    %swap3A_537 = arith.constant 0 : index
    %swap3A_538 = tpu.vector_load %arg5[%swap3A_536, %swap3A_537] {strides = array<i32>} : memref<128x16xf32, #tpu.memory_space<vmem>>, vector<1x16xf32>,
    %swap3A_539 = vector.shape_cast %swap3A_538 : vector<1x16xf32> to vector<16xf32>
    %swap3A_540 = vector.shape_cast %select_n3A : vector<16xf32> to vector<1x16xf32>
    tpu.vector_store %arg5[%swap3A_536, %swap3A_537], %swap3A_540 {strides = array<i32>} : memref<128x16xf32, #tpu.memory_space<vmem>>, vector<1x16xf32>,
    %swap3A_541 = arith.constant 72 : i32
    %swap3A_542 = arith.index_cast %swap3A_541 : i32 to index
    %swap3A_543 = arith.constant 0 : index
    %swap3A_544 = tpu.vector_load %arg5[%swap3A_542, %swap3A_543] {strides = array<i32>} : memref<128x16xf32, #tpu.memory_space<vmem>>, vector<1x16xf32>,
    %swap3A_545 = vector.shape_cast %swap3A_544 : vector<1x16xf32> to vector<16xf32>
    %swap3A_546 = vector.shape_cast %select_n3A : vector<16xf32> to vector<1x16xf32>
    tpu.vector_store %arg5[%swap3A_542, %swap3A_543], %swap3A_546 {strides = array<i32>} : memref<128x16xf32, #tpu.memory_space<vmem>>, vector<1x16xf32>,
    %swap3A_547 = arith.constant 73 : i32
    %swap3A_548 = arith.index_cast %swap3A_547 : i32 to index
    %swap3A_549 = arith.constant 0 : index
    %swap3A_550 = tpu.vector_load %arg5[%swap3A_548, %swap3A_549] {strides = array<i32>} : memref<128x16xf32, #tpu.memory_space<vmem>>, vector<1x16xf32>,
    %swap3A_551 = vector.shape_cast %swap3A_550 : vector<1x16xf32> to vector<16xf32>
    %swap3A_552 = vector.shape_cast %select_n3A : vector<16xf32> to vector<1x16xf32>
    tpu.vector_store %arg5[%swap3A_548, %swap3A_549], %swap3A_552 {strides = array<i32>} : memref<128x16xf32, #tpu.memory_space<vmem>>, vector<1x16xf32>,
    %swap3A_553 = arith.constant 74 : i32
    %swap3A_554 = arith.index_cast %swap3A_553 : i32 to index
    %swap3A_555 = arith.constant 0 : index
    %swap3A_556 = tpu.vector_load %arg5[%swap3A_554, %swap3A_555] {strides = array<i32>} : memref<128x16xf32, #tpu.memory_space<vmem>>, vector<1x16xf32>,
    %swap3A_557 = vector.shape_cast %swap3A_556 : vector<1x16xf32> to vector<16xf32>
    %swap3A_558 = vector.shape_cast %select_n3A : vector<16xf32> to vector<1x16xf32>
    tpu.vector_store %arg5[%swap3A_554, %swap3A_555], %swap3A_558 {strides = array<i32>} : memref<128x16xf32, #tpu.memory_space<vmem>>, vector<1x16xf32>,
    %swap3A_559 = arith.constant 75 : i32
    %swap3A_560 = arith.index_cast %swap3A_559 : i32 to index
    %swap3A_561 = arith.constant 0 : index
    %swap3A_562 = tpu.vector_load %arg5[%swap3A_560, %swap3A_561] {strides = array<i32>} : memref<128x16xf32, #tpu.memory_space<vmem>>, vector<1x16xf32>,
    %swap3A_563 = vector.shape_cast %swap3A_562 : vector<1x16xf32> to vector<16xf32>
    %swap3A_564 = vector.shape_cast %select_n3A : vector<16xf32> to vector<1x16xf32>
    tpu.vector_store %arg5[%swap3A_560, %swap3A_561], %swap3A_564 {strides = array<i32>} : memref<128x16xf32, #tpu.memory_space<vmem>>, vector<1x16xf32>,
    %swap3A_565 = arith.constant 76 : i32
    %swap3A_566 = arith.index_cast %swap3A_565 : i32 to index
    %swap3A_567 = arith.constant 0 : index
    %swap3A_568 = tpu.vector_load %arg5[%swap3A_566, %swap3A_567] {strides = array<i32>} : memref<128x16xf32, #tpu.memory_space<vmem>>, vector<1x16xf32>,
    %swap3A_569 = vector.shape_cast %swap3A_568 : vector<1x16xf32> to vector<16xf32>
    %swap3A_570 = vector.shape_cast %select_n3A : vector<16xf32> to vector<1x16xf32>
    tpu.vector_store %arg5[%swap3A_566, %swap3A_567], %swap3A_570 {strides = array<i32>} : memref<128x16xf32, #tpu.memory_space<vmem>>, vector<1x16xf32>,
    %swap3A_571 = arith.constant 77 : i32
    %swap3A_572 = arith.index_cast %swap3A_571 : i32 to index
    %swap3A_573 = arith.constant 0 : index
    %swap3A_574 = tpu.vector_load %arg5[%swap3A_572, %swap3A_573] {strides = array<i32>} : memref<128x16xf32, #tpu.memory_space<vmem>>, vector<1x16xf32>,
    %swap3A_575 = vector.shape_cast %swap3A_574 : vector<1x16xf32> to vector<16xf32>
    %swap3A_576 = vector.shape_cast %select_n3A : vector<16xf32> to vector<1x16xf32>
    tpu.vector_store %arg5[%swap3A_572, %swap3A_573], %swap3A_576 {strides = array<i32>} : memref<128x16xf32, #tpu.memory_space<vmem>>, vector<1x16xf32>,
    %swap3A_577 = arith.constant 78 : i32
    %swap3A_578 = arith.index_cast %swap3A_577 : i32 to index
    %swap3A_579 = arith.constant 0 : index
    %swap3A_580 = tpu.vector_load %arg5[%swap3A_578, %swap3A_579] {strides = array<i32>} : memref<128x16xf32, #tpu.memory_space<vmem>>, vector<1x16xf32>,
    %swap3A_581 = vector.shape_cast %swap3A_580 : vector<1x16xf32> to vector<16xf32>
    %swap3A_582 = vector.shape_cast %select_n3A : vector<16xf32> to vector<1x16xf32>
    tpu.vector_store %arg5[%swap3A_578, %swap3A_579], %swap3A_582 {strides = array<i32>} : memref<128x16xf32, #tpu.memory_space<vmem>>, vector<1x16xf32>,
    %swap3A_583 = arith.constant 79 : i32
    %swap3A_584 = arith.index_cast %swap3A_583 : i32 to index
    %swap3A_585 = arith.constant 0 : index
    %swap3A_586 = tpu.vector_load %arg5[%swap3A_584, %swap3A_585] {strides = array<i32>} : memref<128x16xf32, #tpu.memory_space<vmem>>, vector<1x16xf32>,
    %swap3A_587 = vector.shape_cast %swap3A_586 : vector<1x16xf32> to vector<16xf32>
    %swap3A_588 = vector.shape_cast %select_n3A : vector<16xf32> to vector<1x16xf32>
    tpu.vector_store %arg5[%swap3A_584, %swap3A_585], %swap3A_588 {strides = array<i32>} : memref<128x16xf32, #tpu.memory_space<vmem>>, vector<1x16xf32>,
    %swap3A_589 = arith.constant 80 : i32
    %swap3A_590 = arith.index_cast %swap3A_589 : i32 to index
    %swap3A_591 = arith.constant 0 : index
    %swap3A_592 = tpu.vector_load %arg5[%swap3A_590, %swap3A_591] {strides = array<i32>} : memref<128x16xf32, #tpu.memory_space<vmem>>, vector<1x16xf32>,
    %swap3A_593 = vector.shape_cast %swap3A_592 : vector<1x16xf32> to vector<16xf32>
    %swap3A_594 = vector.shape_cast %select_n3A : vector<16xf32> to vector<1x16xf32>
    tpu.vector_store %arg5[%swap3A_590, %swap3A_591], %swap3A_594 {strides = array<i32>} : memref<128x16xf32, #tpu.memory_space<vmem>>, vector<1x16xf32>,
    %swap3A_595 = arith.constant 81 : i32
    %swap3A_596 = arith.index_cast %swap3A_595 : i32 to index
    %swap3A_597 = arith.constant 0 : index
    %swap3A_598 = tpu.vector_load %arg5[%swap3A_596, %swap3A_597] {strides = array<i32>} : memref<128x16xf32, #tpu.memory_space<vmem>>, vector<1x16xf32>,
    %swap3A_599 = vector.shape_cast %swap3A_598 : vector<1x16xf32> to vector<16xf32>
    %swap3A_600 = vector.shape_cast %select_n3A : vector<16xf32> to vector<1x16xf32>
    tpu.vector_store %arg5[%swap3A_596, %swap3A_597], %swap3A_600 {strides = array<i32>} : memref<128x16xf32, #tpu.memory_space<vmem>>, vector<1x16xf32>,
    %swap3A_601 = arith.constant 82 : i32
    %swap3A_602 = arith.index_cast %swap3A_601 : i32 to index
    %swap3A_603 = arith.constant 0 : index
    %swap3A_604 = tpu.vector_load %arg5[%swap3A_602, %swap3A_603] {strides = array<i32>} : memref<128x16xf32, #tpu.memory_space<vmem>>, vector<1x16xf32>,
    %swap3A_605 = vector.shape_cast %swap3A_604 : vector<1x16xf32> to vector<16xf32>
    %swap3A_606 = vector.shape_cast %select_n3A : vector<16xf32> to vector<1x16xf32>
    tpu.vector_store %arg5[%swap3A_602, %swap3A_603], %swap3A_606 {strides = array<i32>} : memref<128x16xf32, #tpu.memory_space<vmem>>, vector<1x16xf32>,
    %swap3A_607 = arith.constant 83 : i32
    %swap3A_608 = arith.index_cast %swap3A_607 : i32 to index
    %swap3A_609 = arith.constant 0 : index
    %swap3A_610 = tpu.vector_load %arg5[%swap3A_608, %swap3A_609] {strides = array<i32>} : memref<128x16xf32, #tpu.memory_space<vmem>>, vector<1x16xf32>,
    %swap3A_611 = vector.shape_cast %swap3A_610 : vector<1x16xf32> to vector<16xf32>
    %swap3A_612 = vector.shape_cast %select_n3A : vector<16xf32> to vector<1x16xf32>
    tpu.vector_store %arg5[%swap3A_608, %swap3A_609], %swap3A_612 {strides = array<i32>} : memref<128x16xf32, #tpu.memory_space<vmem>>, vector<1x16xf32>,
    %swap3A_613 = arith.constant 84 : i32
    %swap3A_614 = arith.index_cast %swap3A_613 : i32 to index
    %swap3A_615 = arith.constant 0 : index
    %swap3A_616 = tpu.vector_load %arg5[%swap3A_614, %swap3A_615] {strides = array<i32>} : memref<128x16xf32, #tpu.memory_space<vmem>>, vector<1x16xf32>,
    %swap3A_617 = vector.shape_cast %swap3A_616 : vector<1x16xf32> to vector<16xf32>
    %swap3A_618 = vector.shape_cast %select_n3A : vector<16xf32> to vector<1x16xf32>
    tpu.vector_store %arg5[%swap3A_614, %swap3A_615], %swap3A_618 {strides = array<i32>} : memref<128x16xf32, #tpu.memory_space<vmem>>, vector<1x16xf32>,
    %swap3A_619 = arith.constant 85 : i32
    %swap3A_620 = arith.index_cast %swap3A_619 : i32 to index
    %swap3A_621 = arith.constant 0 : index
    %swap3A_622 = tpu.vector_load %arg5[%swap3A_620, %swap3A_621] {strides = array<i32>} : memref<128x16xf32, #tpu.memory_space<vmem>>, vector<1x16xf32>,
    %swap3A_623 = vector.shape_cast %swap3A_622 : vector<1x16xf32> to vector<16xf32>
    %swap3A_624 = vector.shape_cast %select_n3A : vector<16xf32> to vector<1x16xf32>
    tpu.vector_store %arg5[%swap3A_620, %swap3A_621], %swap3A_624 {strides = array<i32>} : memref<128x16xf32, #tpu.memory_space<vmem>>, vector<1x16xf32>,
    %swap3A_625 = arith.constant 86 : i32
    %swap3A_626 = arith.index_cast %swap3A_625 : i32 to index
    %swap3A_627 = arith.constant 0 : index
    %swap3A_628 = tpu.vector_load %arg5[%swap3A_626, %swap3A_627] {strides = array<i32>} : memref<128x16xf32, #tpu.memory_space<vmem>>, vector<1x16xf32>,
    %swap3A_629 = vector.shape_cast %swap3A_628 : vector<1x16xf32> to vector<16xf32>
    %swap3A_630 = vector.shape_cast %select_n3A : vector<16xf32> to vector<1x16xf32>
    tpu.vector_store %arg5[%swap3A_626, %swap3A_627], %swap3A_630 {strides = array<i32>} : memref<128x16xf32, #tpu.memory_space<vmem>>, vector<1x16xf32>,
    %swap3A_631 = arith.constant 87 : i32
    %swap3A_632 = arith.index_cast %swap3A_631 : i32 to index
    %swap3A_633 = arith.constant 0 : index
    %swap3A_634 = tpu.vector_load %arg5[%swap3A_632, %swap3A_633] {strides = array<i32>} : memref<128x16xf32, #tpu.memory_space<vmem>>, vector<1x16xf32>,
    %swap3A_635 = vector.shape_cast %swap3A_634 : vector<1x16xf32> to vector<16xf32>
    %swap3A_636 = vector.shape_cast %select_n3A : vector<16xf32> to vector<1x16xf32>
    tpu.vector_store %arg5[%swap3A_632, %swap3A_633], %swap3A_636 {strides = array<i32>} : memref<128x16xf32, #tpu.memory_space<vmem>>, vector<1x16xf32>,
    %swap3A_637 = arith.constant 88 : i32
    %swap3A_638 = arith.index_cast %swap3A_637 : i32 to index
    %swap3A_639 = arith.constant 0 : index
    %swap3A_640 = tpu.vector_load %arg5[%swap3A_638, %swap3A_639] {strides = array<i32>} : memref<128x16xf32, #tpu.memory_space<vmem>>, vector<1x16xf32>,
    %swap3A_641 = vector.shape_cast %swap3A_640 : vector<1x16xf32> to vector<16xf32>
    %swap3A_642 = vector.shape_cast %select_n3A : vector<16xf32> to vector<1x16xf32>
    tpu.vector_store %arg5[%swap3A_638, %swap3A_639], %swap3A_642 {strides = array<i32>} : memref<128x16xf32, #tpu.memory_space<vmem>>, vector<1x16xf32>,
    %swap3A_643 = arith.constant 89 : i32
    %swap3A_644 = arith.index_cast %swap3A_643 : i32 to index
    %swap3A_645 = arith.constant 0 : index
    %swap3A_646 = tpu.vector_load %arg5[%swap3A_644, %swap3A_645] {strides = array<i32>} : memref<128x16xf32, #tpu.memory_space<vmem>>, vector<1x16xf32>,
    %swap3A_647 = vector.shape_cast %swap3A_646 : vector<1x16xf32> to vector<16xf32>
    %swap3A_648 = vector.shape_cast %select_n3A : vector<16xf32> to vector<1x16xf32>
    tpu.vector_store %arg5[%swap3A_644, %swap3A_645], %swap3A_648 {strides = array<i32>} : memref<128x16xf32, #tpu.memory_space<vmem>>, vector<1x16xf32>,
    %swap3A_649 = arith.constant 90 : i32
    %swap3A_650 = arith.index_cast %swap3A_649 : i32 to index
    %swap3A_651 = arith.constant 0 : index
    %swap3A_652 = tpu.vector_load %arg5[%swap3A_650, %swap3A_651] {strides = array<i32>} : memref<128x16xf32, #tpu.memory_space<vmem>>, vector<1x16xf32>,
    %swap3A_653 = vector.shape_cast %swap3A_652 : vector<1x16xf32> to vector<16xf32>
    %swap3A_654 = vector.shape_cast %select_n3A : vector<16xf32> to vector<1x16xf32>
    tpu.vector_store %arg5[%swap3A_650, %swap3A_651], %swap3A_654 {strides = array<i32>} : memref<128x16xf32, #tpu.memory_space<vmem>>, vector<1x16xf32>,
    %swap3A_655 = arith.constant 91 : i32
    %swap3A_656 = arith.index_cast %swap3A_655 : i32 to index
    %swap3A_657 = arith.constant 0 : index
    %swap3A_658 = tpu.vector_load %arg5[%swap3A_656, %swap3A_657] {strides = array<i32>} : memref<128x16xf32, #tpu.memory_space<vmem>>, vector<1x16xf32>,
    %swap3A_659 = vector.shape_cast %swap3A_658 : vector<1x16xf32> to vector<16xf32>
    %swap3A_660 = vector.shape_cast %select_n3A : vector<16xf32> to vector<1x16xf32>
    tpu.vector_store %arg5[%swap3A_656, %swap3A_657], %swap3A_660 {strides = array<i32>} : memref<128x16xf32, #tpu.memory_space<vmem>>, vector<1x16xf32>,
    %swap3A_661 = arith.constant 92 : i32
    %swap3A_662 = arith.index_cast %swap3A_661 : i32 to index
    %swap3A_663 = arith.constant 0 : index
    %swap3A_664 = tpu.vector_load %arg5[%swap3A_662, %swap3A_663] {strides = array<i32>} : memref<128x16xf32, #tpu.memory_space<vmem>>, vector<1x16xf32>,
    %swap3A_665 = vector.shape_cast %swap3A_664 : vector<1x16xf32> to vector<16xf32>
    %swap3A_666 = vector.shape_cast %select_n3A : vector<16xf32> to vector<1x16xf32>
    tpu.vector_store %arg5[%swap3A_662, %swap3A_663], %swap3A_666 {strides = array<i32>} : memref<128x16xf32, #tpu.memory_space<vmem>>, vector<1x16xf32>,
    %swap3A_667 = arith.constant 93 : i32
    %swap3A_668 = arith.index_cast %swap3A_667 : i32 to index
    %swap3A_669 = arith.constant 0 : index
    %swap3A_670 = tpu.vector_load %arg5[%swap3A_668, %swap3A_669] {strides = array<i32>} : memref<128x16xf32, #tpu.memory_space<vmem>>, vector<1x16xf32>,
    %swap3A_671 = vector.shape_cast %swap3A_670 : vector<1x16xf32> to vector<16xf32>
    %swap3A_672 = vector.shape_cast %select_n3A : vector<16xf32> to vector<1x16xf32>
    tpu.vector_store %arg5[%swap3A_668, %swap3A_669], %swap3A_672 {strides = array<i32>} : memref<128x16xf32, #tpu.memory_space<vmem>>, vector<1x16xf32>,
    %swap3A_673 = arith.constant 94 : i32
    %swap3A_674 = arith.index_cast %swap3A_673 : i32 to index
    %swap3A_675 = arith.constant 0 : index
    %swap3A_676 = tpu.vector_load %arg5[%swap3A_674, %swap3A_675] {strides = array<i32>} : memref<128x16xf32, #tpu.memory_space<vmem>>, vector<1x16xf32>,
    %swap3A_677 = vector.shape_cast %swap3A_676 : vector<1x16xf32> to vector<16xf32>
    %swap3A_678 = vector.shape_cast %select_n3A : vector<16xf32> to vector<1x16xf32>
    tpu.vector_store %arg5[%swap3A_674, %swap3A_675], %swap3A_678 {strides = array<i32>} : memref<128x16xf32, #tpu.memory_space<vmem>>, vector<1x16xf32>,
    %swap3A_679 = arith.constant 95 : i32
    %swap3A_680 = arith.index_cast %swap3A_679 : i32 to index
    %swap3A_681 = arith.constant 0 : index
    %swap3A_682 = tpu.vector_load %arg5[%swap3A_680, %swap3A_681] {strides = array<i32>} : memref<128x16xf32, #tpu.memory_space<vmem>>, vector<1x16xf32>,
    %swap3A_683 = vector.shape_cast %swap3A_682 : vector<1x16xf32> to vector<16xf32>
    %swap3A_684 = vector.shape_cast %select_n3A : vector<16xf32> to vector<1x16xf32>
    tpu.vector_store %arg5[%swap3A_680, %swap3A_681], %swap3A_684 {strides = array<i32>} : memref<128x16xf32, #tpu.memory_space<vmem>>, vector<1x16xf32>,
    %swap3A_685 = arith.constant 96 : i32
    %swap3A_686 = arith.index_cast %swap3A_685 : i32 to index
    %swap3A_687 = arith.constant 0 : index
    %swap3A_688 = tpu.vector_load %arg5[%swap3A_686, %swap3A_687] {strides = array<i32>} : memref<128x16xf32, #tpu.memory_space<vmem>>, vector<1x16xf32>,
    %swap3A_689 = vector.shape_cast %swap3A_688 : vector<1x16xf32> to vector<16xf32>
    %swap3A_690 = vector.shape_cast %select_n3A : vector<16xf32> to vector<1x16xf32>
    tpu.vector_store %arg5[%swap3A_686, %swap3A_687], %swap3A_690 {strides = array<i32>} : memref<128x16xf32, #tpu.memory_space<vmem>>, vector<1x16xf32>,
    %swap3A_691 = arith.constant 97 : i32
    %swap3A_692 = arith.index_cast %swap3A_691 : i32 to index
    %swap3A_693 = arith.constant 0 : index
    %swap3A_694 = tpu.vector_load %arg5[%swap3A_692, %swap3A_693] {strides = array<i32>} : memref<128x16xf32, #tpu.memory_space<vmem>>, vector<1x16xf32>,
    %swap3A_695 = vector.shape_cast %swap3A_694 : vector<1x16xf32> to vector<16xf32>
    %swap3A_696 = vector.shape_cast %select_n3A : vector<16xf32> to vector<1x16xf32>
    tpu.vector_store %arg5[%swap3A_692, %swap3A_693], %swap3A_696 {strides = array<i32>} : memref<128x16xf32, #tpu.memory_space<vmem>>, vector<1x16xf32>,
    %swap3A_697 = arith.constant 98 : i32
    %swap3A_698 = arith.index_cast %swap3A_697 : i32 to index
    %swap3A_699 = arith.constant 0 : index
    %swap3A_700 = tpu.vector_load %arg5[%swap3A_698, %swap3A_699] {strides = array<i32>} : memref<128x16xf32, #tpu.memory_space<vmem>>, vector<1x16xf32>,
    %swap3A_701 = vector.shape_cast %swap3A_700 : vector<1x16xf32> to vector<16xf32>
    %swap3A_702 = vector.shape_cast %select_n3A : vector<16xf32> to vector<1x16xf32>
    tpu.vector_store %arg5[%swap3A_698, %swap3A_699], %swap3A_702 {strides = array<i32>} : memref<128x16xf32, #tpu.memory_space<vmem>>, vector<1x16xf32>,
    %swap3A_703 = arith.constant 99 : i32
    %swap3A_704 = arith.index_cast %swap3A_703 : i32 to index
    %swap3A_705 = arith.constant 0 : index
    %swap3A_706 = tpu.vector_load %arg5[%swap3A_704, %swap3A_705] {strides = array<i32>} : memref<128x16xf32, #tpu.memory_space<vmem>>, vector<1x16xf32>,
    %swap3A_707 = vector.shape_cast %swap3A_706 : vector<1x16xf32> to vector<16xf32>
    %swap3A_708 = vector.shape_cast %select_n3A : vector<16xf32> to vector<1x16xf32>
    tpu.vector_store %arg5[%swap3A_704, %swap3A_705], %swap3A_708 {strides = array<i32>} : memref<128x16xf32, #tpu.memory_space<vmem>>, vector<1x16xf32>,
    %swap3A_709 = arith.constant 100 : i32
    %swap3A_710 = arith.index_cast %swap3A_709 : i32 to index
    %swap3A_711 = arith.constant 0 : index
    %swap3A_712 = tpu.vector_load %arg5[%swap3A_710, %swap3A_711] {strides = array<i32>} : memref<128x16xf32, #tpu.memory_space<vmem>>, vector<1x16xf32>,
    %swap3A_713 = vector.shape_cast %swap3A_712 : vector<1x16xf32> to vector<16xf32>
    %swap3A_714 = vector.shape_cast %select_n3A : vector<16xf32> to vector<1x16xf32>
    tpu.vector_store %arg5[%swap3A_710, %swap3A_711], %swap3A_714 {strides = array<i32>} : memref<128x16xf32, #tpu.memory_space<vmem>>, vector<1x16xf32>,
    %swap3A_715 = arith.constant 101 : i32
    %swap3A_716 = arith.index_cast %swap3A_715 : i32 to index
    %swap3A_717 = arith.constant 0 : index
    %swap3A_718 = tpu.vector_load %arg5[%swap3A_716, %swap3A_717] {strides = array<i32>} : memref<128x16xf32, #tpu.memory_space<vmem>>, vector<1x16xf32>,
    %swap3A_719 = vector.shape_cast %swap3A_718 : vector<1x16xf32> to vector<16xf32>
    %swap3A_720 = vector.shape_cast %select_n3A : vector<16xf32> to vector<1x16xf32>
    tpu.vector_store %arg5[%swap3A_716, %swap3A_717], %swap3A_720 {strides = array<i32>} : memref<128x16xf32, #tpu.memory_space<vmem>>, vector<1x16xf32>,
    %swap3A_721 = arith.constant 102 : i32
    %swap3A_722 = arith.index_cast %swap3A_721 : i32 to index
    %swap3A_723 = arith.constant 0 : index
    %swap3A_724 = tpu.vector_load %arg5[%swap3A_722, %swap3A_723] {strides = array<i32>} : memref<128x16xf32, #tpu.memory_space<vmem>>, vector<1x16xf32>,
    %swap3A_725 = vector.shape_cast %swap3A_724 : vector<1x16xf32> to vector<16xf32>
    %swap3A_726 = vector.shape_cast %select_n3A : vector<16xf32> to vector<1x16xf32>
    tpu.vector_store %arg5[%swap3A_722, %swap3A_723], %swap3A_726 {strides = array<i32>} : memref<128x16xf32, #tpu.memory_space<vmem>>, vector<1x16xf32>,
    %swap3A_727 = arith.constant 103 : i32
    %swap3A_728 = arith.index_cast %swap3A_727 : i32 to index
    %swap3A_729 = arith.constant 0 : index
    %swap3A_730 = tpu.vector_load %arg5[%swap3A_728, %swap3A_729] {strides = array<i32>} : memref<128x16xf32, #tpu.memory_space<vmem>>, vector<1x16xf32>,
    %swap3A_731 = vector.shape_cast %swap3A_730 : vector<1x16xf32> to vector<16xf32>
    %swap3A_732 = vector.shape_cast %select_n3A : vector<16xf32> to vector<1x16xf32>
    tpu.vector_store %arg5[%swap3A_728, %swap3A_729], %swap3A_732 {strides = array<i32>} : memref<128x16xf32, #tpu.memory_space<vmem>>, vector<1x16xf32>,
    %swap3A_733 = arith.constant 104 : i32
    %swap3A_734 = arith.index_cast %swap3A_733 : i32 to index
    %swap3A_735 = arith.constant 0 : index
    %swap3A_736 = tpu.vector_load %arg5[%swap3A_734, %swap3A_735] {strides = array<i32>} : memref<128x16xf32, #tpu.memory_space<vmem>>, vector<1x16xf32>,
    %swap3A_737 = vector.shape_cast %swap3A_736 : vector<1x16xf32> to vector<16xf32>
    %swap3A_738 = vector.shape_cast %select_n3A : vector<16xf32> to vector<1x16xf32>
    tpu.vector_store %arg5[%swap3A_734, %swap3A_735], %swap3A_738 {strides = array<i32>} : memref<128x16xf32, #tpu.memory_space<vmem>>, vector<1x16xf32>,
    %swap3A_739 = arith.constant 105 : i32
    %swap3A_740 = arith.index_cast %swap3A_739 : i32 to index
    %swap3A_741 = arith.constant 0 : index
    %swap3A_742 = tpu.vector_load %arg5[%swap3A_740, %swap3A_741] {strides = array<i32>} : memref<128x16xf32, #tpu.memory_space<vmem>>, vector<1x16xf32>,
    %swap3A_743 = vector.shape_cast %swap3A_742 : vector<1x16xf32> to vector<16xf32>
    %swap3A_744 = vector.shape_cast %select_n3A : vector<16xf32> to vector<1x16xf32>
    tpu.vector_store %arg5[%swap3A_740, %swap3A_741], %swap3A_744 {strides = array<i32>} : memref<128x16xf32, #tpu.memory_space<vmem>>, vector<1x16xf32>,
    %swap3A_745 = arith.constant 106 : i32
    %swap3A_746 = arith.index_cast %swap3A_745 : i32 to index
    %swap3A_747 = arith.constant 0 : index
    %swap3A_748 = tpu.vector_load %arg5[%swap3A_746, %swap3A_747] {strides = array<i32>} : memref<128x16xf32, #tpu.memory_space<vmem>>, vector<1x16xf32>,
    %swap3A_749 = vector.shape_cast %swap3A_748 : vector<1x16xf32> to vector<16xf32>
    %swap3A_750 = vector.shape_cast %select_n3A : vector<16xf32> to vector<1x16xf32>
    tpu.vector_store %arg5[%swap3A_746, %swap3A_747], %swap3A_750 {strides = array<i32>} : memref<128x16xf32, #tpu.memory_space<vmem>>, vector<1x16xf32>,
    %swap3A_751 = arith.constant 107 : i32
    %swap3A_752 = arith.index_cast %swap3A_751 : i32 to index
    %swap3A_753 = arith.constant 0 : index
    %swap3A_754 = tpu.vector_load %arg5[%swap3A_752, %swap3A_753] {strides = array<i32>} : memref<128x16xf32, #tpu.memory_space<vmem>>, vector<1x16xf32>,
    %swap3A_755 = vector.shape_cast %swap3A_754 : vector<1x16xf32> to vector<16xf32>
    %swap3A_756 = vector.shape_cast %select_n3A : vector<16xf32> to vector<1x16xf32>
    tpu.vector_store %arg5[%swap3A_752, %swap3A_753], %swap3A_756 {strides = array<i32>} : memref<128x16xf32, #tpu.memory_space<vmem>>, vector<1x16xf32>,
    %swap3A_757 = arith.constant 108 : i32
    %swap3A_758 = arith.index_cast %swap3A_757 : i32 to index
    %swap3A_759 = arith.constant 0 : index
    %swap3A_760 = tpu.vector_load %arg5[%swap3A_758, %swap3A_759] {strides = array<i32>} : memref<128x16xf32, #tpu.memory_space<vmem>>, vector<1x16xf32>,
    %swap3A_761 = vector.shape_cast %swap3A_760 : vector<1x16xf32> to vector<16xf32>
    %swap3A_762 = vector.shape_cast %select_n3A : vector<16xf32> to vector<1x16xf32>
    tpu.vector_store %arg5[%swap3A_758, %swap3A_759], %swap3A_762 {strides = array<i32>} : memref<128x16xf32, #tpu.memory_space<vmem>>, vector<1x16xf32>,
    %swap3A_763 = arith.constant 109 : i32
    %swap3A_764 = arith.index_cast %swap3A_763 : i32 to index
    %swap3A_765 = arith.constant 0 : index
    %swap3A_766 = tpu.vector_load %arg5[%swap3A_764, %swap3A_765] {strides = array<i32>} : memref<128x16xf32, #tpu.memory_space<vmem>>, vector<1x16xf32>,
    %swap3A_767 = vector.shape_cast %swap3A_766 : vector<1x16xf32> to vector<16xf32>
    %swap3A_768 = vector.shape_cast %select_n3A : vector<16xf32> to vector<1x16xf32>
    tpu.vector_store %arg5[%swap3A_764, %swap3A_765], %swap3A_768 {strides = array<i32>} : memref<128x16xf32, #tpu.memory_space<vmem>>, vector<1x16xf32>,
    %swap3A_769 = arith.constant 110 : i32
    %swap3A_770 = arith.index_cast %swap3A_769 : i32 to index
    %swap3A_771 = arith.constant 0 : index
    %swap3A_772 = tpu.vector_load %arg5[%swap3A_770, %swap3A_771] {strides = array<i32>} : memref<128x16xf32, #tpu.memory_space<vmem>>, vector<1x16xf32>,
    %swap3A_773 = vector.shape_cast %swap3A_772 : vector<1x16xf32> to vector<16xf32>
    %swap3A_774 = vector.shape_cast %select_n3A : vector<16xf32> to vector<1x16xf32>
    tpu.vector_store %arg5[%swap3A_770, %swap3A_771], %swap3A_774 {strides = array<i32>} : memref<128x16xf32, #tpu.memory_space<vmem>>, vector<1x16xf32>,
    %swap3A_775 = arith.constant 111 : i32
    %swap3A_776 = arith.index_cast %swap3A_775 : i32 to index
    %swap3A_777 = arith.constant 0 : index
    %swap3A_778 = tpu.vector_load %arg5[%swap3A_776, %swap3A_777] {strides = array<i32>} : memref<128x16xf32, #tpu.memory_space<vmem>>, vector<1x16xf32>,
    %swap3A_779 = vector.shape_cast %swap3A_778 : vector<1x16xf32> to vector<16xf32>
    %swap3A_780 = vector.shape_cast %select_n3A : vector<16xf32> to vector<1x16xf32>
    tpu.vector_store %arg5[%swap3A_776, %swap3A_777], %swap3A_780 {strides = array<i32>} : memref<128x16xf32, #tpu.memory_space<vmem>>, vector<1x16xf32>,
    %swap3A_781 = arith.constant 112 : i32
    %swap3A_782 = arith.index_cast %swap3A_781 : i32 to index
    %swap3A_783 = arith.constant 0 : index
    %swap3A_784 = tpu.vector_load %arg5[%swap3A_782, %swap3A_783] {strides = array<i32>} : memref<128x16xf32, #tpu.memory_space<vmem>>, vector<1x16xf32>,
    %swap3A_785 = vector.shape_cast %swap3A_784 : vector<1x16xf32> to vector<16xf32>
    %swap3A_786 = vector.shape_cast %select_n3A : vector<16xf32> to vector<1x16xf32>
    tpu.vector_store %arg5[%swap3A_782, %swap3A_783], %swap3A_786 {strides = array<i32>} : memref<128x16xf32, #tpu.memory_space<vmem>>, vector<1x16xf32>,
    %swap3A_787 = arith.constant 113 : i32
    %swap3A_788 = arith.index_cast %swap3A_787 : i32 to index
    %swap3A_789 = arith.constant 0 : index
    %swap3A_790 = tpu.vector_load %arg5[%swap3A_788, %swap3A_789] {strides = array<i32>} : memref<128x16xf32, #tpu.memory_space<vmem>>, vector<1x16xf32>,
    %swap3A_791 = vector.shape_cast %swap3A_790 : vector<1x16xf32> to vector<16xf32>
    %swap3A_792 = vector.shape_cast %select_n3A : vector<16xf32> to vector<1x16xf32>
    tpu.vector_store %arg5[%swap3A_788, %swap3A_789], %swap3A_792 {strides = array<i32>} : memref<128x16xf32, #tpu.memory_space<vmem>>, vector<1x16xf32>,
    %swap3A_793 = arith.constant 114 : i32
    %swap3A_794 = arith.index_cast %swap3A_793 : i32 to index
    %swap3A_795 = arith.constant 0 : index
    %swap3A_796 = tpu.vector_load %arg5[%swap3A_794, %swap3A_795] {strides = array<i32>} : memref<128x16xf32, #tpu.memory_space<vmem>>, vector<1x16xf32>,
    %swap3A_797 = vector.shape_cast %swap3A_796 : vector<1x16xf32> to vector<16xf32>
    %swap3A_798 = vector.shape_cast %select_n3A : vector<16xf32> to vector<1x16xf32>
    tpu.vector_store %arg5[%swap3A_794, %swap3A_795], %swap3A_798 {strides = array<i32>} : memref<128x16xf32, #tpu.memory_space<vmem>>, vector<1x16xf32>,
    %swap3A_799 = arith.constant 115 : i32
    %swap3A_800 = arith.index_cast %swap3A_799 : i32 to index
    %swap3A_801 = arith.constant 0 : index
    %swap3A_802 = tpu.vector_load %arg5[%swap3A_800, %swap3A_801] {strides = array<i32>} : memref<128x16xf32, #tpu.memory_space<vmem>>, vector<1x16xf32>,
    %swap3A_803 = vector.shape_cast %swap3A_802 : vector<1x16xf32> to vector<16xf32>
    %swap3A_804 = vector.shape_cast %select_n3A : vector<16xf32> to vector<1x16xf32>
    tpu.vector_store %arg5[%swap3A_800, %swap3A_801], %swap3A_804 {strides = array<i32>} : memref<128x16xf32, #tpu.memory_space<vmem>>, vector<1x16xf32>,
    %swap3A_805 = arith.constant 116 : i32
    %swap3A_806 = arith.index_cast %swap3A_805 : i32 to index
    %swap3A_807 = arith.constant 0 : index
    %swap3A_808 = tpu.vector_load %arg5[%swap3A_806, %swap3A_807] {strides = array<i32>} : memref<128x16xf32, #tpu.memory_space<vmem>>, vector<1x16xf32>,
    %swap3A_809 = vector.shape_cast %swap3A_808 : vector<1x16xf32> to vector<16xf32>
    %swap3A_810 = vector.shape_cast %select_n3A : vector<16xf32> to vector<1x16xf32>
    tpu.vector_store %arg5[%swap3A_806, %swap3A_807], %swap3A_810 {strides = array<i32>} : memref<128x16xf32, #tpu.memory_space<vmem>>, vector<1x16xf32>,
    %swap3A_811 = arith.constant 117 : i32
    %swap3A_812 = arith.index_cast %swap3A_811 : i32 to index
    %swap3A_813 = arith.constant 0 : index
    %swap3A_814 = tpu.vector_load %arg5[%swap3A_812, %swap3A_813] {strides = array<i32>} : memref<128x16xf32, #tpu.memory_space<vmem>>, vector<1x16xf32>,
    %swap3A_815 = vector.shape_cast %swap3A_814 : vector<1x16xf32> to vector<16xf32>
    %swap3A_816 = vector.shape_cast %select_n3A : vector<16xf32> to vector<1x16xf32>
    tpu.vector_store %arg5[%swap3A_812, %swap3A_813], %swap3A_816 {strides = array<i32>} : memref<128x16xf32, #tpu.memory_space<vmem>>, vector<1x16xf32>,
    %swap3A_817 = arith.constant 118 : i32
    %swap3A_818 = arith.index_cast %swap3A_817 : i32 to index
    %swap3A_819 = arith.constant 0 : index
    %swap3A_820 = tpu.vector_load %arg5[%swap3A_818, %swap3A_819] {strides = array<i32>} : memref<128x16xf32, #tpu.memory_space<vmem>>, vector<1x16xf32>,
    %swap3A_821 = vector.shape_cast %swap3A_820 : vector<1x16xf32> to vector<16xf32>
    %swap3A_822 = vector.shape_cast %select_n3A : vector<16xf32> to vector<1x16xf32>
    tpu.vector_store %arg5[%swap3A_818, %swap3A_819], %swap3A_822 {strides = array<i32>} : memref<128x16xf32, #tpu.memory_space<vmem>>, vector<1x16xf32>,
    %swap3A_823 = arith.constant 119 : i32
    %swap3A_824 = arith.index_cast %swap3A_823 : i32 to index
    %swap3A_825 = arith.constant 0 : index
    %swap3A_826 = tpu.vector_load %arg5[%swap3A_824, %swap3A_825] {strides = array<i32>} : memref<128x16xf32, #tpu.memory_space<vmem>>, vector<1x16xf32>,
    %swap3A_827 = vector.shape_cast %swap3A_826 : vector<1x16xf32> to vector<16xf32>
    %swap3A_828 = vector.shape_cast %select_n3A : vector<16xf32> to vector<1x16xf32>
    tpu.vector_store %arg5[%swap3A_824, %swap3A_825], %swap3A_828 {strides = array<i32>} : memref<128x16xf32, #tpu.memory_space<vmem>>, vector<1x16xf32>,
    %swap3A_829 = arith.constant 120 : i32
    %swap3A_830 = arith.index_cast %swap3A_829 : i32 to index
    %swap3A_831 = arith.constant 0 : index
    %swap3A_832 = tpu.vector_load %arg5[%swap3A_830, %swap3A_831] {strides = array<i32>} : memref<128x16xf32, #tpu.memory_space<vmem>>, vector<1x16xf32>,
    %swap3A_833 = vector.shape_cast %swap3A_832 : vector<1x16xf32> to vector<16xf32>
    %swap3A_834 = vector.shape_cast %select_n3A : vector<16xf32> to vector<1x16xf32>
    tpu.vector_store %arg5[%swap3A_830, %swap3A_831], %swap3A_834 {strides = array<i32>} : memref<128x16xf32, #tpu.memory_space<vmem>>, vector<1x16xf32>,
    %swap3A_835 = arith.constant 121 : i32
    %swap3A_836 = arith.index_cast %swap3A_835 : i32 to index
    %swap3A_837 = arith.constant 0 : index
    %swap3A_838 = tpu.vector_load %arg5[%swap3A_836, %swap3A_837] {strides = array<i32>} : memref<128x16xf32, #tpu.memory_space<vmem>>, vector<1x16xf32>,
    %swap3A_839 = vector.shape_cast %swap3A_838 : vector<1x16xf32> to vector<16xf32>
    %swap3A_840 = vector.shape_cast %select_n3A : vector<16xf32> to vector<1x16xf32>
    tpu.vector_store %arg5[%swap3A_836, %swap3A_837], %swap3A_840 {strides = array<i32>} : memref<128x16xf32, #tpu.memory_space<vmem>>, vector<1x16xf32>,
    %swap3A_841 = arith.constant 122 : i32
    %swap3A_842 = arith.index_cast %swap3A_841 : i32 to index
    %swap3A_843 = arith.constant 0 : index
    %swap3A_844 = tpu.vector_load %arg5[%swap3A_842, %swap3A_843] {strides = array<i32>} : memref<128x16xf32, #tpu.memory_space<vmem>>, vector<1x16xf32>,
    %swap3A_845 = vector.shape_cast %swap3A_844 : vector<1x16xf32> to vector<16xf32>
    %swap3A_846 = vector.shape_cast %select_n3A : vector<16xf32> to vector<1x16xf32>
    tpu.vector_store %arg5[%swap3A_842, %swap3A_843], %swap3A_846 {strides = array<i32>} : memref<128x16xf32, #tpu.memory_space<vmem>>, vector<1x16xf32>,
    %swap3A_847 = arith.constant 123 : i32
    %swap3A_848 = arith.index_cast %swap3A_847 : i32 to index
    %swap3A_849 = arith.constant 0 : index
    %swap3A_850 = tpu.vector_load %arg5[%swap3A_848, %swap3A_849] {strides = array<i32>} : memref<128x16xf32, #tpu.memory_space<vmem>>, vector<1x16xf32>,
    %swap3A_851 = vector.shape_cast %swap3A_850 : vector<1x16xf32> to vector<16xf32>
    %swap3A_852 = vector.shape_cast %select_n3A : vector<16xf32> to vector<1x16xf32>
    tpu.vector_store %arg5[%swap3A_848, %swap3A_849], %swap3A_852 {strides = array<i32>} : memref<128x16xf32, #tpu.memory_space<vmem>>, vector<1x16xf32>,
    %swap3A_853 = arith.constant 124 : i32
    %swap3A_854 = arith.index_cast %swap3A_853 : i32 to index
    %swap3A_855 = arith.constant 0 : index
    %swap3A_856 = tpu.vector_load %arg5[%swap3A_854, %swap3A_855] {strides = array<i32>} : memref<128x16xf32, #tpu.memory_space<vmem>>, vector<1x16xf32>,
    %swap3A_857 = vector.shape_cast %swap3A_856 : vector<1x16xf32> to vector<16xf32>
    %swap3A_858 = vector.shape_cast %select_n3A : vector<16xf32> to vector<1x16xf32>
    tpu.vector_store %arg5[%swap3A_854, %swap3A_855], %swap3A_858 {strides = array<i32>} : memref<128x16xf32, #tpu.memory_space<vmem>>, vector<1x16xf32>,
    %swap3A_859 = arith.constant 125 : i32
    %swap3A_860 = arith.index_cast %swap3A_859 : i32 to index
    %swap3A_861 = arith.constant 0 : index
    %swap3A_862 = tpu.vector_load %arg5[%swap3A_860, %swap3A_861] {strides = array<i32>} : memref<128x16xf32, #tpu.memory_space<vmem>>, vector<1x16xf32>,
    %swap3A_863 = vector.shape_cast %swap3A_862 : vector<1x16xf32> to vector<16xf32>
    %swap3A_864 = vector.shape_cast %select_n3A : vector<16xf32> to vector<1x16xf32>
    tpu.vector_store %arg5[%swap3A_860, %swap3A_861], %swap3A_864 {strides = array<i32>} : memref<128x16xf32, #tpu.memory_space<vmem>>, vector<1x16xf32>,
    %swap3A_865 = arith.constant 126 : i32
    %swap3A_866 = arith.index_cast %swap3A_865 : i32 to index
    %swap3A_867 = arith.constant 0 : index
    %swap3A_868 = tpu.vector_load %arg5[%swap3A_866, %swap3A_867] {strides = array<i32>} : memref<128x16xf32, #tpu.memory_space<vmem>>, vector<1x16xf32>,
    %swap3A_869 = vector.shape_cast %swap3A_868 : vector<1x16xf32> to vector<16xf32>
    %swap3A_870 = vector.shape_cast %select_n3A : vector<16xf32> to vector<1x16xf32>
    tpu.vector_store %arg5[%swap3A_866, %swap3A_867], %swap3A_870 {strides = array<i32>} : memref<128x16xf32, #tpu.memory_space<vmem>>, vector<1x16xf32>,
    %swap3A_871 = arith.constant 127 : i32
    %swap3A_872 = arith.index_cast %swap3A_871 : i32 to index
    %swap3A_873 = arith.constant 0 : index
    %swap3A_874 = tpu.vector_load %arg5[%swap3A_872, %swap3A_873] {strides = array<i32>} : memref<128x16xf32, #tpu.memory_space<vmem>>, vector<1x16xf32>,
    %swap3A_875 = vector.shape_cast %swap3A_874 : vector<1x16xf32> to vector<16xf32>
    %swap3A_876 = vector.shape_cast %select_n3A : vector<16xf32> to vector<1x16xf32>
    tpu.vector_store %arg5[%swap3A_872, %swap3A_873], %swap3A_876 {strides = array<i32>} : memref<128x16xf32, #tpu.memory_space<vmem>>, vector<1x16xf32>,
    %barrier3A = arith.constant 0 : index
    tpu.barrier barrier_id(%barrier3A)
    %mul3A_877 = arith.constant 80 : i32
    %mul3A_878 = arith.muli %add3A, %mul3A_877 : i32
    "tpu.region"() ({
      %run_scoped3A = tpu.sem_alloc : memref<!tpu.dma_semaphore, #tpu.memory_space<semaphore_mem>>
      %dma_start3A = arith.constant 0 : i32
      %dma_start3A_890 = tpu.memref_slice %arg2[%mul3A_878, %dma_start3A] : memref<2560x128xi32, #tpu.memory_space<hbm>> -> memref<80x128xi32, #tpu.memory_space<hbm>>
      %dma_start3A_891 = arith.constant 0 : i32
      %dma_start3A_892 = tpu.memref_slice %arg2[%mul3A_878, %dma_start3A_891] : memref<2560x128xi32, #tpu.memory_space<hbm>> -> memref<80x128xi32, #tpu.memory_space<hbm>>
      tpu.enqueue_dma source(%dma_start3A_892 : memref<80x128xi32, #tpu.memory_space<hbm>>) target(%arg4 : memref<80x128xi32, #tpu.memory_space<vmem>>) target_semaphore(%run_scoped3A : memref<!tpu.dma_semaphore, #tpu.memory_space<semaphore_mem>>)
      %dma_wait3A = arith.constant 0 : i32
      %dma_wait3A_893 = tpu.memref_slice %arg2[%mul3A_878, %dma_wait3A] : memref<2560x128xi32, #tpu.memory_space<hbm>> -> memref<80x128xi32, #tpu.memory_space<hbm>>
      %dma_wait3A_894 = arith.constant 0 : i32
      %dma_wait3A_895 = tpu.memref_slice %arg2[%mul3A_878, %dma_wait3A_894] : memref<2560x128xi32, #tpu.memory_space<hbm>> -> memref<80x128xi32, #tpu.memory_space<hbm>>
      tpu.wait_dma2 semaphore(%run_scoped3A : memref<!tpu.dma_semaphore, #tpu.memory_space<semaphore_mem>>) src(%dma_wait3A_895 : memref<80x128xi32, #tpu.memory_space<hbm>>) dst(%arg4 : memref<80x128xi32, #tpu.memory_space<vmem>>)
      tpu.yield
    }) : () -> ()
    %scan3A_879 = arith.constant 0 : i32
    %scan3A_880 = arith.constant 0 : i32
    %scan3A_881 = arith.constant 80 : i32
    %scan3A_882 = arith.addi %scan3A_880, %scan3A_881 : i32
    %scan3A_883 = arith.constant 1 : i32
    scf.for %scan3A_890 = %scan3A_880 to %scan3A_882 step %scan3A_883  : i32 {
      "tpu.region"() ({
        %run_scoped3A = tpu.sem_alloc : memref<!tpu.dma_semaphore, #tpu.memory_space<semaphore_mem>>
        %dma_start3A = arith.constant 0 : i32
        %dma_start3A_891 = tpu.memref_slice %arg4[%scan3A_890, %dma_start3A] : memref<80x128xi32, #tpu.memory_space<vmem>> -> memref<1x128xi32, #tpu.memory_space<vmem>>
        %dma_start3A_892 = tpu.memref_squeeze %dma_start3A_891 : memref<1x128xi32, #tpu.memory_space<vmem>> -> memref<128xi32, #tpu.memory_space<vmem>>
        %dma_start3A_893 = arith.constant 0 : i32
        %dma_start3A_894 = arith.constant 0 : i32
        %dma_start3A_895 = tpu.memref_slice %arg7[%dma_start3A_893, %dma_start3A_894] : memref<10240x16xf32, #tpu.memory_space<vmem_shared>> -> memref<10240x16xf32, #tpu.memory_space<vmem_shared>>
        tpu.enqueue_indirect_dma source(%arg5 : memref<128x16xf32, #tpu.memory_space<vmem>>) target(%dma_start3A_895 : memref<10240x16xf32, #tpu.memory_space<vmem_shared>>) offsets(%dma_start3A_892 : memref<128xi32, #tpu.memory_space<vmem>>) semaphore(%run_scoped3A : memref<!tpu.dma_semaphore, #tpu.memory_space<semaphore_mem>>) {add = true}
        %dma_wait3A = arith.constant 0 : i32
        %dma_wait3A_896 = tpu.memref_slice %arg4[%scan3A_890, %dma_wait3A] : memref<80x128xi32, #tpu.memory_space<vmem>> -> memref<1x128xi32, #tpu.memory_space<vmem>>
        %dma_wait3A_897 = tpu.memref_squeeze %dma_wait3A_896 : memref<1x128xi32, #tpu.memory_space<vmem>> -> memref<128xi32, #tpu.memory_space<vmem>>
        %dma_wait3A_898 = arith.constant 0 : i32
        %dma_wait3A_899 = arith.constant 0 : i32
        %dma_wait3A_900 = tpu.memref_slice %arg7[%dma_wait3A_898, %dma_wait3A_899] : memref<10240x16xf32, #tpu.memory_space<vmem_shared>> -> memref<10240x16xf32, #tpu.memory_space<vmem_shared>>
        tpu.wait_indirect_dma semaphore(%run_scoped3A : memref<!tpu.dma_semaphore, #tpu.memory_space<semaphore_mem>>) src(%arg5 : memref<128x16xf32, #tpu.memory_space<vmem>>) dst(%dma_wait3A_900 : memref<10240x16xf32, #tpu.memory_space<vmem_shared>>)
        tpu.yield
      }) : () -> ()
    }
    %scan3A_884 = arith.constant 80 : i32
    %barrier3A_885 = arith.constant 0 : index
    tpu.barrier barrier_id(%barrier3A_885)
    %mul3A_886 = arith.constant 625 : i32
    %mul3A_887 = arith.muli %arg1, %mul3A_886 : i32
    %mul3A_888 = arith.constant 625 : i32
    %mul3A_889 = arith.muli %arg1, %mul3A_888 : i32
    "tpu.region"() ({
      %run_scoped3A = tpu.sem_alloc : memref<!tpu.dma_semaphore, #tpu.memory_space<semaphore_mem>>
      %dma_start3A = arith.constant 0 : i32
      %dma_start3A_890 = tpu.memref_slice %arg3[%arg0, %mul3A_889, %dma_start3A] : memref<2x10000x16xf32, #tpu.memory_space<hbm>> -> memref<1x625x16xf32, #tpu.memory_space<hbm>>
      %dma_start3A_891 = tpu.memref_squeeze %dma_start3A_890 : memref<1x625x16xf32, #tpu.memory_space<hbm>> -> memref<625x16xf32, #tpu.memory_space<hbm>>
      %dma_start3A_892 = arith.constant 0 : i32
      %dma_start3A_893 = tpu.memref_slice %arg7[%mul3A_887, %dma_start3A_892] : memref<10240x16xf32, #tpu.memory_space<vmem_shared>> -> memref<625x16xf32, #tpu.memory_space<vmem_shared>>
      tpu.enqueue_dma source(%dma_start3A_893 : memref<625x16xf32, #tpu.memory_space<vmem_shared>>) target(%dma_start3A_891 : memref<625x16xf32, #tpu.memory_space<hbm>>) target_semaphore(%run_scoped3A : memref<!tpu.dma_semaphore, #tpu.memory_space<semaphore_mem>>)
      %dma_wait3A = arith.constant 0 : i32
      %dma_wait3A_894 = tpu.memref_slice %arg3[%arg0, %mul3A_889, %dma_wait3A] : memref<2x10000x16xf32, #tpu.memory_space<hbm>> -> memref<1x625x16xf32, #tpu.memory_space<hbm>>
      %dma_wait3A_895 = tpu.memref_squeeze %dma_wait3A_894 : memref<1x625x16xf32, #tpu.memory_space<hbm>> -> memref<625x16xf32, #tpu.memory_space<hbm>>
      %dma_wait3A_896 = arith.constant 0 : i32
      %dma_wait3A_897 = tpu.memref_slice %arg7[%mul3A_887, %dma_wait3A_896] : memref<10240x16xf32, #tpu.memory_space<vmem_shared>> -> memref<625x16xf32, #tpu.memory_space<vmem_shared>>
      tpu.wait_dma2 semaphore(%run_scoped3A : memref<!tpu.dma_semaphore, #tpu.memory_space<semaphore_mem>>) src(%dma_wait3A_897 : memref<625x16xf32, #tpu.memory_space<vmem_shared>>) dst(%dma_wait3A_895 : memref<625x16xf32, #tpu.memory_space<hbm>>)
      tpu.yield
    }) : () -> ()
    return
  }
}

#map = affine_map<(d0, d1) -> (0, 0)>
#map1 = affine_map<(d0, d1) -> (0, 0, 0)>
module attributes {stable_mosaic.version = 14 : i64} {
  func.func @_agg_body(%arg0: i32, %arg1: i32, %arg2: memref<10000x128xf32, #tpu.memory_space<hbm>>, %arg3: memref<2560x128xi32, #tpu.memory_space<hbm>>, %arg4: memref<2560x128xi32, #tpu.memory_space<hbm>>, %arg5: memref<2x10000x128xf32, #tpu.memory_space<hbm>>, %arg6: memref<40x128xi32, #tpu.memory_space<vmem>>, %arg7: memref<40x128xi32, #tpu.memory_space<vmem>>, %arg8: memref<128x128xf32, #tpu.memory_space<vmem>>, %arg9: memref<128x128xf32, #tpu.memory_space<vmem>>, %arg10: memref<16x128xf32, #tpu.memory_space<vmem>>, %arg11: memref<10240x128xf32, #tpu.memory_space<vmem_shared>>, %arg12: memref<!tpu.dma_semaphore, #tpu.memory_space<semaphore_mem>>, %arg13: memref<!tpu.dma_semaphore, #tpu.memory_space<semaphore_mem>>) attributes {dimension_semantics = [#tpu.dimension_semantics<core_parallel>, #tpu.dimension_semantics<subcore_parallel>], iteration_bounds = array<i64: 2, 16>, scalar_prefetch = 0 : i64, scratch_operands = 8 : i64, tpu.core_type = #tpu.core_type<sc_vector_subcore>, window_params = [{transform_indices = #map}, {transform_indices = #map}, {transform_indices = #map}, {transform_indices = #map1}]} {
    %mul3A = arith.constant 16 : i32
    %mul3A_0 = arith.muli %arg0, %mul3A : i32
    %add3A = arith.addi %mul3A_0, %arg1 : i32
    %broadcast_in_dim3A = arith.constant 0.000000e+00 : f32
    %broadcast_in_dim3A_1 = vector.broadcast %broadcast_in_dim3A : f32 to vector<16xf32>
    %swap3A = arith.constant 0 : i32
    %swap3A_2 = arith.index_cast %swap3A : i32 to index
    %swap3A_3 = arith.constant 0 : index
    %swap3A_4 = tpu.vector_load %arg10[%swap3A_2, %swap3A_3] {strides = array<i32>} : memref<16x128xf32, #tpu.memory_space<vmem>>, vector<1x16xf32>,
    %swap3A_5 = vector.shape_cast %swap3A_4 : vector<1x16xf32> to vector<16xf32>
    %swap3A_6 = vector.shape_cast %broadcast_in_dim3A_1 : vector<16xf32> to vector<1x16xf32>
    tpu.vector_store %arg10[%swap3A_2, %swap3A_3], %swap3A_6 {strides = array<i32>} : memref<16x128xf32, #tpu.memory_space<vmem>>, vector<1x16xf32>,
    %swap3A_7 = arith.constant 0 : i32
    %swap3A_8 = arith.index_cast %swap3A_7 : i32 to index
    %swap3A_9 = arith.constant 16 : index
    %swap3A_10 = tpu.vector_load %arg10[%swap3A_8, %swap3A_9] {strides = array<i32>} : memref<16x128xf32, #tpu.memory_space<vmem>>, vector<1x16xf32>,
    %swap3A_11 = vector.shape_cast %swap3A_10 : vector<1x16xf32> to vector<16xf32>
    %swap3A_12 = vector.shape_cast %broadcast_in_dim3A_1 : vector<16xf32> to vector<1x16xf32>
    tpu.vector_store %arg10[%swap3A_8, %swap3A_9], %swap3A_12 {strides = array<i32>} : memref<16x128xf32, #tpu.memory_space<vmem>>, vector<1x16xf32>,
    %swap3A_13 = arith.constant 0 : i32
    %swap3A_14 = arith.index_cast %swap3A_13 : i32 to index
    %swap3A_15 = arith.constant 32 : index
    %swap3A_16 = tpu.vector_load %arg10[%swap3A_14, %swap3A_15] {strides = array<i32>} : memref<16x128xf32, #tpu.memory_space<vmem>>, vector<1x16xf32>,
    %swap3A_17 = vector.shape_cast %swap3A_16 : vector<1x16xf32> to vector<16xf32>
    %swap3A_18 = vector.shape_cast %broadcast_in_dim3A_1 : vector<16xf32> to vector<1x16xf32>
    tpu.vector_store %arg10[%swap3A_14, %swap3A_15], %swap3A_18 {strides = array<i32>} : memref<16x128xf32, #tpu.memory_space<vmem>>, vector<1x16xf32>,
    %swap3A_19 = arith.constant 0 : i32
    %swap3A_20 = arith.index_cast %swap3A_19 : i32 to index
    %swap3A_21 = arith.constant 48 : index
    %swap3A_22 = tpu.vector_load %arg10[%swap3A_20, %swap3A_21] {strides = array<i32>} : memref<16x128xf32, #tpu.memory_space<vmem>>, vector<1x16xf32>,
    %swap3A_23 = vector.shape_cast %swap3A_22 : vector<1x16xf32> to vector<16xf32>
    %swap3A_24 = vector.shape_cast %broadcast_in_dim3A_1 : vector<16xf32> to vector<1x16xf32>
    tpu.vector_store %arg10[%swap3A_20, %swap3A_21], %swap3A_24 {strides = array<i32>} : memref<16x128xf32, #tpu.memory_space<vmem>>, vector<1x16xf32>,
    %swap3A_25 = arith.constant 0 : i32
    %swap3A_26 = arith.index_cast %swap3A_25 : i32 to index
    %swap3A_27 = arith.constant 64 : index
    %swap3A_28 = tpu.vector_load %arg10[%swap3A_26, %swap3A_27] {strides = array<i32>} : memref<16x128xf32, #tpu.memory_space<vmem>>, vector<1x16xf32>,
    %swap3A_29 = vector.shape_cast %swap3A_28 : vector<1x16xf32> to vector<16xf32>
    %swap3A_30 = vector.shape_cast %broadcast_in_dim3A_1 : vector<16xf32> to vector<1x16xf32>
    tpu.vector_store %arg10[%swap3A_26, %swap3A_27], %swap3A_30 {strides = array<i32>} : memref<16x128xf32, #tpu.memory_space<vmem>>, vector<1x16xf32>,
    %swap3A_31 = arith.constant 0 : i32
    %swap3A_32 = arith.index_cast %swap3A_31 : i32 to index
    %swap3A_33 = arith.constant 80 : index
    %swap3A_34 = tpu.vector_load %arg10[%swap3A_32, %swap3A_33] {strides = array<i32>} : memref<16x128xf32, #tpu.memory_space<vmem>>, vector<1x16xf32>,
    %swap3A_35 = vector.shape_cast %swap3A_34 : vector<1x16xf32> to vector<16xf32>
    %swap3A_36 = vector.shape_cast %broadcast_in_dim3A_1 : vector<16xf32> to vector<1x16xf32>
    tpu.vector_store %arg10[%swap3A_32, %swap3A_33], %swap3A_36 {strides = array<i32>} : memref<16x128xf32, #tpu.memory_space<vmem>>, vector<1x16xf32>,
    %swap3A_37 = arith.constant 0 : i32
    %swap3A_38 = arith.index_cast %swap3A_37 : i32 to index
    %swap3A_39 = arith.constant 96 : index
    %swap3A_40 = tpu.vector_load %arg10[%swap3A_38, %swap3A_39] {strides = array<i32>} : memref<16x128xf32, #tpu.memory_space<vmem>>, vector<1x16xf32>,
    %swap3A_41 = vector.shape_cast %swap3A_40 : vector<1x16xf32> to vector<16xf32>
    %swap3A_42 = vector.shape_cast %broadcast_in_dim3A_1 : vector<16xf32> to vector<1x16xf32>
    tpu.vector_store %arg10[%swap3A_38, %swap3A_39], %swap3A_42 {strides = array<i32>} : memref<16x128xf32, #tpu.memory_space<vmem>>, vector<1x16xf32>,
    %swap3A_43 = arith.constant 0 : i32
    %swap3A_44 = arith.index_cast %swap3A_43 : i32 to index
    %swap3A_45 = arith.constant 112 : index
    %swap3A_46 = tpu.vector_load %arg10[%swap3A_44, %swap3A_45] {strides = array<i32>} : memref<16x128xf32, #tpu.memory_space<vmem>>, vector<1x16xf32>,
    %swap3A_47 = vector.shape_cast %swap3A_46 : vector<1x16xf32> to vector<16xf32>
    %swap3A_48 = vector.shape_cast %broadcast_in_dim3A_1 : vector<16xf32> to vector<1x16xf32>
    tpu.vector_store %arg10[%swap3A_44, %swap3A_45], %swap3A_48 {strides = array<i32>} : memref<16x128xf32, #tpu.memory_space<vmem>>, vector<1x16xf32>,
    %swap3A_49 = arith.constant 1 : i32
    %swap3A_50 = arith.index_cast %swap3A_49 : i32 to index
    %swap3A_51 = arith.constant 0 : index
    %swap3A_52 = tpu.vector_load %arg10[%swap3A_50, %swap3A_51] {strides = array<i32>} : memref<16x128xf32, #tpu.memory_space<vmem>>, vector<1x16xf32>,
    %swap3A_53 = vector.shape_cast %swap3A_52 : vector<1x16xf32> to vector<16xf32>
    %swap3A_54 = vector.shape_cast %broadcast_in_dim3A_1 : vector<16xf32> to vector<1x16xf32>
    tpu.vector_store %arg10[%swap3A_50, %swap3A_51], %swap3A_54 {strides = array<i32>} : memref<16x128xf32, #tpu.memory_space<vmem>>, vector<1x16xf32>,
    %swap3A_55 = arith.constant 1 : i32
    %swap3A_56 = arith.index_cast %swap3A_55 : i32 to index
    %swap3A_57 = arith.constant 16 : index
    %swap3A_58 = tpu.vector_load %arg10[%swap3A_56, %swap3A_57] {strides = array<i32>} : memref<16x128xf32, #tpu.memory_space<vmem>>, vector<1x16xf32>,
    %swap3A_59 = vector.shape_cast %swap3A_58 : vector<1x16xf32> to vector<16xf32>
    %swap3A_60 = vector.shape_cast %broadcast_in_dim3A_1 : vector<16xf32> to vector<1x16xf32>
    tpu.vector_store %arg10[%swap3A_56, %swap3A_57], %swap3A_60 {strides = array<i32>} : memref<16x128xf32, #tpu.memory_space<vmem>>, vector<1x16xf32>,
    %swap3A_61 = arith.constant 1 : i32
    %swap3A_62 = arith.index_cast %swap3A_61 : i32 to index
    %swap3A_63 = arith.constant 32 : index
    %swap3A_64 = tpu.vector_load %arg10[%swap3A_62, %swap3A_63] {strides = array<i32>} : memref<16x128xf32, #tpu.memory_space<vmem>>, vector<1x16xf32>,
    %swap3A_65 = vector.shape_cast %swap3A_64 : vector<1x16xf32> to vector<16xf32>
    %swap3A_66 = vector.shape_cast %broadcast_in_dim3A_1 : vector<16xf32> to vector<1x16xf32>
    tpu.vector_store %arg10[%swap3A_62, %swap3A_63], %swap3A_66 {strides = array<i32>} : memref<16x128xf32, #tpu.memory_space<vmem>>, vector<1x16xf32>,
    %swap3A_67 = arith.constant 1 : i32
    %swap3A_68 = arith.index_cast %swap3A_67 : i32 to index
    %swap3A_69 = arith.constant 48 : index
    %swap3A_70 = tpu.vector_load %arg10[%swap3A_68, %swap3A_69] {strides = array<i32>} : memref<16x128xf32, #tpu.memory_space<vmem>>, vector<1x16xf32>,
    %swap3A_71 = vector.shape_cast %swap3A_70 : vector<1x16xf32> to vector<16xf32>
    %swap3A_72 = vector.shape_cast %broadcast_in_dim3A_1 : vector<16xf32> to vector<1x16xf32>
    tpu.vector_store %arg10[%swap3A_68, %swap3A_69], %swap3A_72 {strides = array<i32>} : memref<16x128xf32, #tpu.memory_space<vmem>>, vector<1x16xf32>,
    %swap3A_73 = arith.constant 1 : i32
    %swap3A_74 = arith.index_cast %swap3A_73 : i32 to index
    %swap3A_75 = arith.constant 64 : index
    %swap3A_76 = tpu.vector_load %arg10[%swap3A_74, %swap3A_75] {strides = array<i32>} : memref<16x128xf32, #tpu.memory_space<vmem>>, vector<1x16xf32>,
    %swap3A_77 = vector.shape_cast %swap3A_76 : vector<1x16xf32> to vector<16xf32>
    %swap3A_78 = vector.shape_cast %broadcast_in_dim3A_1 : vector<16xf32> to vector<1x16xf32>
    tpu.vector_store %arg10[%swap3A_74, %swap3A_75], %swap3A_78 {strides = array<i32>} : memref<16x128xf32, #tpu.memory_space<vmem>>, vector<1x16xf32>,
    %swap3A_79 = arith.constant 1 : i32
    %swap3A_80 = arith.index_cast %swap3A_79 : i32 to index
    %swap3A_81 = arith.constant 80 : index
    %swap3A_82 = tpu.vector_load %arg10[%swap3A_80, %swap3A_81] {strides = array<i32>} : memref<16x128xf32, #tpu.memory_space<vmem>>, vector<1x16xf32>,
    %swap3A_83 = vector.shape_cast %swap3A_82 : vector<1x16xf32> to vector<16xf32>
    %swap3A_84 = vector.shape_cast %broadcast_in_dim3A_1 : vector<16xf32> to vector<1x16xf32>
    tpu.vector_store %arg10[%swap3A_80, %swap3A_81], %swap3A_84 {strides = array<i32>} : memref<16x128xf32, #tpu.memory_space<vmem>>, vector<1x16xf32>,
    %swap3A_85 = arith.constant 1 : i32
    %swap3A_86 = arith.index_cast %swap3A_85 : i32 to index
    %swap3A_87 = arith.constant 96 : index
    %swap3A_88 = tpu.vector_load %arg10[%swap3A_86, %swap3A_87] {strides = array<i32>} : memref<16x128xf32, #tpu.memory_space<vmem>>, vector<1x16xf32>,
    %swap3A_89 = vector.shape_cast %swap3A_88 : vector<1x16xf32> to vector<16xf32>
    %swap3A_90 = vector.shape_cast %broadcast_in_dim3A_1 : vector<16xf32> to vector<1x16xf32>
    tpu.vector_store %arg10[%swap3A_86, %swap3A_87], %swap3A_90 {strides = array<i32>} : memref<16x128xf32, #tpu.memory_space<vmem>>, vector<1x16xf32>,
    %swap3A_91 = arith.constant 1 : i32
    %swap3A_92 = arith.index_cast %swap3A_91 : i32 to index
    %swap3A_93 = arith.constant 112 : index
    %swap3A_94 = tpu.vector_load %arg10[%swap3A_92, %swap3A_93] {strides = array<i32>} : memref<16x128xf32, #tpu.memory_space<vmem>>, vector<1x16xf32>,
    %swap3A_95 = vector.shape_cast %swap3A_94 : vector<1x16xf32> to vector<16xf32>
    %swap3A_96 = vector.shape_cast %broadcast_in_dim3A_1 : vector<16xf32> to vector<1x16xf32>
    tpu.vector_store %arg10[%swap3A_92, %swap3A_93], %swap3A_96 {strides = array<i32>} : memref<16x128xf32, #tpu.memory_space<vmem>>, vector<1x16xf32>,
    %swap3A_97 = arith.constant 2 : i32
    %swap3A_98 = arith.index_cast %swap3A_97 : i32 to index
    %swap3A_99 = arith.constant 0 : index
    %swap3A_100 = tpu.vector_load %arg10[%swap3A_98, %swap3A_99] {strides = array<i32>} : memref<16x128xf32, #tpu.memory_space<vmem>>, vector<1x16xf32>,
    %swap3A_101 = vector.shape_cast %swap3A_100 : vector<1x16xf32> to vector<16xf32>
    %swap3A_102 = vector.shape_cast %broadcast_in_dim3A_1 : vector<16xf32> to vector<1x16xf32>
    tpu.vector_store %arg10[%swap3A_98, %swap3A_99], %swap3A_102 {strides = array<i32>} : memref<16x128xf32, #tpu.memory_space<vmem>>, vector<1x16xf32>,
    %swap3A_103 = arith.constant 2 : i32
    %swap3A_104 = arith.index_cast %swap3A_103 : i32 to index
    %swap3A_105 = arith.constant 16 : index
    %swap3A_106 = tpu.vector_load %arg10[%swap3A_104, %swap3A_105] {strides = array<i32>} : memref<16x128xf32, #tpu.memory_space<vmem>>, vector<1x16xf32>,
    %swap3A_107 = vector.shape_cast %swap3A_106 : vector<1x16xf32> to vector<16xf32>
    %swap3A_108 = vector.shape_cast %broadcast_in_dim3A_1 : vector<16xf32> to vector<1x16xf32>
    tpu.vector_store %arg10[%swap3A_104, %swap3A_105], %swap3A_108 {strides = array<i32>} : memref<16x128xf32, #tpu.memory_space<vmem>>, vector<1x16xf32>,
    %swap3A_109 = arith.constant 2 : i32
    %swap3A_110 = arith.index_cast %swap3A_109 : i32 to index
    %swap3A_111 = arith.constant 32 : index
    %swap3A_112 = tpu.vector_load %arg10[%swap3A_110, %swap3A_111] {strides = array<i32>} : memref<16x128xf32, #tpu.memory_space<vmem>>, vector<1x16xf32>,
    %swap3A_113 = vector.shape_cast %swap3A_112 : vector<1x16xf32> to vector<16xf32>
    %swap3A_114 = vector.shape_cast %broadcast_in_dim3A_1 : vector<16xf32> to vector<1x16xf32>
    tpu.vector_store %arg10[%swap3A_110, %swap3A_111], %swap3A_114 {strides = array<i32>} : memref<16x128xf32, #tpu.memory_space<vmem>>, vector<1x16xf32>,
    %swap3A_115 = arith.constant 2 : i32
    %swap3A_116 = arith.index_cast %swap3A_115 : i32 to index
    %swap3A_117 = arith.constant 48 : index
    %swap3A_118 = tpu.vector_load %arg10[%swap3A_116, %swap3A_117] {strides = array<i32>} : memref<16x128xf32, #tpu.memory_space<vmem>>, vector<1x16xf32>,
    %swap3A_119 = vector.shape_cast %swap3A_118 : vector<1x16xf32> to vector<16xf32>
    %swap3A_120 = vector.shape_cast %broadcast_in_dim3A_1 : vector<16xf32> to vector<1x16xf32>
    tpu.vector_store %arg10[%swap3A_116, %swap3A_117], %swap3A_120 {strides = array<i32>} : memref<16x128xf32, #tpu.memory_space<vmem>>, vector<1x16xf32>,
    %swap3A_121 = arith.constant 2 : i32
    %swap3A_122 = arith.index_cast %swap3A_121 : i32 to index
    %swap3A_123 = arith.constant 64 : index
    %swap3A_124 = tpu.vector_load %arg10[%swap3A_122, %swap3A_123] {strides = array<i32>} : memref<16x128xf32, #tpu.memory_space<vmem>>, vector<1x16xf32>,
    %swap3A_125 = vector.shape_cast %swap3A_124 : vector<1x16xf32> to vector<16xf32>
    %swap3A_126 = vector.shape_cast %broadcast_in_dim3A_1 : vector<16xf32> to vector<1x16xf32>
    tpu.vector_store %arg10[%swap3A_122, %swap3A_123], %swap3A_126 {strides = array<i32>} : memref<16x128xf32, #tpu.memory_space<vmem>>, vector<1x16xf32>,
    %swap3A_127 = arith.constant 2 : i32
    %swap3A_128 = arith.index_cast %swap3A_127 : i32 to index
    %swap3A_129 = arith.constant 80 : index
    %swap3A_130 = tpu.vector_load %arg10[%swap3A_128, %swap3A_129] {strides = array<i32>} : memref<16x128xf32, #tpu.memory_space<vmem>>, vector<1x16xf32>,
    %swap3A_131 = vector.shape_cast %swap3A_130 : vector<1x16xf32> to vector<16xf32>
    %swap3A_132 = vector.shape_cast %broadcast_in_dim3A_1 : vector<16xf32> to vector<1x16xf32>
    tpu.vector_store %arg10[%swap3A_128, %swap3A_129], %swap3A_132 {strides = array<i32>} : memref<16x128xf32, #tpu.memory_space<vmem>>, vector<1x16xf32>,
    %swap3A_133 = arith.constant 2 : i32
    %swap3A_134 = arith.index_cast %swap3A_133 : i32 to index
    %swap3A_135 = arith.constant 96 : index
    %swap3A_136 = tpu.vector_load %arg10[%swap3A_134, %swap3A_135] {strides = array<i32>} : memref<16x128xf32, #tpu.memory_space<vmem>>, vector<1x16xf32>,
    %swap3A_137 = vector.shape_cast %swap3A_136 : vector<1x16xf32> to vector<16xf32>
    %swap3A_138 = vector.shape_cast %broadcast_in_dim3A_1 : vector<16xf32> to vector<1x16xf32>
    tpu.vector_store %arg10[%swap3A_134, %swap3A_135], %swap3A_138 {strides = array<i32>} : memref<16x128xf32, #tpu.memory_space<vmem>>, vector<1x16xf32>,
    %swap3A_139 = arith.constant 2 : i32
    %swap3A_140 = arith.index_cast %swap3A_139 : i32 to index
    %swap3A_141 = arith.constant 112 : index
    %swap3A_142 = tpu.vector_load %arg10[%swap3A_140, %swap3A_141] {strides = array<i32>} : memref<16x128xf32, #tpu.memory_space<vmem>>, vector<1x16xf32>,
    %swap3A_143 = vector.shape_cast %swap3A_142 : vector<1x16xf32> to vector<16xf32>
    %swap3A_144 = vector.shape_cast %broadcast_in_dim3A_1 : vector<16xf32> to vector<1x16xf32>
    tpu.vector_store %arg10[%swap3A_140, %swap3A_141], %swap3A_144 {strides = array<i32>} : memref<16x128xf32, #tpu.memory_space<vmem>>, vector<1x16xf32>,
    %swap3A_145 = arith.constant 3 : i32
    %swap3A_146 = arith.index_cast %swap3A_145 : i32 to index
    %swap3A_147 = arith.constant 0 : index
    %swap3A_148 = tpu.vector_load %arg10[%swap3A_146, %swap3A_147] {strides = array<i32>} : memref<16x128xf32, #tpu.memory_space<vmem>>, vector<1x16xf32>,
    %swap3A_149 = vector.shape_cast %swap3A_148 : vector<1x16xf32> to vector<16xf32>
    %swap3A_150 = vector.shape_cast %broadcast_in_dim3A_1 : vector<16xf32> to vector<1x16xf32>
    tpu.vector_store %arg10[%swap3A_146, %swap3A_147], %swap3A_150 {strides = array<i32>} : memref<16x128xf32, #tpu.memory_space<vmem>>, vector<1x16xf32>,
    %swap3A_151 = arith.constant 3 : i32
    %swap3A_152 = arith.index_cast %swap3A_151 : i32 to index
    %swap3A_153 = arith.constant 16 : index
    %swap3A_154 = tpu.vector_load %arg10[%swap3A_152, %swap3A_153] {strides = array<i32>} : memref<16x128xf32, #tpu.memory_space<vmem>>, vector<1x16xf32>,
    %swap3A_155 = vector.shape_cast %swap3A_154 : vector<1x16xf32> to vector<16xf32>
    %swap3A_156 = vector.shape_cast %broadcast_in_dim3A_1 : vector<16xf32> to vector<1x16xf32>
    tpu.vector_store %arg10[%swap3A_152, %swap3A_153], %swap3A_156 {strides = array<i32>} : memref<16x128xf32, #tpu.memory_space<vmem>>, vector<1x16xf32>,
    %swap3A_157 = arith.constant 3 : i32
    %swap3A_158 = arith.index_cast %swap3A_157 : i32 to index
    %swap3A_159 = arith.constant 32 : index
    %swap3A_160 = tpu.vector_load %arg10[%swap3A_158, %swap3A_159] {strides = array<i32>} : memref<16x128xf32, #tpu.memory_space<vmem>>, vector<1x16xf32>,
    %swap3A_161 = vector.shape_cast %swap3A_160 : vector<1x16xf32> to vector<16xf32>
    %swap3A_162 = vector.shape_cast %broadcast_in_dim3A_1 : vector<16xf32> to vector<1x16xf32>
    tpu.vector_store %arg10[%swap3A_158, %swap3A_159], %swap3A_162 {strides = array<i32>} : memref<16x128xf32, #tpu.memory_space<vmem>>, vector<1x16xf32>,
    %swap3A_163 = arith.constant 3 : i32
    %swap3A_164 = arith.index_cast %swap3A_163 : i32 to index
    %swap3A_165 = arith.constant 48 : index
    %swap3A_166 = tpu.vector_load %arg10[%swap3A_164, %swap3A_165] {strides = array<i32>} : memref<16x128xf32, #tpu.memory_space<vmem>>, vector<1x16xf32>,
    %swap3A_167 = vector.shape_cast %swap3A_166 : vector<1x16xf32> to vector<16xf32>
    %swap3A_168 = vector.shape_cast %broadcast_in_dim3A_1 : vector<16xf32> to vector<1x16xf32>
    tpu.vector_store %arg10[%swap3A_164, %swap3A_165], %swap3A_168 {strides = array<i32>} : memref<16x128xf32, #tpu.memory_space<vmem>>, vector<1x16xf32>,
    %swap3A_169 = arith.constant 3 : i32
    %swap3A_170 = arith.index_cast %swap3A_169 : i32 to index
    %swap3A_171 = arith.constant 64 : index
    %swap3A_172 = tpu.vector_load %arg10[%swap3A_170, %swap3A_171] {strides = array<i32>} : memref<16x128xf32, #tpu.memory_space<vmem>>, vector<1x16xf32>,
    %swap3A_173 = vector.shape_cast %swap3A_172 : vector<1x16xf32> to vector<16xf32>
    %swap3A_174 = vector.shape_cast %broadcast_in_dim3A_1 : vector<16xf32> to vector<1x16xf32>
    tpu.vector_store %arg10[%swap3A_170, %swap3A_171], %swap3A_174 {strides = array<i32>} : memref<16x128xf32, #tpu.memory_space<vmem>>, vector<1x16xf32>,
    %swap3A_175 = arith.constant 3 : i32
    %swap3A_176 = arith.index_cast %swap3A_175 : i32 to index
    %swap3A_177 = arith.constant 80 : index
    %swap3A_178 = tpu.vector_load %arg10[%swap3A_176, %swap3A_177] {strides = array<i32>} : memref<16x128xf32, #tpu.memory_space<vmem>>, vector<1x16xf32>,
    %swap3A_179 = vector.shape_cast %swap3A_178 : vector<1x16xf32> to vector<16xf32>
    %swap3A_180 = vector.shape_cast %broadcast_in_dim3A_1 : vector<16xf32> to vector<1x16xf32>
    tpu.vector_store %arg10[%swap3A_176, %swap3A_177], %swap3A_180 {strides = array<i32>} : memref<16x128xf32, #tpu.memory_space<vmem>>, vector<1x16xf32>,
    %swap3A_181 = arith.constant 3 : i32
    %swap3A_182 = arith.index_cast %swap3A_181 : i32 to index
    %swap3A_183 = arith.constant 96 : index
    %swap3A_184 = tpu.vector_load %arg10[%swap3A_182, %swap3A_183] {strides = array<i32>} : memref<16x128xf32, #tpu.memory_space<vmem>>, vector<1x16xf32>,
    %swap3A_185 = vector.shape_cast %swap3A_184 : vector<1x16xf32> to vector<16xf32>
    %swap3A_186 = vector.shape_cast %broadcast_in_dim3A_1 : vector<16xf32> to vector<1x16xf32>
    tpu.vector_store %arg10[%swap3A_182, %swap3A_183], %swap3A_186 {strides = array<i32>} : memref<16x128xf32, #tpu.memory_space<vmem>>, vector<1x16xf32>,
    %swap3A_187 = arith.constant 3 : i32
    %swap3A_188 = arith.index_cast %swap3A_187 : i32 to index
    %swap3A_189 = arith.constant 112 : index
    %swap3A_190 = tpu.vector_load %arg10[%swap3A_188, %swap3A_189] {strides = array<i32>} : memref<16x128xf32, #tpu.memory_space<vmem>>, vector<1x16xf32>,
    %swap3A_191 = vector.shape_cast %swap3A_190 : vector<1x16xf32> to vector<16xf32>
    %swap3A_192 = vector.shape_cast %broadcast_in_dim3A_1 : vector<16xf32> to vector<1x16xf32>
    tpu.vector_store %arg10[%swap3A_188, %swap3A_189], %swap3A_192 {strides = array<i32>} : memref<16x128xf32, #tpu.memory_space<vmem>>, vector<1x16xf32>,
    %swap3A_193 = arith.constant 4 : i32
    %swap3A_194 = arith.index_cast %swap3A_193 : i32 to index
    %swap3A_195 = arith.constant 0 : index
    %swap3A_196 = tpu.vector_load %arg10[%swap3A_194, %swap3A_195] {strides = array<i32>} : memref<16x128xf32, #tpu.memory_space<vmem>>, vector<1x16xf32>,
    %swap3A_197 = vector.shape_cast %swap3A_196 : vector<1x16xf32> to vector<16xf32>
    %swap3A_198 = vector.shape_cast %broadcast_in_dim3A_1 : vector<16xf32> to vector<1x16xf32>
    tpu.vector_store %arg10[%swap3A_194, %swap3A_195], %swap3A_198 {strides = array<i32>} : memref<16x128xf32, #tpu.memory_space<vmem>>, vector<1x16xf32>,
    %swap3A_199 = arith.constant 4 : i32
    %swap3A_200 = arith.index_cast %swap3A_199 : i32 to index
    %swap3A_201 = arith.constant 16 : index
    %swap3A_202 = tpu.vector_load %arg10[%swap3A_200, %swap3A_201] {strides = array<i32>} : memref<16x128xf32, #tpu.memory_space<vmem>>, vector<1x16xf32>,
    %swap3A_203 = vector.shape_cast %swap3A_202 : vector<1x16xf32> to vector<16xf32>
    %swap3A_204 = vector.shape_cast %broadcast_in_dim3A_1 : vector<16xf32> to vector<1x16xf32>
    tpu.vector_store %arg10[%swap3A_200, %swap3A_201], %swap3A_204 {strides = array<i32>} : memref<16x128xf32, #tpu.memory_space<vmem>>, vector<1x16xf32>,
    %swap3A_205 = arith.constant 4 : i32
    %swap3A_206 = arith.index_cast %swap3A_205 : i32 to index
    %swap3A_207 = arith.constant 32 : index
    %swap3A_208 = tpu.vector_load %arg10[%swap3A_206, %swap3A_207] {strides = array<i32>} : memref<16x128xf32, #tpu.memory_space<vmem>>, vector<1x16xf32>,
    %swap3A_209 = vector.shape_cast %swap3A_208 : vector<1x16xf32> to vector<16xf32>
    %swap3A_210 = vector.shape_cast %broadcast_in_dim3A_1 : vector<16xf32> to vector<1x16xf32>
    tpu.vector_store %arg10[%swap3A_206, %swap3A_207], %swap3A_210 {strides = array<i32>} : memref<16x128xf32, #tpu.memory_space<vmem>>, vector<1x16xf32>,
    %swap3A_211 = arith.constant 4 : i32
    %swap3A_212 = arith.index_cast %swap3A_211 : i32 to index
    %swap3A_213 = arith.constant 48 : index
    %swap3A_214 = tpu.vector_load %arg10[%swap3A_212, %swap3A_213] {strides = array<i32>} : memref<16x128xf32, #tpu.memory_space<vmem>>, vector<1x16xf32>,
    %swap3A_215 = vector.shape_cast %swap3A_214 : vector<1x16xf32> to vector<16xf32>
    %swap3A_216 = vector.shape_cast %broadcast_in_dim3A_1 : vector<16xf32> to vector<1x16xf32>
    tpu.vector_store %arg10[%swap3A_212, %swap3A_213], %swap3A_216 {strides = array<i32>} : memref<16x128xf32, #tpu.memory_space<vmem>>, vector<1x16xf32>,
    %swap3A_217 = arith.constant 4 : i32
    %swap3A_218 = arith.index_cast %swap3A_217 : i32 to index
    %swap3A_219 = arith.constant 64 : index
    %swap3A_220 = tpu.vector_load %arg10[%swap3A_218, %swap3A_219] {strides = array<i32>} : memref<16x128xf32, #tpu.memory_space<vmem>>, vector<1x16xf32>,
    %swap3A_221 = vector.shape_cast %swap3A_220 : vector<1x16xf32> to vector<16xf32>
    %swap3A_222 = vector.shape_cast %broadcast_in_dim3A_1 : vector<16xf32> to vector<1x16xf32>
    tpu.vector_store %arg10[%swap3A_218, %swap3A_219], %swap3A_222 {strides = array<i32>} : memref<16x128xf32, #tpu.memory_space<vmem>>, vector<1x16xf32>,
    %swap3A_223 = arith.constant 4 : i32
    %swap3A_224 = arith.index_cast %swap3A_223 : i32 to index
    %swap3A_225 = arith.constant 80 : index
    %swap3A_226 = tpu.vector_load %arg10[%swap3A_224, %swap3A_225] {strides = array<i32>} : memref<16x128xf32, #tpu.memory_space<vmem>>, vector<1x16xf32>,
    %swap3A_227 = vector.shape_cast %swap3A_226 : vector<1x16xf32> to vector<16xf32>
    %swap3A_228 = vector.shape_cast %broadcast_in_dim3A_1 : vector<16xf32> to vector<1x16xf32>
    tpu.vector_store %arg10[%swap3A_224, %swap3A_225], %swap3A_228 {strides = array<i32>} : memref<16x128xf32, #tpu.memory_space<vmem>>, vector<1x16xf32>,
    %swap3A_229 = arith.constant 4 : i32
    %swap3A_230 = arith.index_cast %swap3A_229 : i32 to index
    %swap3A_231 = arith.constant 96 : index
    %swap3A_232 = tpu.vector_load %arg10[%swap3A_230, %swap3A_231] {strides = array<i32>} : memref<16x128xf32, #tpu.memory_space<vmem>>, vector<1x16xf32>,
    %swap3A_233 = vector.shape_cast %swap3A_232 : vector<1x16xf32> to vector<16xf32>
    %swap3A_234 = vector.shape_cast %broadcast_in_dim3A_1 : vector<16xf32> to vector<1x16xf32>
    tpu.vector_store %arg10[%swap3A_230, %swap3A_231], %swap3A_234 {strides = array<i32>} : memref<16x128xf32, #tpu.memory_space<vmem>>, vector<1x16xf32>,
    %swap3A_235 = arith.constant 4 : i32
    %swap3A_236 = arith.index_cast %swap3A_235 : i32 to index
    %swap3A_237 = arith.constant 112 : index
    %swap3A_238 = tpu.vector_load %arg10[%swap3A_236, %swap3A_237] {strides = array<i32>} : memref<16x128xf32, #tpu.memory_space<vmem>>, vector<1x16xf32>,
    %swap3A_239 = vector.shape_cast %swap3A_238 : vector<1x16xf32> to vector<16xf32>
    %swap3A_240 = vector.shape_cast %broadcast_in_dim3A_1 : vector<16xf32> to vector<1x16xf32>
    tpu.vector_store %arg10[%swap3A_236, %swap3A_237], %swap3A_240 {strides = array<i32>} : memref<16x128xf32, #tpu.memory_space<vmem>>, vector<1x16xf32>,
    %swap3A_241 = arith.constant 5 : i32
    %swap3A_242 = arith.index_cast %swap3A_241 : i32 to index
    %swap3A_243 = arith.constant 0 : index
    %swap3A_244 = tpu.vector_load %arg10[%swap3A_242, %swap3A_243] {strides = array<i32>} : memref<16x128xf32, #tpu.memory_space<vmem>>, vector<1x16xf32>,
    %swap3A_245 = vector.shape_cast %swap3A_244 : vector<1x16xf32> to vector<16xf32>
    %swap3A_246 = vector.shape_cast %broadcast_in_dim3A_1 : vector<16xf32> to vector<1x16xf32>
    tpu.vector_store %arg10[%swap3A_242, %swap3A_243], %swap3A_246 {strides = array<i32>} : memref<16x128xf32, #tpu.memory_space<vmem>>, vector<1x16xf32>,
    %swap3A_247 = arith.constant 5 : i32
    %swap3A_248 = arith.index_cast %swap3A_247 : i32 to index
    %swap3A_249 = arith.constant 16 : index
    %swap3A_250 = tpu.vector_load %arg10[%swap3A_248, %swap3A_249] {strides = array<i32>} : memref<16x128xf32, #tpu.memory_space<vmem>>, vector<1x16xf32>,
    %swap3A_251 = vector.shape_cast %swap3A_250 : vector<1x16xf32> to vector<16xf32>
    %swap3A_252 = vector.shape_cast %broadcast_in_dim3A_1 : vector<16xf32> to vector<1x16xf32>
    tpu.vector_store %arg10[%swap3A_248, %swap3A_249], %swap3A_252 {strides = array<i32>} : memref<16x128xf32, #tpu.memory_space<vmem>>, vector<1x16xf32>,
    %swap3A_253 = arith.constant 5 : i32
    %swap3A_254 = arith.index_cast %swap3A_253 : i32 to index
    %swap3A_255 = arith.constant 32 : index
    %swap3A_256 = tpu.vector_load %arg10[%swap3A_254, %swap3A_255] {strides = array<i32>} : memref<16x128xf32, #tpu.memory_space<vmem>>, vector<1x16xf32>,
    %swap3A_257 = vector.shape_cast %swap3A_256 : vector<1x16xf32> to vector<16xf32>
    %swap3A_258 = vector.shape_cast %broadcast_in_dim3A_1 : vector<16xf32> to vector<1x16xf32>
    tpu.vector_store %arg10[%swap3A_254, %swap3A_255], %swap3A_258 {strides = array<i32>} : memref<16x128xf32, #tpu.memory_space<vmem>>, vector<1x16xf32>,
    %swap3A_259 = arith.constant 5 : i32
    %swap3A_260 = arith.index_cast %swap3A_259 : i32 to index
    %swap3A_261 = arith.constant 48 : index
    %swap3A_262 = tpu.vector_load %arg10[%swap3A_260, %swap3A_261] {strides = array<i32>} : memref<16x128xf32, #tpu.memory_space<vmem>>, vector<1x16xf32>,
    %swap3A_263 = vector.shape_cast %swap3A_262 : vector<1x16xf32> to vector<16xf32>
    %swap3A_264 = vector.shape_cast %broadcast_in_dim3A_1 : vector<16xf32> to vector<1x16xf32>
    tpu.vector_store %arg10[%swap3A_260, %swap3A_261], %swap3A_264 {strides = array<i32>} : memref<16x128xf32, #tpu.memory_space<vmem>>, vector<1x16xf32>,
    %swap3A_265 = arith.constant 5 : i32
    %swap3A_266 = arith.index_cast %swap3A_265 : i32 to index
    %swap3A_267 = arith.constant 64 : index
    %swap3A_268 = tpu.vector_load %arg10[%swap3A_266, %swap3A_267] {strides = array<i32>} : memref<16x128xf32, #tpu.memory_space<vmem>>, vector<1x16xf32>,
    %swap3A_269 = vector.shape_cast %swap3A_268 : vector<1x16xf32> to vector<16xf32>
    %swap3A_270 = vector.shape_cast %broadcast_in_dim3A_1 : vector<16xf32> to vector<1x16xf32>
    tpu.vector_store %arg10[%swap3A_266, %swap3A_267], %swap3A_270 {strides = array<i32>} : memref<16x128xf32, #tpu.memory_space<vmem>>, vector<1x16xf32>,
    %swap3A_271 = arith.constant 5 : i32
    %swap3A_272 = arith.index_cast %swap3A_271 : i32 to index
    %swap3A_273 = arith.constant 80 : index
    %swap3A_274 = tpu.vector_load %arg10[%swap3A_272, %swap3A_273] {strides = array<i32>} : memref<16x128xf32, #tpu.memory_space<vmem>>, vector<1x16xf32>,
    %swap3A_275 = vector.shape_cast %swap3A_274 : vector<1x16xf32> to vector<16xf32>
    %swap3A_276 = vector.shape_cast %broadcast_in_dim3A_1 : vector<16xf32> to vector<1x16xf32>
    tpu.vector_store %arg10[%swap3A_272, %swap3A_273], %swap3A_276 {strides = array<i32>} : memref<16x128xf32, #tpu.memory_space<vmem>>, vector<1x16xf32>,
    %swap3A_277 = arith.constant 5 : i32
    %swap3A_278 = arith.index_cast %swap3A_277 : i32 to index
    %swap3A_279 = arith.constant 96 : index
    %swap3A_280 = tpu.vector_load %arg10[%swap3A_278, %swap3A_279] {strides = array<i32>} : memref<16x128xf32, #tpu.memory_space<vmem>>, vector<1x16xf32>,
    %swap3A_281 = vector.shape_cast %swap3A_280 : vector<1x16xf32> to vector<16xf32>
    %swap3A_282 = vector.shape_cast %broadcast_in_dim3A_1 : vector<16xf32> to vector<1x16xf32>
    tpu.vector_store %arg10[%swap3A_278, %swap3A_279], %swap3A_282 {strides = array<i32>} : memref<16x128xf32, #tpu.memory_space<vmem>>, vector<1x16xf32>,
    %swap3A_283 = arith.constant 5 : i32
    %swap3A_284 = arith.index_cast %swap3A_283 : i32 to index
    %swap3A_285 = arith.constant 112 : index
    %swap3A_286 = tpu.vector_load %arg10[%swap3A_284, %swap3A_285] {strides = array<i32>} : memref<16x128xf32, #tpu.memory_space<vmem>>, vector<1x16xf32>,
    %swap3A_287 = vector.shape_cast %swap3A_286 : vector<1x16xf32> to vector<16xf32>
    %swap3A_288 = vector.shape_cast %broadcast_in_dim3A_1 : vector<16xf32> to vector<1x16xf32>
    tpu.vector_store %arg10[%swap3A_284, %swap3A_285], %swap3A_288 {strides = array<i32>} : memref<16x128xf32, #tpu.memory_space<vmem>>, vector<1x16xf32>,
    %swap3A_289 = arith.constant 6 : i32
    %swap3A_290 = arith.index_cast %swap3A_289 : i32 to index
    %swap3A_291 = arith.constant 0 : index
    %swap3A_292 = tpu.vector_load %arg10[%swap3A_290, %swap3A_291] {strides = array<i32>} : memref<16x128xf32, #tpu.memory_space<vmem>>, vector<1x16xf32>,
    %swap3A_293 = vector.shape_cast %swap3A_292 : vector<1x16xf32> to vector<16xf32>
    %swap3A_294 = vector.shape_cast %broadcast_in_dim3A_1 : vector<16xf32> to vector<1x16xf32>
    tpu.vector_store %arg10[%swap3A_290, %swap3A_291], %swap3A_294 {strides = array<i32>} : memref<16x128xf32, #tpu.memory_space<vmem>>, vector<1x16xf32>,
    %swap3A_295 = arith.constant 6 : i32
    %swap3A_296 = arith.index_cast %swap3A_295 : i32 to index
    %swap3A_297 = arith.constant 16 : index
    %swap3A_298 = tpu.vector_load %arg10[%swap3A_296, %swap3A_297] {strides = array<i32>} : memref<16x128xf32, #tpu.memory_space<vmem>>, vector<1x16xf32>,
    %swap3A_299 = vector.shape_cast %swap3A_298 : vector<1x16xf32> to vector<16xf32>
    %swap3A_300 = vector.shape_cast %broadcast_in_dim3A_1 : vector<16xf32> to vector<1x16xf32>
    tpu.vector_store %arg10[%swap3A_296, %swap3A_297], %swap3A_300 {strides = array<i32>} : memref<16x128xf32, #tpu.memory_space<vmem>>, vector<1x16xf32>,
    %swap3A_301 = arith.constant 6 : i32
    %swap3A_302 = arith.index_cast %swap3A_301 : i32 to index
    %swap3A_303 = arith.constant 32 : index
    %swap3A_304 = tpu.vector_load %arg10[%swap3A_302, %swap3A_303] {strides = array<i32>} : memref<16x128xf32, #tpu.memory_space<vmem>>, vector<1x16xf32>,
    %swap3A_305 = vector.shape_cast %swap3A_304 : vector<1x16xf32> to vector<16xf32>
    %swap3A_306 = vector.shape_cast %broadcast_in_dim3A_1 : vector<16xf32> to vector<1x16xf32>
    tpu.vector_store %arg10[%swap3A_302, %swap3A_303], %swap3A_306 {strides = array<i32>} : memref<16x128xf32, #tpu.memory_space<vmem>>, vector<1x16xf32>,
    %swap3A_307 = arith.constant 6 : i32
    %swap3A_308 = arith.index_cast %swap3A_307 : i32 to index
    %swap3A_309 = arith.constant 48 : index
    %swap3A_310 = tpu.vector_load %arg10[%swap3A_308, %swap3A_309] {strides = array<i32>} : memref<16x128xf32, #tpu.memory_space<vmem>>, vector<1x16xf32>,
    %swap3A_311 = vector.shape_cast %swap3A_310 : vector<1x16xf32> to vector<16xf32>
    %swap3A_312 = vector.shape_cast %broadcast_in_dim3A_1 : vector<16xf32> to vector<1x16xf32>
    tpu.vector_store %arg10[%swap3A_308, %swap3A_309], %swap3A_312 {strides = array<i32>} : memref<16x128xf32, #tpu.memory_space<vmem>>, vector<1x16xf32>,
    %swap3A_313 = arith.constant 6 : i32
    %swap3A_314 = arith.index_cast %swap3A_313 : i32 to index
    %swap3A_315 = arith.constant 64 : index
    %swap3A_316 = tpu.vector_load %arg10[%swap3A_314, %swap3A_315] {strides = array<i32>} : memref<16x128xf32, #tpu.memory_space<vmem>>, vector<1x16xf32>,
    %swap3A_317 = vector.shape_cast %swap3A_316 : vector<1x16xf32> to vector<16xf32>
    %swap3A_318 = vector.shape_cast %broadcast_in_dim3A_1 : vector<16xf32> to vector<1x16xf32>
    tpu.vector_store %arg10[%swap3A_314, %swap3A_315], %swap3A_318 {strides = array<i32>} : memref<16x128xf32, #tpu.memory_space<vmem>>, vector<1x16xf32>,
    %swap3A_319 = arith.constant 6 : i32
    %swap3A_320 = arith.index_cast %swap3A_319 : i32 to index
    %swap3A_321 = arith.constant 80 : index
    %swap3A_322 = tpu.vector_load %arg10[%swap3A_320, %swap3A_321] {strides = array<i32>} : memref<16x128xf32, #tpu.memory_space<vmem>>, vector<1x16xf32>,
    %swap3A_323 = vector.shape_cast %swap3A_322 : vector<1x16xf32> to vector<16xf32>
    %swap3A_324 = vector.shape_cast %broadcast_in_dim3A_1 : vector<16xf32> to vector<1x16xf32>
    tpu.vector_store %arg10[%swap3A_320, %swap3A_321], %swap3A_324 {strides = array<i32>} : memref<16x128xf32, #tpu.memory_space<vmem>>, vector<1x16xf32>,
    %swap3A_325 = arith.constant 6 : i32
    %swap3A_326 = arith.index_cast %swap3A_325 : i32 to index
    %swap3A_327 = arith.constant 96 : index
    %swap3A_328 = tpu.vector_load %arg10[%swap3A_326, %swap3A_327] {strides = array<i32>} : memref<16x128xf32, #tpu.memory_space<vmem>>, vector<1x16xf32>,
    %swap3A_329 = vector.shape_cast %swap3A_328 : vector<1x16xf32> to vector<16xf32>
    %swap3A_330 = vector.shape_cast %broadcast_in_dim3A_1 : vector<16xf32> to vector<1x16xf32>
    tpu.vector_store %arg10[%swap3A_326, %swap3A_327], %swap3A_330 {strides = array<i32>} : memref<16x128xf32, #tpu.memory_space<vmem>>, vector<1x16xf32>,
    %swap3A_331 = arith.constant 6 : i32
    %swap3A_332 = arith.index_cast %swap3A_331 : i32 to index
    %swap3A_333 = arith.constant 112 : index
    %swap3A_334 = tpu.vector_load %arg10[%swap3A_332, %swap3A_333] {strides = array<i32>} : memref<16x128xf32, #tpu.memory_space<vmem>>, vector<1x16xf32>,
    %swap3A_335 = vector.shape_cast %swap3A_334 : vector<1x16xf32> to vector<16xf32>
    %swap3A_336 = vector.shape_cast %broadcast_in_dim3A_1 : vector<16xf32> to vector<1x16xf32>
    tpu.vector_store %arg10[%swap3A_332, %swap3A_333], %swap3A_336 {strides = array<i32>} : memref<16x128xf32, #tpu.memory_space<vmem>>, vector<1x16xf32>,
    %swap3A_337 = arith.constant 7 : i32
    %swap3A_338 = arith.index_cast %swap3A_337 : i32 to index
    %swap3A_339 = arith.constant 0 : index
    %swap3A_340 = tpu.vector_load %arg10[%swap3A_338, %swap3A_339] {strides = array<i32>} : memref<16x128xf32, #tpu.memory_space<vmem>>, vector<1x16xf32>,
    %swap3A_341 = vector.shape_cast %swap3A_340 : vector<1x16xf32> to vector<16xf32>
    %swap3A_342 = vector.shape_cast %broadcast_in_dim3A_1 : vector<16xf32> to vector<1x16xf32>
    tpu.vector_store %arg10[%swap3A_338, %swap3A_339], %swap3A_342 {strides = array<i32>} : memref<16x128xf32, #tpu.memory_space<vmem>>, vector<1x16xf32>,
    %swap3A_343 = arith.constant 7 : i32
    %swap3A_344 = arith.index_cast %swap3A_343 : i32 to index
    %swap3A_345 = arith.constant 16 : index
    %swap3A_346 = tpu.vector_load %arg10[%swap3A_344, %swap3A_345] {strides = array<i32>} : memref<16x128xf32, #tpu.memory_space<vmem>>, vector<1x16xf32>,
    %swap3A_347 = vector.shape_cast %swap3A_346 : vector<1x16xf32> to vector<16xf32>
    %swap3A_348 = vector.shape_cast %broadcast_in_dim3A_1 : vector<16xf32> to vector<1x16xf32>
    tpu.vector_store %arg10[%swap3A_344, %swap3A_345], %swap3A_348 {strides = array<i32>} : memref<16x128xf32, #tpu.memory_space<vmem>>, vector<1x16xf32>,
    %swap3A_349 = arith.constant 7 : i32
    %swap3A_350 = arith.index_cast %swap3A_349 : i32 to index
    %swap3A_351 = arith.constant 32 : index
    %swap3A_352 = tpu.vector_load %arg10[%swap3A_350, %swap3A_351] {strides = array<i32>} : memref<16x128xf32, #tpu.memory_space<vmem>>, vector<1x16xf32>,
    %swap3A_353 = vector.shape_cast %swap3A_352 : vector<1x16xf32> to vector<16xf32>
    %swap3A_354 = vector.shape_cast %broadcast_in_dim3A_1 : vector<16xf32> to vector<1x16xf32>
    tpu.vector_store %arg10[%swap3A_350, %swap3A_351], %swap3A_354 {strides = array<i32>} : memref<16x128xf32, #tpu.memory_space<vmem>>, vector<1x16xf32>,
    %swap3A_355 = arith.constant 7 : i32
    %swap3A_356 = arith.index_cast %swap3A_355 : i32 to index
    %swap3A_357 = arith.constant 48 : index
    %swap3A_358 = tpu.vector_load %arg10[%swap3A_356, %swap3A_357] {strides = array<i32>} : memref<16x128xf32, #tpu.memory_space<vmem>>, vector<1x16xf32>,
    %swap3A_359 = vector.shape_cast %swap3A_358 : vector<1x16xf32> to vector<16xf32>
    %swap3A_360 = vector.shape_cast %broadcast_in_dim3A_1 : vector<16xf32> to vector<1x16xf32>
    tpu.vector_store %arg10[%swap3A_356, %swap3A_357], %swap3A_360 {strides = array<i32>} : memref<16x128xf32, #tpu.memory_space<vmem>>, vector<1x16xf32>,
    %swap3A_361 = arith.constant 7 : i32
    %swap3A_362 = arith.index_cast %swap3A_361 : i32 to index
    %swap3A_363 = arith.constant 64 : index
    %swap3A_364 = tpu.vector_load %arg10[%swap3A_362, %swap3A_363] {strides = array<i32>} : memref<16x128xf32, #tpu.memory_space<vmem>>, vector<1x16xf32>,
    %swap3A_365 = vector.shape_cast %swap3A_364 : vector<1x16xf32> to vector<16xf32>
    %swap3A_366 = vector.shape_cast %broadcast_in_dim3A_1 : vector<16xf32> to vector<1x16xf32>
    tpu.vector_store %arg10[%swap3A_362, %swap3A_363], %swap3A_366 {strides = array<i32>} : memref<16x128xf32, #tpu.memory_space<vmem>>, vector<1x16xf32>,
    %swap3A_367 = arith.constant 7 : i32
    %swap3A_368 = arith.index_cast %swap3A_367 : i32 to index
    %swap3A_369 = arith.constant 80 : index
    %swap3A_370 = tpu.vector_load %arg10[%swap3A_368, %swap3A_369] {strides = array<i32>} : memref<16x128xf32, #tpu.memory_space<vmem>>, vector<1x16xf32>,
    %swap3A_371 = vector.shape_cast %swap3A_370 : vector<1x16xf32> to vector<16xf32>
    %swap3A_372 = vector.shape_cast %broadcast_in_dim3A_1 : vector<16xf32> to vector<1x16xf32>
    tpu.vector_store %arg10[%swap3A_368, %swap3A_369], %swap3A_372 {strides = array<i32>} : memref<16x128xf32, #tpu.memory_space<vmem>>, vector<1x16xf32>,
    %swap3A_373 = arith.constant 7 : i32
    %swap3A_374 = arith.index_cast %swap3A_373 : i32 to index
    %swap3A_375 = arith.constant 96 : index
    %swap3A_376 = tpu.vector_load %arg10[%swap3A_374, %swap3A_375] {strides = array<i32>} : memref<16x128xf32, #tpu.memory_space<vmem>>, vector<1x16xf32>,
    %swap3A_377 = vector.shape_cast %swap3A_376 : vector<1x16xf32> to vector<16xf32>
    %swap3A_378 = vector.shape_cast %broadcast_in_dim3A_1 : vector<16xf32> to vector<1x16xf32>
    tpu.vector_store %arg10[%swap3A_374, %swap3A_375], %swap3A_378 {strides = array<i32>} : memref<16x128xf32, #tpu.memory_space<vmem>>, vector<1x16xf32>,
    %swap3A_379 = arith.constant 7 : i32
    %swap3A_380 = arith.index_cast %swap3A_379 : i32 to index
    %swap3A_381 = arith.constant 112 : index
    %swap3A_382 = tpu.vector_load %arg10[%swap3A_380, %swap3A_381] {strides = array<i32>} : memref<16x128xf32, #tpu.memory_space<vmem>>, vector<1x16xf32>,
    %swap3A_383 = vector.shape_cast %swap3A_382 : vector<1x16xf32> to vector<16xf32>
    %swap3A_384 = vector.shape_cast %broadcast_in_dim3A_1 : vector<16xf32> to vector<1x16xf32>
    tpu.vector_store %arg10[%swap3A_380, %swap3A_381], %swap3A_384 {strides = array<i32>} : memref<16x128xf32, #tpu.memory_space<vmem>>, vector<1x16xf32>,
    %swap3A_385 = arith.constant 8 : i32
    %swap3A_386 = arith.index_cast %swap3A_385 : i32 to index
    %swap3A_387 = arith.constant 0 : index
    %swap3A_388 = tpu.vector_load %arg10[%swap3A_386, %swap3A_387] {strides = array<i32>} : memref<16x128xf32, #tpu.memory_space<vmem>>, vector<1x16xf32>,
    %swap3A_389 = vector.shape_cast %swap3A_388 : vector<1x16xf32> to vector<16xf32>
    %swap3A_390 = vector.shape_cast %broadcast_in_dim3A_1 : vector<16xf32> to vector<1x16xf32>
    tpu.vector_store %arg10[%swap3A_386, %swap3A_387], %swap3A_390 {strides = array<i32>} : memref<16x128xf32, #tpu.memory_space<vmem>>, vector<1x16xf32>,
    %swap3A_391 = arith.constant 8 : i32
    %swap3A_392 = arith.index_cast %swap3A_391 : i32 to index
    %swap3A_393 = arith.constant 16 : index
    %swap3A_394 = tpu.vector_load %arg10[%swap3A_392, %swap3A_393] {strides = array<i32>} : memref<16x128xf32, #tpu.memory_space<vmem>>, vector<1x16xf32>,
    %swap3A_395 = vector.shape_cast %swap3A_394 : vector<1x16xf32> to vector<16xf32>
    %swap3A_396 = vector.shape_cast %broadcast_in_dim3A_1 : vector<16xf32> to vector<1x16xf32>
    tpu.vector_store %arg10[%swap3A_392, %swap3A_393], %swap3A_396 {strides = array<i32>} : memref<16x128xf32, #tpu.memory_space<vmem>>, vector<1x16xf32>,
    %swap3A_397 = arith.constant 8 : i32
    %swap3A_398 = arith.index_cast %swap3A_397 : i32 to index
    %swap3A_399 = arith.constant 32 : index
    %swap3A_400 = tpu.vector_load %arg10[%swap3A_398, %swap3A_399] {strides = array<i32>} : memref<16x128xf32, #tpu.memory_space<vmem>>, vector<1x16xf32>,
    %swap3A_401 = vector.shape_cast %swap3A_400 : vector<1x16xf32> to vector<16xf32>
    %swap3A_402 = vector.shape_cast %broadcast_in_dim3A_1 : vector<16xf32> to vector<1x16xf32>
    tpu.vector_store %arg10[%swap3A_398, %swap3A_399], %swap3A_402 {strides = array<i32>} : memref<16x128xf32, #tpu.memory_space<vmem>>, vector<1x16xf32>,
    %swap3A_403 = arith.constant 8 : i32
    %swap3A_404 = arith.index_cast %swap3A_403 : i32 to index
    %swap3A_405 = arith.constant 48 : index
    %swap3A_406 = tpu.vector_load %arg10[%swap3A_404, %swap3A_405] {strides = array<i32>} : memref<16x128xf32, #tpu.memory_space<vmem>>, vector<1x16xf32>,
    %swap3A_407 = vector.shape_cast %swap3A_406 : vector<1x16xf32> to vector<16xf32>
    %swap3A_408 = vector.shape_cast %broadcast_in_dim3A_1 : vector<16xf32> to vector<1x16xf32>
    tpu.vector_store %arg10[%swap3A_404, %swap3A_405], %swap3A_408 {strides = array<i32>} : memref<16x128xf32, #tpu.memory_space<vmem>>, vector<1x16xf32>,
    %swap3A_409 = arith.constant 8 : i32
    %swap3A_410 = arith.index_cast %swap3A_409 : i32 to index
    %swap3A_411 = arith.constant 64 : index
    %swap3A_412 = tpu.vector_load %arg10[%swap3A_410, %swap3A_411] {strides = array<i32>} : memref<16x128xf32, #tpu.memory_space<vmem>>, vector<1x16xf32>,
    %swap3A_413 = vector.shape_cast %swap3A_412 : vector<1x16xf32> to vector<16xf32>
    %swap3A_414 = vector.shape_cast %broadcast_in_dim3A_1 : vector<16xf32> to vector<1x16xf32>
    tpu.vector_store %arg10[%swap3A_410, %swap3A_411], %swap3A_414 {strides = array<i32>} : memref<16x128xf32, #tpu.memory_space<vmem>>, vector<1x16xf32>,
    %swap3A_415 = arith.constant 8 : i32
    %swap3A_416 = arith.index_cast %swap3A_415 : i32 to index
    %swap3A_417 = arith.constant 80 : index
    %swap3A_418 = tpu.vector_load %arg10[%swap3A_416, %swap3A_417] {strides = array<i32>} : memref<16x128xf32, #tpu.memory_space<vmem>>, vector<1x16xf32>,
    %swap3A_419 = vector.shape_cast %swap3A_418 : vector<1x16xf32> to vector<16xf32>
    %swap3A_420 = vector.shape_cast %broadcast_in_dim3A_1 : vector<16xf32> to vector<1x16xf32>
    tpu.vector_store %arg10[%swap3A_416, %swap3A_417], %swap3A_420 {strides = array<i32>} : memref<16x128xf32, #tpu.memory_space<vmem>>, vector<1x16xf32>,
    %swap3A_421 = arith.constant 8 : i32
    %swap3A_422 = arith.index_cast %swap3A_421 : i32 to index
    %swap3A_423 = arith.constant 96 : index
    %swap3A_424 = tpu.vector_load %arg10[%swap3A_422, %swap3A_423] {strides = array<i32>} : memref<16x128xf32, #tpu.memory_space<vmem>>, vector<1x16xf32>,
    %swap3A_425 = vector.shape_cast %swap3A_424 : vector<1x16xf32> to vector<16xf32>
    %swap3A_426 = vector.shape_cast %broadcast_in_dim3A_1 : vector<16xf32> to vector<1x16xf32>
    tpu.vector_store %arg10[%swap3A_422, %swap3A_423], %swap3A_426 {strides = array<i32>} : memref<16x128xf32, #tpu.memory_space<vmem>>, vector<1x16xf32>,
    %swap3A_427 = arith.constant 8 : i32
    %swap3A_428 = arith.index_cast %swap3A_427 : i32 to index
    %swap3A_429 = arith.constant 112 : index
    %swap3A_430 = tpu.vector_load %arg10[%swap3A_428, %swap3A_429] {strides = array<i32>} : memref<16x128xf32, #tpu.memory_space<vmem>>, vector<1x16xf32>,
    %swap3A_431 = vector.shape_cast %swap3A_430 : vector<1x16xf32> to vector<16xf32>
    %swap3A_432 = vector.shape_cast %broadcast_in_dim3A_1 : vector<16xf32> to vector<1x16xf32>
    tpu.vector_store %arg10[%swap3A_428, %swap3A_429], %swap3A_432 {strides = array<i32>} : memref<16x128xf32, #tpu.memory_space<vmem>>, vector<1x16xf32>,
    %swap3A_433 = arith.constant 9 : i32
    %swap3A_434 = arith.index_cast %swap3A_433 : i32 to index
    %swap3A_435 = arith.constant 0 : index
    %swap3A_436 = tpu.vector_load %arg10[%swap3A_434, %swap3A_435] {strides = array<i32>} : memref<16x128xf32, #tpu.memory_space<vmem>>, vector<1x16xf32>,
    %swap3A_437 = vector.shape_cast %swap3A_436 : vector<1x16xf32> to vector<16xf32>
    %swap3A_438 = vector.shape_cast %broadcast_in_dim3A_1 : vector<16xf32> to vector<1x16xf32>
    tpu.vector_store %arg10[%swap3A_434, %swap3A_435], %swap3A_438 {strides = array<i32>} : memref<16x128xf32, #tpu.memory_space<vmem>>, vector<1x16xf32>,
    %swap3A_439 = arith.constant 9 : i32
    %swap3A_440 = arith.index_cast %swap3A_439 : i32 to index
    %swap3A_441 = arith.constant 16 : index
    %swap3A_442 = tpu.vector_load %arg10[%swap3A_440, %swap3A_441] {strides = array<i32>} : memref<16x128xf32, #tpu.memory_space<vmem>>, vector<1x16xf32>,
    %swap3A_443 = vector.shape_cast %swap3A_442 : vector<1x16xf32> to vector<16xf32>
    %swap3A_444 = vector.shape_cast %broadcast_in_dim3A_1 : vector<16xf32> to vector<1x16xf32>
    tpu.vector_store %arg10[%swap3A_440, %swap3A_441], %swap3A_444 {strides = array<i32>} : memref<16x128xf32, #tpu.memory_space<vmem>>, vector<1x16xf32>,
    %swap3A_445 = arith.constant 9 : i32
    %swap3A_446 = arith.index_cast %swap3A_445 : i32 to index
    %swap3A_447 = arith.constant 32 : index
    %swap3A_448 = tpu.vector_load %arg10[%swap3A_446, %swap3A_447] {strides = array<i32>} : memref<16x128xf32, #tpu.memory_space<vmem>>, vector<1x16xf32>,
    %swap3A_449 = vector.shape_cast %swap3A_448 : vector<1x16xf32> to vector<16xf32>
    %swap3A_450 = vector.shape_cast %broadcast_in_dim3A_1 : vector<16xf32> to vector<1x16xf32>
    tpu.vector_store %arg10[%swap3A_446, %swap3A_447], %swap3A_450 {strides = array<i32>} : memref<16x128xf32, #tpu.memory_space<vmem>>, vector<1x16xf32>,
    %swap3A_451 = arith.constant 9 : i32
    %swap3A_452 = arith.index_cast %swap3A_451 : i32 to index
    %swap3A_453 = arith.constant 48 : index
    %swap3A_454 = tpu.vector_load %arg10[%swap3A_452, %swap3A_453] {strides = array<i32>} : memref<16x128xf32, #tpu.memory_space<vmem>>, vector<1x16xf32>,
    %swap3A_455 = vector.shape_cast %swap3A_454 : vector<1x16xf32> to vector<16xf32>
    %swap3A_456 = vector.shape_cast %broadcast_in_dim3A_1 : vector<16xf32> to vector<1x16xf32>
    tpu.vector_store %arg10[%swap3A_452, %swap3A_453], %swap3A_456 {strides = array<i32>} : memref<16x128xf32, #tpu.memory_space<vmem>>, vector<1x16xf32>,
    %swap3A_457 = arith.constant 9 : i32
    %swap3A_458 = arith.index_cast %swap3A_457 : i32 to index
    %swap3A_459 = arith.constant 64 : index
    %swap3A_460 = tpu.vector_load %arg10[%swap3A_458, %swap3A_459] {strides = array<i32>} : memref<16x128xf32, #tpu.memory_space<vmem>>, vector<1x16xf32>,
    %swap3A_461 = vector.shape_cast %swap3A_460 : vector<1x16xf32> to vector<16xf32>
    %swap3A_462 = vector.shape_cast %broadcast_in_dim3A_1 : vector<16xf32> to vector<1x16xf32>
    tpu.vector_store %arg10[%swap3A_458, %swap3A_459], %swap3A_462 {strides = array<i32>} : memref<16x128xf32, #tpu.memory_space<vmem>>, vector<1x16xf32>,
    %swap3A_463 = arith.constant 9 : i32
    %swap3A_464 = arith.index_cast %swap3A_463 : i32 to index
    %swap3A_465 = arith.constant 80 : index
    %swap3A_466 = tpu.vector_load %arg10[%swap3A_464, %swap3A_465] {strides = array<i32>} : memref<16x128xf32, #tpu.memory_space<vmem>>, vector<1x16xf32>,
    %swap3A_467 = vector.shape_cast %swap3A_466 : vector<1x16xf32> to vector<16xf32>
    %swap3A_468 = vector.shape_cast %broadcast_in_dim3A_1 : vector<16xf32> to vector<1x16xf32>
    tpu.vector_store %arg10[%swap3A_464, %swap3A_465], %swap3A_468 {strides = array<i32>} : memref<16x128xf32, #tpu.memory_space<vmem>>, vector<1x16xf32>,
    %swap3A_469 = arith.constant 9 : i32
    %swap3A_470 = arith.index_cast %swap3A_469 : i32 to index
    %swap3A_471 = arith.constant 96 : index
    %swap3A_472 = tpu.vector_load %arg10[%swap3A_470, %swap3A_471] {strides = array<i32>} : memref<16x128xf32, #tpu.memory_space<vmem>>, vector<1x16xf32>,
    %swap3A_473 = vector.shape_cast %swap3A_472 : vector<1x16xf32> to vector<16xf32>
    %swap3A_474 = vector.shape_cast %broadcast_in_dim3A_1 : vector<16xf32> to vector<1x16xf32>
    tpu.vector_store %arg10[%swap3A_470, %swap3A_471], %swap3A_474 {strides = array<i32>} : memref<16x128xf32, #tpu.memory_space<vmem>>, vector<1x16xf32>,
    %swap3A_475 = arith.constant 9 : i32
    %swap3A_476 = arith.index_cast %swap3A_475 : i32 to index
    %swap3A_477 = arith.constant 112 : index
    %swap3A_478 = tpu.vector_load %arg10[%swap3A_476, %swap3A_477] {strides = array<i32>} : memref<16x128xf32, #tpu.memory_space<vmem>>, vector<1x16xf32>,
    %swap3A_479 = vector.shape_cast %swap3A_478 : vector<1x16xf32> to vector<16xf32>
    %swap3A_480 = vector.shape_cast %broadcast_in_dim3A_1 : vector<16xf32> to vector<1x16xf32>
    tpu.vector_store %arg10[%swap3A_476, %swap3A_477], %swap3A_480 {strides = array<i32>} : memref<16x128xf32, #tpu.memory_space<vmem>>, vector<1x16xf32>,
    %swap3A_481 = arith.constant 10 : i32
    %swap3A_482 = arith.index_cast %swap3A_481 : i32 to index
    %swap3A_483 = arith.constant 0 : index
    %swap3A_484 = tpu.vector_load %arg10[%swap3A_482, %swap3A_483] {strides = array<i32>} : memref<16x128xf32, #tpu.memory_space<vmem>>, vector<1x16xf32>,
    %swap3A_485 = vector.shape_cast %swap3A_484 : vector<1x16xf32> to vector<16xf32>
    %swap3A_486 = vector.shape_cast %broadcast_in_dim3A_1 : vector<16xf32> to vector<1x16xf32>
    tpu.vector_store %arg10[%swap3A_482, %swap3A_483], %swap3A_486 {strides = array<i32>} : memref<16x128xf32, #tpu.memory_space<vmem>>, vector<1x16xf32>,
    %swap3A_487 = arith.constant 10 : i32
    %swap3A_488 = arith.index_cast %swap3A_487 : i32 to index
    %swap3A_489 = arith.constant 16 : index
    %swap3A_490 = tpu.vector_load %arg10[%swap3A_488, %swap3A_489] {strides = array<i32>} : memref<16x128xf32, #tpu.memory_space<vmem>>, vector<1x16xf32>,
    %swap3A_491 = vector.shape_cast %swap3A_490 : vector<1x16xf32> to vector<16xf32>
    %swap3A_492 = vector.shape_cast %broadcast_in_dim3A_1 : vector<16xf32> to vector<1x16xf32>
    tpu.vector_store %arg10[%swap3A_488, %swap3A_489], %swap3A_492 {strides = array<i32>} : memref<16x128xf32, #tpu.memory_space<vmem>>, vector<1x16xf32>,
    %swap3A_493 = arith.constant 10 : i32
    %swap3A_494 = arith.index_cast %swap3A_493 : i32 to index
    %swap3A_495 = arith.constant 32 : index
    %swap3A_496 = tpu.vector_load %arg10[%swap3A_494, %swap3A_495] {strides = array<i32>} : memref<16x128xf32, #tpu.memory_space<vmem>>, vector<1x16xf32>,
    %swap3A_497 = vector.shape_cast %swap3A_496 : vector<1x16xf32> to vector<16xf32>
    %swap3A_498 = vector.shape_cast %broadcast_in_dim3A_1 : vector<16xf32> to vector<1x16xf32>
    tpu.vector_store %arg10[%swap3A_494, %swap3A_495], %swap3A_498 {strides = array<i32>} : memref<16x128xf32, #tpu.memory_space<vmem>>, vector<1x16xf32>,
    %swap3A_499 = arith.constant 10 : i32
    %swap3A_500 = arith.index_cast %swap3A_499 : i32 to index
    %swap3A_501 = arith.constant 48 : index
    %swap3A_502 = tpu.vector_load %arg10[%swap3A_500, %swap3A_501] {strides = array<i32>} : memref<16x128xf32, #tpu.memory_space<vmem>>, vector<1x16xf32>,
    %swap3A_503 = vector.shape_cast %swap3A_502 : vector<1x16xf32> to vector<16xf32>
    %swap3A_504 = vector.shape_cast %broadcast_in_dim3A_1 : vector<16xf32> to vector<1x16xf32>
    tpu.vector_store %arg10[%swap3A_500, %swap3A_501], %swap3A_504 {strides = array<i32>} : memref<16x128xf32, #tpu.memory_space<vmem>>, vector<1x16xf32>,
    %swap3A_505 = arith.constant 10 : i32
    %swap3A_506 = arith.index_cast %swap3A_505 : i32 to index
    %swap3A_507 = arith.constant 64 : index
    %swap3A_508 = tpu.vector_load %arg10[%swap3A_506, %swap3A_507] {strides = array<i32>} : memref<16x128xf32, #tpu.memory_space<vmem>>, vector<1x16xf32>,
    %swap3A_509 = vector.shape_cast %swap3A_508 : vector<1x16xf32> to vector<16xf32>
    %swap3A_510 = vector.shape_cast %broadcast_in_dim3A_1 : vector<16xf32> to vector<1x16xf32>
    tpu.vector_store %arg10[%swap3A_506, %swap3A_507], %swap3A_510 {strides = array<i32>} : memref<16x128xf32, #tpu.memory_space<vmem>>, vector<1x16xf32>,
    %swap3A_511 = arith.constant 10 : i32
    %swap3A_512 = arith.index_cast %swap3A_511 : i32 to index
    %swap3A_513 = arith.constant 80 : index
    %swap3A_514 = tpu.vector_load %arg10[%swap3A_512, %swap3A_513] {strides = array<i32>} : memref<16x128xf32, #tpu.memory_space<vmem>>, vector<1x16xf32>,
    %swap3A_515 = vector.shape_cast %swap3A_514 : vector<1x16xf32> to vector<16xf32>
    %swap3A_516 = vector.shape_cast %broadcast_in_dim3A_1 : vector<16xf32> to vector<1x16xf32>
    tpu.vector_store %arg10[%swap3A_512, %swap3A_513], %swap3A_516 {strides = array<i32>} : memref<16x128xf32, #tpu.memory_space<vmem>>, vector<1x16xf32>,
    %swap3A_517 = arith.constant 10 : i32
    %swap3A_518 = arith.index_cast %swap3A_517 : i32 to index
    %swap3A_519 = arith.constant 96 : index
    %swap3A_520 = tpu.vector_load %arg10[%swap3A_518, %swap3A_519] {strides = array<i32>} : memref<16x128xf32, #tpu.memory_space<vmem>>, vector<1x16xf32>,
    %swap3A_521 = vector.shape_cast %swap3A_520 : vector<1x16xf32> to vector<16xf32>
    %swap3A_522 = vector.shape_cast %broadcast_in_dim3A_1 : vector<16xf32> to vector<1x16xf32>
    tpu.vector_store %arg10[%swap3A_518, %swap3A_519], %swap3A_522 {strides = array<i32>} : memref<16x128xf32, #tpu.memory_space<vmem>>, vector<1x16xf32>,
    %swap3A_523 = arith.constant 10 : i32
    %swap3A_524 = arith.index_cast %swap3A_523 : i32 to index
    %swap3A_525 = arith.constant 112 : index
    %swap3A_526 = tpu.vector_load %arg10[%swap3A_524, %swap3A_525] {strides = array<i32>} : memref<16x128xf32, #tpu.memory_space<vmem>>, vector<1x16xf32>,
    %swap3A_527 = vector.shape_cast %swap3A_526 : vector<1x16xf32> to vector<16xf32>
    %swap3A_528 = vector.shape_cast %broadcast_in_dim3A_1 : vector<16xf32> to vector<1x16xf32>
    tpu.vector_store %arg10[%swap3A_524, %swap3A_525], %swap3A_528 {strides = array<i32>} : memref<16x128xf32, #tpu.memory_space<vmem>>, vector<1x16xf32>,
    %swap3A_529 = arith.constant 11 : i32
    %swap3A_530 = arith.index_cast %swap3A_529 : i32 to index
    %swap3A_531 = arith.constant 0 : index
    %swap3A_532 = tpu.vector_load %arg10[%swap3A_530, %swap3A_531] {strides = array<i32>} : memref<16x128xf32, #tpu.memory_space<vmem>>, vector<1x16xf32>,
    %swap3A_533 = vector.shape_cast %swap3A_532 : vector<1x16xf32> to vector<16xf32>
    %swap3A_534 = vector.shape_cast %broadcast_in_dim3A_1 : vector<16xf32> to vector<1x16xf32>
    tpu.vector_store %arg10[%swap3A_530, %swap3A_531], %swap3A_534 {strides = array<i32>} : memref<16x128xf32, #tpu.memory_space<vmem>>, vector<1x16xf32>,
    %swap3A_535 = arith.constant 11 : i32
    %swap3A_536 = arith.index_cast %swap3A_535 : i32 to index
    %swap3A_537 = arith.constant 16 : index
    %swap3A_538 = tpu.vector_load %arg10[%swap3A_536, %swap3A_537] {strides = array<i32>} : memref<16x128xf32, #tpu.memory_space<vmem>>, vector<1x16xf32>,
    %swap3A_539 = vector.shape_cast %swap3A_538 : vector<1x16xf32> to vector<16xf32>
    %swap3A_540 = vector.shape_cast %broadcast_in_dim3A_1 : vector<16xf32> to vector<1x16xf32>
    tpu.vector_store %arg10[%swap3A_536, %swap3A_537], %swap3A_540 {strides = array<i32>} : memref<16x128xf32, #tpu.memory_space<vmem>>, vector<1x16xf32>,
    %swap3A_541 = arith.constant 11 : i32
    %swap3A_542 = arith.index_cast %swap3A_541 : i32 to index
    %swap3A_543 = arith.constant 32 : index
    %swap3A_544 = tpu.vector_load %arg10[%swap3A_542, %swap3A_543] {strides = array<i32>} : memref<16x128xf32, #tpu.memory_space<vmem>>, vector<1x16xf32>,
    %swap3A_545 = vector.shape_cast %swap3A_544 : vector<1x16xf32> to vector<16xf32>
    %swap3A_546 = vector.shape_cast %broadcast_in_dim3A_1 : vector<16xf32> to vector<1x16xf32>
    tpu.vector_store %arg10[%swap3A_542, %swap3A_543], %swap3A_546 {strides = array<i32>} : memref<16x128xf32, #tpu.memory_space<vmem>>, vector<1x16xf32>,
    %swap3A_547 = arith.constant 11 : i32
    %swap3A_548 = arith.index_cast %swap3A_547 : i32 to index
    %swap3A_549 = arith.constant 48 : index
    %swap3A_550 = tpu.vector_load %arg10[%swap3A_548, %swap3A_549] {strides = array<i32>} : memref<16x128xf32, #tpu.memory_space<vmem>>, vector<1x16xf32>,
    %swap3A_551 = vector.shape_cast %swap3A_550 : vector<1x16xf32> to vector<16xf32>
    %swap3A_552 = vector.shape_cast %broadcast_in_dim3A_1 : vector<16xf32> to vector<1x16xf32>
    tpu.vector_store %arg10[%swap3A_548, %swap3A_549], %swap3A_552 {strides = array<i32>} : memref<16x128xf32, #tpu.memory_space<vmem>>, vector<1x16xf32>,
    %swap3A_553 = arith.constant 11 : i32
    %swap3A_554 = arith.index_cast %swap3A_553 : i32 to index
    %swap3A_555 = arith.constant 64 : index
    %swap3A_556 = tpu.vector_load %arg10[%swap3A_554, %swap3A_555] {strides = array<i32>} : memref<16x128xf32, #tpu.memory_space<vmem>>, vector<1x16xf32>,
    %swap3A_557 = vector.shape_cast %swap3A_556 : vector<1x16xf32> to vector<16xf32>
    %swap3A_558 = vector.shape_cast %broadcast_in_dim3A_1 : vector<16xf32> to vector<1x16xf32>
    tpu.vector_store %arg10[%swap3A_554, %swap3A_555], %swap3A_558 {strides = array<i32>} : memref<16x128xf32, #tpu.memory_space<vmem>>, vector<1x16xf32>,
    %swap3A_559 = arith.constant 11 : i32
    %swap3A_560 = arith.index_cast %swap3A_559 : i32 to index
    %swap3A_561 = arith.constant 80 : index
    %swap3A_562 = tpu.vector_load %arg10[%swap3A_560, %swap3A_561] {strides = array<i32>} : memref<16x128xf32, #tpu.memory_space<vmem>>, vector<1x16xf32>,
    %swap3A_563 = vector.shape_cast %swap3A_562 : vector<1x16xf32> to vector<16xf32>
    %swap3A_564 = vector.shape_cast %broadcast_in_dim3A_1 : vector<16xf32> to vector<1x16xf32>
    tpu.vector_store %arg10[%swap3A_560, %swap3A_561], %swap3A_564 {strides = array<i32>} : memref<16x128xf32, #tpu.memory_space<vmem>>, vector<1x16xf32>,
    %swap3A_565 = arith.constant 11 : i32
    %swap3A_566 = arith.index_cast %swap3A_565 : i32 to index
    %swap3A_567 = arith.constant 96 : index
    %swap3A_568 = tpu.vector_load %arg10[%swap3A_566, %swap3A_567] {strides = array<i32>} : memref<16x128xf32, #tpu.memory_space<vmem>>, vector<1x16xf32>,
    %swap3A_569 = vector.shape_cast %swap3A_568 : vector<1x16xf32> to vector<16xf32>
    %swap3A_570 = vector.shape_cast %broadcast_in_dim3A_1 : vector<16xf32> to vector<1x16xf32>
    tpu.vector_store %arg10[%swap3A_566, %swap3A_567], %swap3A_570 {strides = array<i32>} : memref<16x128xf32, #tpu.memory_space<vmem>>, vector<1x16xf32>,
    %swap3A_571 = arith.constant 11 : i32
    %swap3A_572 = arith.index_cast %swap3A_571 : i32 to index
    %swap3A_573 = arith.constant 112 : index
    %swap3A_574 = tpu.vector_load %arg10[%swap3A_572, %swap3A_573] {strides = array<i32>} : memref<16x128xf32, #tpu.memory_space<vmem>>, vector<1x16xf32>,
    %swap3A_575 = vector.shape_cast %swap3A_574 : vector<1x16xf32> to vector<16xf32>
    %swap3A_576 = vector.shape_cast %broadcast_in_dim3A_1 : vector<16xf32> to vector<1x16xf32>
    tpu.vector_store %arg10[%swap3A_572, %swap3A_573], %swap3A_576 {strides = array<i32>} : memref<16x128xf32, #tpu.memory_space<vmem>>, vector<1x16xf32>,
    %swap3A_577 = arith.constant 12 : i32
    %swap3A_578 = arith.index_cast %swap3A_577 : i32 to index
    %swap3A_579 = arith.constant 0 : index
    %swap3A_580 = tpu.vector_load %arg10[%swap3A_578, %swap3A_579] {strides = array<i32>} : memref<16x128xf32, #tpu.memory_space<vmem>>, vector<1x16xf32>,
    %swap3A_581 = vector.shape_cast %swap3A_580 : vector<1x16xf32> to vector<16xf32>
    %swap3A_582 = vector.shape_cast %broadcast_in_dim3A_1 : vector<16xf32> to vector<1x16xf32>
    tpu.vector_store %arg10[%swap3A_578, %swap3A_579], %swap3A_582 {strides = array<i32>} : memref<16x128xf32, #tpu.memory_space<vmem>>, vector<1x16xf32>,
    %swap3A_583 = arith.constant 12 : i32
    %swap3A_584 = arith.index_cast %swap3A_583 : i32 to index
    %swap3A_585 = arith.constant 16 : index
    %swap3A_586 = tpu.vector_load %arg10[%swap3A_584, %swap3A_585] {strides = array<i32>} : memref<16x128xf32, #tpu.memory_space<vmem>>, vector<1x16xf32>,
    %swap3A_587 = vector.shape_cast %swap3A_586 : vector<1x16xf32> to vector<16xf32>
    %swap3A_588 = vector.shape_cast %broadcast_in_dim3A_1 : vector<16xf32> to vector<1x16xf32>
    tpu.vector_store %arg10[%swap3A_584, %swap3A_585], %swap3A_588 {strides = array<i32>} : memref<16x128xf32, #tpu.memory_space<vmem>>, vector<1x16xf32>,
    %swap3A_589 = arith.constant 12 : i32
    %swap3A_590 = arith.index_cast %swap3A_589 : i32 to index
    %swap3A_591 = arith.constant 32 : index
    %swap3A_592 = tpu.vector_load %arg10[%swap3A_590, %swap3A_591] {strides = array<i32>} : memref<16x128xf32, #tpu.memory_space<vmem>>, vector<1x16xf32>,
    %swap3A_593 = vector.shape_cast %swap3A_592 : vector<1x16xf32> to vector<16xf32>
    %swap3A_594 = vector.shape_cast %broadcast_in_dim3A_1 : vector<16xf32> to vector<1x16xf32>
    tpu.vector_store %arg10[%swap3A_590, %swap3A_591], %swap3A_594 {strides = array<i32>} : memref<16x128xf32, #tpu.memory_space<vmem>>, vector<1x16xf32>,
    %swap3A_595 = arith.constant 12 : i32
    %swap3A_596 = arith.index_cast %swap3A_595 : i32 to index
    %swap3A_597 = arith.constant 48 : index
    %swap3A_598 = tpu.vector_load %arg10[%swap3A_596, %swap3A_597] {strides = array<i32>} : memref<16x128xf32, #tpu.memory_space<vmem>>, vector<1x16xf32>,
    %swap3A_599 = vector.shape_cast %swap3A_598 : vector<1x16xf32> to vector<16xf32>
    %swap3A_600 = vector.shape_cast %broadcast_in_dim3A_1 : vector<16xf32> to vector<1x16xf32>
    tpu.vector_store %arg10[%swap3A_596, %swap3A_597], %swap3A_600 {strides = array<i32>} : memref<16x128xf32, #tpu.memory_space<vmem>>, vector<1x16xf32>,
    %swap3A_601 = arith.constant 12 : i32
    %swap3A_602 = arith.index_cast %swap3A_601 : i32 to index
    %swap3A_603 = arith.constant 64 : index
    %swap3A_604 = tpu.vector_load %arg10[%swap3A_602, %swap3A_603] {strides = array<i32>} : memref<16x128xf32, #tpu.memory_space<vmem>>, vector<1x16xf32>,
    %swap3A_605 = vector.shape_cast %swap3A_604 : vector<1x16xf32> to vector<16xf32>
    %swap3A_606 = vector.shape_cast %broadcast_in_dim3A_1 : vector<16xf32> to vector<1x16xf32>
    tpu.vector_store %arg10[%swap3A_602, %swap3A_603], %swap3A_606 {strides = array<i32>} : memref<16x128xf32, #tpu.memory_space<vmem>>, vector<1x16xf32>,
    %swap3A_607 = arith.constant 12 : i32
    %swap3A_608 = arith.index_cast %swap3A_607 : i32 to index
    %swap3A_609 = arith.constant 80 : index
    %swap3A_610 = tpu.vector_load %arg10[%swap3A_608, %swap3A_609] {strides = array<i32>} : memref<16x128xf32, #tpu.memory_space<vmem>>, vector<1x16xf32>,
    %swap3A_611 = vector.shape_cast %swap3A_610 : vector<1x16xf32> to vector<16xf32>
    %swap3A_612 = vector.shape_cast %broadcast_in_dim3A_1 : vector<16xf32> to vector<1x16xf32>
    tpu.vector_store %arg10[%swap3A_608, %swap3A_609], %swap3A_612 {strides = array<i32>} : memref<16x128xf32, #tpu.memory_space<vmem>>, vector<1x16xf32>,
    %swap3A_613 = arith.constant 12 : i32
    %swap3A_614 = arith.index_cast %swap3A_613 : i32 to index
    %swap3A_615 = arith.constant 96 : index
    %swap3A_616 = tpu.vector_load %arg10[%swap3A_614, %swap3A_615] {strides = array<i32>} : memref<16x128xf32, #tpu.memory_space<vmem>>, vector<1x16xf32>,
    %swap3A_617 = vector.shape_cast %swap3A_616 : vector<1x16xf32> to vector<16xf32>
    %swap3A_618 = vector.shape_cast %broadcast_in_dim3A_1 : vector<16xf32> to vector<1x16xf32>
    tpu.vector_store %arg10[%swap3A_614, %swap3A_615], %swap3A_618 {strides = array<i32>} : memref<16x128xf32, #tpu.memory_space<vmem>>, vector<1x16xf32>,
    %swap3A_619 = arith.constant 12 : i32
    %swap3A_620 = arith.index_cast %swap3A_619 : i32 to index
    %swap3A_621 = arith.constant 112 : index
    %swap3A_622 = tpu.vector_load %arg10[%swap3A_620, %swap3A_621] {strides = array<i32>} : memref<16x128xf32, #tpu.memory_space<vmem>>, vector<1x16xf32>,
    %swap3A_623 = vector.shape_cast %swap3A_622 : vector<1x16xf32> to vector<16xf32>
    %swap3A_624 = vector.shape_cast %broadcast_in_dim3A_1 : vector<16xf32> to vector<1x16xf32>
    tpu.vector_store %arg10[%swap3A_620, %swap3A_621], %swap3A_624 {strides = array<i32>} : memref<16x128xf32, #tpu.memory_space<vmem>>, vector<1x16xf32>,
    %swap3A_625 = arith.constant 13 : i32
    %swap3A_626 = arith.index_cast %swap3A_625 : i32 to index
    %swap3A_627 = arith.constant 0 : index
    %swap3A_628 = tpu.vector_load %arg10[%swap3A_626, %swap3A_627] {strides = array<i32>} : memref<16x128xf32, #tpu.memory_space<vmem>>, vector<1x16xf32>,
    %swap3A_629 = vector.shape_cast %swap3A_628 : vector<1x16xf32> to vector<16xf32>
    %swap3A_630 = vector.shape_cast %broadcast_in_dim3A_1 : vector<16xf32> to vector<1x16xf32>
    tpu.vector_store %arg10[%swap3A_626, %swap3A_627], %swap3A_630 {strides = array<i32>} : memref<16x128xf32, #tpu.memory_space<vmem>>, vector<1x16xf32>,
    %swap3A_631 = arith.constant 13 : i32
    %swap3A_632 = arith.index_cast %swap3A_631 : i32 to index
    %swap3A_633 = arith.constant 16 : index
    %swap3A_634 = tpu.vector_load %arg10[%swap3A_632, %swap3A_633] {strides = array<i32>} : memref<16x128xf32, #tpu.memory_space<vmem>>, vector<1x16xf32>,
    %swap3A_635 = vector.shape_cast %swap3A_634 : vector<1x16xf32> to vector<16xf32>
    %swap3A_636 = vector.shape_cast %broadcast_in_dim3A_1 : vector<16xf32> to vector<1x16xf32>
    tpu.vector_store %arg10[%swap3A_632, %swap3A_633], %swap3A_636 {strides = array<i32>} : memref<16x128xf32, #tpu.memory_space<vmem>>, vector<1x16xf32>,
    %swap3A_637 = arith.constant 13 : i32
    %swap3A_638 = arith.index_cast %swap3A_637 : i32 to index
    %swap3A_639 = arith.constant 32 : index
    %swap3A_640 = tpu.vector_load %arg10[%swap3A_638, %swap3A_639] {strides = array<i32>} : memref<16x128xf32, #tpu.memory_space<vmem>>, vector<1x16xf32>,
    %swap3A_641 = vector.shape_cast %swap3A_640 : vector<1x16xf32> to vector<16xf32>
    %swap3A_642 = vector.shape_cast %broadcast_in_dim3A_1 : vector<16xf32> to vector<1x16xf32>
    tpu.vector_store %arg10[%swap3A_638, %swap3A_639], %swap3A_642 {strides = array<i32>} : memref<16x128xf32, #tpu.memory_space<vmem>>, vector<1x16xf32>,
    %swap3A_643 = arith.constant 13 : i32
    %swap3A_644 = arith.index_cast %swap3A_643 : i32 to index
    %swap3A_645 = arith.constant 48 : index
    %swap3A_646 = tpu.vector_load %arg10[%swap3A_644, %swap3A_645] {strides = array<i32>} : memref<16x128xf32, #tpu.memory_space<vmem>>, vector<1x16xf32>,
    %swap3A_647 = vector.shape_cast %swap3A_646 : vector<1x16xf32> to vector<16xf32>
    %swap3A_648 = vector.shape_cast %broadcast_in_dim3A_1 : vector<16xf32> to vector<1x16xf32>
    tpu.vector_store %arg10[%swap3A_644, %swap3A_645], %swap3A_648 {strides = array<i32>} : memref<16x128xf32, #tpu.memory_space<vmem>>, vector<1x16xf32>,
    %swap3A_649 = arith.constant 13 : i32
    %swap3A_650 = arith.index_cast %swap3A_649 : i32 to index
    %swap3A_651 = arith.constant 64 : index
    %swap3A_652 = tpu.vector_load %arg10[%swap3A_650, %swap3A_651] {strides = array<i32>} : memref<16x128xf32, #tpu.memory_space<vmem>>, vector<1x16xf32>,
    %swap3A_653 = vector.shape_cast %swap3A_652 : vector<1x16xf32> to vector<16xf32>
    %swap3A_654 = vector.shape_cast %broadcast_in_dim3A_1 : vector<16xf32> to vector<1x16xf32>
    tpu.vector_store %arg10[%swap3A_650, %swap3A_651], %swap3A_654 {strides = array<i32>} : memref<16x128xf32, #tpu.memory_space<vmem>>, vector<1x16xf32>,
    %swap3A_655 = arith.constant 13 : i32
    %swap3A_656 = arith.index_cast %swap3A_655 : i32 to index
    %swap3A_657 = arith.constant 80 : index
    %swap3A_658 = tpu.vector_load %arg10[%swap3A_656, %swap3A_657] {strides = array<i32>} : memref<16x128xf32, #tpu.memory_space<vmem>>, vector<1x16xf32>,
    %swap3A_659 = vector.shape_cast %swap3A_658 : vector<1x16xf32> to vector<16xf32>
    %swap3A_660 = vector.shape_cast %broadcast_in_dim3A_1 : vector<16xf32> to vector<1x16xf32>
    tpu.vector_store %arg10[%swap3A_656, %swap3A_657], %swap3A_660 {strides = array<i32>} : memref<16x128xf32, #tpu.memory_space<vmem>>, vector<1x16xf32>,
    %swap3A_661 = arith.constant 13 : i32
    %swap3A_662 = arith.index_cast %swap3A_661 : i32 to index
    %swap3A_663 = arith.constant 96 : index
    %swap3A_664 = tpu.vector_load %arg10[%swap3A_662, %swap3A_663] {strides = array<i32>} : memref<16x128xf32, #tpu.memory_space<vmem>>, vector<1x16xf32>,
    %swap3A_665 = vector.shape_cast %swap3A_664 : vector<1x16xf32> to vector<16xf32>
    %swap3A_666 = vector.shape_cast %broadcast_in_dim3A_1 : vector<16xf32> to vector<1x16xf32>
    tpu.vector_store %arg10[%swap3A_662, %swap3A_663], %swap3A_666 {strides = array<i32>} : memref<16x128xf32, #tpu.memory_space<vmem>>, vector<1x16xf32>,
    %swap3A_667 = arith.constant 13 : i32
    %swap3A_668 = arith.index_cast %swap3A_667 : i32 to index
    %swap3A_669 = arith.constant 112 : index
    %swap3A_670 = tpu.vector_load %arg10[%swap3A_668, %swap3A_669] {strides = array<i32>} : memref<16x128xf32, #tpu.memory_space<vmem>>, vector<1x16xf32>,
    %swap3A_671 = vector.shape_cast %swap3A_670 : vector<1x16xf32> to vector<16xf32>
    %swap3A_672 = vector.shape_cast %broadcast_in_dim3A_1 : vector<16xf32> to vector<1x16xf32>
    tpu.vector_store %arg10[%swap3A_668, %swap3A_669], %swap3A_672 {strides = array<i32>} : memref<16x128xf32, #tpu.memory_space<vmem>>, vector<1x16xf32>,
    %swap3A_673 = arith.constant 14 : i32
    %swap3A_674 = arith.index_cast %swap3A_673 : i32 to index
    %swap3A_675 = arith.constant 0 : index
    %swap3A_676 = tpu.vector_load %arg10[%swap3A_674, %swap3A_675] {strides = array<i32>} : memref<16x128xf32, #tpu.memory_space<vmem>>, vector<1x16xf32>,
    %swap3A_677 = vector.shape_cast %swap3A_676 : vector<1x16xf32> to vector<16xf32>
    %swap3A_678 = vector.shape_cast %broadcast_in_dim3A_1 : vector<16xf32> to vector<1x16xf32>
    tpu.vector_store %arg10[%swap3A_674, %swap3A_675], %swap3A_678 {strides = array<i32>} : memref<16x128xf32, #tpu.memory_space<vmem>>, vector<1x16xf32>,
    %swap3A_679 = arith.constant 14 : i32
    %swap3A_680 = arith.index_cast %swap3A_679 : i32 to index
    %swap3A_681 = arith.constant 16 : index
    %swap3A_682 = tpu.vector_load %arg10[%swap3A_680, %swap3A_681] {strides = array<i32>} : memref<16x128xf32, #tpu.memory_space<vmem>>, vector<1x16xf32>,
    %swap3A_683 = vector.shape_cast %swap3A_682 : vector<1x16xf32> to vector<16xf32>
    %swap3A_684 = vector.shape_cast %broadcast_in_dim3A_1 : vector<16xf32> to vector<1x16xf32>
    tpu.vector_store %arg10[%swap3A_680, %swap3A_681], %swap3A_684 {strides = array<i32>} : memref<16x128xf32, #tpu.memory_space<vmem>>, vector<1x16xf32>,
    %swap3A_685 = arith.constant 14 : i32
    %swap3A_686 = arith.index_cast %swap3A_685 : i32 to index
    %swap3A_687 = arith.constant 32 : index
    %swap3A_688 = tpu.vector_load %arg10[%swap3A_686, %swap3A_687] {strides = array<i32>} : memref<16x128xf32, #tpu.memory_space<vmem>>, vector<1x16xf32>,
    %swap3A_689 = vector.shape_cast %swap3A_688 : vector<1x16xf32> to vector<16xf32>
    %swap3A_690 = vector.shape_cast %broadcast_in_dim3A_1 : vector<16xf32> to vector<1x16xf32>
    tpu.vector_store %arg10[%swap3A_686, %swap3A_687], %swap3A_690 {strides = array<i32>} : memref<16x128xf32, #tpu.memory_space<vmem>>, vector<1x16xf32>,
    %swap3A_691 = arith.constant 14 : i32
    %swap3A_692 = arith.index_cast %swap3A_691 : i32 to index
    %swap3A_693 = arith.constant 48 : index
    %swap3A_694 = tpu.vector_load %arg10[%swap3A_692, %swap3A_693] {strides = array<i32>} : memref<16x128xf32, #tpu.memory_space<vmem>>, vector<1x16xf32>,
    %swap3A_695 = vector.shape_cast %swap3A_694 : vector<1x16xf32> to vector<16xf32>
    %swap3A_696 = vector.shape_cast %broadcast_in_dim3A_1 : vector<16xf32> to vector<1x16xf32>
    tpu.vector_store %arg10[%swap3A_692, %swap3A_693], %swap3A_696 {strides = array<i32>} : memref<16x128xf32, #tpu.memory_space<vmem>>, vector<1x16xf32>,
    %swap3A_697 = arith.constant 14 : i32
    %swap3A_698 = arith.index_cast %swap3A_697 : i32 to index
    %swap3A_699 = arith.constant 64 : index
    %swap3A_700 = tpu.vector_load %arg10[%swap3A_698, %swap3A_699] {strides = array<i32>} : memref<16x128xf32, #tpu.memory_space<vmem>>, vector<1x16xf32>,
    %swap3A_701 = vector.shape_cast %swap3A_700 : vector<1x16xf32> to vector<16xf32>
    %swap3A_702 = vector.shape_cast %broadcast_in_dim3A_1 : vector<16xf32> to vector<1x16xf32>
    tpu.vector_store %arg10[%swap3A_698, %swap3A_699], %swap3A_702 {strides = array<i32>} : memref<16x128xf32, #tpu.memory_space<vmem>>, vector<1x16xf32>,
    %swap3A_703 = arith.constant 14 : i32
    %swap3A_704 = arith.index_cast %swap3A_703 : i32 to index
    %swap3A_705 = arith.constant 80 : index
    %swap3A_706 = tpu.vector_load %arg10[%swap3A_704, %swap3A_705] {strides = array<i32>} : memref<16x128xf32, #tpu.memory_space<vmem>>, vector<1x16xf32>,
    %swap3A_707 = vector.shape_cast %swap3A_706 : vector<1x16xf32> to vector<16xf32>
    %swap3A_708 = vector.shape_cast %broadcast_in_dim3A_1 : vector<16xf32> to vector<1x16xf32>
    tpu.vector_store %arg10[%swap3A_704, %swap3A_705], %swap3A_708 {strides = array<i32>} : memref<16x128xf32, #tpu.memory_space<vmem>>, vector<1x16xf32>,
    %swap3A_709 = arith.constant 14 : i32
    %swap3A_710 = arith.index_cast %swap3A_709 : i32 to index
    %swap3A_711 = arith.constant 96 : index
    %swap3A_712 = tpu.vector_load %arg10[%swap3A_710, %swap3A_711] {strides = array<i32>} : memref<16x128xf32, #tpu.memory_space<vmem>>, vector<1x16xf32>,
    %swap3A_713 = vector.shape_cast %swap3A_712 : vector<1x16xf32> to vector<16xf32>
    %swap3A_714 = vector.shape_cast %broadcast_in_dim3A_1 : vector<16xf32> to vector<1x16xf32>
    tpu.vector_store %arg10[%swap3A_710, %swap3A_711], %swap3A_714 {strides = array<i32>} : memref<16x128xf32, #tpu.memory_space<vmem>>, vector<1x16xf32>,
    %swap3A_715 = arith.constant 14 : i32
    %swap3A_716 = arith.index_cast %swap3A_715 : i32 to index
    %swap3A_717 = arith.constant 112 : index
    %swap3A_718 = tpu.vector_load %arg10[%swap3A_716, %swap3A_717] {strides = array<i32>} : memref<16x128xf32, #tpu.memory_space<vmem>>, vector<1x16xf32>,
    %swap3A_719 = vector.shape_cast %swap3A_718 : vector<1x16xf32> to vector<16xf32>
    %swap3A_720 = vector.shape_cast %broadcast_in_dim3A_1 : vector<16xf32> to vector<1x16xf32>
    tpu.vector_store %arg10[%swap3A_716, %swap3A_717], %swap3A_720 {strides = array<i32>} : memref<16x128xf32, #tpu.memory_space<vmem>>, vector<1x16xf32>,
    %swap3A_721 = arith.constant 15 : i32
    %swap3A_722 = arith.index_cast %swap3A_721 : i32 to index
    %swap3A_723 = arith.constant 0 : index
    %swap3A_724 = tpu.vector_load %arg10[%swap3A_722, %swap3A_723] {strides = array<i32>} : memref<16x128xf32, #tpu.memory_space<vmem>>, vector<1x16xf32>,
    %swap3A_725 = vector.shape_cast %swap3A_724 : vector<1x16xf32> to vector<16xf32>
    %swap3A_726 = vector.shape_cast %broadcast_in_dim3A_1 : vector<16xf32> to vector<1x16xf32>
    tpu.vector_store %arg10[%swap3A_722, %swap3A_723], %swap3A_726 {strides = array<i32>} : memref<16x128xf32, #tpu.memory_space<vmem>>, vector<1x16xf32>,
    %swap3A_727 = arith.constant 15 : i32
    %swap3A_728 = arith.index_cast %swap3A_727 : i32 to index
    %swap3A_729 = arith.constant 16 : index
    %swap3A_730 = tpu.vector_load %arg10[%swap3A_728, %swap3A_729] {strides = array<i32>} : memref<16x128xf32, #tpu.memory_space<vmem>>, vector<1x16xf32>,
    %swap3A_731 = vector.shape_cast %swap3A_730 : vector<1x16xf32> to vector<16xf32>
    %swap3A_732 = vector.shape_cast %broadcast_in_dim3A_1 : vector<16xf32> to vector<1x16xf32>
    tpu.vector_store %arg10[%swap3A_728, %swap3A_729], %swap3A_732 {strides = array<i32>} : memref<16x128xf32, #tpu.memory_space<vmem>>, vector<1x16xf32>,
    %swap3A_733 = arith.constant 15 : i32
    %swap3A_734 = arith.index_cast %swap3A_733 : i32 to index
    %swap3A_735 = arith.constant 32 : index
    %swap3A_736 = tpu.vector_load %arg10[%swap3A_734, %swap3A_735] {strides = array<i32>} : memref<16x128xf32, #tpu.memory_space<vmem>>, vector<1x16xf32>,
    %swap3A_737 = vector.shape_cast %swap3A_736 : vector<1x16xf32> to vector<16xf32>
    %swap3A_738 = vector.shape_cast %broadcast_in_dim3A_1 : vector<16xf32> to vector<1x16xf32>
    tpu.vector_store %arg10[%swap3A_734, %swap3A_735], %swap3A_738 {strides = array<i32>} : memref<16x128xf32, #tpu.memory_space<vmem>>, vector<1x16xf32>,
    %swap3A_739 = arith.constant 15 : i32
    %swap3A_740 = arith.index_cast %swap3A_739 : i32 to index
    %swap3A_741 = arith.constant 48 : index
    %swap3A_742 = tpu.vector_load %arg10[%swap3A_740, %swap3A_741] {strides = array<i32>} : memref<16x128xf32, #tpu.memory_space<vmem>>, vector<1x16xf32>,
    %swap3A_743 = vector.shape_cast %swap3A_742 : vector<1x16xf32> to vector<16xf32>
    %swap3A_744 = vector.shape_cast %broadcast_in_dim3A_1 : vector<16xf32> to vector<1x16xf32>
    tpu.vector_store %arg10[%swap3A_740, %swap3A_741], %swap3A_744 {strides = array<i32>} : memref<16x128xf32, #tpu.memory_space<vmem>>, vector<1x16xf32>,
    %swap3A_745 = arith.constant 15 : i32
    %swap3A_746 = arith.index_cast %swap3A_745 : i32 to index
    %swap3A_747 = arith.constant 64 : index
    %swap3A_748 = tpu.vector_load %arg10[%swap3A_746, %swap3A_747] {strides = array<i32>} : memref<16x128xf32, #tpu.memory_space<vmem>>, vector<1x16xf32>,
    %swap3A_749 = vector.shape_cast %swap3A_748 : vector<1x16xf32> to vector<16xf32>
    %swap3A_750 = vector.shape_cast %broadcast_in_dim3A_1 : vector<16xf32> to vector<1x16xf32>
    tpu.vector_store %arg10[%swap3A_746, %swap3A_747], %swap3A_750 {strides = array<i32>} : memref<16x128xf32, #tpu.memory_space<vmem>>, vector<1x16xf32>,
    %swap3A_751 = arith.constant 15 : i32
    %swap3A_752 = arith.index_cast %swap3A_751 : i32 to index
    %swap3A_753 = arith.constant 80 : index
    %swap3A_754 = tpu.vector_load %arg10[%swap3A_752, %swap3A_753] {strides = array<i32>} : memref<16x128xf32, #tpu.memory_space<vmem>>, vector<1x16xf32>,
    %swap3A_755 = vector.shape_cast %swap3A_754 : vector<1x16xf32> to vector<16xf32>
    %swap3A_756 = vector.shape_cast %broadcast_in_dim3A_1 : vector<16xf32> to vector<1x16xf32>
    tpu.vector_store %arg10[%swap3A_752, %swap3A_753], %swap3A_756 {strides = array<i32>} : memref<16x128xf32, #tpu.memory_space<vmem>>, vector<1x16xf32>,
    %swap3A_757 = arith.constant 15 : i32
    %swap3A_758 = arith.index_cast %swap3A_757 : i32 to index
    %swap3A_759 = arith.constant 96 : index
    %swap3A_760 = tpu.vector_load %arg10[%swap3A_758, %swap3A_759] {strides = array<i32>} : memref<16x128xf32, #tpu.memory_space<vmem>>, vector<1x16xf32>,
    %swap3A_761 = vector.shape_cast %swap3A_760 : vector<1x16xf32> to vector<16xf32>
    %swap3A_762 = vector.shape_cast %broadcast_in_dim3A_1 : vector<16xf32> to vector<1x16xf32>
    tpu.vector_store %arg10[%swap3A_758, %swap3A_759], %swap3A_762 {strides = array<i32>} : memref<16x128xf32, #tpu.memory_space<vmem>>, vector<1x16xf32>,
    %swap3A_763 = arith.constant 15 : i32
    %swap3A_764 = arith.index_cast %swap3A_763 : i32 to index
    %swap3A_765 = arith.constant 112 : index
    %swap3A_766 = tpu.vector_load %arg10[%swap3A_764, %swap3A_765] {strides = array<i32>} : memref<16x128xf32, #tpu.memory_space<vmem>>, vector<1x16xf32>,
    %swap3A_767 = vector.shape_cast %swap3A_766 : vector<1x16xf32> to vector<16xf32>
    %swap3A_768 = vector.shape_cast %broadcast_in_dim3A_1 : vector<16xf32> to vector<1x16xf32>
    tpu.vector_store %arg10[%swap3A_764, %swap3A_765], %swap3A_768 {strides = array<i32>} : memref<16x128xf32, #tpu.memory_space<vmem>>, vector<1x16xf32>,
    %mul3A_769 = arith.constant 640 : i32
    %mul3A_770 = arith.muli %arg1, %mul3A_769 : i32
    %scan3A = arith.constant 0 : i32
    %scan3A_771 = arith.constant 0 : i32
    %scan3A_772 = arith.constant 40 : i32
    %scan3A_773 = arith.addi %scan3A_771, %scan3A_772 : i32
    %scan3A_774 = arith.constant 1 : i32
    scf.for %scan3A_829 = %scan3A_771 to %scan3A_773 step %scan3A_774  : i32 {
      %mul3A_830 = arith.constant 16 : i32
      %mul3A_831 = arith.muli %scan3A_829, %mul3A_830 : i32
      %add3A_832 = arith.addi %mul3A_770, %mul3A_831 : i32
      "tpu.region"() ({
        %run_scoped3A = tpu.sem_alloc : memref<!tpu.dma_semaphore, #tpu.memory_space<semaphore_mem>>
        %dma_start3A_833 = arith.constant 0 : i32
        %dma_start3A_834 = tpu.memref_slice %arg11[%add3A_832, %dma_start3A_833] : memref<10240x128xf32, #tpu.memory_space<vmem_shared>> -> memref<16x128xf32, #tpu.memory_space<vmem_shared>>
        %dma_start3A_835 = arith.constant 0 : i32
        %dma_start3A_836 = tpu.memref_slice %arg11[%add3A_832, %dma_start3A_835] : memref<10240x128xf32, #tpu.memory_space<vmem_shared>> -> memref<16x128xf32, #tpu.memory_space<vmem_shared>>
        tpu.enqueue_dma source(%arg10 : memref<16x128xf32, #tpu.memory_space<vmem>>) target(%dma_start3A_836 : memref<16x128xf32, #tpu.memory_space<vmem_shared>>) target_semaphore(%run_scoped3A : memref<!tpu.dma_semaphore, #tpu.memory_space<semaphore_mem>>)
        %dma_wait3A_837 = arith.constant 0 : i32
        %dma_wait3A_838 = tpu.memref_slice %arg11[%add3A_832, %dma_wait3A_837] : memref<10240x128xf32, #tpu.memory_space<vmem_shared>> -> memref<16x128xf32, #tpu.memory_space<vmem_shared>>
        %dma_wait3A_839 = arith.constant 0 : i32
        %dma_wait3A_840 = tpu.memref_slice %arg11[%add3A_832, %dma_wait3A_839] : memref<10240x128xf32, #tpu.memory_space<vmem_shared>> -> memref<16x128xf32, #tpu.memory_space<vmem_shared>>
        tpu.wait_dma2 semaphore(%run_scoped3A : memref<!tpu.dma_semaphore, #tpu.memory_space<semaphore_mem>>) src(%arg10 : memref<16x128xf32, #tpu.memory_space<vmem>>) dst(%dma_wait3A_840 : memref<16x128xf32, #tpu.memory_space<vmem_shared>>)
        tpu.yield
      }) : () -> ()
    }
    %scan3A_775 = arith.constant 40 : i32
    %barrier3A = arith.constant 0 : index
    tpu.barrier barrier_id(%barrier3A)
    %mul3A_776 = arith.constant 80 : i32
    %mul3A_777 = arith.muli %add3A, %mul3A_776 : i32
    %add3A_778 = arith.constant 0 : i32
    %add3A_779 = arith.addi %mul3A_777, %add3A_778 : i32
    "tpu.region"() ({
      %run_scoped3A = tpu.sem_alloc : memref<!tpu.dma_semaphore, #tpu.memory_space<semaphore_mem>>
      %dma_start3A_829 = arith.constant 0 : i32
      %dma_start3A_830 = tpu.memref_slice %arg3[%add3A_779, %dma_start3A_829] : memref<2560x128xi32, #tpu.memory_space<hbm>> -> memref<40x128xi32, #tpu.memory_space<hbm>>
      %dma_start3A_831 = arith.constant 0 : i32
      %dma_start3A_832 = tpu.memref_slice %arg3[%add3A_779, %dma_start3A_831] : memref<2560x128xi32, #tpu.memory_space<hbm>> -> memref<40x128xi32, #tpu.memory_space<hbm>>
      tpu.enqueue_dma source(%dma_start3A_832 : memref<40x128xi32, #tpu.memory_space<hbm>>) target(%arg6 : memref<40x128xi32, #tpu.memory_space<vmem>>) target_semaphore(%run_scoped3A : memref<!tpu.dma_semaphore, #tpu.memory_space<semaphore_mem>>)
      %dma_wait3A_833 = arith.constant 0 : i32
      %dma_wait3A_834 = tpu.memref_slice %arg3[%add3A_779, %dma_wait3A_833] : memref<2560x128xi32, #tpu.memory_space<hbm>> -> memref<40x128xi32, #tpu.memory_space<hbm>>
      %dma_wait3A_835 = arith.constant 0 : i32
      %dma_wait3A_836 = tpu.memref_slice %arg3[%add3A_779, %dma_wait3A_835] : memref<2560x128xi32, #tpu.memory_space<hbm>> -> memref<40x128xi32, #tpu.memory_space<hbm>>
      tpu.wait_dma2 semaphore(%run_scoped3A : memref<!tpu.dma_semaphore, #tpu.memory_space<semaphore_mem>>) src(%dma_wait3A_836 : memref<40x128xi32, #tpu.memory_space<hbm>>) dst(%arg6 : memref<40x128xi32, #tpu.memory_space<vmem>>)
      tpu.yield
    }) : () -> ()
    "tpu.region"() ({
      %run_scoped3A = tpu.sem_alloc : memref<!tpu.dma_semaphore, #tpu.memory_space<semaphore_mem>>
      %dma_start3A_829 = arith.constant 0 : i32
      %dma_start3A_830 = tpu.memref_slice %arg4[%add3A_779, %dma_start3A_829] : memref<2560x128xi32, #tpu.memory_space<hbm>> -> memref<40x128xi32, #tpu.memory_space<hbm>>
      %dma_start3A_831 = arith.constant 0 : i32
      %dma_start3A_832 = tpu.memref_slice %arg4[%add3A_779, %dma_start3A_831] : memref<2560x128xi32, #tpu.memory_space<hbm>> -> memref<40x128xi32, #tpu.memory_space<hbm>>
      tpu.enqueue_dma source(%dma_start3A_832 : memref<40x128xi32, #tpu.memory_space<hbm>>) target(%arg7 : memref<40x128xi32, #tpu.memory_space<vmem>>) target_semaphore(%run_scoped3A : memref<!tpu.dma_semaphore, #tpu.memory_space<semaphore_mem>>)
      %dma_wait3A_833 = arith.constant 0 : i32
      %dma_wait3A_834 = tpu.memref_slice %arg4[%add3A_779, %dma_wait3A_833] : memref<2560x128xi32, #tpu.memory_space<hbm>> -> memref<40x128xi32, #tpu.memory_space<hbm>>
      %dma_wait3A_835 = arith.constant 0 : i32
      %dma_wait3A_836 = tpu.memref_slice %arg4[%add3A_779, %dma_wait3A_835] : memref<2560x128xi32, #tpu.memory_space<hbm>> -> memref<40x128xi32, #tpu.memory_space<hbm>>
      tpu.wait_dma2 semaphore(%run_scoped3A : memref<!tpu.dma_semaphore, #tpu.memory_space<semaphore_mem>>) src(%dma_wait3A_836 : memref<40x128xi32, #tpu.memory_space<hbm>>) dst(%arg7 : memref<40x128xi32, #tpu.memory_space<vmem>>)
      tpu.yield
    }) : () -> ()
    %dma_start3A = arith.constant 0 : i32
    %dma_start3A_780 = arith.constant 0 : i32
    %dma_start3A_781 = tpu.memref_slice %arg6[%dma_start3A, %dma_start3A_780] : memref<40x128xi32, #tpu.memory_space<vmem>> -> memref<1x128xi32, #tpu.memory_space<vmem>>
    %dma_start3A_782 = tpu.memref_squeeze %dma_start3A_781 : memref<1x128xi32, #tpu.memory_space<vmem>> -> memref<128xi32, #tpu.memory_space<vmem>>
    %dma_start3A_783 = arith.constant 0 : i32
    %dma_start3A_784 = arith.constant 0 : i32
    %dma_start3A_785 = tpu.memref_slice %arg2[%dma_start3A_783, %dma_start3A_784] : memref<10000x128xf32, #tpu.memory_space<hbm>> -> memref<10000x128xf32, #tpu.memory_space<hbm>>
    tpu.enqueue_indirect_dma source(%dma_start3A_785 : memref<10000x128xf32, #tpu.memory_space<hbm>>) target(%arg8 : memref<128x128xf32, #tpu.memory_space<vmem>>) offsets(%dma_start3A_782 : memref<128xi32, #tpu.memory_space<vmem>>) semaphore(%arg12 : memref<!tpu.dma_semaphore, #tpu.memory_space<semaphore_mem>>)
    %scan3A_786 = arith.constant 0 : i32
    %scan3A_787 = arith.constant 0 : i32
    %scan3A_788 = arith.constant 20 : i32
    %scan3A_789 = arith.addi %scan3A_787, %scan3A_788 : i32
    %scan3A_790 = arith.constant 1 : i32
    scf.for %scan3A_829 = %scan3A_787 to %scan3A_789 step %scan3A_790  : i32 {
      %mul3A_830 = arith.constant 2 : i32
      %mul3A_831 = arith.muli %mul3A_830, %scan3A_829 : i32
      %add3A_832 = arith.constant 1 : i32
      %add3A_833 = arith.addi %mul3A_831, %add3A_832 : i32
      %dma_start3A_834 = arith.constant 0 : i32
      %dma_start3A_835 = tpu.memref_slice %arg6[%add3A_833, %dma_start3A_834] : memref<40x128xi32, #tpu.memory_space<vmem>> -> memref<1x128xi32, #tpu.memory_space<vmem>>
      %dma_start3A_836 = tpu.memref_squeeze %dma_start3A_835 : memref<1x128xi32, #tpu.memory_space<vmem>> -> memref<128xi32, #tpu.memory_space<vmem>>
      %dma_start3A_837 = arith.constant 0 : i32
      %dma_start3A_838 = arith.constant 0 : i32
      %dma_start3A_839 = tpu.memref_slice %arg2[%dma_start3A_837, %dma_start3A_838] : memref<10000x128xf32, #tpu.memory_space<hbm>> -> memref<10000x128xf32, #tpu.memory_space<hbm>>
      tpu.enqueue_indirect_dma source(%dma_start3A_839 : memref<10000x128xf32, #tpu.memory_space<hbm>>) target(%arg9 : memref<128x128xf32, #tpu.memory_space<vmem>>) offsets(%dma_start3A_836 : memref<128xi32, #tpu.memory_space<vmem>>) semaphore(%arg13 : memref<!tpu.dma_semaphore, #tpu.memory_space<semaphore_mem>>)
      %dma_wait3A_840 = arith.constant 0 : i32
      %dma_wait3A_841 = tpu.memref_slice %arg6[%mul3A_831, %dma_wait3A_840] : memref<40x128xi32, #tpu.memory_space<vmem>> -> memref<1x128xi32, #tpu.memory_space<vmem>>
      %dma_wait3A_842 = tpu.memref_squeeze %dma_wait3A_841 : memref<1x128xi32, #tpu.memory_space<vmem>> -> memref<128xi32, #tpu.memory_space<vmem>>
      %dma_wait3A_843 = arith.constant 0 : i32
      %dma_wait3A_844 = arith.constant 0 : i32
      %dma_wait3A_845 = tpu.memref_slice %arg2[%dma_wait3A_843, %dma_wait3A_844] : memref<10000x128xf32, #tpu.memory_space<hbm>> -> memref<10000x128xf32, #tpu.memory_space<hbm>>
      tpu.wait_indirect_dma semaphore(%arg12 : memref<!tpu.dma_semaphore, #tpu.memory_space<semaphore_mem>>) src(%dma_wait3A_845 : memref<10000x128xf32, #tpu.memory_space<hbm>>) dst(%arg8 : memref<128x128xf32, #tpu.memory_space<vmem>>)
      "tpu.region"() ({
        %run_scoped3A = tpu.sem_alloc : memref<!tpu.dma_semaphore, #tpu.memory_space<semaphore_mem>>
        %dma_start3A_863 = arith.constant 0 : i32
        %dma_start3A_864 = tpu.memref_slice %arg7[%mul3A_831, %dma_start3A_863] : memref<40x128xi32, #tpu.memory_space<vmem>> -> memref<1x128xi32, #tpu.memory_space<vmem>>
        %dma_start3A_865 = tpu.memref_squeeze %dma_start3A_864 : memref<1x128xi32, #tpu.memory_space<vmem>> -> memref<128xi32, #tpu.memory_space<vmem>>
        %dma_start3A_866 = arith.constant 0 : i32
        %dma_start3A_867 = arith.constant 0 : i32
        %dma_start3A_868 = tpu.memref_slice %arg11[%dma_start3A_866, %dma_start3A_867] : memref<10240x128xf32, #tpu.memory_space<vmem_shared>> -> memref<10240x128xf32, #tpu.memory_space<vmem_shared>>
        tpu.enqueue_indirect_dma source(%arg8 : memref<128x128xf32, #tpu.memory_space<vmem>>) target(%dma_start3A_868 : memref<10240x128xf32, #tpu.memory_space<vmem_shared>>) offsets(%dma_start3A_865 : memref<128xi32, #tpu.memory_space<vmem>>) semaphore(%run_scoped3A : memref<!tpu.dma_semaphore, #tpu.memory_space<semaphore_mem>>) {add = true}
        %dma_wait3A_869 = arith.constant 0 : i32
        %dma_wait3A_870 = tpu.memref_slice %arg7[%mul3A_831, %dma_wait3A_869] : memref<40x128xi32, #tpu.memory_space<vmem>> -> memref<1x128xi32, #tpu.memory_space<vmem>>
        %dma_wait3A_871 = tpu.memref_squeeze %dma_wait3A_870 : memref<1x128xi32, #tpu.memory_space<vmem>> -> memref<128xi32, #tpu.memory_space<vmem>>
        %dma_wait3A_872 = arith.constant 0 : i32
        %dma_wait3A_873 = arith.constant 0 : i32
        %dma_wait3A_874 = tpu.memref_slice %arg11[%dma_wait3A_872, %dma_wait3A_873] : memref<10240x128xf32, #tpu.memory_space<vmem_shared>> -> memref<10240x128xf32, #tpu.memory_space<vmem_shared>>
        tpu.wait_indirect_dma semaphore(%run_scoped3A : memref<!tpu.dma_semaphore, #tpu.memory_space<semaphore_mem>>) src(%arg8 : memref<128x128xf32, #tpu.memory_space<vmem>>) dst(%dma_wait3A_874 : memref<10240x128xf32, #tpu.memory_space<vmem_shared>>)
        tpu.yield
      }) : () -> ()
      %add3A_846 = arith.constant 2 : i32
      %add3A_847 = arith.addi %mul3A_831, %add3A_846 : i32
      %min3A = arith.constant 39 : i32
      %min3A_848 = arith.minsi %add3A_847, %min3A : i32
      %dma_start3A_849 = arith.constant 0 : i32
      %dma_start3A_850 = tpu.memref_slice %arg6[%min3A_848, %dma_start3A_849] : memref<40x128xi32, #tpu.memory_space<vmem>> -> memref<1x128xi32, #tpu.memory_space<vmem>>
      %dma_start3A_851 = tpu.memref_squeeze %dma_start3A_850 : memref<1x128xi32, #tpu.memory_space<vmem>> -> memref<128xi32, #tpu.memory_space<vmem>>
      %dma_start3A_852 = arith.constant 0 : i32
      %dma_start3A_853 = arith.constant 0 : i32
      %dma_start3A_854 = tpu.memref_slice %arg2[%dma_start3A_852, %dma_start3A_853] : memref<10000x128xf32, #tpu.memory_space<hbm>> -> memref<10000x128xf32, #tpu.memory_space<hbm>>
      tpu.enqueue_indirect_dma source(%dma_start3A_854 : memref<10000x128xf32, #tpu.memory_space<hbm>>) target(%arg8 : memref<128x128xf32, #tpu.memory_space<vmem>>) offsets(%dma_start3A_851 : memref<128xi32, #tpu.memory_space<vmem>>) semaphore(%arg12 : memref<!tpu.dma_semaphore, #tpu.memory_space<semaphore_mem>>)
      %dma_wait3A_855 = arith.constant 0 : i32
      %dma_wait3A_856 = tpu.memref_slice %arg6[%mul3A_831, %dma_wait3A_855] : memref<40x128xi32, #tpu.memory_space<vmem>> -> memref<1x128xi32, #tpu.memory_space<vmem>>
      %dma_wait3A_857 = tpu.memref_squeeze %dma_wait3A_856 : memref<1x128xi32, #tpu.memory_space<vmem>> -> memref<128xi32, #tpu.memory_space<vmem>>
      %dma_wait3A_858 = arith.constant 0 : i32
      %dma_wait3A_859 = arith.constant 0 : i32
      %dma_wait3A_860 = tpu.memref_slice %arg2[%dma_wait3A_858, %dma_wait3A_859] : memref<10000x128xf32, #tpu.memory_space<hbm>> -> memref<10000x128xf32, #tpu.memory_space<hbm>>
      tpu.wait_indirect_dma semaphore(%arg13 : memref<!tpu.dma_semaphore, #tpu.memory_space<semaphore_mem>>) src(%dma_wait3A_860 : memref<10000x128xf32, #tpu.memory_space<hbm>>) dst(%arg9 : memref<128x128xf32, #tpu.memory_space<vmem>>)
      %add3A_861 = arith.constant 1 : i32
      %add3A_862 = arith.addi %mul3A_831, %add3A_861 : i32
      "tpu.region"() ({
        %run_scoped3A = tpu.sem_alloc : memref<!tpu.dma_semaphore, #tpu.memory_space<semaphore_mem>>
        %dma_start3A_863 = arith.constant 0 : i32
        %dma_start3A_864 = tpu.memref_slice %arg7[%add3A_862, %dma_start3A_863] : memref<40x128xi32, #tpu.memory_space<vmem>> -> memref<1x128xi32, #tpu.memory_space<vmem>>
        %dma_start3A_865 = tpu.memref_squeeze %dma_start3A_864 : memref<1x128xi32, #tpu.memory_space<vmem>> -> memref<128xi32, #tpu.memory_space<vmem>>
        %dma_start3A_866 = arith.constant 0 : i32
        %dma_start3A_867 = arith.constant 0 : i32
        %dma_start3A_868 = tpu.memref_slice %arg11[%dma_start3A_866, %dma_start3A_867] : memref<10240x128xf32, #tpu.memory_space<vmem_shared>> -> memref<10240x128xf32, #tpu.memory_space<vmem_shared>>
        tpu.enqueue_indirect_dma source(%arg9 : memref<128x128xf32, #tpu.memory_space<vmem>>) target(%dma_start3A_868 : memref<10240x128xf32, #tpu.memory_space<vmem_shared>>) offsets(%dma_start3A_865 : memref<128xi32, #tpu.memory_space<vmem>>) semaphore(%run_scoped3A : memref<!tpu.dma_semaphore, #tpu.memory_space<semaphore_mem>>) {add = true}
        %dma_wait3A_869 = arith.constant 0 : i32
        %dma_wait3A_870 = tpu.memref_slice %arg7[%add3A_862, %dma_wait3A_869] : memref<40x128xi32, #tpu.memory_space<vmem>> -> memref<1x128xi32, #tpu.memory_space<vmem>>
        %dma_wait3A_871 = tpu.memref_squeeze %dma_wait3A_870 : memref<1x128xi32, #tpu.memory_space<vmem>> -> memref<128xi32, #tpu.memory_space<vmem>>
        %dma_wait3A_872 = arith.constant 0 : i32
        %dma_wait3A_873 = arith.constant 0 : i32
        %dma_wait3A_874 = tpu.memref_slice %arg11[%dma_wait3A_872, %dma_wait3A_873] : memref<10240x128xf32, #tpu.memory_space<vmem_shared>> -> memref<10240x128xf32, #tpu.memory_space<vmem_shared>>
        tpu.wait_indirect_dma semaphore(%run_scoped3A : memref<!tpu.dma_semaphore, #tpu.memory_space<semaphore_mem>>) src(%arg9 : memref<128x128xf32, #tpu.memory_space<vmem>>) dst(%dma_wait3A_874 : memref<10240x128xf32, #tpu.memory_space<vmem_shared>>)
        tpu.yield
      }) : () -> ()
    }
    %scan3A_791 = arith.constant 20 : i32
    %dma_wait3A = arith.constant 0 : i32
    %dma_wait3A_792 = arith.constant 0 : i32
    %dma_wait3A_793 = tpu.memref_slice %arg6[%dma_wait3A, %dma_wait3A_792] : memref<40x128xi32, #tpu.memory_space<vmem>> -> memref<1x128xi32, #tpu.memory_space<vmem>>
    %dma_wait3A_794 = tpu.memref_squeeze %dma_wait3A_793 : memref<1x128xi32, #tpu.memory_space<vmem>> -> memref<128xi32, #tpu.memory_space<vmem>>
    %dma_wait3A_795 = arith.constant 0 : i32
    %dma_wait3A_796 = arith.constant 0 : i32
    %dma_wait3A_797 = tpu.memref_slice %arg2[%dma_wait3A_795, %dma_wait3A_796] : memref<10000x128xf32, #tpu.memory_space<hbm>> -> memref<10000x128xf32, #tpu.memory_space<hbm>>
    tpu.wait_indirect_dma semaphore(%arg12 : memref<!tpu.dma_semaphore, #tpu.memory_space<semaphore_mem>>) src(%dma_wait3A_797 : memref<10000x128xf32, #tpu.memory_space<hbm>>) dst(%arg8 : memref<128x128xf32, #tpu.memory_space<vmem>>)
    %mul3A_798 = arith.constant 80 : i32
    %mul3A_799 = arith.muli %add3A, %mul3A_798 : i32
    %add3A_800 = arith.constant 40 : i32
    %add3A_801 = arith.addi %mul3A_799, %add3A_800 : i32
    "tpu.region"() ({
      %run_scoped3A = tpu.sem_alloc : memref<!tpu.dma_semaphore, #tpu.memory_space<semaphore_mem>>
      %dma_start3A_829 = arith.constant 0 : i32
      %dma_start3A_830 = tpu.memref_slice %arg3[%add3A_801, %dma_start3A_829] : memref<2560x128xi32, #tpu.memory_space<hbm>> -> memref<40x128xi32, #tpu.memory_space<hbm>>
      %dma_start3A_831 = arith.constant 0 : i32
      %dma_start3A_832 = tpu.memref_slice %arg3[%add3A_801, %dma_start3A_831] : memref<2560x128xi32, #tpu.memory_space<hbm>> -> memref<40x128xi32, #tpu.memory_space<hbm>>
      tpu.enqueue_dma source(%dma_start3A_832 : memref<40x128xi32, #tpu.memory_space<hbm>>) target(%arg6 : memref<40x128xi32, #tpu.memory_space<vmem>>) target_semaphore(%run_scoped3A : memref<!tpu.dma_semaphore, #tpu.memory_space<semaphore_mem>>)
      %dma_wait3A_833 = arith.constant 0 : i32
      %dma_wait3A_834 = tpu.memref_slice %arg3[%add3A_801, %dma_wait3A_833] : memref<2560x128xi32, #tpu.memory_space<hbm>> -> memref<40x128xi32, #tpu.memory_space<hbm>>
      %dma_wait3A_835 = arith.constant 0 : i32
      %dma_wait3A_836 = tpu.memref_slice %arg3[%add3A_801, %dma_wait3A_835] : memref<2560x128xi32, #tpu.memory_space<hbm>> -> memref<40x128xi32, #tpu.memory_space<hbm>>
      tpu.wait_dma2 semaphore(%run_scoped3A : memref<!tpu.dma_semaphore, #tpu.memory_space<semaphore_mem>>) src(%dma_wait3A_836 : memref<40x128xi32, #tpu.memory_space<hbm>>) dst(%arg6 : memref<40x128xi32, #tpu.memory_space<vmem>>)
      tpu.yield
    }) : () -> ()
    "tpu.region"() ({
      %run_scoped3A = tpu.sem_alloc : memref<!tpu.dma_semaphore, #tpu.memory_space<semaphore_mem>>
      %dma_start3A_829 = arith.constant 0 : i32
      %dma_start3A_830 = tpu.memref_slice %arg4[%add3A_801, %dma_start3A_829] : memref<2560x128xi32, #tpu.memory_space<hbm>> -> memref<40x128xi32, #tpu.memory_space<hbm>>
      %dma_start3A_831 = arith.constant 0 : i32
      %dma_start3A_832 = tpu.memref_slice %arg4[%add3A_801, %dma_start3A_831] : memref<2560x128xi32, #tpu.memory_space<hbm>> -> memref<40x128xi32, #tpu.memory_space<hbm>>
      tpu.enqueue_dma source(%dma_start3A_832 : memref<40x128xi32, #tpu.memory_space<hbm>>) target(%arg7 : memref<40x128xi32, #tpu.memory_space<vmem>>) target_semaphore(%run_scoped3A : memref<!tpu.dma_semaphore, #tpu.memory_space<semaphore_mem>>)
      %dma_wait3A_833 = arith.constant 0 : i32
      %dma_wait3A_834 = tpu.memref_slice %arg4[%add3A_801, %dma_wait3A_833] : memref<2560x128xi32, #tpu.memory_space<hbm>> -> memref<40x128xi32, #tpu.memory_space<hbm>>
      %dma_wait3A_835 = arith.constant 0 : i32
      %dma_wait3A_836 = tpu.memref_slice %arg4[%add3A_801, %dma_wait3A_835] : memref<2560x128xi32, #tpu.memory_space<hbm>> -> memref<40x128xi32, #tpu.memory_space<hbm>>
      tpu.wait_dma2 semaphore(%run_scoped3A : memref<!tpu.dma_semaphore, #tpu.memory_space<semaphore_mem>>) src(%dma_wait3A_836 : memref<40x128xi32, #tpu.memory_space<hbm>>) dst(%arg7 : memref<40x128xi32, #tpu.memory_space<vmem>>)
      tpu.yield
    }) : () -> ()
    %dma_start3A_802 = arith.constant 0 : i32
    %dma_start3A_803 = arith.constant 0 : i32
    %dma_start3A_804 = tpu.memref_slice %arg6[%dma_start3A_802, %dma_start3A_803] : memref<40x128xi32, #tpu.memory_space<vmem>> -> memref<1x128xi32, #tpu.memory_space<vmem>>
    %dma_start3A_805 = tpu.memref_squeeze %dma_start3A_804 : memref<1x128xi32, #tpu.memory_space<vmem>> -> memref<128xi32, #tpu.memory_space<vmem>>
    %dma_start3A_806 = arith.constant 0 : i32
    %dma_start3A_807 = arith.constant 0 : i32
    %dma_start3A_808 = tpu.memref_slice %arg2[%dma_start3A_806, %dma_start3A_807] : memref<10000x128xf32, #tpu.memory_space<hbm>> -> memref<10000x128xf32, #tpu.memory_space<hbm>>
    tpu.enqueue_indirect_dma source(%dma_start3A_808 : memref<10000x128xf32, #tpu.memory_space<hbm>>) target(%arg8 : memref<128x128xf32, #tpu.memory_space<vmem>>) offsets(%dma_start3A_805 : memref<128xi32, #tpu.memory_space<vmem>>) semaphore(%arg12 : memref<!tpu.dma_semaphore, #tpu.memory_space<semaphore_mem>>)
    %scan3A_809 = arith.constant 0 : i32
    %scan3A_810 = arith.constant 0 : i32
    %scan3A_811 = arith.constant 20 : i32
    %scan3A_812 = arith.addi %scan3A_810, %scan3A_811 : i32
    %scan3A_813 = arith.constant 1 : i32
    scf.for %scan3A_829 = %scan3A_810 to %scan3A_812 step %scan3A_813  : i32 {
      %mul3A_830 = arith.constant 2 : i32
      %mul3A_831 = arith.muli %mul3A_830, %scan3A_829 : i32
      %add3A_832 = arith.constant 1 : i32
      %add3A_833 = arith.addi %mul3A_831, %add3A_832 : i32
      %dma_start3A_834 = arith.constant 0 : i32
      %dma_start3A_835 = tpu.memref_slice %arg6[%add3A_833, %dma_start3A_834] : memref<40x128xi32, #tpu.memory_space<vmem>> -> memref<1x128xi32, #tpu.memory_space<vmem>>
      %dma_start3A_836 = tpu.memref_squeeze %dma_start3A_835 : memref<1x128xi32, #tpu.memory_space<vmem>> -> memref<128xi32, #tpu.memory_space<vmem>>
      %dma_start3A_837 = arith.constant 0 : i32
      %dma_start3A_838 = arith.constant 0 : i32
      %dma_start3A_839 = tpu.memref_slice %arg2[%dma_start3A_837, %dma_start3A_838] : memref<10000x128xf32, #tpu.memory_space<hbm>> -> memref<10000x128xf32, #tpu.memory_space<hbm>>
      tpu.enqueue_indirect_dma source(%dma_start3A_839 : memref<10000x128xf32, #tpu.memory_space<hbm>>) target(%arg9 : memref<128x128xf32, #tpu.memory_space<vmem>>) offsets(%dma_start3A_836 : memref<128xi32, #tpu.memory_space<vmem>>) semaphore(%arg13 : memref<!tpu.dma_semaphore, #tpu.memory_space<semaphore_mem>>)
      %dma_wait3A_840 = arith.constant 0 : i32
      %dma_wait3A_841 = tpu.memref_slice %arg6[%mul3A_831, %dma_wait3A_840] : memref<40x128xi32, #tpu.memory_space<vmem>> -> memref<1x128xi32, #tpu.memory_space<vmem>>
      %dma_wait3A_842 = tpu.memref_squeeze %dma_wait3A_841 : memref<1x128xi32, #tpu.memory_space<vmem>> -> memref<128xi32, #tpu.memory_space<vmem>>
      %dma_wait3A_843 = arith.constant 0 : i32
      %dma_wait3A_844 = arith.constant 0 : i32
      %dma_wait3A_845 = tpu.memref_slice %arg2[%dma_wait3A_843, %dma_wait3A_844] : memref<10000x128xf32, #tpu.memory_space<hbm>> -> memref<10000x128xf32, #tpu.memory_space<hbm>>
      tpu.wait_indirect_dma semaphore(%arg12 : memref<!tpu.dma_semaphore, #tpu.memory_space<semaphore_mem>>) src(%dma_wait3A_845 : memref<10000x128xf32, #tpu.memory_space<hbm>>) dst(%arg8 : memref<128x128xf32, #tpu.memory_space<vmem>>)
      "tpu.region"() ({
        %run_scoped3A = tpu.sem_alloc : memref<!tpu.dma_semaphore, #tpu.memory_space<semaphore_mem>>
        %dma_start3A_863 = arith.constant 0 : i32
        %dma_start3A_864 = tpu.memref_slice %arg7[%mul3A_831, %dma_start3A_863] : memref<40x128xi32, #tpu.memory_space<vmem>> -> memref<1x128xi32, #tpu.memory_space<vmem>>
        %dma_start3A_865 = tpu.memref_squeeze %dma_start3A_864 : memref<1x128xi32, #tpu.memory_space<vmem>> -> memref<128xi32, #tpu.memory_space<vmem>>
        %dma_start3A_866 = arith.constant 0 : i32
        %dma_start3A_867 = arith.constant 0 : i32
        %dma_start3A_868 = tpu.memref_slice %arg11[%dma_start3A_866, %dma_start3A_867] : memref<10240x128xf32, #tpu.memory_space<vmem_shared>> -> memref<10240x128xf32, #tpu.memory_space<vmem_shared>>
        tpu.enqueue_indirect_dma source(%arg8 : memref<128x128xf32, #tpu.memory_space<vmem>>) target(%dma_start3A_868 : memref<10240x128xf32, #tpu.memory_space<vmem_shared>>) offsets(%dma_start3A_865 : memref<128xi32, #tpu.memory_space<vmem>>) semaphore(%run_scoped3A : memref<!tpu.dma_semaphore, #tpu.memory_space<semaphore_mem>>) {add = true}
        %dma_wait3A_869 = arith.constant 0 : i32
        %dma_wait3A_870 = tpu.memref_slice %arg7[%mul3A_831, %dma_wait3A_869] : memref<40x128xi32, #tpu.memory_space<vmem>> -> memref<1x128xi32, #tpu.memory_space<vmem>>
        %dma_wait3A_871 = tpu.memref_squeeze %dma_wait3A_870 : memref<1x128xi32, #tpu.memory_space<vmem>> -> memref<128xi32, #tpu.memory_space<vmem>>
        %dma_wait3A_872 = arith.constant 0 : i32
        %dma_wait3A_873 = arith.constant 0 : i32
        %dma_wait3A_874 = tpu.memref_slice %arg11[%dma_wait3A_872, %dma_wait3A_873] : memref<10240x128xf32, #tpu.memory_space<vmem_shared>> -> memref<10240x128xf32, #tpu.memory_space<vmem_shared>>
        tpu.wait_indirect_dma semaphore(%run_scoped3A : memref<!tpu.dma_semaphore, #tpu.memory_space<semaphore_mem>>) src(%arg8 : memref<128x128xf32, #tpu.memory_space<vmem>>) dst(%dma_wait3A_874 : memref<10240x128xf32, #tpu.memory_space<vmem_shared>>)
        tpu.yield
      }) : () -> ()
      %add3A_846 = arith.constant 2 : i32
      %add3A_847 = arith.addi %mul3A_831, %add3A_846 : i32
      %min3A = arith.constant 39 : i32
      %min3A_848 = arith.minsi %add3A_847, %min3A : i32
      %dma_start3A_849 = arith.constant 0 : i32
      %dma_start3A_850 = tpu.memref_slice %arg6[%min3A_848, %dma_start3A_849] : memref<40x128xi32, #tpu.memory_space<vmem>> -> memref<1x128xi32, #tpu.memory_space<vmem>>
      %dma_start3A_851 = tpu.memref_squeeze %dma_start3A_850 : memref<1x128xi32, #tpu.memory_space<vmem>> -> memref<128xi32, #tpu.memory_space<vmem>>
      %dma_start3A_852 = arith.constant 0 : i32
      %dma_start3A_853 = arith.constant 0 : i32
      %dma_start3A_854 = tpu.memref_slice %arg2[%dma_start3A_852, %dma_start3A_853] : memref<10000x128xf32, #tpu.memory_space<hbm>> -> memref<10000x128xf32, #tpu.memory_space<hbm>>
      tpu.enqueue_indirect_dma source(%dma_start3A_854 : memref<10000x128xf32, #tpu.memory_space<hbm>>) target(%arg8 : memref<128x128xf32, #tpu.memory_space<vmem>>) offsets(%dma_start3A_851 : memref<128xi32, #tpu.memory_space<vmem>>) semaphore(%arg12 : memref<!tpu.dma_semaphore, #tpu.memory_space<semaphore_mem>>)
      %dma_wait3A_855 = arith.constant 0 : i32
      %dma_wait3A_856 = tpu.memref_slice %arg6[%mul3A_831, %dma_wait3A_855] : memref<40x128xi32, #tpu.memory_space<vmem>> -> memref<1x128xi32, #tpu.memory_space<vmem>>
      %dma_wait3A_857 = tpu.memref_squeeze %dma_wait3A_856 : memref<1x128xi32, #tpu.memory_space<vmem>> -> memref<128xi32, #tpu.memory_space<vmem>>
      %dma_wait3A_858 = arith.constant 0 : i32
      %dma_wait3A_859 = arith.constant 0 : i32
      %dma_wait3A_860 = tpu.memref_slice %arg2[%dma_wait3A_858, %dma_wait3A_859] : memref<10000x128xf32, #tpu.memory_space<hbm>> -> memref<10000x128xf32, #tpu.memory_space<hbm>>
      tpu.wait_indirect_dma semaphore(%arg13 : memref<!tpu.dma_semaphore, #tpu.memory_space<semaphore_mem>>) src(%dma_wait3A_860 : memref<10000x128xf32, #tpu.memory_space<hbm>>) dst(%arg9 : memref<128x128xf32, #tpu.memory_space<vmem>>)
      %add3A_861 = arith.constant 1 : i32
      %add3A_862 = arith.addi %mul3A_831, %add3A_861 : i32
      "tpu.region"() ({
        %run_scoped3A = tpu.sem_alloc : memref<!tpu.dma_semaphore, #tpu.memory_space<semaphore_mem>>
        %dma_start3A_863 = arith.constant 0 : i32
        %dma_start3A_864 = tpu.memref_slice %arg7[%add3A_862, %dma_start3A_863] : memref<40x128xi32, #tpu.memory_space<vmem>> -> memref<1x128xi32, #tpu.memory_space<vmem>>
        %dma_start3A_865 = tpu.memref_squeeze %dma_start3A_864 : memref<1x128xi32, #tpu.memory_space<vmem>> -> memref<128xi32, #tpu.memory_space<vmem>>
        %dma_start3A_866 = arith.constant 0 : i32
        %dma_start3A_867 = arith.constant 0 : i32
        %dma_start3A_868 = tpu.memref_slice %arg11[%dma_start3A_866, %dma_start3A_867] : memref<10240x128xf32, #tpu.memory_space<vmem_shared>> -> memref<10240x128xf32, #tpu.memory_space<vmem_shared>>
        tpu.enqueue_indirect_dma source(%arg9 : memref<128x128xf32, #tpu.memory_space<vmem>>) target(%dma_start3A_868 : memref<10240x128xf32, #tpu.memory_space<vmem_shared>>) offsets(%dma_start3A_865 : memref<128xi32, #tpu.memory_space<vmem>>) semaphore(%run_scoped3A : memref<!tpu.dma_semaphore, #tpu.memory_space<semaphore_mem>>) {add = true}
        %dma_wait3A_869 = arith.constant 0 : i32
        %dma_wait3A_870 = tpu.memref_slice %arg7[%add3A_862, %dma_wait3A_869] : memref<40x128xi32, #tpu.memory_space<vmem>> -> memref<1x128xi32, #tpu.memory_space<vmem>>
        %dma_wait3A_871 = tpu.memref_squeeze %dma_wait3A_870 : memref<1x128xi32, #tpu.memory_space<vmem>> -> memref<128xi32, #tpu.memory_space<vmem>>
        %dma_wait3A_872 = arith.constant 0 : i32
        %dma_wait3A_873 = arith.constant 0 : i32
        %dma_wait3A_874 = tpu.memref_slice %arg11[%dma_wait3A_872, %dma_wait3A_873] : memref<10240x128xf32, #tpu.memory_space<vmem_shared>> -> memref<10240x128xf32, #tpu.memory_space<vmem_shared>>
        tpu.wait_indirect_dma semaphore(%run_scoped3A : memref<!tpu.dma_semaphore, #tpu.memory_space<semaphore_mem>>) src(%arg9 : memref<128x128xf32, #tpu.memory_space<vmem>>) dst(%dma_wait3A_874 : memref<10240x128xf32, #tpu.memory_space<vmem_shared>>)
        tpu.yield
      }) : () -> ()
    }
    %scan3A_814 = arith.constant 20 : i32
    %dma_wait3A_815 = arith.constant 0 : i32
    %dma_wait3A_816 = arith.constant 0 : i32
    %dma_wait3A_817 = tpu.memref_slice %arg6[%dma_wait3A_815, %dma_wait3A_816] : memref<40x128xi32, #tpu.memory_space<vmem>> -> memref<1x128xi32, #tpu.memory_space<vmem>>
    %dma_wait3A_818 = tpu.memref_squeeze %dma_wait3A_817 : memref<1x128xi32, #tpu.memory_space<vmem>> -> memref<128xi32, #tpu.memory_space<vmem>>
    %dma_wait3A_819 = arith.constant 0 : i32
    %dma_wait3A_820 = arith.constant 0 : i32
    %dma_wait3A_821 = tpu.memref_slice %arg2[%dma_wait3A_819, %dma_wait3A_820] : memref<10000x128xf32, #tpu.memory_space<hbm>> -> memref<10000x128xf32, #tpu.memory_space<hbm>>
    tpu.wait_indirect_dma semaphore(%arg12 : memref<!tpu.dma_semaphore, #tpu.memory_space<semaphore_mem>>) src(%dma_wait3A_821 : memref<10000x128xf32, #tpu.memory_space<hbm>>) dst(%arg8 : memref<128x128xf32, #tpu.memory_space<vmem>>)
    %barrier3A_822 = arith.constant 0 : index
    tpu.barrier barrier_id(%barrier3A_822)
    %lt3A = arith.constant 15 : i32
    %lt3A_823 = arith.cmpi slt, %arg1, %lt3A : i32
    %convert_element_type3A = arith.extui %lt3A_823 : i1 to i32
    %cond3A = arith.constant 0 : i32
    %cond3A_824 = arith.cmpi ne, %convert_element_type3A, %cond3A : i32
    scf.if %cond3A_824 {
      %mul3A_829 = arith.constant 632 : i32
      %mul3A_830 = arith.muli %arg1, %mul3A_829 : i32
      %mul3A_831 = arith.constant 632 : i32
      %mul3A_832 = arith.muli %arg1, %mul3A_831 : i32
      "tpu.region"() ({
        %run_scoped3A = tpu.sem_alloc : memref<!tpu.dma_semaphore, #tpu.memory_space<semaphore_mem>>
        %dma_start3A_833 = arith.constant 0 : i32
        %dma_start3A_834 = tpu.memref_slice %arg5[%arg0, %mul3A_832, %dma_start3A_833] : memref<2x10000x128xf32, #tpu.memory_space<hbm>> -> memref<1x632x128xf32, #tpu.memory_space<hbm>>
        %dma_start3A_835 = tpu.memref_squeeze %dma_start3A_834 : memref<1x632x128xf32, #tpu.memory_space<hbm>> -> memref<632x128xf32, #tpu.memory_space<hbm>>
        %dma_start3A_836 = arith.constant 0 : i32
        %dma_start3A_837 = tpu.memref_slice %arg11[%mul3A_830, %dma_start3A_836] : memref<10240x128xf32, #tpu.memory_space<vmem_shared>> -> memref<632x128xf32, #tpu.memory_space<vmem_shared>>
        tpu.enqueue_dma source(%dma_start3A_837 : memref<632x128xf32, #tpu.memory_space<vmem_shared>>) target(%dma_start3A_835 : memref<632x128xf32, #tpu.memory_space<hbm>>) target_semaphore(%run_scoped3A : memref<!tpu.dma_semaphore, #tpu.memory_space<semaphore_mem>>)
        %dma_wait3A_838 = arith.constant 0 : i32
        %dma_wait3A_839 = tpu.memref_slice %arg5[%arg0, %mul3A_832, %dma_wait3A_838] : memref<2x10000x128xf32, #tpu.memory_space<hbm>> -> memref<1x632x128xf32, #tpu.memory_space<hbm>>
        %dma_wait3A_840 = tpu.memref_squeeze %dma_wait3A_839 : memref<1x632x128xf32, #tpu.memory_space<hbm>> -> memref<632x128xf32, #tpu.memory_space<hbm>>
        %dma_wait3A_841 = arith.constant 0 : i32
        %dma_wait3A_842 = tpu.memref_slice %arg11[%mul3A_830, %dma_wait3A_841] : memref<10240x128xf32, #tpu.memory_space<vmem_shared>> -> memref<632x128xf32, #tpu.memory_space<vmem_shared>>
        tpu.wait_dma2 semaphore(%run_scoped3A : memref<!tpu.dma_semaphore, #tpu.memory_space<semaphore_mem>>) src(%dma_wait3A_842 : memref<632x128xf32, #tpu.memory_space<vmem_shared>>) dst(%dma_wait3A_840 : memref<632x128xf32, #tpu.memory_space<hbm>>)
        tpu.yield
      }) : () -> ()
    } else {
    }
    %eq3A = arith.constant 15 : i32
    %eq3A_825 = arith.cmpi eq, %arg1, %eq3A : i32
    %convert_element_type3A_826 = arith.extui %eq3A_825 : i1 to i32
    %cond3A_827 = arith.constant 0 : i32
    %cond3A_828 = arith.cmpi ne, %convert_element_type3A_826, %cond3A_827 : i32
    scf.if %cond3A_828 {
      "tpu.region"() ({
        %run_scoped3A = tpu.sem_alloc : memref<!tpu.dma_semaphore, #tpu.memory_space<semaphore_mem>>
        %dma_start3A_829 = arith.constant 9480 : i32
        %dma_start3A_830 = arith.constant 0 : i32
        %dma_start3A_831 = tpu.memref_slice %arg5[%arg0, %dma_start3A_829, %dma_start3A_830] : memref<2x10000x128xf32, #tpu.memory_space<hbm>> -> memref<1x520x128xf32, #tpu.memory_space<hbm>>
        %dma_start3A_832 = tpu.memref_squeeze %dma_start3A_831 : memref<1x520x128xf32, #tpu.memory_space<hbm>> -> memref<520x128xf32, #tpu.memory_space<hbm>>
        %dma_start3A_833 = arith.constant 9480 : i32
        %dma_start3A_834 = arith.constant 0 : i32
        %dma_start3A_835 = tpu.memref_slice %arg11[%dma_start3A_833, %dma_start3A_834] : memref<10240x128xf32, #tpu.memory_space<vmem_shared>> -> memref<520x128xf32, #tpu.memory_space<vmem_shared>>
        tpu.enqueue_dma source(%dma_start3A_835 : memref<520x128xf32, #tpu.memory_space<vmem_shared>>) target(%dma_start3A_832 : memref<520x128xf32, #tpu.memory_space<hbm>>) target_semaphore(%run_scoped3A : memref<!tpu.dma_semaphore, #tpu.memory_space<semaphore_mem>>)
        %dma_wait3A_836 = arith.constant 9480 : i32
        %dma_wait3A_837 = arith.constant 0 : i32
        %dma_wait3A_838 = tpu.memref_slice %arg5[%arg0, %dma_wait3A_836, %dma_wait3A_837] : memref<2x10000x128xf32, #tpu.memory_space<hbm>> -> memref<1x520x128xf32, #tpu.memory_space<hbm>>
        %dma_wait3A_839 = tpu.memref_squeeze %dma_wait3A_838 : memref<1x520x128xf32, #tpu.memory_space<hbm>> -> memref<520x128xf32, #tpu.memory_space<hbm>>
        %dma_wait3A_840 = arith.constant 9480 : i32
        %dma_wait3A_841 = arith.constant 0 : i32
        %dma_wait3A_842 = tpu.memref_slice %arg11[%dma_wait3A_840, %dma_wait3A_841] : memref<10240x128xf32, #tpu.memory_space<vmem_shared>> -> memref<520x128xf32, #tpu.memory_space<vmem_shared>>
        tpu.wait_dma2 semaphore(%run_scoped3A : memref<!tpu.dma_semaphore, #tpu.memory_space<semaphore_mem>>) src(%dma_wait3A_842 : memref<520x128xf32, #tpu.memory_space<vmem_shared>>) dst(%dma_wait3A_839 : memref<520x128xf32, #tpu.memory_space<hbm>>)
        tpu.yield
      }) : () -> ()
    } else {
    }
    return
  }
}

#map = affine_map<(d0, d1) -> (0, 0)>
#map1 = affine_map<(d0, d1) -> (0, 0, 0)>
module attributes {stable_mosaic.version = 14 : i64} {
  func.func @_agg_body(%arg0: i32, %arg1: i32, %arg2: memref<10000x128xf32, #tpu.memory_space<hbm>>, %arg3: memref<2560x128xi32, #tpu.memory_space<hbm>>, %arg4: memref<2560x128xi32, #tpu.memory_space<hbm>>, %arg5: memref<2x10000x128xf32, #tpu.memory_space<hbm>>, %arg6: memref<40x128xi32, #tpu.memory_space<vmem>>, %arg7: memref<40x128xi32, #tpu.memory_space<vmem>>, %arg8: memref<128x128xf32, #tpu.memory_space<vmem>>, %arg9: memref<128x128xf32, #tpu.memory_space<vmem>>, %arg10: memref<16x128xf32, #tpu.memory_space<vmem>>, %arg11: memref<10240x128xf32, #tpu.memory_space<vmem_shared>>, %arg12: memref<!tpu.dma_semaphore, #tpu.memory_space<semaphore_mem>>, %arg13: memref<!tpu.dma_semaphore, #tpu.memory_space<semaphore_mem>>) attributes {dimension_semantics = [#tpu.dimension_semantics<core_parallel>, #tpu.dimension_semantics<subcore_parallel>], iteration_bounds = array<i64: 2, 16>, scalar_prefetch = 0 : i64, scratch_operands = 8 : i64, tpu.core_type = #tpu.core_type<sc_vector_subcore>, window_params = [{transform_indices = #map}, {transform_indices = #map}, {transform_indices = #map}, {transform_indices = #map1}]} {
    %mul3A = arith.constant 16 : i32
    %mul3A_0 = arith.muli %arg0, %mul3A : i32
    %add3A = arith.addi %mul3A_0, %arg1 : i32
    %broadcast_in_dim3A = arith.constant 0.000000e+00 : f32
    %broadcast_in_dim3A_1 = vector.broadcast %broadcast_in_dim3A : f32 to vector<16xf32>
    %swap3A = arith.constant 0 : i32
    %swap3A_2 = arith.index_cast %swap3A : i32 to index
    %swap3A_3 = arith.constant 0 : index
    %swap3A_4 = tpu.vector_load %arg10[%swap3A_2, %swap3A_3] {strides = array<i32>} : memref<16x128xf32, #tpu.memory_space<vmem>>, vector<1x16xf32>,
    %swap3A_5 = vector.shape_cast %swap3A_4 : vector<1x16xf32> to vector<16xf32>
    %swap3A_6 = vector.shape_cast %broadcast_in_dim3A_1 : vector<16xf32> to vector<1x16xf32>
    tpu.vector_store %arg10[%swap3A_2, %swap3A_3], %swap3A_6 {strides = array<i32>} : memref<16x128xf32, #tpu.memory_space<vmem>>, vector<1x16xf32>,
    %swap3A_7 = arith.constant 0 : i32
    %swap3A_8 = arith.index_cast %swap3A_7 : i32 to index
    %swap3A_9 = arith.constant 16 : index
    %swap3A_10 = tpu.vector_load %arg10[%swap3A_8, %swap3A_9] {strides = array<i32>} : memref<16x128xf32, #tpu.memory_space<vmem>>, vector<1x16xf32>,
    %swap3A_11 = vector.shape_cast %swap3A_10 : vector<1x16xf32> to vector<16xf32>
    %swap3A_12 = vector.shape_cast %broadcast_in_dim3A_1 : vector<16xf32> to vector<1x16xf32>
    tpu.vector_store %arg10[%swap3A_8, %swap3A_9], %swap3A_12 {strides = array<i32>} : memref<16x128xf32, #tpu.memory_space<vmem>>, vector<1x16xf32>,
    %swap3A_13 = arith.constant 0 : i32
    %swap3A_14 = arith.index_cast %swap3A_13 : i32 to index
    %swap3A_15 = arith.constant 32 : index
    %swap3A_16 = tpu.vector_load %arg10[%swap3A_14, %swap3A_15] {strides = array<i32>} : memref<16x128xf32, #tpu.memory_space<vmem>>, vector<1x16xf32>,
    %swap3A_17 = vector.shape_cast %swap3A_16 : vector<1x16xf32> to vector<16xf32>
    %swap3A_18 = vector.shape_cast %broadcast_in_dim3A_1 : vector<16xf32> to vector<1x16xf32>
    tpu.vector_store %arg10[%swap3A_14, %swap3A_15], %swap3A_18 {strides = array<i32>} : memref<16x128xf32, #tpu.memory_space<vmem>>, vector<1x16xf32>,
    %swap3A_19 = arith.constant 0 : i32
    %swap3A_20 = arith.index_cast %swap3A_19 : i32 to index
    %swap3A_21 = arith.constant 48 : index
    %swap3A_22 = tpu.vector_load %arg10[%swap3A_20, %swap3A_21] {strides = array<i32>} : memref<16x128xf32, #tpu.memory_space<vmem>>, vector<1x16xf32>,
    %swap3A_23 = vector.shape_cast %swap3A_22 : vector<1x16xf32> to vector<16xf32>
    %swap3A_24 = vector.shape_cast %broadcast_in_dim3A_1 : vector<16xf32> to vector<1x16xf32>
    tpu.vector_store %arg10[%swap3A_20, %swap3A_21], %swap3A_24 {strides = array<i32>} : memref<16x128xf32, #tpu.memory_space<vmem>>, vector<1x16xf32>,
    %swap3A_25 = arith.constant 0 : i32
    %swap3A_26 = arith.index_cast %swap3A_25 : i32 to index
    %swap3A_27 = arith.constant 64 : index
    %swap3A_28 = tpu.vector_load %arg10[%swap3A_26, %swap3A_27] {strides = array<i32>} : memref<16x128xf32, #tpu.memory_space<vmem>>, vector<1x16xf32>,
    %swap3A_29 = vector.shape_cast %swap3A_28 : vector<1x16xf32> to vector<16xf32>
    %swap3A_30 = vector.shape_cast %broadcast_in_dim3A_1 : vector<16xf32> to vector<1x16xf32>
    tpu.vector_store %arg10[%swap3A_26, %swap3A_27], %swap3A_30 {strides = array<i32>} : memref<16x128xf32, #tpu.memory_space<vmem>>, vector<1x16xf32>,
    %swap3A_31 = arith.constant 0 : i32
    %swap3A_32 = arith.index_cast %swap3A_31 : i32 to index
    %swap3A_33 = arith.constant 80 : index
    %swap3A_34 = tpu.vector_load %arg10[%swap3A_32, %swap3A_33] {strides = array<i32>} : memref<16x128xf32, #tpu.memory_space<vmem>>, vector<1x16xf32>,
    %swap3A_35 = vector.shape_cast %swap3A_34 : vector<1x16xf32> to vector<16xf32>
    %swap3A_36 = vector.shape_cast %broadcast_in_dim3A_1 : vector<16xf32> to vector<1x16xf32>
    tpu.vector_store %arg10[%swap3A_32, %swap3A_33], %swap3A_36 {strides = array<i32>} : memref<16x128xf32, #tpu.memory_space<vmem>>, vector<1x16xf32>,
    %swap3A_37 = arith.constant 0 : i32
    %swap3A_38 = arith.index_cast %swap3A_37 : i32 to index
    %swap3A_39 = arith.constant 96 : index
    %swap3A_40 = tpu.vector_load %arg10[%swap3A_38, %swap3A_39] {strides = array<i32>} : memref<16x128xf32, #tpu.memory_space<vmem>>, vector<1x16xf32>,
    %swap3A_41 = vector.shape_cast %swap3A_40 : vector<1x16xf32> to vector<16xf32>
    %swap3A_42 = vector.shape_cast %broadcast_in_dim3A_1 : vector<16xf32> to vector<1x16xf32>
    tpu.vector_store %arg10[%swap3A_38, %swap3A_39], %swap3A_42 {strides = array<i32>} : memref<16x128xf32, #tpu.memory_space<vmem>>, vector<1x16xf32>,
    %swap3A_43 = arith.constant 0 : i32
    %swap3A_44 = arith.index_cast %swap3A_43 : i32 to index
    %swap3A_45 = arith.constant 112 : index
    %swap3A_46 = tpu.vector_load %arg10[%swap3A_44, %swap3A_45] {strides = array<i32>} : memref<16x128xf32, #tpu.memory_space<vmem>>, vector<1x16xf32>,
    %swap3A_47 = vector.shape_cast %swap3A_46 : vector<1x16xf32> to vector<16xf32>
    %swap3A_48 = vector.shape_cast %broadcast_in_dim3A_1 : vector<16xf32> to vector<1x16xf32>
    tpu.vector_store %arg10[%swap3A_44, %swap3A_45], %swap3A_48 {strides = array<i32>} : memref<16x128xf32, #tpu.memory_space<vmem>>, vector<1x16xf32>,
    %swap3A_49 = arith.constant 1 : i32
    %swap3A_50 = arith.index_cast %swap3A_49 : i32 to index
    %swap3A_51 = arith.constant 0 : index
    %swap3A_52 = tpu.vector_load %arg10[%swap3A_50, %swap3A_51] {strides = array<i32>} : memref<16x128xf32, #tpu.memory_space<vmem>>, vector<1x16xf32>,
    %swap3A_53 = vector.shape_cast %swap3A_52 : vector<1x16xf32> to vector<16xf32>
    %swap3A_54 = vector.shape_cast %broadcast_in_dim3A_1 : vector<16xf32> to vector<1x16xf32>
    tpu.vector_store %arg10[%swap3A_50, %swap3A_51], %swap3A_54 {strides = array<i32>} : memref<16x128xf32, #tpu.memory_space<vmem>>, vector<1x16xf32>,
    %swap3A_55 = arith.constant 1 : i32
    %swap3A_56 = arith.index_cast %swap3A_55 : i32 to index
    %swap3A_57 = arith.constant 16 : index
    %swap3A_58 = tpu.vector_load %arg10[%swap3A_56, %swap3A_57] {strides = array<i32>} : memref<16x128xf32, #tpu.memory_space<vmem>>, vector<1x16xf32>,
    %swap3A_59 = vector.shape_cast %swap3A_58 : vector<1x16xf32> to vector<16xf32>
    %swap3A_60 = vector.shape_cast %broadcast_in_dim3A_1 : vector<16xf32> to vector<1x16xf32>
    tpu.vector_store %arg10[%swap3A_56, %swap3A_57], %swap3A_60 {strides = array<i32>} : memref<16x128xf32, #tpu.memory_space<vmem>>, vector<1x16xf32>,
    %swap3A_61 = arith.constant 1 : i32
    %swap3A_62 = arith.index_cast %swap3A_61 : i32 to index
    %swap3A_63 = arith.constant 32 : index
    %swap3A_64 = tpu.vector_load %arg10[%swap3A_62, %swap3A_63] {strides = array<i32>} : memref<16x128xf32, #tpu.memory_space<vmem>>, vector<1x16xf32>,
    %swap3A_65 = vector.shape_cast %swap3A_64 : vector<1x16xf32> to vector<16xf32>
    %swap3A_66 = vector.shape_cast %broadcast_in_dim3A_1 : vector<16xf32> to vector<1x16xf32>
    tpu.vector_store %arg10[%swap3A_62, %swap3A_63], %swap3A_66 {strides = array<i32>} : memref<16x128xf32, #tpu.memory_space<vmem>>, vector<1x16xf32>,
    %swap3A_67 = arith.constant 1 : i32
    %swap3A_68 = arith.index_cast %swap3A_67 : i32 to index
    %swap3A_69 = arith.constant 48 : index
    %swap3A_70 = tpu.vector_load %arg10[%swap3A_68, %swap3A_69] {strides = array<i32>} : memref<16x128xf32, #tpu.memory_space<vmem>>, vector<1x16xf32>,
    %swap3A_71 = vector.shape_cast %swap3A_70 : vector<1x16xf32> to vector<16xf32>
    %swap3A_72 = vector.shape_cast %broadcast_in_dim3A_1 : vector<16xf32> to vector<1x16xf32>
    tpu.vector_store %arg10[%swap3A_68, %swap3A_69], %swap3A_72 {strides = array<i32>} : memref<16x128xf32, #tpu.memory_space<vmem>>, vector<1x16xf32>,
    %swap3A_73 = arith.constant 1 : i32
    %swap3A_74 = arith.index_cast %swap3A_73 : i32 to index
    %swap3A_75 = arith.constant 64 : index
    %swap3A_76 = tpu.vector_load %arg10[%swap3A_74, %swap3A_75] {strides = array<i32>} : memref<16x128xf32, #tpu.memory_space<vmem>>, vector<1x16xf32>,
    %swap3A_77 = vector.shape_cast %swap3A_76 : vector<1x16xf32> to vector<16xf32>
    %swap3A_78 = vector.shape_cast %broadcast_in_dim3A_1 : vector<16xf32> to vector<1x16xf32>
    tpu.vector_store %arg10[%swap3A_74, %swap3A_75], %swap3A_78 {strides = array<i32>} : memref<16x128xf32, #tpu.memory_space<vmem>>, vector<1x16xf32>,
    %swap3A_79 = arith.constant 1 : i32
    %swap3A_80 = arith.index_cast %swap3A_79 : i32 to index
    %swap3A_81 = arith.constant 80 : index
    %swap3A_82 = tpu.vector_load %arg10[%swap3A_80, %swap3A_81] {strides = array<i32>} : memref<16x128xf32, #tpu.memory_space<vmem>>, vector<1x16xf32>,
    %swap3A_83 = vector.shape_cast %swap3A_82 : vector<1x16xf32> to vector<16xf32>
    %swap3A_84 = vector.shape_cast %broadcast_in_dim3A_1 : vector<16xf32> to vector<1x16xf32>
    tpu.vector_store %arg10[%swap3A_80, %swap3A_81], %swap3A_84 {strides = array<i32>} : memref<16x128xf32, #tpu.memory_space<vmem>>, vector<1x16xf32>,
    %swap3A_85 = arith.constant 1 : i32
    %swap3A_86 = arith.index_cast %swap3A_85 : i32 to index
    %swap3A_87 = arith.constant 96 : index
    %swap3A_88 = tpu.vector_load %arg10[%swap3A_86, %swap3A_87] {strides = array<i32>} : memref<16x128xf32, #tpu.memory_space<vmem>>, vector<1x16xf32>,
    %swap3A_89 = vector.shape_cast %swap3A_88 : vector<1x16xf32> to vector<16xf32>
    %swap3A_90 = vector.shape_cast %broadcast_in_dim3A_1 : vector<16xf32> to vector<1x16xf32>
    tpu.vector_store %arg10[%swap3A_86, %swap3A_87], %swap3A_90 {strides = array<i32>} : memref<16x128xf32, #tpu.memory_space<vmem>>, vector<1x16xf32>,
    %swap3A_91 = arith.constant 1 : i32
    %swap3A_92 = arith.index_cast %swap3A_91 : i32 to index
    %swap3A_93 = arith.constant 112 : index
    %swap3A_94 = tpu.vector_load %arg10[%swap3A_92, %swap3A_93] {strides = array<i32>} : memref<16x128xf32, #tpu.memory_space<vmem>>, vector<1x16xf32>,
    %swap3A_95 = vector.shape_cast %swap3A_94 : vector<1x16xf32> to vector<16xf32>
    %swap3A_96 = vector.shape_cast %broadcast_in_dim3A_1 : vector<16xf32> to vector<1x16xf32>
    tpu.vector_store %arg10[%swap3A_92, %swap3A_93], %swap3A_96 {strides = array<i32>} : memref<16x128xf32, #tpu.memory_space<vmem>>, vector<1x16xf32>,
    %swap3A_97 = arith.constant 2 : i32
    %swap3A_98 = arith.index_cast %swap3A_97 : i32 to index
    %swap3A_99 = arith.constant 0 : index
    %swap3A_100 = tpu.vector_load %arg10[%swap3A_98, %swap3A_99] {strides = array<i32>} : memref<16x128xf32, #tpu.memory_space<vmem>>, vector<1x16xf32>,
    %swap3A_101 = vector.shape_cast %swap3A_100 : vector<1x16xf32> to vector<16xf32>
    %swap3A_102 = vector.shape_cast %broadcast_in_dim3A_1 : vector<16xf32> to vector<1x16xf32>
    tpu.vector_store %arg10[%swap3A_98, %swap3A_99], %swap3A_102 {strides = array<i32>} : memref<16x128xf32, #tpu.memory_space<vmem>>, vector<1x16xf32>,
    %swap3A_103 = arith.constant 2 : i32
    %swap3A_104 = arith.index_cast %swap3A_103 : i32 to index
    %swap3A_105 = arith.constant 16 : index
    %swap3A_106 = tpu.vector_load %arg10[%swap3A_104, %swap3A_105] {strides = array<i32>} : memref<16x128xf32, #tpu.memory_space<vmem>>, vector<1x16xf32>,
    %swap3A_107 = vector.shape_cast %swap3A_106 : vector<1x16xf32> to vector<16xf32>
    %swap3A_108 = vector.shape_cast %broadcast_in_dim3A_1 : vector<16xf32> to vector<1x16xf32>
    tpu.vector_store %arg10[%swap3A_104, %swap3A_105], %swap3A_108 {strides = array<i32>} : memref<16x128xf32, #tpu.memory_space<vmem>>, vector<1x16xf32>,
    %swap3A_109 = arith.constant 2 : i32
    %swap3A_110 = arith.index_cast %swap3A_109 : i32 to index
    %swap3A_111 = arith.constant 32 : index
    %swap3A_112 = tpu.vector_load %arg10[%swap3A_110, %swap3A_111] {strides = array<i32>} : memref<16x128xf32, #tpu.memory_space<vmem>>, vector<1x16xf32>,
    %swap3A_113 = vector.shape_cast %swap3A_112 : vector<1x16xf32> to vector<16xf32>
    %swap3A_114 = vector.shape_cast %broadcast_in_dim3A_1 : vector<16xf32> to vector<1x16xf32>
    tpu.vector_store %arg10[%swap3A_110, %swap3A_111], %swap3A_114 {strides = array<i32>} : memref<16x128xf32, #tpu.memory_space<vmem>>, vector<1x16xf32>,
    %swap3A_115 = arith.constant 2 : i32
    %swap3A_116 = arith.index_cast %swap3A_115 : i32 to index
    %swap3A_117 = arith.constant 48 : index
    %swap3A_118 = tpu.vector_load %arg10[%swap3A_116, %swap3A_117] {strides = array<i32>} : memref<16x128xf32, #tpu.memory_space<vmem>>, vector<1x16xf32>,
    %swap3A_119 = vector.shape_cast %swap3A_118 : vector<1x16xf32> to vector<16xf32>
    %swap3A_120 = vector.shape_cast %broadcast_in_dim3A_1 : vector<16xf32> to vector<1x16xf32>
    tpu.vector_store %arg10[%swap3A_116, %swap3A_117], %swap3A_120 {strides = array<i32>} : memref<16x128xf32, #tpu.memory_space<vmem>>, vector<1x16xf32>,
    %swap3A_121 = arith.constant 2 : i32
    %swap3A_122 = arith.index_cast %swap3A_121 : i32 to index
    %swap3A_123 = arith.constant 64 : index
    %swap3A_124 = tpu.vector_load %arg10[%swap3A_122, %swap3A_123] {strides = array<i32>} : memref<16x128xf32, #tpu.memory_space<vmem>>, vector<1x16xf32>,
    %swap3A_125 = vector.shape_cast %swap3A_124 : vector<1x16xf32> to vector<16xf32>
    %swap3A_126 = vector.shape_cast %broadcast_in_dim3A_1 : vector<16xf32> to vector<1x16xf32>
    tpu.vector_store %arg10[%swap3A_122, %swap3A_123], %swap3A_126 {strides = array<i32>} : memref<16x128xf32, #tpu.memory_space<vmem>>, vector<1x16xf32>,
    %swap3A_127 = arith.constant 2 : i32
    %swap3A_128 = arith.index_cast %swap3A_127 : i32 to index
    %swap3A_129 = arith.constant 80 : index
    %swap3A_130 = tpu.vector_load %arg10[%swap3A_128, %swap3A_129] {strides = array<i32>} : memref<16x128xf32, #tpu.memory_space<vmem>>, vector<1x16xf32>,
    %swap3A_131 = vector.shape_cast %swap3A_130 : vector<1x16xf32> to vector<16xf32>
    %swap3A_132 = vector.shape_cast %broadcast_in_dim3A_1 : vector<16xf32> to vector<1x16xf32>
    tpu.vector_store %arg10[%swap3A_128, %swap3A_129], %swap3A_132 {strides = array<i32>} : memref<16x128xf32, #tpu.memory_space<vmem>>, vector<1x16xf32>,
    %swap3A_133 = arith.constant 2 : i32
    %swap3A_134 = arith.index_cast %swap3A_133 : i32 to index
    %swap3A_135 = arith.constant 96 : index
    %swap3A_136 = tpu.vector_load %arg10[%swap3A_134, %swap3A_135] {strides = array<i32>} : memref<16x128xf32, #tpu.memory_space<vmem>>, vector<1x16xf32>,
    %swap3A_137 = vector.shape_cast %swap3A_136 : vector<1x16xf32> to vector<16xf32>
    %swap3A_138 = vector.shape_cast %broadcast_in_dim3A_1 : vector<16xf32> to vector<1x16xf32>
    tpu.vector_store %arg10[%swap3A_134, %swap3A_135], %swap3A_138 {strides = array<i32>} : memref<16x128xf32, #tpu.memory_space<vmem>>, vector<1x16xf32>,
    %swap3A_139 = arith.constant 2 : i32
    %swap3A_140 = arith.index_cast %swap3A_139 : i32 to index
    %swap3A_141 = arith.constant 112 : index
    %swap3A_142 = tpu.vector_load %arg10[%swap3A_140, %swap3A_141] {strides = array<i32>} : memref<16x128xf32, #tpu.memory_space<vmem>>, vector<1x16xf32>,
    %swap3A_143 = vector.shape_cast %swap3A_142 : vector<1x16xf32> to vector<16xf32>
    %swap3A_144 = vector.shape_cast %broadcast_in_dim3A_1 : vector<16xf32> to vector<1x16xf32>
    tpu.vector_store %arg10[%swap3A_140, %swap3A_141], %swap3A_144 {strides = array<i32>} : memref<16x128xf32, #tpu.memory_space<vmem>>, vector<1x16xf32>,
    %swap3A_145 = arith.constant 3 : i32
    %swap3A_146 = arith.index_cast %swap3A_145 : i32 to index
    %swap3A_147 = arith.constant 0 : index
    %swap3A_148 = tpu.vector_load %arg10[%swap3A_146, %swap3A_147] {strides = array<i32>} : memref<16x128xf32, #tpu.memory_space<vmem>>, vector<1x16xf32>,
    %swap3A_149 = vector.shape_cast %swap3A_148 : vector<1x16xf32> to vector<16xf32>
    %swap3A_150 = vector.shape_cast %broadcast_in_dim3A_1 : vector<16xf32> to vector<1x16xf32>
    tpu.vector_store %arg10[%swap3A_146, %swap3A_147], %swap3A_150 {strides = array<i32>} : memref<16x128xf32, #tpu.memory_space<vmem>>, vector<1x16xf32>,
    %swap3A_151 = arith.constant 3 : i32
    %swap3A_152 = arith.index_cast %swap3A_151 : i32 to index
    %swap3A_153 = arith.constant 16 : index
    %swap3A_154 = tpu.vector_load %arg10[%swap3A_152, %swap3A_153] {strides = array<i32>} : memref<16x128xf32, #tpu.memory_space<vmem>>, vector<1x16xf32>,
    %swap3A_155 = vector.shape_cast %swap3A_154 : vector<1x16xf32> to vector<16xf32>
    %swap3A_156 = vector.shape_cast %broadcast_in_dim3A_1 : vector<16xf32> to vector<1x16xf32>
    tpu.vector_store %arg10[%swap3A_152, %swap3A_153], %swap3A_156 {strides = array<i32>} : memref<16x128xf32, #tpu.memory_space<vmem>>, vector<1x16xf32>,
    %swap3A_157 = arith.constant 3 : i32
    %swap3A_158 = arith.index_cast %swap3A_157 : i32 to index
    %swap3A_159 = arith.constant 32 : index
    %swap3A_160 = tpu.vector_load %arg10[%swap3A_158, %swap3A_159] {strides = array<i32>} : memref<16x128xf32, #tpu.memory_space<vmem>>, vector<1x16xf32>,
    %swap3A_161 = vector.shape_cast %swap3A_160 : vector<1x16xf32> to vector<16xf32>
    %swap3A_162 = vector.shape_cast %broadcast_in_dim3A_1 : vector<16xf32> to vector<1x16xf32>
    tpu.vector_store %arg10[%swap3A_158, %swap3A_159], %swap3A_162 {strides = array<i32>} : memref<16x128xf32, #tpu.memory_space<vmem>>, vector<1x16xf32>,
    %swap3A_163 = arith.constant 3 : i32
    %swap3A_164 = arith.index_cast %swap3A_163 : i32 to index
    %swap3A_165 = arith.constant 48 : index
    %swap3A_166 = tpu.vector_load %arg10[%swap3A_164, %swap3A_165] {strides = array<i32>} : memref<16x128xf32, #tpu.memory_space<vmem>>, vector<1x16xf32>,
    %swap3A_167 = vector.shape_cast %swap3A_166 : vector<1x16xf32> to vector<16xf32>
    %swap3A_168 = vector.shape_cast %broadcast_in_dim3A_1 : vector<16xf32> to vector<1x16xf32>
    tpu.vector_store %arg10[%swap3A_164, %swap3A_165], %swap3A_168 {strides = array<i32>} : memref<16x128xf32, #tpu.memory_space<vmem>>, vector<1x16xf32>,
    %swap3A_169 = arith.constant 3 : i32
    %swap3A_170 = arith.index_cast %swap3A_169 : i32 to index
    %swap3A_171 = arith.constant 64 : index
    %swap3A_172 = tpu.vector_load %arg10[%swap3A_170, %swap3A_171] {strides = array<i32>} : memref<16x128xf32, #tpu.memory_space<vmem>>, vector<1x16xf32>,
    %swap3A_173 = vector.shape_cast %swap3A_172 : vector<1x16xf32> to vector<16xf32>
    %swap3A_174 = vector.shape_cast %broadcast_in_dim3A_1 : vector<16xf32> to vector<1x16xf32>
    tpu.vector_store %arg10[%swap3A_170, %swap3A_171], %swap3A_174 {strides = array<i32>} : memref<16x128xf32, #tpu.memory_space<vmem>>, vector<1x16xf32>,
    %swap3A_175 = arith.constant 3 : i32
    %swap3A_176 = arith.index_cast %swap3A_175 : i32 to index
    %swap3A_177 = arith.constant 80 : index
    %swap3A_178 = tpu.vector_load %arg10[%swap3A_176, %swap3A_177] {strides = array<i32>} : memref<16x128xf32, #tpu.memory_space<vmem>>, vector<1x16xf32>,
    %swap3A_179 = vector.shape_cast %swap3A_178 : vector<1x16xf32> to vector<16xf32>
    %swap3A_180 = vector.shape_cast %broadcast_in_dim3A_1 : vector<16xf32> to vector<1x16xf32>
    tpu.vector_store %arg10[%swap3A_176, %swap3A_177], %swap3A_180 {strides = array<i32>} : memref<16x128xf32, #tpu.memory_space<vmem>>, vector<1x16xf32>,
    %swap3A_181 = arith.constant 3 : i32
    %swap3A_182 = arith.index_cast %swap3A_181 : i32 to index
    %swap3A_183 = arith.constant 96 : index
    %swap3A_184 = tpu.vector_load %arg10[%swap3A_182, %swap3A_183] {strides = array<i32>} : memref<16x128xf32, #tpu.memory_space<vmem>>, vector<1x16xf32>,
    %swap3A_185 = vector.shape_cast %swap3A_184 : vector<1x16xf32> to vector<16xf32>
    %swap3A_186 = vector.shape_cast %broadcast_in_dim3A_1 : vector<16xf32> to vector<1x16xf32>
    tpu.vector_store %arg10[%swap3A_182, %swap3A_183], %swap3A_186 {strides = array<i32>} : memref<16x128xf32, #tpu.memory_space<vmem>>, vector<1x16xf32>,
    %swap3A_187 = arith.constant 3 : i32
    %swap3A_188 = arith.index_cast %swap3A_187 : i32 to index
    %swap3A_189 = arith.constant 112 : index
    %swap3A_190 = tpu.vector_load %arg10[%swap3A_188, %swap3A_189] {strides = array<i32>} : memref<16x128xf32, #tpu.memory_space<vmem>>, vector<1x16xf32>,
    %swap3A_191 = vector.shape_cast %swap3A_190 : vector<1x16xf32> to vector<16xf32>
    %swap3A_192 = vector.shape_cast %broadcast_in_dim3A_1 : vector<16xf32> to vector<1x16xf32>
    tpu.vector_store %arg10[%swap3A_188, %swap3A_189], %swap3A_192 {strides = array<i32>} : memref<16x128xf32, #tpu.memory_space<vmem>>, vector<1x16xf32>,
    %swap3A_193 = arith.constant 4 : i32
    %swap3A_194 = arith.index_cast %swap3A_193 : i32 to index
    %swap3A_195 = arith.constant 0 : index
    %swap3A_196 = tpu.vector_load %arg10[%swap3A_194, %swap3A_195] {strides = array<i32>} : memref<16x128xf32, #tpu.memory_space<vmem>>, vector<1x16xf32>,
    %swap3A_197 = vector.shape_cast %swap3A_196 : vector<1x16xf32> to vector<16xf32>
    %swap3A_198 = vector.shape_cast %broadcast_in_dim3A_1 : vector<16xf32> to vector<1x16xf32>
    tpu.vector_store %arg10[%swap3A_194, %swap3A_195], %swap3A_198 {strides = array<i32>} : memref<16x128xf32, #tpu.memory_space<vmem>>, vector<1x16xf32>,
    %swap3A_199 = arith.constant 4 : i32
    %swap3A_200 = arith.index_cast %swap3A_199 : i32 to index
    %swap3A_201 = arith.constant 16 : index
    %swap3A_202 = tpu.vector_load %arg10[%swap3A_200, %swap3A_201] {strides = array<i32>} : memref<16x128xf32, #tpu.memory_space<vmem>>, vector<1x16xf32>,
    %swap3A_203 = vector.shape_cast %swap3A_202 : vector<1x16xf32> to vector<16xf32>
    %swap3A_204 = vector.shape_cast %broadcast_in_dim3A_1 : vector<16xf32> to vector<1x16xf32>
    tpu.vector_store %arg10[%swap3A_200, %swap3A_201], %swap3A_204 {strides = array<i32>} : memref<16x128xf32, #tpu.memory_space<vmem>>, vector<1x16xf32>,
    %swap3A_205 = arith.constant 4 : i32
    %swap3A_206 = arith.index_cast %swap3A_205 : i32 to index
    %swap3A_207 = arith.constant 32 : index
    %swap3A_208 = tpu.vector_load %arg10[%swap3A_206, %swap3A_207] {strides = array<i32>} : memref<16x128xf32, #tpu.memory_space<vmem>>, vector<1x16xf32>,
    %swap3A_209 = vector.shape_cast %swap3A_208 : vector<1x16xf32> to vector<16xf32>
    %swap3A_210 = vector.shape_cast %broadcast_in_dim3A_1 : vector<16xf32> to vector<1x16xf32>
    tpu.vector_store %arg10[%swap3A_206, %swap3A_207], %swap3A_210 {strides = array<i32>} : memref<16x128xf32, #tpu.memory_space<vmem>>, vector<1x16xf32>,
    %swap3A_211 = arith.constant 4 : i32
    %swap3A_212 = arith.index_cast %swap3A_211 : i32 to index
    %swap3A_213 = arith.constant 48 : index
    %swap3A_214 = tpu.vector_load %arg10[%swap3A_212, %swap3A_213] {strides = array<i32>} : memref<16x128xf32, #tpu.memory_space<vmem>>, vector<1x16xf32>,
    %swap3A_215 = vector.shape_cast %swap3A_214 : vector<1x16xf32> to vector<16xf32>
    %swap3A_216 = vector.shape_cast %broadcast_in_dim3A_1 : vector<16xf32> to vector<1x16xf32>
    tpu.vector_store %arg10[%swap3A_212, %swap3A_213], %swap3A_216 {strides = array<i32>} : memref<16x128xf32, #tpu.memory_space<vmem>>, vector<1x16xf32>,
    %swap3A_217 = arith.constant 4 : i32
    %swap3A_218 = arith.index_cast %swap3A_217 : i32 to index
    %swap3A_219 = arith.constant 64 : index
    %swap3A_220 = tpu.vector_load %arg10[%swap3A_218, %swap3A_219] {strides = array<i32>} : memref<16x128xf32, #tpu.memory_space<vmem>>, vector<1x16xf32>,
    %swap3A_221 = vector.shape_cast %swap3A_220 : vector<1x16xf32> to vector<16xf32>
    %swap3A_222 = vector.shape_cast %broadcast_in_dim3A_1 : vector<16xf32> to vector<1x16xf32>
    tpu.vector_store %arg10[%swap3A_218, %swap3A_219], %swap3A_222 {strides = array<i32>} : memref<16x128xf32, #tpu.memory_space<vmem>>, vector<1x16xf32>,
    %swap3A_223 = arith.constant 4 : i32
    %swap3A_224 = arith.index_cast %swap3A_223 : i32 to index
    %swap3A_225 = arith.constant 80 : index
    %swap3A_226 = tpu.vector_load %arg10[%swap3A_224, %swap3A_225] {strides = array<i32>} : memref<16x128xf32, #tpu.memory_space<vmem>>, vector<1x16xf32>,
    %swap3A_227 = vector.shape_cast %swap3A_226 : vector<1x16xf32> to vector<16xf32>
    %swap3A_228 = vector.shape_cast %broadcast_in_dim3A_1 : vector<16xf32> to vector<1x16xf32>
    tpu.vector_store %arg10[%swap3A_224, %swap3A_225], %swap3A_228 {strides = array<i32>} : memref<16x128xf32, #tpu.memory_space<vmem>>, vector<1x16xf32>,
    %swap3A_229 = arith.constant 4 : i32
    %swap3A_230 = arith.index_cast %swap3A_229 : i32 to index
    %swap3A_231 = arith.constant 96 : index
    %swap3A_232 = tpu.vector_load %arg10[%swap3A_230, %swap3A_231] {strides = array<i32>} : memref<16x128xf32, #tpu.memory_space<vmem>>, vector<1x16xf32>,
    %swap3A_233 = vector.shape_cast %swap3A_232 : vector<1x16xf32> to vector<16xf32>
    %swap3A_234 = vector.shape_cast %broadcast_in_dim3A_1 : vector<16xf32> to vector<1x16xf32>
    tpu.vector_store %arg10[%swap3A_230, %swap3A_231], %swap3A_234 {strides = array<i32>} : memref<16x128xf32, #tpu.memory_space<vmem>>, vector<1x16xf32>,
    %swap3A_235 = arith.constant 4 : i32
    %swap3A_236 = arith.index_cast %swap3A_235 : i32 to index
    %swap3A_237 = arith.constant 112 : index
    %swap3A_238 = tpu.vector_load %arg10[%swap3A_236, %swap3A_237] {strides = array<i32>} : memref<16x128xf32, #tpu.memory_space<vmem>>, vector<1x16xf32>,
    %swap3A_239 = vector.shape_cast %swap3A_238 : vector<1x16xf32> to vector<16xf32>
    %swap3A_240 = vector.shape_cast %broadcast_in_dim3A_1 : vector<16xf32> to vector<1x16xf32>
    tpu.vector_store %arg10[%swap3A_236, %swap3A_237], %swap3A_240 {strides = array<i32>} : memref<16x128xf32, #tpu.memory_space<vmem>>, vector<1x16xf32>,
    %swap3A_241 = arith.constant 5 : i32
    %swap3A_242 = arith.index_cast %swap3A_241 : i32 to index
    %swap3A_243 = arith.constant 0 : index
    %swap3A_244 = tpu.vector_load %arg10[%swap3A_242, %swap3A_243] {strides = array<i32>} : memref<16x128xf32, #tpu.memory_space<vmem>>, vector<1x16xf32>,
    %swap3A_245 = vector.shape_cast %swap3A_244 : vector<1x16xf32> to vector<16xf32>
    %swap3A_246 = vector.shape_cast %broadcast_in_dim3A_1 : vector<16xf32> to vector<1x16xf32>
    tpu.vector_store %arg10[%swap3A_242, %swap3A_243], %swap3A_246 {strides = array<i32>} : memref<16x128xf32, #tpu.memory_space<vmem>>, vector<1x16xf32>,
    %swap3A_247 = arith.constant 5 : i32
    %swap3A_248 = arith.index_cast %swap3A_247 : i32 to index
    %swap3A_249 = arith.constant 16 : index
    %swap3A_250 = tpu.vector_load %arg10[%swap3A_248, %swap3A_249] {strides = array<i32>} : memref<16x128xf32, #tpu.memory_space<vmem>>, vector<1x16xf32>,
    %swap3A_251 = vector.shape_cast %swap3A_250 : vector<1x16xf32> to vector<16xf32>
    %swap3A_252 = vector.shape_cast %broadcast_in_dim3A_1 : vector<16xf32> to vector<1x16xf32>
    tpu.vector_store %arg10[%swap3A_248, %swap3A_249], %swap3A_252 {strides = array<i32>} : memref<16x128xf32, #tpu.memory_space<vmem>>, vector<1x16xf32>,
    %swap3A_253 = arith.constant 5 : i32
    %swap3A_254 = arith.index_cast %swap3A_253 : i32 to index
    %swap3A_255 = arith.constant 32 : index
    %swap3A_256 = tpu.vector_load %arg10[%swap3A_254, %swap3A_255] {strides = array<i32>} : memref<16x128xf32, #tpu.memory_space<vmem>>, vector<1x16xf32>,
    %swap3A_257 = vector.shape_cast %swap3A_256 : vector<1x16xf32> to vector<16xf32>
    %swap3A_258 = vector.shape_cast %broadcast_in_dim3A_1 : vector<16xf32> to vector<1x16xf32>
    tpu.vector_store %arg10[%swap3A_254, %swap3A_255], %swap3A_258 {strides = array<i32>} : memref<16x128xf32, #tpu.memory_space<vmem>>, vector<1x16xf32>,
    %swap3A_259 = arith.constant 5 : i32
    %swap3A_260 = arith.index_cast %swap3A_259 : i32 to index
    %swap3A_261 = arith.constant 48 : index
    %swap3A_262 = tpu.vector_load %arg10[%swap3A_260, %swap3A_261] {strides = array<i32>} : memref<16x128xf32, #tpu.memory_space<vmem>>, vector<1x16xf32>,
    %swap3A_263 = vector.shape_cast %swap3A_262 : vector<1x16xf32> to vector<16xf32>
    %swap3A_264 = vector.shape_cast %broadcast_in_dim3A_1 : vector<16xf32> to vector<1x16xf32>
    tpu.vector_store %arg10[%swap3A_260, %swap3A_261], %swap3A_264 {strides = array<i32>} : memref<16x128xf32, #tpu.memory_space<vmem>>, vector<1x16xf32>,
    %swap3A_265 = arith.constant 5 : i32
    %swap3A_266 = arith.index_cast %swap3A_265 : i32 to index
    %swap3A_267 = arith.constant 64 : index
    %swap3A_268 = tpu.vector_load %arg10[%swap3A_266, %swap3A_267] {strides = array<i32>} : memref<16x128xf32, #tpu.memory_space<vmem>>, vector<1x16xf32>,
    %swap3A_269 = vector.shape_cast %swap3A_268 : vector<1x16xf32> to vector<16xf32>
    %swap3A_270 = vector.shape_cast %broadcast_in_dim3A_1 : vector<16xf32> to vector<1x16xf32>
    tpu.vector_store %arg10[%swap3A_266, %swap3A_267], %swap3A_270 {strides = array<i32>} : memref<16x128xf32, #tpu.memory_space<vmem>>, vector<1x16xf32>,
    %swap3A_271 = arith.constant 5 : i32
    %swap3A_272 = arith.index_cast %swap3A_271 : i32 to index
    %swap3A_273 = arith.constant 80 : index
    %swap3A_274 = tpu.vector_load %arg10[%swap3A_272, %swap3A_273] {strides = array<i32>} : memref<16x128xf32, #tpu.memory_space<vmem>>, vector<1x16xf32>,
    %swap3A_275 = vector.shape_cast %swap3A_274 : vector<1x16xf32> to vector<16xf32>
    %swap3A_276 = vector.shape_cast %broadcast_in_dim3A_1 : vector<16xf32> to vector<1x16xf32>
    tpu.vector_store %arg10[%swap3A_272, %swap3A_273], %swap3A_276 {strides = array<i32>} : memref<16x128xf32, #tpu.memory_space<vmem>>, vector<1x16xf32>,
    %swap3A_277 = arith.constant 5 : i32
    %swap3A_278 = arith.index_cast %swap3A_277 : i32 to index
    %swap3A_279 = arith.constant 96 : index
    %swap3A_280 = tpu.vector_load %arg10[%swap3A_278, %swap3A_279] {strides = array<i32>} : memref<16x128xf32, #tpu.memory_space<vmem>>, vector<1x16xf32>,
    %swap3A_281 = vector.shape_cast %swap3A_280 : vector<1x16xf32> to vector<16xf32>
    %swap3A_282 = vector.shape_cast %broadcast_in_dim3A_1 : vector<16xf32> to vector<1x16xf32>
    tpu.vector_store %arg10[%swap3A_278, %swap3A_279], %swap3A_282 {strides = array<i32>} : memref<16x128xf32, #tpu.memory_space<vmem>>, vector<1x16xf32>,
    %swap3A_283 = arith.constant 5 : i32
    %swap3A_284 = arith.index_cast %swap3A_283 : i32 to index
    %swap3A_285 = arith.constant 112 : index
    %swap3A_286 = tpu.vector_load %arg10[%swap3A_284, %swap3A_285] {strides = array<i32>} : memref<16x128xf32, #tpu.memory_space<vmem>>, vector<1x16xf32>,
    %swap3A_287 = vector.shape_cast %swap3A_286 : vector<1x16xf32> to vector<16xf32>
    %swap3A_288 = vector.shape_cast %broadcast_in_dim3A_1 : vector<16xf32> to vector<1x16xf32>
    tpu.vector_store %arg10[%swap3A_284, %swap3A_285], %swap3A_288 {strides = array<i32>} : memref<16x128xf32, #tpu.memory_space<vmem>>, vector<1x16xf32>,
    %swap3A_289 = arith.constant 6 : i32
    %swap3A_290 = arith.index_cast %swap3A_289 : i32 to index
    %swap3A_291 = arith.constant 0 : index
    %swap3A_292 = tpu.vector_load %arg10[%swap3A_290, %swap3A_291] {strides = array<i32>} : memref<16x128xf32, #tpu.memory_space<vmem>>, vector<1x16xf32>,
    %swap3A_293 = vector.shape_cast %swap3A_292 : vector<1x16xf32> to vector<16xf32>
    %swap3A_294 = vector.shape_cast %broadcast_in_dim3A_1 : vector<16xf32> to vector<1x16xf32>
    tpu.vector_store %arg10[%swap3A_290, %swap3A_291], %swap3A_294 {strides = array<i32>} : memref<16x128xf32, #tpu.memory_space<vmem>>, vector<1x16xf32>,
    %swap3A_295 = arith.constant 6 : i32
    %swap3A_296 = arith.index_cast %swap3A_295 : i32 to index
    %swap3A_297 = arith.constant 16 : index
    %swap3A_298 = tpu.vector_load %arg10[%swap3A_296, %swap3A_297] {strides = array<i32>} : memref<16x128xf32, #tpu.memory_space<vmem>>, vector<1x16xf32>,
    %swap3A_299 = vector.shape_cast %swap3A_298 : vector<1x16xf32> to vector<16xf32>
    %swap3A_300 = vector.shape_cast %broadcast_in_dim3A_1 : vector<16xf32> to vector<1x16xf32>
    tpu.vector_store %arg10[%swap3A_296, %swap3A_297], %swap3A_300 {strides = array<i32>} : memref<16x128xf32, #tpu.memory_space<vmem>>, vector<1x16xf32>,
    %swap3A_301 = arith.constant 6 : i32
    %swap3A_302 = arith.index_cast %swap3A_301 : i32 to index
    %swap3A_303 = arith.constant 32 : index
    %swap3A_304 = tpu.vector_load %arg10[%swap3A_302, %swap3A_303] {strides = array<i32>} : memref<16x128xf32, #tpu.memory_space<vmem>>, vector<1x16xf32>,
    %swap3A_305 = vector.shape_cast %swap3A_304 : vector<1x16xf32> to vector<16xf32>
    %swap3A_306 = vector.shape_cast %broadcast_in_dim3A_1 : vector<16xf32> to vector<1x16xf32>
    tpu.vector_store %arg10[%swap3A_302, %swap3A_303], %swap3A_306 {strides = array<i32>} : memref<16x128xf32, #tpu.memory_space<vmem>>, vector<1x16xf32>,
    %swap3A_307 = arith.constant 6 : i32
    %swap3A_308 = arith.index_cast %swap3A_307 : i32 to index
    %swap3A_309 = arith.constant 48 : index
    %swap3A_310 = tpu.vector_load %arg10[%swap3A_308, %swap3A_309] {strides = array<i32>} : memref<16x128xf32, #tpu.memory_space<vmem>>, vector<1x16xf32>,
    %swap3A_311 = vector.shape_cast %swap3A_310 : vector<1x16xf32> to vector<16xf32>
    %swap3A_312 = vector.shape_cast %broadcast_in_dim3A_1 : vector<16xf32> to vector<1x16xf32>
    tpu.vector_store %arg10[%swap3A_308, %swap3A_309], %swap3A_312 {strides = array<i32>} : memref<16x128xf32, #tpu.memory_space<vmem>>, vector<1x16xf32>,
    %swap3A_313 = arith.constant 6 : i32
    %swap3A_314 = arith.index_cast %swap3A_313 : i32 to index
    %swap3A_315 = arith.constant 64 : index
    %swap3A_316 = tpu.vector_load %arg10[%swap3A_314, %swap3A_315] {strides = array<i32>} : memref<16x128xf32, #tpu.memory_space<vmem>>, vector<1x16xf32>,
    %swap3A_317 = vector.shape_cast %swap3A_316 : vector<1x16xf32> to vector<16xf32>
    %swap3A_318 = vector.shape_cast %broadcast_in_dim3A_1 : vector<16xf32> to vector<1x16xf32>
    tpu.vector_store %arg10[%swap3A_314, %swap3A_315], %swap3A_318 {strides = array<i32>} : memref<16x128xf32, #tpu.memory_space<vmem>>, vector<1x16xf32>,
    %swap3A_319 = arith.constant 6 : i32
    %swap3A_320 = arith.index_cast %swap3A_319 : i32 to index
    %swap3A_321 = arith.constant 80 : index
    %swap3A_322 = tpu.vector_load %arg10[%swap3A_320, %swap3A_321] {strides = array<i32>} : memref<16x128xf32, #tpu.memory_space<vmem>>, vector<1x16xf32>,
    %swap3A_323 = vector.shape_cast %swap3A_322 : vector<1x16xf32> to vector<16xf32>
    %swap3A_324 = vector.shape_cast %broadcast_in_dim3A_1 : vector<16xf32> to vector<1x16xf32>
    tpu.vector_store %arg10[%swap3A_320, %swap3A_321], %swap3A_324 {strides = array<i32>} : memref<16x128xf32, #tpu.memory_space<vmem>>, vector<1x16xf32>,
    %swap3A_325 = arith.constant 6 : i32
    %swap3A_326 = arith.index_cast %swap3A_325 : i32 to index
    %swap3A_327 = arith.constant 96 : index
    %swap3A_328 = tpu.vector_load %arg10[%swap3A_326, %swap3A_327] {strides = array<i32>} : memref<16x128xf32, #tpu.memory_space<vmem>>, vector<1x16xf32>,
    %swap3A_329 = vector.shape_cast %swap3A_328 : vector<1x16xf32> to vector<16xf32>
    %swap3A_330 = vector.shape_cast %broadcast_in_dim3A_1 : vector<16xf32> to vector<1x16xf32>
    tpu.vector_store %arg10[%swap3A_326, %swap3A_327], %swap3A_330 {strides = array<i32>} : memref<16x128xf32, #tpu.memory_space<vmem>>, vector<1x16xf32>,
    %swap3A_331 = arith.constant 6 : i32
    %swap3A_332 = arith.index_cast %swap3A_331 : i32 to index
    %swap3A_333 = arith.constant 112 : index
    %swap3A_334 = tpu.vector_load %arg10[%swap3A_332, %swap3A_333] {strides = array<i32>} : memref<16x128xf32, #tpu.memory_space<vmem>>, vector<1x16xf32>,
    %swap3A_335 = vector.shape_cast %swap3A_334 : vector<1x16xf32> to vector<16xf32>
    %swap3A_336 = vector.shape_cast %broadcast_in_dim3A_1 : vector<16xf32> to vector<1x16xf32>
    tpu.vector_store %arg10[%swap3A_332, %swap3A_333], %swap3A_336 {strides = array<i32>} : memref<16x128xf32, #tpu.memory_space<vmem>>, vector<1x16xf32>,
    %swap3A_337 = arith.constant 7 : i32
    %swap3A_338 = arith.index_cast %swap3A_337 : i32 to index
    %swap3A_339 = arith.constant 0 : index
    %swap3A_340 = tpu.vector_load %arg10[%swap3A_338, %swap3A_339] {strides = array<i32>} : memref<16x128xf32, #tpu.memory_space<vmem>>, vector<1x16xf32>,
    %swap3A_341 = vector.shape_cast %swap3A_340 : vector<1x16xf32> to vector<16xf32>
    %swap3A_342 = vector.shape_cast %broadcast_in_dim3A_1 : vector<16xf32> to vector<1x16xf32>
    tpu.vector_store %arg10[%swap3A_338, %swap3A_339], %swap3A_342 {strides = array<i32>} : memref<16x128xf32, #tpu.memory_space<vmem>>, vector<1x16xf32>,
    %swap3A_343 = arith.constant 7 : i32
    %swap3A_344 = arith.index_cast %swap3A_343 : i32 to index
    %swap3A_345 = arith.constant 16 : index
    %swap3A_346 = tpu.vector_load %arg10[%swap3A_344, %swap3A_345] {strides = array<i32>} : memref<16x128xf32, #tpu.memory_space<vmem>>, vector<1x16xf32>,
    %swap3A_347 = vector.shape_cast %swap3A_346 : vector<1x16xf32> to vector<16xf32>
    %swap3A_348 = vector.shape_cast %broadcast_in_dim3A_1 : vector<16xf32> to vector<1x16xf32>
    tpu.vector_store %arg10[%swap3A_344, %swap3A_345], %swap3A_348 {strides = array<i32>} : memref<16x128xf32, #tpu.memory_space<vmem>>, vector<1x16xf32>,
    %swap3A_349 = arith.constant 7 : i32
    %swap3A_350 = arith.index_cast %swap3A_349 : i32 to index
    %swap3A_351 = arith.constant 32 : index
    %swap3A_352 = tpu.vector_load %arg10[%swap3A_350, %swap3A_351] {strides = array<i32>} : memref<16x128xf32, #tpu.memory_space<vmem>>, vector<1x16xf32>,
    %swap3A_353 = vector.shape_cast %swap3A_352 : vector<1x16xf32> to vector<16xf32>
    %swap3A_354 = vector.shape_cast %broadcast_in_dim3A_1 : vector<16xf32> to vector<1x16xf32>
    tpu.vector_store %arg10[%swap3A_350, %swap3A_351], %swap3A_354 {strides = array<i32>} : memref<16x128xf32, #tpu.memory_space<vmem>>, vector<1x16xf32>,
    %swap3A_355 = arith.constant 7 : i32
    %swap3A_356 = arith.index_cast %swap3A_355 : i32 to index
    %swap3A_357 = arith.constant 48 : index
    %swap3A_358 = tpu.vector_load %arg10[%swap3A_356, %swap3A_357] {strides = array<i32>} : memref<16x128xf32, #tpu.memory_space<vmem>>, vector<1x16xf32>,
    %swap3A_359 = vector.shape_cast %swap3A_358 : vector<1x16xf32> to vector<16xf32>
    %swap3A_360 = vector.shape_cast %broadcast_in_dim3A_1 : vector<16xf32> to vector<1x16xf32>
    tpu.vector_store %arg10[%swap3A_356, %swap3A_357], %swap3A_360 {strides = array<i32>} : memref<16x128xf32, #tpu.memory_space<vmem>>, vector<1x16xf32>,
    %swap3A_361 = arith.constant 7 : i32
    %swap3A_362 = arith.index_cast %swap3A_361 : i32 to index
    %swap3A_363 = arith.constant 64 : index
    %swap3A_364 = tpu.vector_load %arg10[%swap3A_362, %swap3A_363] {strides = array<i32>} : memref<16x128xf32, #tpu.memory_space<vmem>>, vector<1x16xf32>,
    %swap3A_365 = vector.shape_cast %swap3A_364 : vector<1x16xf32> to vector<16xf32>
    %swap3A_366 = vector.shape_cast %broadcast_in_dim3A_1 : vector<16xf32> to vector<1x16xf32>
    tpu.vector_store %arg10[%swap3A_362, %swap3A_363], %swap3A_366 {strides = array<i32>} : memref<16x128xf32, #tpu.memory_space<vmem>>, vector<1x16xf32>,
    %swap3A_367 = arith.constant 7 : i32
    %swap3A_368 = arith.index_cast %swap3A_367 : i32 to index
    %swap3A_369 = arith.constant 80 : index
    %swap3A_370 = tpu.vector_load %arg10[%swap3A_368, %swap3A_369] {strides = array<i32>} : memref<16x128xf32, #tpu.memory_space<vmem>>, vector<1x16xf32>,
    %swap3A_371 = vector.shape_cast %swap3A_370 : vector<1x16xf32> to vector<16xf32>
    %swap3A_372 = vector.shape_cast %broadcast_in_dim3A_1 : vector<16xf32> to vector<1x16xf32>
    tpu.vector_store %arg10[%swap3A_368, %swap3A_369], %swap3A_372 {strides = array<i32>} : memref<16x128xf32, #tpu.memory_space<vmem>>, vector<1x16xf32>,
    %swap3A_373 = arith.constant 7 : i32
    %swap3A_374 = arith.index_cast %swap3A_373 : i32 to index
    %swap3A_375 = arith.constant 96 : index
    %swap3A_376 = tpu.vector_load %arg10[%swap3A_374, %swap3A_375] {strides = array<i32>} : memref<16x128xf32, #tpu.memory_space<vmem>>, vector<1x16xf32>,
    %swap3A_377 = vector.shape_cast %swap3A_376 : vector<1x16xf32> to vector<16xf32>
    %swap3A_378 = vector.shape_cast %broadcast_in_dim3A_1 : vector<16xf32> to vector<1x16xf32>
    tpu.vector_store %arg10[%swap3A_374, %swap3A_375], %swap3A_378 {strides = array<i32>} : memref<16x128xf32, #tpu.memory_space<vmem>>, vector<1x16xf32>,
    %swap3A_379 = arith.constant 7 : i32
    %swap3A_380 = arith.index_cast %swap3A_379 : i32 to index
    %swap3A_381 = arith.constant 112 : index
    %swap3A_382 = tpu.vector_load %arg10[%swap3A_380, %swap3A_381] {strides = array<i32>} : memref<16x128xf32, #tpu.memory_space<vmem>>, vector<1x16xf32>,
    %swap3A_383 = vector.shape_cast %swap3A_382 : vector<1x16xf32> to vector<16xf32>
    %swap3A_384 = vector.shape_cast %broadcast_in_dim3A_1 : vector<16xf32> to vector<1x16xf32>
    tpu.vector_store %arg10[%swap3A_380, %swap3A_381], %swap3A_384 {strides = array<i32>} : memref<16x128xf32, #tpu.memory_space<vmem>>, vector<1x16xf32>,
    %swap3A_385 = arith.constant 8 : i32
    %swap3A_386 = arith.index_cast %swap3A_385 : i32 to index
    %swap3A_387 = arith.constant 0 : index
    %swap3A_388 = tpu.vector_load %arg10[%swap3A_386, %swap3A_387] {strides = array<i32>} : memref<16x128xf32, #tpu.memory_space<vmem>>, vector<1x16xf32>,
    %swap3A_389 = vector.shape_cast %swap3A_388 : vector<1x16xf32> to vector<16xf32>
    %swap3A_390 = vector.shape_cast %broadcast_in_dim3A_1 : vector<16xf32> to vector<1x16xf32>
    tpu.vector_store %arg10[%swap3A_386, %swap3A_387], %swap3A_390 {strides = array<i32>} : memref<16x128xf32, #tpu.memory_space<vmem>>, vector<1x16xf32>,
    %swap3A_391 = arith.constant 8 : i32
    %swap3A_392 = arith.index_cast %swap3A_391 : i32 to index
    %swap3A_393 = arith.constant 16 : index
    %swap3A_394 = tpu.vector_load %arg10[%swap3A_392, %swap3A_393] {strides = array<i32>} : memref<16x128xf32, #tpu.memory_space<vmem>>, vector<1x16xf32>,
    %swap3A_395 = vector.shape_cast %swap3A_394 : vector<1x16xf32> to vector<16xf32>
    %swap3A_396 = vector.shape_cast %broadcast_in_dim3A_1 : vector<16xf32> to vector<1x16xf32>
    tpu.vector_store %arg10[%swap3A_392, %swap3A_393], %swap3A_396 {strides = array<i32>} : memref<16x128xf32, #tpu.memory_space<vmem>>, vector<1x16xf32>,
    %swap3A_397 = arith.constant 8 : i32
    %swap3A_398 = arith.index_cast %swap3A_397 : i32 to index
    %swap3A_399 = arith.constant 32 : index
    %swap3A_400 = tpu.vector_load %arg10[%swap3A_398, %swap3A_399] {strides = array<i32>} : memref<16x128xf32, #tpu.memory_space<vmem>>, vector<1x16xf32>,
    %swap3A_401 = vector.shape_cast %swap3A_400 : vector<1x16xf32> to vector<16xf32>
    %swap3A_402 = vector.shape_cast %broadcast_in_dim3A_1 : vector<16xf32> to vector<1x16xf32>
    tpu.vector_store %arg10[%swap3A_398, %swap3A_399], %swap3A_402 {strides = array<i32>} : memref<16x128xf32, #tpu.memory_space<vmem>>, vector<1x16xf32>,
    %swap3A_403 = arith.constant 8 : i32
    %swap3A_404 = arith.index_cast %swap3A_403 : i32 to index
    %swap3A_405 = arith.constant 48 : index
    %swap3A_406 = tpu.vector_load %arg10[%swap3A_404, %swap3A_405] {strides = array<i32>} : memref<16x128xf32, #tpu.memory_space<vmem>>, vector<1x16xf32>,
    %swap3A_407 = vector.shape_cast %swap3A_406 : vector<1x16xf32> to vector<16xf32>
    %swap3A_408 = vector.shape_cast %broadcast_in_dim3A_1 : vector<16xf32> to vector<1x16xf32>
    tpu.vector_store %arg10[%swap3A_404, %swap3A_405], %swap3A_408 {strides = array<i32>} : memref<16x128xf32, #tpu.memory_space<vmem>>, vector<1x16xf32>,
    %swap3A_409 = arith.constant 8 : i32
    %swap3A_410 = arith.index_cast %swap3A_409 : i32 to index
    %swap3A_411 = arith.constant 64 : index
    %swap3A_412 = tpu.vector_load %arg10[%swap3A_410, %swap3A_411] {strides = array<i32>} : memref<16x128xf32, #tpu.memory_space<vmem>>, vector<1x16xf32>,
    %swap3A_413 = vector.shape_cast %swap3A_412 : vector<1x16xf32> to vector<16xf32>
    %swap3A_414 = vector.shape_cast %broadcast_in_dim3A_1 : vector<16xf32> to vector<1x16xf32>
    tpu.vector_store %arg10[%swap3A_410, %swap3A_411], %swap3A_414 {strides = array<i32>} : memref<16x128xf32, #tpu.memory_space<vmem>>, vector<1x16xf32>,
    %swap3A_415 = arith.constant 8 : i32
    %swap3A_416 = arith.index_cast %swap3A_415 : i32 to index
    %swap3A_417 = arith.constant 80 : index
    %swap3A_418 = tpu.vector_load %arg10[%swap3A_416, %swap3A_417] {strides = array<i32>} : memref<16x128xf32, #tpu.memory_space<vmem>>, vector<1x16xf32>,
    %swap3A_419 = vector.shape_cast %swap3A_418 : vector<1x16xf32> to vector<16xf32>
    %swap3A_420 = vector.shape_cast %broadcast_in_dim3A_1 : vector<16xf32> to vector<1x16xf32>
    tpu.vector_store %arg10[%swap3A_416, %swap3A_417], %swap3A_420 {strides = array<i32>} : memref<16x128xf32, #tpu.memory_space<vmem>>, vector<1x16xf32>,
    %swap3A_421 = arith.constant 8 : i32
    %swap3A_422 = arith.index_cast %swap3A_421 : i32 to index
    %swap3A_423 = arith.constant 96 : index
    %swap3A_424 = tpu.vector_load %arg10[%swap3A_422, %swap3A_423] {strides = array<i32>} : memref<16x128xf32, #tpu.memory_space<vmem>>, vector<1x16xf32>,
    %swap3A_425 = vector.shape_cast %swap3A_424 : vector<1x16xf32> to vector<16xf32>
    %swap3A_426 = vector.shape_cast %broadcast_in_dim3A_1 : vector<16xf32> to vector<1x16xf32>
    tpu.vector_store %arg10[%swap3A_422, %swap3A_423], %swap3A_426 {strides = array<i32>} : memref<16x128xf32, #tpu.memory_space<vmem>>, vector<1x16xf32>,
    %swap3A_427 = arith.constant 8 : i32
    %swap3A_428 = arith.index_cast %swap3A_427 : i32 to index
    %swap3A_429 = arith.constant 112 : index
    %swap3A_430 = tpu.vector_load %arg10[%swap3A_428, %swap3A_429] {strides = array<i32>} : memref<16x128xf32, #tpu.memory_space<vmem>>, vector<1x16xf32>,
    %swap3A_431 = vector.shape_cast %swap3A_430 : vector<1x16xf32> to vector<16xf32>
    %swap3A_432 = vector.shape_cast %broadcast_in_dim3A_1 : vector<16xf32> to vector<1x16xf32>
    tpu.vector_store %arg10[%swap3A_428, %swap3A_429], %swap3A_432 {strides = array<i32>} : memref<16x128xf32, #tpu.memory_space<vmem>>, vector<1x16xf32>,
    %swap3A_433 = arith.constant 9 : i32
    %swap3A_434 = arith.index_cast %swap3A_433 : i32 to index
    %swap3A_435 = arith.constant 0 : index
    %swap3A_436 = tpu.vector_load %arg10[%swap3A_434, %swap3A_435] {strides = array<i32>} : memref<16x128xf32, #tpu.memory_space<vmem>>, vector<1x16xf32>,
    %swap3A_437 = vector.shape_cast %swap3A_436 : vector<1x16xf32> to vector<16xf32>
    %swap3A_438 = vector.shape_cast %broadcast_in_dim3A_1 : vector<16xf32> to vector<1x16xf32>
    tpu.vector_store %arg10[%swap3A_434, %swap3A_435], %swap3A_438 {strides = array<i32>} : memref<16x128xf32, #tpu.memory_space<vmem>>, vector<1x16xf32>,
    %swap3A_439 = arith.constant 9 : i32
    %swap3A_440 = arith.index_cast %swap3A_439 : i32 to index
    %swap3A_441 = arith.constant 16 : index
    %swap3A_442 = tpu.vector_load %arg10[%swap3A_440, %swap3A_441] {strides = array<i32>} : memref<16x128xf32, #tpu.memory_space<vmem>>, vector<1x16xf32>,
    %swap3A_443 = vector.shape_cast %swap3A_442 : vector<1x16xf32> to vector<16xf32>
    %swap3A_444 = vector.shape_cast %broadcast_in_dim3A_1 : vector<16xf32> to vector<1x16xf32>
    tpu.vector_store %arg10[%swap3A_440, %swap3A_441], %swap3A_444 {strides = array<i32>} : memref<16x128xf32, #tpu.memory_space<vmem>>, vector<1x16xf32>,
    %swap3A_445 = arith.constant 9 : i32
    %swap3A_446 = arith.index_cast %swap3A_445 : i32 to index
    %swap3A_447 = arith.constant 32 : index
    %swap3A_448 = tpu.vector_load %arg10[%swap3A_446, %swap3A_447] {strides = array<i32>} : memref<16x128xf32, #tpu.memory_space<vmem>>, vector<1x16xf32>,
    %swap3A_449 = vector.shape_cast %swap3A_448 : vector<1x16xf32> to vector<16xf32>
    %swap3A_450 = vector.shape_cast %broadcast_in_dim3A_1 : vector<16xf32> to vector<1x16xf32>
    tpu.vector_store %arg10[%swap3A_446, %swap3A_447], %swap3A_450 {strides = array<i32>} : memref<16x128xf32, #tpu.memory_space<vmem>>, vector<1x16xf32>,
    %swap3A_451 = arith.constant 9 : i32
    %swap3A_452 = arith.index_cast %swap3A_451 : i32 to index
    %swap3A_453 = arith.constant 48 : index
    %swap3A_454 = tpu.vector_load %arg10[%swap3A_452, %swap3A_453] {strides = array<i32>} : memref<16x128xf32, #tpu.memory_space<vmem>>, vector<1x16xf32>,
    %swap3A_455 = vector.shape_cast %swap3A_454 : vector<1x16xf32> to vector<16xf32>
    %swap3A_456 = vector.shape_cast %broadcast_in_dim3A_1 : vector<16xf32> to vector<1x16xf32>
    tpu.vector_store %arg10[%swap3A_452, %swap3A_453], %swap3A_456 {strides = array<i32>} : memref<16x128xf32, #tpu.memory_space<vmem>>, vector<1x16xf32>,
    %swap3A_457 = arith.constant 9 : i32
    %swap3A_458 = arith.index_cast %swap3A_457 : i32 to index
    %swap3A_459 = arith.constant 64 : index
    %swap3A_460 = tpu.vector_load %arg10[%swap3A_458, %swap3A_459] {strides = array<i32>} : memref<16x128xf32, #tpu.memory_space<vmem>>, vector<1x16xf32>,
    %swap3A_461 = vector.shape_cast %swap3A_460 : vector<1x16xf32> to vector<16xf32>
    %swap3A_462 = vector.shape_cast %broadcast_in_dim3A_1 : vector<16xf32> to vector<1x16xf32>
    tpu.vector_store %arg10[%swap3A_458, %swap3A_459], %swap3A_462 {strides = array<i32>} : memref<16x128xf32, #tpu.memory_space<vmem>>, vector<1x16xf32>,
    %swap3A_463 = arith.constant 9 : i32
    %swap3A_464 = arith.index_cast %swap3A_463 : i32 to index
    %swap3A_465 = arith.constant 80 : index
    %swap3A_466 = tpu.vector_load %arg10[%swap3A_464, %swap3A_465] {strides = array<i32>} : memref<16x128xf32, #tpu.memory_space<vmem>>, vector<1x16xf32>,
    %swap3A_467 = vector.shape_cast %swap3A_466 : vector<1x16xf32> to vector<16xf32>
    %swap3A_468 = vector.shape_cast %broadcast_in_dim3A_1 : vector<16xf32> to vector<1x16xf32>
    tpu.vector_store %arg10[%swap3A_464, %swap3A_465], %swap3A_468 {strides = array<i32>} : memref<16x128xf32, #tpu.memory_space<vmem>>, vector<1x16xf32>,
    %swap3A_469 = arith.constant 9 : i32
    %swap3A_470 = arith.index_cast %swap3A_469 : i32 to index
    %swap3A_471 = arith.constant 96 : index
    %swap3A_472 = tpu.vector_load %arg10[%swap3A_470, %swap3A_471] {strides = array<i32>} : memref<16x128xf32, #tpu.memory_space<vmem>>, vector<1x16xf32>,
    %swap3A_473 = vector.shape_cast %swap3A_472 : vector<1x16xf32> to vector<16xf32>
    %swap3A_474 = vector.shape_cast %broadcast_in_dim3A_1 : vector<16xf32> to vector<1x16xf32>
    tpu.vector_store %arg10[%swap3A_470, %swap3A_471], %swap3A_474 {strides = array<i32>} : memref<16x128xf32, #tpu.memory_space<vmem>>, vector<1x16xf32>,
    %swap3A_475 = arith.constant 9 : i32
    %swap3A_476 = arith.index_cast %swap3A_475 : i32 to index
    %swap3A_477 = arith.constant 112 : index
    %swap3A_478 = tpu.vector_load %arg10[%swap3A_476, %swap3A_477] {strides = array<i32>} : memref<16x128xf32, #tpu.memory_space<vmem>>, vector<1x16xf32>,
    %swap3A_479 = vector.shape_cast %swap3A_478 : vector<1x16xf32> to vector<16xf32>
    %swap3A_480 = vector.shape_cast %broadcast_in_dim3A_1 : vector<16xf32> to vector<1x16xf32>
    tpu.vector_store %arg10[%swap3A_476, %swap3A_477], %swap3A_480 {strides = array<i32>} : memref<16x128xf32, #tpu.memory_space<vmem>>, vector<1x16xf32>,
    %swap3A_481 = arith.constant 10 : i32
    %swap3A_482 = arith.index_cast %swap3A_481 : i32 to index
    %swap3A_483 = arith.constant 0 : index
    %swap3A_484 = tpu.vector_load %arg10[%swap3A_482, %swap3A_483] {strides = array<i32>} : memref<16x128xf32, #tpu.memory_space<vmem>>, vector<1x16xf32>,
    %swap3A_485 = vector.shape_cast %swap3A_484 : vector<1x16xf32> to vector<16xf32>
    %swap3A_486 = vector.shape_cast %broadcast_in_dim3A_1 : vector<16xf32> to vector<1x16xf32>
    tpu.vector_store %arg10[%swap3A_482, %swap3A_483], %swap3A_486 {strides = array<i32>} : memref<16x128xf32, #tpu.memory_space<vmem>>, vector<1x16xf32>,
    %swap3A_487 = arith.constant 10 : i32
    %swap3A_488 = arith.index_cast %swap3A_487 : i32 to index
    %swap3A_489 = arith.constant 16 : index
    %swap3A_490 = tpu.vector_load %arg10[%swap3A_488, %swap3A_489] {strides = array<i32>} : memref<16x128xf32, #tpu.memory_space<vmem>>, vector<1x16xf32>,
    %swap3A_491 = vector.shape_cast %swap3A_490 : vector<1x16xf32> to vector<16xf32>
    %swap3A_492 = vector.shape_cast %broadcast_in_dim3A_1 : vector<16xf32> to vector<1x16xf32>
    tpu.vector_store %arg10[%swap3A_488, %swap3A_489], %swap3A_492 {strides = array<i32>} : memref<16x128xf32, #tpu.memory_space<vmem>>, vector<1x16xf32>,
    %swap3A_493 = arith.constant 10 : i32
    %swap3A_494 = arith.index_cast %swap3A_493 : i32 to index
    %swap3A_495 = arith.constant 32 : index
    %swap3A_496 = tpu.vector_load %arg10[%swap3A_494, %swap3A_495] {strides = array<i32>} : memref<16x128xf32, #tpu.memory_space<vmem>>, vector<1x16xf32>,
    %swap3A_497 = vector.shape_cast %swap3A_496 : vector<1x16xf32> to vector<16xf32>
    %swap3A_498 = vector.shape_cast %broadcast_in_dim3A_1 : vector<16xf32> to vector<1x16xf32>
    tpu.vector_store %arg10[%swap3A_494, %swap3A_495], %swap3A_498 {strides = array<i32>} : memref<16x128xf32, #tpu.memory_space<vmem>>, vector<1x16xf32>,
    %swap3A_499 = arith.constant 10 : i32
    %swap3A_500 = arith.index_cast %swap3A_499 : i32 to index
    %swap3A_501 = arith.constant 48 : index
    %swap3A_502 = tpu.vector_load %arg10[%swap3A_500, %swap3A_501] {strides = array<i32>} : memref<16x128xf32, #tpu.memory_space<vmem>>, vector<1x16xf32>,
    %swap3A_503 = vector.shape_cast %swap3A_502 : vector<1x16xf32> to vector<16xf32>
    %swap3A_504 = vector.shape_cast %broadcast_in_dim3A_1 : vector<16xf32> to vector<1x16xf32>
    tpu.vector_store %arg10[%swap3A_500, %swap3A_501], %swap3A_504 {strides = array<i32>} : memref<16x128xf32, #tpu.memory_space<vmem>>, vector<1x16xf32>,
    %swap3A_505 = arith.constant 10 : i32
    %swap3A_506 = arith.index_cast %swap3A_505 : i32 to index
    %swap3A_507 = arith.constant 64 : index
    %swap3A_508 = tpu.vector_load %arg10[%swap3A_506, %swap3A_507] {strides = array<i32>} : memref<16x128xf32, #tpu.memory_space<vmem>>, vector<1x16xf32>,
    %swap3A_509 = vector.shape_cast %swap3A_508 : vector<1x16xf32> to vector<16xf32>
    %swap3A_510 = vector.shape_cast %broadcast_in_dim3A_1 : vector<16xf32> to vector<1x16xf32>
    tpu.vector_store %arg10[%swap3A_506, %swap3A_507], %swap3A_510 {strides = array<i32>} : memref<16x128xf32, #tpu.memory_space<vmem>>, vector<1x16xf32>,
    %swap3A_511 = arith.constant 10 : i32
    %swap3A_512 = arith.index_cast %swap3A_511 : i32 to index
    %swap3A_513 = arith.constant 80 : index
    %swap3A_514 = tpu.vector_load %arg10[%swap3A_512, %swap3A_513] {strides = array<i32>} : memref<16x128xf32, #tpu.memory_space<vmem>>, vector<1x16xf32>,
    %swap3A_515 = vector.shape_cast %swap3A_514 : vector<1x16xf32> to vector<16xf32>
    %swap3A_516 = vector.shape_cast %broadcast_in_dim3A_1 : vector<16xf32> to vector<1x16xf32>
    tpu.vector_store %arg10[%swap3A_512, %swap3A_513], %swap3A_516 {strides = array<i32>} : memref<16x128xf32, #tpu.memory_space<vmem>>, vector<1x16xf32>,
    %swap3A_517 = arith.constant 10 : i32
    %swap3A_518 = arith.index_cast %swap3A_517 : i32 to index
    %swap3A_519 = arith.constant 96 : index
    %swap3A_520 = tpu.vector_load %arg10[%swap3A_518, %swap3A_519] {strides = array<i32>} : memref<16x128xf32, #tpu.memory_space<vmem>>, vector<1x16xf32>,
    %swap3A_521 = vector.shape_cast %swap3A_520 : vector<1x16xf32> to vector<16xf32>
    %swap3A_522 = vector.shape_cast %broadcast_in_dim3A_1 : vector<16xf32> to vector<1x16xf32>
    tpu.vector_store %arg10[%swap3A_518, %swap3A_519], %swap3A_522 {strides = array<i32>} : memref<16x128xf32, #tpu.memory_space<vmem>>, vector<1x16xf32>,
    %swap3A_523 = arith.constant 10 : i32
    %swap3A_524 = arith.index_cast %swap3A_523 : i32 to index
    %swap3A_525 = arith.constant 112 : index
    %swap3A_526 = tpu.vector_load %arg10[%swap3A_524, %swap3A_525] {strides = array<i32>} : memref<16x128xf32, #tpu.memory_space<vmem>>, vector<1x16xf32>,
    %swap3A_527 = vector.shape_cast %swap3A_526 : vector<1x16xf32> to vector<16xf32>
    %swap3A_528 = vector.shape_cast %broadcast_in_dim3A_1 : vector<16xf32> to vector<1x16xf32>
    tpu.vector_store %arg10[%swap3A_524, %swap3A_525], %swap3A_528 {strides = array<i32>} : memref<16x128xf32, #tpu.memory_space<vmem>>, vector<1x16xf32>,
    %swap3A_529 = arith.constant 11 : i32
    %swap3A_530 = arith.index_cast %swap3A_529 : i32 to index
    %swap3A_531 = arith.constant 0 : index
    %swap3A_532 = tpu.vector_load %arg10[%swap3A_530, %swap3A_531] {strides = array<i32>} : memref<16x128xf32, #tpu.memory_space<vmem>>, vector<1x16xf32>,
    %swap3A_533 = vector.shape_cast %swap3A_532 : vector<1x16xf32> to vector<16xf32>
    %swap3A_534 = vector.shape_cast %broadcast_in_dim3A_1 : vector<16xf32> to vector<1x16xf32>
    tpu.vector_store %arg10[%swap3A_530, %swap3A_531], %swap3A_534 {strides = array<i32>} : memref<16x128xf32, #tpu.memory_space<vmem>>, vector<1x16xf32>,
    %swap3A_535 = arith.constant 11 : i32
    %swap3A_536 = arith.index_cast %swap3A_535 : i32 to index
    %swap3A_537 = arith.constant 16 : index
    %swap3A_538 = tpu.vector_load %arg10[%swap3A_536, %swap3A_537] {strides = array<i32>} : memref<16x128xf32, #tpu.memory_space<vmem>>, vector<1x16xf32>,
    %swap3A_539 = vector.shape_cast %swap3A_538 : vector<1x16xf32> to vector<16xf32>
    %swap3A_540 = vector.shape_cast %broadcast_in_dim3A_1 : vector<16xf32> to vector<1x16xf32>
    tpu.vector_store %arg10[%swap3A_536, %swap3A_537], %swap3A_540 {strides = array<i32>} : memref<16x128xf32, #tpu.memory_space<vmem>>, vector<1x16xf32>,
    %swap3A_541 = arith.constant 11 : i32
    %swap3A_542 = arith.index_cast %swap3A_541 : i32 to index
    %swap3A_543 = arith.constant 32 : index
    %swap3A_544 = tpu.vector_load %arg10[%swap3A_542, %swap3A_543] {strides = array<i32>} : memref<16x128xf32, #tpu.memory_space<vmem>>, vector<1x16xf32>,
    %swap3A_545 = vector.shape_cast %swap3A_544 : vector<1x16xf32> to vector<16xf32>
    %swap3A_546 = vector.shape_cast %broadcast_in_dim3A_1 : vector<16xf32> to vector<1x16xf32>
    tpu.vector_store %arg10[%swap3A_542, %swap3A_543], %swap3A_546 {strides = array<i32>} : memref<16x128xf32, #tpu.memory_space<vmem>>, vector<1x16xf32>,
    %swap3A_547 = arith.constant 11 : i32
    %swap3A_548 = arith.index_cast %swap3A_547 : i32 to index
    %swap3A_549 = arith.constant 48 : index
    %swap3A_550 = tpu.vector_load %arg10[%swap3A_548, %swap3A_549] {strides = array<i32>} : memref<16x128xf32, #tpu.memory_space<vmem>>, vector<1x16xf32>,
    %swap3A_551 = vector.shape_cast %swap3A_550 : vector<1x16xf32> to vector<16xf32>
    %swap3A_552 = vector.shape_cast %broadcast_in_dim3A_1 : vector<16xf32> to vector<1x16xf32>
    tpu.vector_store %arg10[%swap3A_548, %swap3A_549], %swap3A_552 {strides = array<i32>} : memref<16x128xf32, #tpu.memory_space<vmem>>, vector<1x16xf32>,
    %swap3A_553 = arith.constant 11 : i32
    %swap3A_554 = arith.index_cast %swap3A_553 : i32 to index
    %swap3A_555 = arith.constant 64 : index
    %swap3A_556 = tpu.vector_load %arg10[%swap3A_554, %swap3A_555] {strides = array<i32>} : memref<16x128xf32, #tpu.memory_space<vmem>>, vector<1x16xf32>,
    %swap3A_557 = vector.shape_cast %swap3A_556 : vector<1x16xf32> to vector<16xf32>
    %swap3A_558 = vector.shape_cast %broadcast_in_dim3A_1 : vector<16xf32> to vector<1x16xf32>
    tpu.vector_store %arg10[%swap3A_554, %swap3A_555], %swap3A_558 {strides = array<i32>} : memref<16x128xf32, #tpu.memory_space<vmem>>, vector<1x16xf32>,
    %swap3A_559 = arith.constant 11 : i32
    %swap3A_560 = arith.index_cast %swap3A_559 : i32 to index
    %swap3A_561 = arith.constant 80 : index
    %swap3A_562 = tpu.vector_load %arg10[%swap3A_560, %swap3A_561] {strides = array<i32>} : memref<16x128xf32, #tpu.memory_space<vmem>>, vector<1x16xf32>,
    %swap3A_563 = vector.shape_cast %swap3A_562 : vector<1x16xf32> to vector<16xf32>
    %swap3A_564 = vector.shape_cast %broadcast_in_dim3A_1 : vector<16xf32> to vector<1x16xf32>
    tpu.vector_store %arg10[%swap3A_560, %swap3A_561], %swap3A_564 {strides = array<i32>} : memref<16x128xf32, #tpu.memory_space<vmem>>, vector<1x16xf32>,
    %swap3A_565 = arith.constant 11 : i32
    %swap3A_566 = arith.index_cast %swap3A_565 : i32 to index
    %swap3A_567 = arith.constant 96 : index
    %swap3A_568 = tpu.vector_load %arg10[%swap3A_566, %swap3A_567] {strides = array<i32>} : memref<16x128xf32, #tpu.memory_space<vmem>>, vector<1x16xf32>,
    %swap3A_569 = vector.shape_cast %swap3A_568 : vector<1x16xf32> to vector<16xf32>
    %swap3A_570 = vector.shape_cast %broadcast_in_dim3A_1 : vector<16xf32> to vector<1x16xf32>
    tpu.vector_store %arg10[%swap3A_566, %swap3A_567], %swap3A_570 {strides = array<i32>} : memref<16x128xf32, #tpu.memory_space<vmem>>, vector<1x16xf32>,
    %swap3A_571 = arith.constant 11 : i32
    %swap3A_572 = arith.index_cast %swap3A_571 : i32 to index
    %swap3A_573 = arith.constant 112 : index
    %swap3A_574 = tpu.vector_load %arg10[%swap3A_572, %swap3A_573] {strides = array<i32>} : memref<16x128xf32, #tpu.memory_space<vmem>>, vector<1x16xf32>,
    %swap3A_575 = vector.shape_cast %swap3A_574 : vector<1x16xf32> to vector<16xf32>
    %swap3A_576 = vector.shape_cast %broadcast_in_dim3A_1 : vector<16xf32> to vector<1x16xf32>
    tpu.vector_store %arg10[%swap3A_572, %swap3A_573], %swap3A_576 {strides = array<i32>} : memref<16x128xf32, #tpu.memory_space<vmem>>, vector<1x16xf32>,
    %swap3A_577 = arith.constant 12 : i32
    %swap3A_578 = arith.index_cast %swap3A_577 : i32 to index
    %swap3A_579 = arith.constant 0 : index
    %swap3A_580 = tpu.vector_load %arg10[%swap3A_578, %swap3A_579] {strides = array<i32>} : memref<16x128xf32, #tpu.memory_space<vmem>>, vector<1x16xf32>,
    %swap3A_581 = vector.shape_cast %swap3A_580 : vector<1x16xf32> to vector<16xf32>
    %swap3A_582 = vector.shape_cast %broadcast_in_dim3A_1 : vector<16xf32> to vector<1x16xf32>
    tpu.vector_store %arg10[%swap3A_578, %swap3A_579], %swap3A_582 {strides = array<i32>} : memref<16x128xf32, #tpu.memory_space<vmem>>, vector<1x16xf32>,
    %swap3A_583 = arith.constant 12 : i32
    %swap3A_584 = arith.index_cast %swap3A_583 : i32 to index
    %swap3A_585 = arith.constant 16 : index
    %swap3A_586 = tpu.vector_load %arg10[%swap3A_584, %swap3A_585] {strides = array<i32>} : memref<16x128xf32, #tpu.memory_space<vmem>>, vector<1x16xf32>,
    %swap3A_587 = vector.shape_cast %swap3A_586 : vector<1x16xf32> to vector<16xf32>
    %swap3A_588 = vector.shape_cast %broadcast_in_dim3A_1 : vector<16xf32> to vector<1x16xf32>
    tpu.vector_store %arg10[%swap3A_584, %swap3A_585], %swap3A_588 {strides = array<i32>} : memref<16x128xf32, #tpu.memory_space<vmem>>, vector<1x16xf32>,
    %swap3A_589 = arith.constant 12 : i32
    %swap3A_590 = arith.index_cast %swap3A_589 : i32 to index
    %swap3A_591 = arith.constant 32 : index
    %swap3A_592 = tpu.vector_load %arg10[%swap3A_590, %swap3A_591] {strides = array<i32>} : memref<16x128xf32, #tpu.memory_space<vmem>>, vector<1x16xf32>,
    %swap3A_593 = vector.shape_cast %swap3A_592 : vector<1x16xf32> to vector<16xf32>
    %swap3A_594 = vector.shape_cast %broadcast_in_dim3A_1 : vector<16xf32> to vector<1x16xf32>
    tpu.vector_store %arg10[%swap3A_590, %swap3A_591], %swap3A_594 {strides = array<i32>} : memref<16x128xf32, #tpu.memory_space<vmem>>, vector<1x16xf32>,
    %swap3A_595 = arith.constant 12 : i32
    %swap3A_596 = arith.index_cast %swap3A_595 : i32 to index
    %swap3A_597 = arith.constant 48 : index
    %swap3A_598 = tpu.vector_load %arg10[%swap3A_596, %swap3A_597] {strides = array<i32>} : memref<16x128xf32, #tpu.memory_space<vmem>>, vector<1x16xf32>,
    %swap3A_599 = vector.shape_cast %swap3A_598 : vector<1x16xf32> to vector<16xf32>
    %swap3A_600 = vector.shape_cast %broadcast_in_dim3A_1 : vector<16xf32> to vector<1x16xf32>
    tpu.vector_store %arg10[%swap3A_596, %swap3A_597], %swap3A_600 {strides = array<i32>} : memref<16x128xf32, #tpu.memory_space<vmem>>, vector<1x16xf32>,
    %swap3A_601 = arith.constant 12 : i32
    %swap3A_602 = arith.index_cast %swap3A_601 : i32 to index
    %swap3A_603 = arith.constant 64 : index
    %swap3A_604 = tpu.vector_load %arg10[%swap3A_602, %swap3A_603] {strides = array<i32>} : memref<16x128xf32, #tpu.memory_space<vmem>>, vector<1x16xf32>,
    %swap3A_605 = vector.shape_cast %swap3A_604 : vector<1x16xf32> to vector<16xf32>
    %swap3A_606 = vector.shape_cast %broadcast_in_dim3A_1 : vector<16xf32> to vector<1x16xf32>
    tpu.vector_store %arg10[%swap3A_602, %swap3A_603], %swap3A_606 {strides = array<i32>} : memref<16x128xf32, #tpu.memory_space<vmem>>, vector<1x16xf32>,
    %swap3A_607 = arith.constant 12 : i32
    %swap3A_608 = arith.index_cast %swap3A_607 : i32 to index
    %swap3A_609 = arith.constant 80 : index
    %swap3A_610 = tpu.vector_load %arg10[%swap3A_608, %swap3A_609] {strides = array<i32>} : memref<16x128xf32, #tpu.memory_space<vmem>>, vector<1x16xf32>,
    %swap3A_611 = vector.shape_cast %swap3A_610 : vector<1x16xf32> to vector<16xf32>
    %swap3A_612 = vector.shape_cast %broadcast_in_dim3A_1 : vector<16xf32> to vector<1x16xf32>
    tpu.vector_store %arg10[%swap3A_608, %swap3A_609], %swap3A_612 {strides = array<i32>} : memref<16x128xf32, #tpu.memory_space<vmem>>, vector<1x16xf32>,
    %swap3A_613 = arith.constant 12 : i32
    %swap3A_614 = arith.index_cast %swap3A_613 : i32 to index
    %swap3A_615 = arith.constant 96 : index
    %swap3A_616 = tpu.vector_load %arg10[%swap3A_614, %swap3A_615] {strides = array<i32>} : memref<16x128xf32, #tpu.memory_space<vmem>>, vector<1x16xf32>,
    %swap3A_617 = vector.shape_cast %swap3A_616 : vector<1x16xf32> to vector<16xf32>
    %swap3A_618 = vector.shape_cast %broadcast_in_dim3A_1 : vector<16xf32> to vector<1x16xf32>
    tpu.vector_store %arg10[%swap3A_614, %swap3A_615], %swap3A_618 {strides = array<i32>} : memref<16x128xf32, #tpu.memory_space<vmem>>, vector<1x16xf32>,
    %swap3A_619 = arith.constant 12 : i32
    %swap3A_620 = arith.index_cast %swap3A_619 : i32 to index
    %swap3A_621 = arith.constant 112 : index
    %swap3A_622 = tpu.vector_load %arg10[%swap3A_620, %swap3A_621] {strides = array<i32>} : memref<16x128xf32, #tpu.memory_space<vmem>>, vector<1x16xf32>,
    %swap3A_623 = vector.shape_cast %swap3A_622 : vector<1x16xf32> to vector<16xf32>
    %swap3A_624 = vector.shape_cast %broadcast_in_dim3A_1 : vector<16xf32> to vector<1x16xf32>
    tpu.vector_store %arg10[%swap3A_620, %swap3A_621], %swap3A_624 {strides = array<i32>} : memref<16x128xf32, #tpu.memory_space<vmem>>, vector<1x16xf32>,
    %swap3A_625 = arith.constant 13 : i32
    %swap3A_626 = arith.index_cast %swap3A_625 : i32 to index
    %swap3A_627 = arith.constant 0 : index
    %swap3A_628 = tpu.vector_load %arg10[%swap3A_626, %swap3A_627] {strides = array<i32>} : memref<16x128xf32, #tpu.memory_space<vmem>>, vector<1x16xf32>,
    %swap3A_629 = vector.shape_cast %swap3A_628 : vector<1x16xf32> to vector<16xf32>
    %swap3A_630 = vector.shape_cast %broadcast_in_dim3A_1 : vector<16xf32> to vector<1x16xf32>
    tpu.vector_store %arg10[%swap3A_626, %swap3A_627], %swap3A_630 {strides = array<i32>} : memref<16x128xf32, #tpu.memory_space<vmem>>, vector<1x16xf32>,
    %swap3A_631 = arith.constant 13 : i32
    %swap3A_632 = arith.index_cast %swap3A_631 : i32 to index
    %swap3A_633 = arith.constant 16 : index
    %swap3A_634 = tpu.vector_load %arg10[%swap3A_632, %swap3A_633] {strides = array<i32>} : memref<16x128xf32, #tpu.memory_space<vmem>>, vector<1x16xf32>,
    %swap3A_635 = vector.shape_cast %swap3A_634 : vector<1x16xf32> to vector<16xf32>
    %swap3A_636 = vector.shape_cast %broadcast_in_dim3A_1 : vector<16xf32> to vector<1x16xf32>
    tpu.vector_store %arg10[%swap3A_632, %swap3A_633], %swap3A_636 {strides = array<i32>} : memref<16x128xf32, #tpu.memory_space<vmem>>, vector<1x16xf32>,
    %swap3A_637 = arith.constant 13 : i32
    %swap3A_638 = arith.index_cast %swap3A_637 : i32 to index
    %swap3A_639 = arith.constant 32 : index
    %swap3A_640 = tpu.vector_load %arg10[%swap3A_638, %swap3A_639] {strides = array<i32>} : memref<16x128xf32, #tpu.memory_space<vmem>>, vector<1x16xf32>,
    %swap3A_641 = vector.shape_cast %swap3A_640 : vector<1x16xf32> to vector<16xf32>
    %swap3A_642 = vector.shape_cast %broadcast_in_dim3A_1 : vector<16xf32> to vector<1x16xf32>
    tpu.vector_store %arg10[%swap3A_638, %swap3A_639], %swap3A_642 {strides = array<i32>} : memref<16x128xf32, #tpu.memory_space<vmem>>, vector<1x16xf32>,
    %swap3A_643 = arith.constant 13 : i32
    %swap3A_644 = arith.index_cast %swap3A_643 : i32 to index
    %swap3A_645 = arith.constant 48 : index
    %swap3A_646 = tpu.vector_load %arg10[%swap3A_644, %swap3A_645] {strides = array<i32>} : memref<16x128xf32, #tpu.memory_space<vmem>>, vector<1x16xf32>,
    %swap3A_647 = vector.shape_cast %swap3A_646 : vector<1x16xf32> to vector<16xf32>
    %swap3A_648 = vector.shape_cast %broadcast_in_dim3A_1 : vector<16xf32> to vector<1x16xf32>
    tpu.vector_store %arg10[%swap3A_644, %swap3A_645], %swap3A_648 {strides = array<i32>} : memref<16x128xf32, #tpu.memory_space<vmem>>, vector<1x16xf32>,
    %swap3A_649 = arith.constant 13 : i32
    %swap3A_650 = arith.index_cast %swap3A_649 : i32 to index
    %swap3A_651 = arith.constant 64 : index
    %swap3A_652 = tpu.vector_load %arg10[%swap3A_650, %swap3A_651] {strides = array<i32>} : memref<16x128xf32, #tpu.memory_space<vmem>>, vector<1x16xf32>,
    %swap3A_653 = vector.shape_cast %swap3A_652 : vector<1x16xf32> to vector<16xf32>
    %swap3A_654 = vector.shape_cast %broadcast_in_dim3A_1 : vector<16xf32> to vector<1x16xf32>
    tpu.vector_store %arg10[%swap3A_650, %swap3A_651], %swap3A_654 {strides = array<i32>} : memref<16x128xf32, #tpu.memory_space<vmem>>, vector<1x16xf32>,
    %swap3A_655 = arith.constant 13 : i32
    %swap3A_656 = arith.index_cast %swap3A_655 : i32 to index
    %swap3A_657 = arith.constant 80 : index
    %swap3A_658 = tpu.vector_load %arg10[%swap3A_656, %swap3A_657] {strides = array<i32>} : memref<16x128xf32, #tpu.memory_space<vmem>>, vector<1x16xf32>,
    %swap3A_659 = vector.shape_cast %swap3A_658 : vector<1x16xf32> to vector<16xf32>
    %swap3A_660 = vector.shape_cast %broadcast_in_dim3A_1 : vector<16xf32> to vector<1x16xf32>
    tpu.vector_store %arg10[%swap3A_656, %swap3A_657], %swap3A_660 {strides = array<i32>} : memref<16x128xf32, #tpu.memory_space<vmem>>, vector<1x16xf32>,
    %swap3A_661 = arith.constant 13 : i32
    %swap3A_662 = arith.index_cast %swap3A_661 : i32 to index
    %swap3A_663 = arith.constant 96 : index
    %swap3A_664 = tpu.vector_load %arg10[%swap3A_662, %swap3A_663] {strides = array<i32>} : memref<16x128xf32, #tpu.memory_space<vmem>>, vector<1x16xf32>,
    %swap3A_665 = vector.shape_cast %swap3A_664 : vector<1x16xf32> to vector<16xf32>
    %swap3A_666 = vector.shape_cast %broadcast_in_dim3A_1 : vector<16xf32> to vector<1x16xf32>
    tpu.vector_store %arg10[%swap3A_662, %swap3A_663], %swap3A_666 {strides = array<i32>} : memref<16x128xf32, #tpu.memory_space<vmem>>, vector<1x16xf32>,
    %swap3A_667 = arith.constant 13 : i32
    %swap3A_668 = arith.index_cast %swap3A_667 : i32 to index
    %swap3A_669 = arith.constant 112 : index
    %swap3A_670 = tpu.vector_load %arg10[%swap3A_668, %swap3A_669] {strides = array<i32>} : memref<16x128xf32, #tpu.memory_space<vmem>>, vector<1x16xf32>,
    %swap3A_671 = vector.shape_cast %swap3A_670 : vector<1x16xf32> to vector<16xf32>
    %swap3A_672 = vector.shape_cast %broadcast_in_dim3A_1 : vector<16xf32> to vector<1x16xf32>
    tpu.vector_store %arg10[%swap3A_668, %swap3A_669], %swap3A_672 {strides = array<i32>} : memref<16x128xf32, #tpu.memory_space<vmem>>, vector<1x16xf32>,
    %swap3A_673 = arith.constant 14 : i32
    %swap3A_674 = arith.index_cast %swap3A_673 : i32 to index
    %swap3A_675 = arith.constant 0 : index
    %swap3A_676 = tpu.vector_load %arg10[%swap3A_674, %swap3A_675] {strides = array<i32>} : memref<16x128xf32, #tpu.memory_space<vmem>>, vector<1x16xf32>,
    %swap3A_677 = vector.shape_cast %swap3A_676 : vector<1x16xf32> to vector<16xf32>
    %swap3A_678 = vector.shape_cast %broadcast_in_dim3A_1 : vector<16xf32> to vector<1x16xf32>
    tpu.vector_store %arg10[%swap3A_674, %swap3A_675], %swap3A_678 {strides = array<i32>} : memref<16x128xf32, #tpu.memory_space<vmem>>, vector<1x16xf32>,
    %swap3A_679 = arith.constant 14 : i32
    %swap3A_680 = arith.index_cast %swap3A_679 : i32 to index
    %swap3A_681 = arith.constant 16 : index
    %swap3A_682 = tpu.vector_load %arg10[%swap3A_680, %swap3A_681] {strides = array<i32>} : memref<16x128xf32, #tpu.memory_space<vmem>>, vector<1x16xf32>,
    %swap3A_683 = vector.shape_cast %swap3A_682 : vector<1x16xf32> to vector<16xf32>
    %swap3A_684 = vector.shape_cast %broadcast_in_dim3A_1 : vector<16xf32> to vector<1x16xf32>
    tpu.vector_store %arg10[%swap3A_680, %swap3A_681], %swap3A_684 {strides = array<i32>} : memref<16x128xf32, #tpu.memory_space<vmem>>, vector<1x16xf32>,
    %swap3A_685 = arith.constant 14 : i32
    %swap3A_686 = arith.index_cast %swap3A_685 : i32 to index
    %swap3A_687 = arith.constant 32 : index
    %swap3A_688 = tpu.vector_load %arg10[%swap3A_686, %swap3A_687] {strides = array<i32>} : memref<16x128xf32, #tpu.memory_space<vmem>>, vector<1x16xf32>,
    %swap3A_689 = vector.shape_cast %swap3A_688 : vector<1x16xf32> to vector<16xf32>
    %swap3A_690 = vector.shape_cast %broadcast_in_dim3A_1 : vector<16xf32> to vector<1x16xf32>
    tpu.vector_store %arg10[%swap3A_686, %swap3A_687], %swap3A_690 {strides = array<i32>} : memref<16x128xf32, #tpu.memory_space<vmem>>, vector<1x16xf32>,
    %swap3A_691 = arith.constant 14 : i32
    %swap3A_692 = arith.index_cast %swap3A_691 : i32 to index
    %swap3A_693 = arith.constant 48 : index
    %swap3A_694 = tpu.vector_load %arg10[%swap3A_692, %swap3A_693] {strides = array<i32>} : memref<16x128xf32, #tpu.memory_space<vmem>>, vector<1x16xf32>,
    %swap3A_695 = vector.shape_cast %swap3A_694 : vector<1x16xf32> to vector<16xf32>
    %swap3A_696 = vector.shape_cast %broadcast_in_dim3A_1 : vector<16xf32> to vector<1x16xf32>
    tpu.vector_store %arg10[%swap3A_692, %swap3A_693], %swap3A_696 {strides = array<i32>} : memref<16x128xf32, #tpu.memory_space<vmem>>, vector<1x16xf32>,
    %swap3A_697 = arith.constant 14 : i32
    %swap3A_698 = arith.index_cast %swap3A_697 : i32 to index
    %swap3A_699 = arith.constant 64 : index
    %swap3A_700 = tpu.vector_load %arg10[%swap3A_698, %swap3A_699] {strides = array<i32>} : memref<16x128xf32, #tpu.memory_space<vmem>>, vector<1x16xf32>,
    %swap3A_701 = vector.shape_cast %swap3A_700 : vector<1x16xf32> to vector<16xf32>
    %swap3A_702 = vector.shape_cast %broadcast_in_dim3A_1 : vector<16xf32> to vector<1x16xf32>
    tpu.vector_store %arg10[%swap3A_698, %swap3A_699], %swap3A_702 {strides = array<i32>} : memref<16x128xf32, #tpu.memory_space<vmem>>, vector<1x16xf32>,
    %swap3A_703 = arith.constant 14 : i32
    %swap3A_704 = arith.index_cast %swap3A_703 : i32 to index
    %swap3A_705 = arith.constant 80 : index
    %swap3A_706 = tpu.vector_load %arg10[%swap3A_704, %swap3A_705] {strides = array<i32>} : memref<16x128xf32, #tpu.memory_space<vmem>>, vector<1x16xf32>,
    %swap3A_707 = vector.shape_cast %swap3A_706 : vector<1x16xf32> to vector<16xf32>
    %swap3A_708 = vector.shape_cast %broadcast_in_dim3A_1 : vector<16xf32> to vector<1x16xf32>
    tpu.vector_store %arg10[%swap3A_704, %swap3A_705], %swap3A_708 {strides = array<i32>} : memref<16x128xf32, #tpu.memory_space<vmem>>, vector<1x16xf32>,
    %swap3A_709 = arith.constant 14 : i32
    %swap3A_710 = arith.index_cast %swap3A_709 : i32 to index
    %swap3A_711 = arith.constant 96 : index
    %swap3A_712 = tpu.vector_load %arg10[%swap3A_710, %swap3A_711] {strides = array<i32>} : memref<16x128xf32, #tpu.memory_space<vmem>>, vector<1x16xf32>,
    %swap3A_713 = vector.shape_cast %swap3A_712 : vector<1x16xf32> to vector<16xf32>
    %swap3A_714 = vector.shape_cast %broadcast_in_dim3A_1 : vector<16xf32> to vector<1x16xf32>
    tpu.vector_store %arg10[%swap3A_710, %swap3A_711], %swap3A_714 {strides = array<i32>} : memref<16x128xf32, #tpu.memory_space<vmem>>, vector<1x16xf32>,
    %swap3A_715 = arith.constant 14 : i32
    %swap3A_716 = arith.index_cast %swap3A_715 : i32 to index
    %swap3A_717 = arith.constant 112 : index
    %swap3A_718 = tpu.vector_load %arg10[%swap3A_716, %swap3A_717] {strides = array<i32>} : memref<16x128xf32, #tpu.memory_space<vmem>>, vector<1x16xf32>,
    %swap3A_719 = vector.shape_cast %swap3A_718 : vector<1x16xf32> to vector<16xf32>
    %swap3A_720 = vector.shape_cast %broadcast_in_dim3A_1 : vector<16xf32> to vector<1x16xf32>
    tpu.vector_store %arg10[%swap3A_716, %swap3A_717], %swap3A_720 {strides = array<i32>} : memref<16x128xf32, #tpu.memory_space<vmem>>, vector<1x16xf32>,
    %swap3A_721 = arith.constant 15 : i32
    %swap3A_722 = arith.index_cast %swap3A_721 : i32 to index
    %swap3A_723 = arith.constant 0 : index
    %swap3A_724 = tpu.vector_load %arg10[%swap3A_722, %swap3A_723] {strides = array<i32>} : memref<16x128xf32, #tpu.memory_space<vmem>>, vector<1x16xf32>,
    %swap3A_725 = vector.shape_cast %swap3A_724 : vector<1x16xf32> to vector<16xf32>
    %swap3A_726 = vector.shape_cast %broadcast_in_dim3A_1 : vector<16xf32> to vector<1x16xf32>
    tpu.vector_store %arg10[%swap3A_722, %swap3A_723], %swap3A_726 {strides = array<i32>} : memref<16x128xf32, #tpu.memory_space<vmem>>, vector<1x16xf32>,
    %swap3A_727 = arith.constant 15 : i32
    %swap3A_728 = arith.index_cast %swap3A_727 : i32 to index
    %swap3A_729 = arith.constant 16 : index
    %swap3A_730 = tpu.vector_load %arg10[%swap3A_728, %swap3A_729] {strides = array<i32>} : memref<16x128xf32, #tpu.memory_space<vmem>>, vector<1x16xf32>,
    %swap3A_731 = vector.shape_cast %swap3A_730 : vector<1x16xf32> to vector<16xf32>
    %swap3A_732 = vector.shape_cast %broadcast_in_dim3A_1 : vector<16xf32> to vector<1x16xf32>
    tpu.vector_store %arg10[%swap3A_728, %swap3A_729], %swap3A_732 {strides = array<i32>} : memref<16x128xf32, #tpu.memory_space<vmem>>, vector<1x16xf32>,
    %swap3A_733 = arith.constant 15 : i32
    %swap3A_734 = arith.index_cast %swap3A_733 : i32 to index
    %swap3A_735 = arith.constant 32 : index
    %swap3A_736 = tpu.vector_load %arg10[%swap3A_734, %swap3A_735] {strides = array<i32>} : memref<16x128xf32, #tpu.memory_space<vmem>>, vector<1x16xf32>,
    %swap3A_737 = vector.shape_cast %swap3A_736 : vector<1x16xf32> to vector<16xf32>
    %swap3A_738 = vector.shape_cast %broadcast_in_dim3A_1 : vector<16xf32> to vector<1x16xf32>
    tpu.vector_store %arg10[%swap3A_734, %swap3A_735], %swap3A_738 {strides = array<i32>} : memref<16x128xf32, #tpu.memory_space<vmem>>, vector<1x16xf32>,
    %swap3A_739 = arith.constant 15 : i32
    %swap3A_740 = arith.index_cast %swap3A_739 : i32 to index
    %swap3A_741 = arith.constant 48 : index
    %swap3A_742 = tpu.vector_load %arg10[%swap3A_740, %swap3A_741] {strides = array<i32>} : memref<16x128xf32, #tpu.memory_space<vmem>>, vector<1x16xf32>,
    %swap3A_743 = vector.shape_cast %swap3A_742 : vector<1x16xf32> to vector<16xf32>
    %swap3A_744 = vector.shape_cast %broadcast_in_dim3A_1 : vector<16xf32> to vector<1x16xf32>
    tpu.vector_store %arg10[%swap3A_740, %swap3A_741], %swap3A_744 {strides = array<i32>} : memref<16x128xf32, #tpu.memory_space<vmem>>, vector<1x16xf32>,
    %swap3A_745 = arith.constant 15 : i32
    %swap3A_746 = arith.index_cast %swap3A_745 : i32 to index
    %swap3A_747 = arith.constant 64 : index
    %swap3A_748 = tpu.vector_load %arg10[%swap3A_746, %swap3A_747] {strides = array<i32>} : memref<16x128xf32, #tpu.memory_space<vmem>>, vector<1x16xf32>,
    %swap3A_749 = vector.shape_cast %swap3A_748 : vector<1x16xf32> to vector<16xf32>
    %swap3A_750 = vector.shape_cast %broadcast_in_dim3A_1 : vector<16xf32> to vector<1x16xf32>
    tpu.vector_store %arg10[%swap3A_746, %swap3A_747], %swap3A_750 {strides = array<i32>} : memref<16x128xf32, #tpu.memory_space<vmem>>, vector<1x16xf32>,
    %swap3A_751 = arith.constant 15 : i32
    %swap3A_752 = arith.index_cast %swap3A_751 : i32 to index
    %swap3A_753 = arith.constant 80 : index
    %swap3A_754 = tpu.vector_load %arg10[%swap3A_752, %swap3A_753] {strides = array<i32>} : memref<16x128xf32, #tpu.memory_space<vmem>>, vector<1x16xf32>,
    %swap3A_755 = vector.shape_cast %swap3A_754 : vector<1x16xf32> to vector<16xf32>
    %swap3A_756 = vector.shape_cast %broadcast_in_dim3A_1 : vector<16xf32> to vector<1x16xf32>
    tpu.vector_store %arg10[%swap3A_752, %swap3A_753], %swap3A_756 {strides = array<i32>} : memref<16x128xf32, #tpu.memory_space<vmem>>, vector<1x16xf32>,
    %swap3A_757 = arith.constant 15 : i32
    %swap3A_758 = arith.index_cast %swap3A_757 : i32 to index
    %swap3A_759 = arith.constant 96 : index
    %swap3A_760 = tpu.vector_load %arg10[%swap3A_758, %swap3A_759] {strides = array<i32>} : memref<16x128xf32, #tpu.memory_space<vmem>>, vector<1x16xf32>,
    %swap3A_761 = vector.shape_cast %swap3A_760 : vector<1x16xf32> to vector<16xf32>
    %swap3A_762 = vector.shape_cast %broadcast_in_dim3A_1 : vector<16xf32> to vector<1x16xf32>
    tpu.vector_store %arg10[%swap3A_758, %swap3A_759], %swap3A_762 {strides = array<i32>} : memref<16x128xf32, #tpu.memory_space<vmem>>, vector<1x16xf32>,
    %swap3A_763 = arith.constant 15 : i32
    %swap3A_764 = arith.index_cast %swap3A_763 : i32 to index
    %swap3A_765 = arith.constant 112 : index
    %swap3A_766 = tpu.vector_load %arg10[%swap3A_764, %swap3A_765] {strides = array<i32>} : memref<16x128xf32, #tpu.memory_space<vmem>>, vector<1x16xf32>,
    %swap3A_767 = vector.shape_cast %swap3A_766 : vector<1x16xf32> to vector<16xf32>
    %swap3A_768 = vector.shape_cast %broadcast_in_dim3A_1 : vector<16xf32> to vector<1x16xf32>
    tpu.vector_store %arg10[%swap3A_764, %swap3A_765], %swap3A_768 {strides = array<i32>} : memref<16x128xf32, #tpu.memory_space<vmem>>, vector<1x16xf32>,
    %mul3A_769 = arith.constant 640 : i32
    %mul3A_770 = arith.muli %arg1, %mul3A_769 : i32
    %scan3A = arith.constant 0 : i32
    %scan3A_771 = arith.constant 0 : i32
    %scan3A_772 = arith.constant 40 : i32
    %scan3A_773 = arith.addi %scan3A_771, %scan3A_772 : i32
    %scan3A_774 = arith.constant 1 : i32
    scf.for %scan3A_829 = %scan3A_771 to %scan3A_773 step %scan3A_774  : i32 {
      %mul3A_830 = arith.constant 16 : i32
      %mul3A_831 = arith.muli %scan3A_829, %mul3A_830 : i32
      %add3A_832 = arith.addi %mul3A_770, %mul3A_831 : i32
      "tpu.region"() ({
        %run_scoped3A = tpu.sem_alloc : memref<!tpu.dma_semaphore, #tpu.memory_space<semaphore_mem>>
        %dma_start3A_833 = arith.constant 0 : i32
        %dma_start3A_834 = tpu.memref_slice %arg11[%add3A_832, %dma_start3A_833] : memref<10240x128xf32, #tpu.memory_space<vmem_shared>> -> memref<16x128xf32, #tpu.memory_space<vmem_shared>>
        %dma_start3A_835 = arith.constant 0 : i32
        %dma_start3A_836 = tpu.memref_slice %arg11[%add3A_832, %dma_start3A_835] : memref<10240x128xf32, #tpu.memory_space<vmem_shared>> -> memref<16x128xf32, #tpu.memory_space<vmem_shared>>
        tpu.enqueue_dma source(%arg10 : memref<16x128xf32, #tpu.memory_space<vmem>>) target(%dma_start3A_836 : memref<16x128xf32, #tpu.memory_space<vmem_shared>>) target_semaphore(%run_scoped3A : memref<!tpu.dma_semaphore, #tpu.memory_space<semaphore_mem>>)
        %dma_wait3A_837 = arith.constant 0 : i32
        %dma_wait3A_838 = tpu.memref_slice %arg11[%add3A_832, %dma_wait3A_837] : memref<10240x128xf32, #tpu.memory_space<vmem_shared>> -> memref<16x128xf32, #tpu.memory_space<vmem_shared>>
        %dma_wait3A_839 = arith.constant 0 : i32
        %dma_wait3A_840 = tpu.memref_slice %arg11[%add3A_832, %dma_wait3A_839] : memref<10240x128xf32, #tpu.memory_space<vmem_shared>> -> memref<16x128xf32, #tpu.memory_space<vmem_shared>>
        tpu.wait_dma2 semaphore(%run_scoped3A : memref<!tpu.dma_semaphore, #tpu.memory_space<semaphore_mem>>) src(%arg10 : memref<16x128xf32, #tpu.memory_space<vmem>>) dst(%dma_wait3A_840 : memref<16x128xf32, #tpu.memory_space<vmem_shared>>)
        tpu.yield
      }) : () -> ()
    }
    %scan3A_775 = arith.constant 40 : i32
    %barrier3A = arith.constant 0 : index
    tpu.barrier barrier_id(%barrier3A)
    %mul3A_776 = arith.constant 80 : i32
    %mul3A_777 = arith.muli %add3A, %mul3A_776 : i32
    %add3A_778 = arith.constant 0 : i32
    %add3A_779 = arith.addi %mul3A_777, %add3A_778 : i32
    "tpu.region"() ({
      %run_scoped3A = tpu.sem_alloc : memref<!tpu.dma_semaphore, #tpu.memory_space<semaphore_mem>>
      %dma_start3A_829 = arith.constant 0 : i32
      %dma_start3A_830 = tpu.memref_slice %arg3[%add3A_779, %dma_start3A_829] : memref<2560x128xi32, #tpu.memory_space<hbm>> -> memref<40x128xi32, #tpu.memory_space<hbm>>
      %dma_start3A_831 = arith.constant 0 : i32
      %dma_start3A_832 = tpu.memref_slice %arg3[%add3A_779, %dma_start3A_831] : memref<2560x128xi32, #tpu.memory_space<hbm>> -> memref<40x128xi32, #tpu.memory_space<hbm>>
      tpu.enqueue_dma source(%dma_start3A_832 : memref<40x128xi32, #tpu.memory_space<hbm>>) target(%arg6 : memref<40x128xi32, #tpu.memory_space<vmem>>) target_semaphore(%run_scoped3A : memref<!tpu.dma_semaphore, #tpu.memory_space<semaphore_mem>>)
      %dma_wait3A_833 = arith.constant 0 : i32
      %dma_wait3A_834 = tpu.memref_slice %arg3[%add3A_779, %dma_wait3A_833] : memref<2560x128xi32, #tpu.memory_space<hbm>> -> memref<40x128xi32, #tpu.memory_space<hbm>>
      %dma_wait3A_835 = arith.constant 0 : i32
      %dma_wait3A_836 = tpu.memref_slice %arg3[%add3A_779, %dma_wait3A_835] : memref<2560x128xi32, #tpu.memory_space<hbm>> -> memref<40x128xi32, #tpu.memory_space<hbm>>
      tpu.wait_dma2 semaphore(%run_scoped3A : memref<!tpu.dma_semaphore, #tpu.memory_space<semaphore_mem>>) src(%dma_wait3A_836 : memref<40x128xi32, #tpu.memory_space<hbm>>) dst(%arg6 : memref<40x128xi32, #tpu.memory_space<vmem>>)
      tpu.yield
    }) : () -> ()
    "tpu.region"() ({
      %run_scoped3A = tpu.sem_alloc : memref<!tpu.dma_semaphore, #tpu.memory_space<semaphore_mem>>
      %dma_start3A_829 = arith.constant 0 : i32
      %dma_start3A_830 = tpu.memref_slice %arg4[%add3A_779, %dma_start3A_829] : memref<2560x128xi32, #tpu.memory_space<hbm>> -> memref<40x128xi32, #tpu.memory_space<hbm>>
      %dma_start3A_831 = arith.constant 0 : i32
      %dma_start3A_832 = tpu.memref_slice %arg4[%add3A_779, %dma_start3A_831] : memref<2560x128xi32, #tpu.memory_space<hbm>> -> memref<40x128xi32, #tpu.memory_space<hbm>>
      tpu.enqueue_dma source(%dma_start3A_832 : memref<40x128xi32, #tpu.memory_space<hbm>>) target(%arg7 : memref<40x128xi32, #tpu.memory_space<vmem>>) target_semaphore(%run_scoped3A : memref<!tpu.dma_semaphore, #tpu.memory_space<semaphore_mem>>)
      %dma_wait3A_833 = arith.constant 0 : i32
      %dma_wait3A_834 = tpu.memref_slice %arg4[%add3A_779, %dma_wait3A_833] : memref<2560x128xi32, #tpu.memory_space<hbm>> -> memref<40x128xi32, #tpu.memory_space<hbm>>
      %dma_wait3A_835 = arith.constant 0 : i32
      %dma_wait3A_836 = tpu.memref_slice %arg4[%add3A_779, %dma_wait3A_835] : memref<2560x128xi32, #tpu.memory_space<hbm>> -> memref<40x128xi32, #tpu.memory_space<hbm>>
      tpu.wait_dma2 semaphore(%run_scoped3A : memref<!tpu.dma_semaphore, #tpu.memory_space<semaphore_mem>>) src(%dma_wait3A_836 : memref<40x128xi32, #tpu.memory_space<hbm>>) dst(%arg7 : memref<40x128xi32, #tpu.memory_space<vmem>>)
      tpu.yield
    }) : () -> ()
    %dma_start3A = arith.constant 0 : i32
    %dma_start3A_780 = arith.constant 0 : i32
    %dma_start3A_781 = tpu.memref_slice %arg6[%dma_start3A, %dma_start3A_780] : memref<40x128xi32, #tpu.memory_space<vmem>> -> memref<1x128xi32, #tpu.memory_space<vmem>>
    %dma_start3A_782 = tpu.memref_squeeze %dma_start3A_781 : memref<1x128xi32, #tpu.memory_space<vmem>> -> memref<128xi32, #tpu.memory_space<vmem>>
    %dma_start3A_783 = arith.constant 0 : i32
    %dma_start3A_784 = arith.constant 0 : i32
    %dma_start3A_785 = tpu.memref_slice %arg2[%dma_start3A_783, %dma_start3A_784] : memref<10000x128xf32, #tpu.memory_space<hbm>> -> memref<10000x128xf32, #tpu.memory_space<hbm>>
    tpu.enqueue_indirect_dma source(%dma_start3A_785 : memref<10000x128xf32, #tpu.memory_space<hbm>>) target(%arg8 : memref<128x128xf32, #tpu.memory_space<vmem>>) offsets(%dma_start3A_782 : memref<128xi32, #tpu.memory_space<vmem>>) semaphore(%arg12 : memref<!tpu.dma_semaphore, #tpu.memory_space<semaphore_mem>>)
    %scan3A_786 = arith.constant 0 : i32
    %scan3A_787 = arith.constant 0 : i32
    %scan3A_788 = arith.constant 20 : i32
    %scan3A_789 = arith.addi %scan3A_787, %scan3A_788 : i32
    %scan3A_790 = arith.constant 1 : i32
    scf.for %scan3A_829 = %scan3A_787 to %scan3A_789 step %scan3A_790  : i32 {
      %mul3A_830 = arith.constant 2 : i32
      %mul3A_831 = arith.muli %mul3A_830, %scan3A_829 : i32
      %add3A_832 = arith.constant 1 : i32
      %add3A_833 = arith.addi %mul3A_831, %add3A_832 : i32
      %dma_start3A_834 = arith.constant 0 : i32
      %dma_start3A_835 = tpu.memref_slice %arg6[%add3A_833, %dma_start3A_834] : memref<40x128xi32, #tpu.memory_space<vmem>> -> memref<1x128xi32, #tpu.memory_space<vmem>>
      %dma_start3A_836 = tpu.memref_squeeze %dma_start3A_835 : memref<1x128xi32, #tpu.memory_space<vmem>> -> memref<128xi32, #tpu.memory_space<vmem>>
      %dma_start3A_837 = arith.constant 0 : i32
      %dma_start3A_838 = arith.constant 0 : i32
      %dma_start3A_839 = tpu.memref_slice %arg2[%dma_start3A_837, %dma_start3A_838] : memref<10000x128xf32, #tpu.memory_space<hbm>> -> memref<10000x128xf32, #tpu.memory_space<hbm>>
      tpu.enqueue_indirect_dma source(%dma_start3A_839 : memref<10000x128xf32, #tpu.memory_space<hbm>>) target(%arg9 : memref<128x128xf32, #tpu.memory_space<vmem>>) offsets(%dma_start3A_836 : memref<128xi32, #tpu.memory_space<vmem>>) semaphore(%arg13 : memref<!tpu.dma_semaphore, #tpu.memory_space<semaphore_mem>>)
      %dma_wait3A_840 = arith.constant 0 : i32
      %dma_wait3A_841 = tpu.memref_slice %arg6[%mul3A_831, %dma_wait3A_840] : memref<40x128xi32, #tpu.memory_space<vmem>> -> memref<1x128xi32, #tpu.memory_space<vmem>>
      %dma_wait3A_842 = tpu.memref_squeeze %dma_wait3A_841 : memref<1x128xi32, #tpu.memory_space<vmem>> -> memref<128xi32, #tpu.memory_space<vmem>>
      %dma_wait3A_843 = arith.constant 0 : i32
      %dma_wait3A_844 = arith.constant 0 : i32
      %dma_wait3A_845 = tpu.memref_slice %arg2[%dma_wait3A_843, %dma_wait3A_844] : memref<10000x128xf32, #tpu.memory_space<hbm>> -> memref<10000x128xf32, #tpu.memory_space<hbm>>
      tpu.wait_indirect_dma semaphore(%arg12 : memref<!tpu.dma_semaphore, #tpu.memory_space<semaphore_mem>>) src(%dma_wait3A_845 : memref<10000x128xf32, #tpu.memory_space<hbm>>) dst(%arg8 : memref<128x128xf32, #tpu.memory_space<vmem>>)
      "tpu.region"() ({
        %run_scoped3A = tpu.sem_alloc : memref<!tpu.dma_semaphore, #tpu.memory_space<semaphore_mem>>
        %dma_start3A_863 = arith.constant 0 : i32
        %dma_start3A_864 = tpu.memref_slice %arg7[%mul3A_831, %dma_start3A_863] : memref<40x128xi32, #tpu.memory_space<vmem>> -> memref<1x128xi32, #tpu.memory_space<vmem>>
        %dma_start3A_865 = tpu.memref_squeeze %dma_start3A_864 : memref<1x128xi32, #tpu.memory_space<vmem>> -> memref<128xi32, #tpu.memory_space<vmem>>
        %dma_start3A_866 = arith.constant 0 : i32
        %dma_start3A_867 = arith.constant 0 : i32
        %dma_start3A_868 = tpu.memref_slice %arg11[%dma_start3A_866, %dma_start3A_867] : memref<10240x128xf32, #tpu.memory_space<vmem_shared>> -> memref<10240x128xf32, #tpu.memory_space<vmem_shared>>
        tpu.enqueue_indirect_dma source(%arg8 : memref<128x128xf32, #tpu.memory_space<vmem>>) target(%dma_start3A_868 : memref<10240x128xf32, #tpu.memory_space<vmem_shared>>) offsets(%dma_start3A_865 : memref<128xi32, #tpu.memory_space<vmem>>) semaphore(%run_scoped3A : memref<!tpu.dma_semaphore, #tpu.memory_space<semaphore_mem>>) {add = true}
        %dma_wait3A_869 = arith.constant 0 : i32
        %dma_wait3A_870 = tpu.memref_slice %arg7[%mul3A_831, %dma_wait3A_869] : memref<40x128xi32, #tpu.memory_space<vmem>> -> memref<1x128xi32, #tpu.memory_space<vmem>>
        %dma_wait3A_871 = tpu.memref_squeeze %dma_wait3A_870 : memref<1x128xi32, #tpu.memory_space<vmem>> -> memref<128xi32, #tpu.memory_space<vmem>>
        %dma_wait3A_872 = arith.constant 0 : i32
        %dma_wait3A_873 = arith.constant 0 : i32
        %dma_wait3A_874 = tpu.memref_slice %arg11[%dma_wait3A_872, %dma_wait3A_873] : memref<10240x128xf32, #tpu.memory_space<vmem_shared>> -> memref<10240x128xf32, #tpu.memory_space<vmem_shared>>
        tpu.wait_indirect_dma semaphore(%run_scoped3A : memref<!tpu.dma_semaphore, #tpu.memory_space<semaphore_mem>>) src(%arg8 : memref<128x128xf32, #tpu.memory_space<vmem>>) dst(%dma_wait3A_874 : memref<10240x128xf32, #tpu.memory_space<vmem_shared>>)
        tpu.yield
      }) : () -> ()
      %add3A_846 = arith.constant 2 : i32
      %add3A_847 = arith.addi %mul3A_831, %add3A_846 : i32
      %min3A = arith.constant 39 : i32
      %min3A_848 = arith.minsi %add3A_847, %min3A : i32
      %dma_start3A_849 = arith.constant 0 : i32
      %dma_start3A_850 = tpu.memref_slice %arg6[%min3A_848, %dma_start3A_849] : memref<40x128xi32, #tpu.memory_space<vmem>> -> memref<1x128xi32, #tpu.memory_space<vmem>>
      %dma_start3A_851 = tpu.memref_squeeze %dma_start3A_850 : memref<1x128xi32, #tpu.memory_space<vmem>> -> memref<128xi32, #tpu.memory_space<vmem>>
      %dma_start3A_852 = arith.constant 0 : i32
      %dma_start3A_853 = arith.constant 0 : i32
      %dma_start3A_854 = tpu.memref_slice %arg2[%dma_start3A_852, %dma_start3A_853] : memref<10000x128xf32, #tpu.memory_space<hbm>> -> memref<10000x128xf32, #tpu.memory_space<hbm>>
      tpu.enqueue_indirect_dma source(%dma_start3A_854 : memref<10000x128xf32, #tpu.memory_space<hbm>>) target(%arg8 : memref<128x128xf32, #tpu.memory_space<vmem>>) offsets(%dma_start3A_851 : memref<128xi32, #tpu.memory_space<vmem>>) semaphore(%arg12 : memref<!tpu.dma_semaphore, #tpu.memory_space<semaphore_mem>>)
      %dma_wait3A_855 = arith.constant 0 : i32
      %dma_wait3A_856 = tpu.memref_slice %arg6[%mul3A_831, %dma_wait3A_855] : memref<40x128xi32, #tpu.memory_space<vmem>> -> memref<1x128xi32, #tpu.memory_space<vmem>>
      %dma_wait3A_857 = tpu.memref_squeeze %dma_wait3A_856 : memref<1x128xi32, #tpu.memory_space<vmem>> -> memref<128xi32, #tpu.memory_space<vmem>>
      %dma_wait3A_858 = arith.constant 0 : i32
      %dma_wait3A_859 = arith.constant 0 : i32
      %dma_wait3A_860 = tpu.memref_slice %arg2[%dma_wait3A_858, %dma_wait3A_859] : memref<10000x128xf32, #tpu.memory_space<hbm>> -> memref<10000x128xf32, #tpu.memory_space<hbm>>
      tpu.wait_indirect_dma semaphore(%arg13 : memref<!tpu.dma_semaphore, #tpu.memory_space<semaphore_mem>>) src(%dma_wait3A_860 : memref<10000x128xf32, #tpu.memory_space<hbm>>) dst(%arg9 : memref<128x128xf32, #tpu.memory_space<vmem>>)
      %add3A_861 = arith.constant 1 : i32
      %add3A_862 = arith.addi %mul3A_831, %add3A_861 : i32
      "tpu.region"() ({
        %run_scoped3A = tpu.sem_alloc : memref<!tpu.dma_semaphore, #tpu.memory_space<semaphore_mem>>
        %dma_start3A_863 = arith.constant 0 : i32
        %dma_start3A_864 = tpu.memref_slice %arg7[%add3A_862, %dma_start3A_863] : memref<40x128xi32, #tpu.memory_space<vmem>> -> memref<1x128xi32, #tpu.memory_space<vmem>>
        %dma_start3A_865 = tpu.memref_squeeze %dma_start3A_864 : memref<1x128xi32, #tpu.memory_space<vmem>> -> memref<128xi32, #tpu.memory_space<vmem>>
        %dma_start3A_866 = arith.constant 0 : i32
        %dma_start3A_867 = arith.constant 0 : i32
        %dma_start3A_868 = tpu.memref_slice %arg11[%dma_start3A_866, %dma_start3A_867] : memref<10240x128xf32, #tpu.memory_space<vmem_shared>> -> memref<10240x128xf32, #tpu.memory_space<vmem_shared>>
        tpu.enqueue_indirect_dma source(%arg9 : memref<128x128xf32, #tpu.memory_space<vmem>>) target(%dma_start3A_868 : memref<10240x128xf32, #tpu.memory_space<vmem_shared>>) offsets(%dma_start3A_865 : memref<128xi32, #tpu.memory_space<vmem>>) semaphore(%run_scoped3A : memref<!tpu.dma_semaphore, #tpu.memory_space<semaphore_mem>>) {add = true}
        %dma_wait3A_869 = arith.constant 0 : i32
        %dma_wait3A_870 = tpu.memref_slice %arg7[%add3A_862, %dma_wait3A_869] : memref<40x128xi32, #tpu.memory_space<vmem>> -> memref<1x128xi32, #tpu.memory_space<vmem>>
        %dma_wait3A_871 = tpu.memref_squeeze %dma_wait3A_870 : memref<1x128xi32, #tpu.memory_space<vmem>> -> memref<128xi32, #tpu.memory_space<vmem>>
        %dma_wait3A_872 = arith.constant 0 : i32
        %dma_wait3A_873 = arith.constant 0 : i32
        %dma_wait3A_874 = tpu.memref_slice %arg11[%dma_wait3A_872, %dma_wait3A_873] : memref<10240x128xf32, #tpu.memory_space<vmem_shared>> -> memref<10240x128xf32, #tpu.memory_space<vmem_shared>>
        tpu.wait_indirect_dma semaphore(%run_scoped3A : memref<!tpu.dma_semaphore, #tpu.memory_space<semaphore_mem>>) src(%arg9 : memref<128x128xf32, #tpu.memory_space<vmem>>) dst(%dma_wait3A_874 : memref<10240x128xf32, #tpu.memory_space<vmem_shared>>)
        tpu.yield
      }) : () -> ()
    }
    %scan3A_791 = arith.constant 20 : i32
    %dma_wait3A = arith.constant 0 : i32
    %dma_wait3A_792 = arith.constant 0 : i32
    %dma_wait3A_793 = tpu.memref_slice %arg6[%dma_wait3A, %dma_wait3A_792] : memref<40x128xi32, #tpu.memory_space<vmem>> -> memref<1x128xi32, #tpu.memory_space<vmem>>
    %dma_wait3A_794 = tpu.memref_squeeze %dma_wait3A_793 : memref<1x128xi32, #tpu.memory_space<vmem>> -> memref<128xi32, #tpu.memory_space<vmem>>
    %dma_wait3A_795 = arith.constant 0 : i32
    %dma_wait3A_796 = arith.constant 0 : i32
    %dma_wait3A_797 = tpu.memref_slice %arg2[%dma_wait3A_795, %dma_wait3A_796] : memref<10000x128xf32, #tpu.memory_space<hbm>> -> memref<10000x128xf32, #tpu.memory_space<hbm>>
    tpu.wait_indirect_dma semaphore(%arg12 : memref<!tpu.dma_semaphore, #tpu.memory_space<semaphore_mem>>) src(%dma_wait3A_797 : memref<10000x128xf32, #tpu.memory_space<hbm>>) dst(%arg8 : memref<128x128xf32, #tpu.memory_space<vmem>>)
    %mul3A_798 = arith.constant 80 : i32
    %mul3A_799 = arith.muli %add3A, %mul3A_798 : i32
    %add3A_800 = arith.constant 40 : i32
    %add3A_801 = arith.addi %mul3A_799, %add3A_800 : i32
    "tpu.region"() ({
      %run_scoped3A = tpu.sem_alloc : memref<!tpu.dma_semaphore, #tpu.memory_space<semaphore_mem>>
      %dma_start3A_829 = arith.constant 0 : i32
      %dma_start3A_830 = tpu.memref_slice %arg3[%add3A_801, %dma_start3A_829] : memref<2560x128xi32, #tpu.memory_space<hbm>> -> memref<40x128xi32, #tpu.memory_space<hbm>>
      %dma_start3A_831 = arith.constant 0 : i32
      %dma_start3A_832 = tpu.memref_slice %arg3[%add3A_801, %dma_start3A_831] : memref<2560x128xi32, #tpu.memory_space<hbm>> -> memref<40x128xi32, #tpu.memory_space<hbm>>
      tpu.enqueue_dma source(%dma_start3A_832 : memref<40x128xi32, #tpu.memory_space<hbm>>) target(%arg6 : memref<40x128xi32, #tpu.memory_space<vmem>>) target_semaphore(%run_scoped3A : memref<!tpu.dma_semaphore, #tpu.memory_space<semaphore_mem>>)
      %dma_wait3A_833 = arith.constant 0 : i32
      %dma_wait3A_834 = tpu.memref_slice %arg3[%add3A_801, %dma_wait3A_833] : memref<2560x128xi32, #tpu.memory_space<hbm>> -> memref<40x128xi32, #tpu.memory_space<hbm>>
      %dma_wait3A_835 = arith.constant 0 : i32
      %dma_wait3A_836 = tpu.memref_slice %arg3[%add3A_801, %dma_wait3A_835] : memref<2560x128xi32, #tpu.memory_space<hbm>> -> memref<40x128xi32, #tpu.memory_space<hbm>>
      tpu.wait_dma2 semaphore(%run_scoped3A : memref<!tpu.dma_semaphore, #tpu.memory_space<semaphore_mem>>) src(%dma_wait3A_836 : memref<40x128xi32, #tpu.memory_space<hbm>>) dst(%arg6 : memref<40x128xi32, #tpu.memory_space<vmem>>)
      tpu.yield
    }) : () -> ()
    "tpu.region"() ({
      %run_scoped3A = tpu.sem_alloc : memref<!tpu.dma_semaphore, #tpu.memory_space<semaphore_mem>>
      %dma_start3A_829 = arith.constant 0 : i32
      %dma_start3A_830 = tpu.memref_slice %arg4[%add3A_801, %dma_start3A_829] : memref<2560x128xi32, #tpu.memory_space<hbm>> -> memref<40x128xi32, #tpu.memory_space<hbm>>
      %dma_start3A_831 = arith.constant 0 : i32
      %dma_start3A_832 = tpu.memref_slice %arg4[%add3A_801, %dma_start3A_831] : memref<2560x128xi32, #tpu.memory_space<hbm>> -> memref<40x128xi32, #tpu.memory_space<hbm>>
      tpu.enqueue_dma source(%dma_start3A_832 : memref<40x128xi32, #tpu.memory_space<hbm>>) target(%arg7 : memref<40x128xi32, #tpu.memory_space<vmem>>) target_semaphore(%run_scoped3A : memref<!tpu.dma_semaphore, #tpu.memory_space<semaphore_mem>>)
      %dma_wait3A_833 = arith.constant 0 : i32
      %dma_wait3A_834 = tpu.memref_slice %arg4[%add3A_801, %dma_wait3A_833] : memref<2560x128xi32, #tpu.memory_space<hbm>> -> memref<40x128xi32, #tpu.memory_space<hbm>>
      %dma_wait3A_835 = arith.constant 0 : i32
      %dma_wait3A_836 = tpu.memref_slice %arg4[%add3A_801, %dma_wait3A_835] : memref<2560x128xi32, #tpu.memory_space<hbm>> -> memref<40x128xi32, #tpu.memory_space<hbm>>
      tpu.wait_dma2 semaphore(%run_scoped3A : memref<!tpu.dma_semaphore, #tpu.memory_space<semaphore_mem>>) src(%dma_wait3A_836 : memref<40x128xi32, #tpu.memory_space<hbm>>) dst(%arg7 : memref<40x128xi32, #tpu.memory_space<vmem>>)
      tpu.yield
    }) : () -> ()
    %dma_start3A_802 = arith.constant 0 : i32
    %dma_start3A_803 = arith.constant 0 : i32
    %dma_start3A_804 = tpu.memref_slice %arg6[%dma_start3A_802, %dma_start3A_803] : memref<40x128xi32, #tpu.memory_space<vmem>> -> memref<1x128xi32, #tpu.memory_space<vmem>>
    %dma_start3A_805 = tpu.memref_squeeze %dma_start3A_804 : memref<1x128xi32, #tpu.memory_space<vmem>> -> memref<128xi32, #tpu.memory_space<vmem>>
    %dma_start3A_806 = arith.constant 0 : i32
    %dma_start3A_807 = arith.constant 0 : i32
    %dma_start3A_808 = tpu.memref_slice %arg2[%dma_start3A_806, %dma_start3A_807] : memref<10000x128xf32, #tpu.memory_space<hbm>> -> memref<10000x128xf32, #tpu.memory_space<hbm>>
    tpu.enqueue_indirect_dma source(%dma_start3A_808 : memref<10000x128xf32, #tpu.memory_space<hbm>>) target(%arg8 : memref<128x128xf32, #tpu.memory_space<vmem>>) offsets(%dma_start3A_805 : memref<128xi32, #tpu.memory_space<vmem>>) semaphore(%arg12 : memref<!tpu.dma_semaphore, #tpu.memory_space<semaphore_mem>>)
    %scan3A_809 = arith.constant 0 : i32
    %scan3A_810 = arith.constant 0 : i32
    %scan3A_811 = arith.constant 20 : i32
    %scan3A_812 = arith.addi %scan3A_810, %scan3A_811 : i32
    %scan3A_813 = arith.constant 1 : i32
    scf.for %scan3A_829 = %scan3A_810 to %scan3A_812 step %scan3A_813  : i32 {
      %mul3A_830 = arith.constant 2 : i32
      %mul3A_831 = arith.muli %mul3A_830, %scan3A_829 : i32
      %add3A_832 = arith.constant 1 : i32
      %add3A_833 = arith.addi %mul3A_831, %add3A_832 : i32
      %dma_start3A_834 = arith.constant 0 : i32
      %dma_start3A_835 = tpu.memref_slice %arg6[%add3A_833, %dma_start3A_834] : memref<40x128xi32, #tpu.memory_space<vmem>> -> memref<1x128xi32, #tpu.memory_space<vmem>>
      %dma_start3A_836 = tpu.memref_squeeze %dma_start3A_835 : memref<1x128xi32, #tpu.memory_space<vmem>> -> memref<128xi32, #tpu.memory_space<vmem>>
      %dma_start3A_837 = arith.constant 0 : i32
      %dma_start3A_838 = arith.constant 0 : i32
      %dma_start3A_839 = tpu.memref_slice %arg2[%dma_start3A_837, %dma_start3A_838] : memref<10000x128xf32, #tpu.memory_space<hbm>> -> memref<10000x128xf32, #tpu.memory_space<hbm>>
      tpu.enqueue_indirect_dma source(%dma_start3A_839 : memref<10000x128xf32, #tpu.memory_space<hbm>>) target(%arg9 : memref<128x128xf32, #tpu.memory_space<vmem>>) offsets(%dma_start3A_836 : memref<128xi32, #tpu.memory_space<vmem>>) semaphore(%arg13 : memref<!tpu.dma_semaphore, #tpu.memory_space<semaphore_mem>>)
      %dma_wait3A_840 = arith.constant 0 : i32
      %dma_wait3A_841 = tpu.memref_slice %arg6[%mul3A_831, %dma_wait3A_840] : memref<40x128xi32, #tpu.memory_space<vmem>> -> memref<1x128xi32, #tpu.memory_space<vmem>>
      %dma_wait3A_842 = tpu.memref_squeeze %dma_wait3A_841 : memref<1x128xi32, #tpu.memory_space<vmem>> -> memref<128xi32, #tpu.memory_space<vmem>>
      %dma_wait3A_843 = arith.constant 0 : i32
      %dma_wait3A_844 = arith.constant 0 : i32
      %dma_wait3A_845 = tpu.memref_slice %arg2[%dma_wait3A_843, %dma_wait3A_844] : memref<10000x128xf32, #tpu.memory_space<hbm>> -> memref<10000x128xf32, #tpu.memory_space<hbm>>
      tpu.wait_indirect_dma semaphore(%arg12 : memref<!tpu.dma_semaphore, #tpu.memory_space<semaphore_mem>>) src(%dma_wait3A_845 : memref<10000x128xf32, #tpu.memory_space<hbm>>) dst(%arg8 : memref<128x128xf32, #tpu.memory_space<vmem>>)
      "tpu.region"() ({
        %run_scoped3A = tpu.sem_alloc : memref<!tpu.dma_semaphore, #tpu.memory_space<semaphore_mem>>
        %dma_start3A_863 = arith.constant 0 : i32
        %dma_start3A_864 = tpu.memref_slice %arg7[%mul3A_831, %dma_start3A_863] : memref<40x128xi32, #tpu.memory_space<vmem>> -> memref<1x128xi32, #tpu.memory_space<vmem>>
        %dma_start3A_865 = tpu.memref_squeeze %dma_start3A_864 : memref<1x128xi32, #tpu.memory_space<vmem>> -> memref<128xi32, #tpu.memory_space<vmem>>
        %dma_start3A_866 = arith.constant 0 : i32
        %dma_start3A_867 = arith.constant 0 : i32
        %dma_start3A_868 = tpu.memref_slice %arg11[%dma_start3A_866, %dma_start3A_867] : memref<10240x128xf32, #tpu.memory_space<vmem_shared>> -> memref<10240x128xf32, #tpu.memory_space<vmem_shared>>
        tpu.enqueue_indirect_dma source(%arg8 : memref<128x128xf32, #tpu.memory_space<vmem>>) target(%dma_start3A_868 : memref<10240x128xf32, #tpu.memory_space<vmem_shared>>) offsets(%dma_start3A_865 : memref<128xi32, #tpu.memory_space<vmem>>) semaphore(%run_scoped3A : memref<!tpu.dma_semaphore, #tpu.memory_space<semaphore_mem>>) {add = true}
        %dma_wait3A_869 = arith.constant 0 : i32
        %dma_wait3A_870 = tpu.memref_slice %arg7[%mul3A_831, %dma_wait3A_869] : memref<40x128xi32, #tpu.memory_space<vmem>> -> memref<1x128xi32, #tpu.memory_space<vmem>>
        %dma_wait3A_871 = tpu.memref_squeeze %dma_wait3A_870 : memref<1x128xi32, #tpu.memory_space<vmem>> -> memref<128xi32, #tpu.memory_space<vmem>>
        %dma_wait3A_872 = arith.constant 0 : i32
        %dma_wait3A_873 = arith.constant 0 : i32
        %dma_wait3A_874 = tpu.memref_slice %arg11[%dma_wait3A_872, %dma_wait3A_873] : memref<10240x128xf32, #tpu.memory_space<vmem_shared>> -> memref<10240x128xf32, #tpu.memory_space<vmem_shared>>
        tpu.wait_indirect_dma semaphore(%run_scoped3A : memref<!tpu.dma_semaphore, #tpu.memory_space<semaphore_mem>>) src(%arg8 : memref<128x128xf32, #tpu.memory_space<vmem>>) dst(%dma_wait3A_874 : memref<10240x128xf32, #tpu.memory_space<vmem_shared>>)
        tpu.yield
      }) : () -> ()
      %add3A_846 = arith.constant 2 : i32
      %add3A_847 = arith.addi %mul3A_831, %add3A_846 : i32
      %min3A = arith.constant 39 : i32
      %min3A_848 = arith.minsi %add3A_847, %min3A : i32
      %dma_start3A_849 = arith.constant 0 : i32
      %dma_start3A_850 = tpu.memref_slice %arg6[%min3A_848, %dma_start3A_849] : memref<40x128xi32, #tpu.memory_space<vmem>> -> memref<1x128xi32, #tpu.memory_space<vmem>>
      %dma_start3A_851 = tpu.memref_squeeze %dma_start3A_850 : memref<1x128xi32, #tpu.memory_space<vmem>> -> memref<128xi32, #tpu.memory_space<vmem>>
      %dma_start3A_852 = arith.constant 0 : i32
      %dma_start3A_853 = arith.constant 0 : i32
      %dma_start3A_854 = tpu.memref_slice %arg2[%dma_start3A_852, %dma_start3A_853] : memref<10000x128xf32, #tpu.memory_space<hbm>> -> memref<10000x128xf32, #tpu.memory_space<hbm>>
      tpu.enqueue_indirect_dma source(%dma_start3A_854 : memref<10000x128xf32, #tpu.memory_space<hbm>>) target(%arg8 : memref<128x128xf32, #tpu.memory_space<vmem>>) offsets(%dma_start3A_851 : memref<128xi32, #tpu.memory_space<vmem>>) semaphore(%arg12 : memref<!tpu.dma_semaphore, #tpu.memory_space<semaphore_mem>>)
      %dma_wait3A_855 = arith.constant 0 : i32
      %dma_wait3A_856 = tpu.memref_slice %arg6[%mul3A_831, %dma_wait3A_855] : memref<40x128xi32, #tpu.memory_space<vmem>> -> memref<1x128xi32, #tpu.memory_space<vmem>>
      %dma_wait3A_857 = tpu.memref_squeeze %dma_wait3A_856 : memref<1x128xi32, #tpu.memory_space<vmem>> -> memref<128xi32, #tpu.memory_space<vmem>>
      %dma_wait3A_858 = arith.constant 0 : i32
      %dma_wait3A_859 = arith.constant 0 : i32
      %dma_wait3A_860 = tpu.memref_slice %arg2[%dma_wait3A_858, %dma_wait3A_859] : memref<10000x128xf32, #tpu.memory_space<hbm>> -> memref<10000x128xf32, #tpu.memory_space<hbm>>
      tpu.wait_indirect_dma semaphore(%arg13 : memref<!tpu.dma_semaphore, #tpu.memory_space<semaphore_mem>>) src(%dma_wait3A_860 : memref<10000x128xf32, #tpu.memory_space<hbm>>) dst(%arg9 : memref<128x128xf32, #tpu.memory_space<vmem>>)
      %add3A_861 = arith.constant 1 : i32
      %add3A_862 = arith.addi %mul3A_831, %add3A_861 : i32
      "tpu.region"() ({
        %run_scoped3A = tpu.sem_alloc : memref<!tpu.dma_semaphore, #tpu.memory_space<semaphore_mem>>
        %dma_start3A_863 = arith.constant 0 : i32
        %dma_start3A_864 = tpu.memref_slice %arg7[%add3A_862, %dma_start3A_863] : memref<40x128xi32, #tpu.memory_space<vmem>> -> memref<1x128xi32, #tpu.memory_space<vmem>>
        %dma_start3A_865 = tpu.memref_squeeze %dma_start3A_864 : memref<1x128xi32, #tpu.memory_space<vmem>> -> memref<128xi32, #tpu.memory_space<vmem>>
        %dma_start3A_866 = arith.constant 0 : i32
        %dma_start3A_867 = arith.constant 0 : i32
        %dma_start3A_868 = tpu.memref_slice %arg11[%dma_start3A_866, %dma_start3A_867] : memref<10240x128xf32, #tpu.memory_space<vmem_shared>> -> memref<10240x128xf32, #tpu.memory_space<vmem_shared>>
        tpu.enqueue_indirect_dma source(%arg9 : memref<128x128xf32, #tpu.memory_space<vmem>>) target(%dma_start3A_868 : memref<10240x128xf32, #tpu.memory_space<vmem_shared>>) offsets(%dma_start3A_865 : memref<128xi32, #tpu.memory_space<vmem>>) semaphore(%run_scoped3A : memref<!tpu.dma_semaphore, #tpu.memory_space<semaphore_mem>>) {add = true}
        %dma_wait3A_869 = arith.constant 0 : i32
        %dma_wait3A_870 = tpu.memref_slice %arg7[%add3A_862, %dma_wait3A_869] : memref<40x128xi32, #tpu.memory_space<vmem>> -> memref<1x128xi32, #tpu.memory_space<vmem>>
        %dma_wait3A_871 = tpu.memref_squeeze %dma_wait3A_870 : memref<1x128xi32, #tpu.memory_space<vmem>> -> memref<128xi32, #tpu.memory_space<vmem>>
        %dma_wait3A_872 = arith.constant 0 : i32
        %dma_wait3A_873 = arith.constant 0 : i32
        %dma_wait3A_874 = tpu.memref_slice %arg11[%dma_wait3A_872, %dma_wait3A_873] : memref<10240x128xf32, #tpu.memory_space<vmem_shared>> -> memref<10240x128xf32, #tpu.memory_space<vmem_shared>>
        tpu.wait_indirect_dma semaphore(%run_scoped3A : memref<!tpu.dma_semaphore, #tpu.memory_space<semaphore_mem>>) src(%arg9 : memref<128x128xf32, #tpu.memory_space<vmem>>) dst(%dma_wait3A_874 : memref<10240x128xf32, #tpu.memory_space<vmem_shared>>)
        tpu.yield
      }) : () -> ()
    }
    %scan3A_814 = arith.constant 20 : i32
    %dma_wait3A_815 = arith.constant 0 : i32
    %dma_wait3A_816 = arith.constant 0 : i32
    %dma_wait3A_817 = tpu.memref_slice %arg6[%dma_wait3A_815, %dma_wait3A_816] : memref<40x128xi32, #tpu.memory_space<vmem>> -> memref<1x128xi32, #tpu.memory_space<vmem>>
    %dma_wait3A_818 = tpu.memref_squeeze %dma_wait3A_817 : memref<1x128xi32, #tpu.memory_space<vmem>> -> memref<128xi32, #tpu.memory_space<vmem>>
    %dma_wait3A_819 = arith.constant 0 : i32
    %dma_wait3A_820 = arith.constant 0 : i32
    %dma_wait3A_821 = tpu.memref_slice %arg2[%dma_wait3A_819, %dma_wait3A_820] : memref<10000x128xf32, #tpu.memory_space<hbm>> -> memref<10000x128xf32, #tpu.memory_space<hbm>>
    tpu.wait_indirect_dma semaphore(%arg12 : memref<!tpu.dma_semaphore, #tpu.memory_space<semaphore_mem>>) src(%dma_wait3A_821 : memref<10000x128xf32, #tpu.memory_space<hbm>>) dst(%arg8 : memref<128x128xf32, #tpu.memory_space<vmem>>)
    %barrier3A_822 = arith.constant 0 : index
    tpu.barrier barrier_id(%barrier3A_822)
    %lt3A = arith.constant 15 : i32
    %lt3A_823 = arith.cmpi slt, %arg1, %lt3A : i32
    %convert_element_type3A = arith.extui %lt3A_823 : i1 to i32
    %cond3A = arith.constant 0 : i32
    %cond3A_824 = arith.cmpi ne, %convert_element_type3A, %cond3A : i32
    scf.if %cond3A_824 {
      %mul3A_829 = arith.constant 632 : i32
      %mul3A_830 = arith.muli %arg1, %mul3A_829 : i32
      %mul3A_831 = arith.constant 632 : i32
      %mul3A_832 = arith.muli %arg1, %mul3A_831 : i32
      "tpu.region"() ({
        %run_scoped3A = tpu.sem_alloc : memref<!tpu.dma_semaphore, #tpu.memory_space<semaphore_mem>>
        %dma_start3A_833 = arith.constant 0 : i32
        %dma_start3A_834 = tpu.memref_slice %arg5[%arg0, %mul3A_832, %dma_start3A_833] : memref<2x10000x128xf32, #tpu.memory_space<hbm>> -> memref<1x632x128xf32, #tpu.memory_space<hbm>>
        %dma_start3A_835 = tpu.memref_squeeze %dma_start3A_834 : memref<1x632x128xf32, #tpu.memory_space<hbm>> -> memref<632x128xf32, #tpu.memory_space<hbm>>
        %dma_start3A_836 = arith.constant 0 : i32
        %dma_start3A_837 = tpu.memref_slice %arg11[%mul3A_830, %dma_start3A_836] : memref<10240x128xf32, #tpu.memory_space<vmem_shared>> -> memref<632x128xf32, #tpu.memory_space<vmem_shared>>
        tpu.enqueue_dma source(%dma_start3A_837 : memref<632x128xf32, #tpu.memory_space<vmem_shared>>) target(%dma_start3A_835 : memref<632x128xf32, #tpu.memory_space<hbm>>) target_semaphore(%run_scoped3A : memref<!tpu.dma_semaphore, #tpu.memory_space<semaphore_mem>>)
        %dma_wait3A_838 = arith.constant 0 : i32
        %dma_wait3A_839 = tpu.memref_slice %arg5[%arg0, %mul3A_832, %dma_wait3A_838] : memref<2x10000x128xf32, #tpu.memory_space<hbm>> -> memref<1x632x128xf32, #tpu.memory_space<hbm>>
        %dma_wait3A_840 = tpu.memref_squeeze %dma_wait3A_839 : memref<1x632x128xf32, #tpu.memory_space<hbm>> -> memref<632x128xf32, #tpu.memory_space<hbm>>
        %dma_wait3A_841 = arith.constant 0 : i32
        %dma_wait3A_842 = tpu.memref_slice %arg11[%mul3A_830, %dma_wait3A_841] : memref<10240x128xf32, #tpu.memory_space<vmem_shared>> -> memref<632x128xf32, #tpu.memory_space<vmem_shared>>
        tpu.wait_dma2 semaphore(%run_scoped3A : memref<!tpu.dma_semaphore, #tpu.memory_space<semaphore_mem>>) src(%dma_wait3A_842 : memref<632x128xf32, #tpu.memory_space<vmem_shared>>) dst(%dma_wait3A_840 : memref<632x128xf32, #tpu.memory_space<hbm>>)
        tpu.yield
      }) : () -> ()
    } else {
    }
    %eq3A = arith.constant 15 : i32
    %eq3A_825 = arith.cmpi eq, %arg1, %eq3A : i32
    %convert_element_type3A_826 = arith.extui %eq3A_825 : i1 to i32
    %cond3A_827 = arith.constant 0 : i32
    %cond3A_828 = arith.cmpi ne, %convert_element_type3A_826, %cond3A_827 : i32
    scf.if %cond3A_828 {
      "tpu.region"() ({
        %run_scoped3A = tpu.sem_alloc : memref<!tpu.dma_semaphore, #tpu.memory_space<semaphore_mem>>
        %dma_start3A_829 = arith.constant 9480 : i32
        %dma_start3A_830 = arith.constant 0 : i32
        %dma_start3A_831 = tpu.memref_slice %arg5[%arg0, %dma_start3A_829, %dma_start3A_830] : memref<2x10000x128xf32, #tpu.memory_space<hbm>> -> memref<1x520x128xf32, #tpu.memory_space<hbm>>
        %dma_start3A_832 = tpu.memref_squeeze %dma_start3A_831 : memref<1x520x128xf32, #tpu.memory_space<hbm>> -> memref<520x128xf32, #tpu.memory_space<hbm>>
        %dma_start3A_833 = arith.constant 9480 : i32
        %dma_start3A_834 = arith.constant 0 : i32
        %dma_start3A_835 = tpu.memref_slice %arg11[%dma_start3A_833, %dma_start3A_834] : memref<10240x128xf32, #tpu.memory_space<vmem_shared>> -> memref<520x128xf32, #tpu.memory_space<vmem_shared>>
        tpu.enqueue_dma source(%dma_start3A_835 : memref<520x128xf32, #tpu.memory_space<vmem_shared>>) target(%dma_start3A_832 : memref<520x128xf32, #tpu.memory_space<hbm>>) target_semaphore(%run_scoped3A : memref<!tpu.dma_semaphore, #tpu.memory_space<semaphore_mem>>)
        %dma_wait3A_836 = arith.constant 9480 : i32
        %dma_wait3A_837 = arith.constant 0 : i32
        %dma_wait3A_838 = tpu.memref_slice %arg5[%arg0, %dma_wait3A_836, %dma_wait3A_837] : memref<2x10000x128xf32, #tpu.memory_space<hbm>> -> memref<1x520x128xf32, #tpu.memory_space<hbm>>
        %dma_wait3A_839 = tpu.memref_squeeze %dma_wait3A_838 : memref<1x520x128xf32, #tpu.memory_space<hbm>> -> memref<520x128xf32, #tpu.memory_space<hbm>>
        %dma_wait3A_840 = arith.constant 9480 : i32
        %dma_wait3A_841 = arith.constant 0 : i32
        %dma_wait3A_842 = tpu.memref_slice %arg11[%dma_wait3A_840, %dma_wait3A_841] : memref<10240x128xf32, #tpu.memory_space<vmem_shared>> -> memref<520x128xf32, #tpu.memory_space<vmem_shared>>
        tpu.wait_dma2 semaphore(%run_scoped3A : memref<!tpu.dma_semaphore, #tpu.memory_space<semaphore_mem>>) src(%dma_wait3A_842 : memref<520x128xf32, #tpu.memory_space<vmem_shared>>) dst(%dma_wait3A_839 : memref<520x128xf32, #tpu.memory_space<hbm>>)
        tpu.yield
      }) : () -> ()
    } else {
    }
    return
  }
}

module attributes {stable_mosaic.version = 14 : i64} {
  func.func @_finish_h_body(%arg0: i32, %arg1: memref<2x1000x128xf32, #tpu.memory_space<vmem>>, %arg2: memref<2x1000x16xf32, #tpu.memory_space<vmem>>, %arg3: memref<128x128xf32, #tpu.memory_space<vmem>>, %arg4: memref<1x128xf32, #tpu.memory_space<vmem>>, %arg5: memref<1000x128xf32, #tpu.memory_space<vmem>>) attributes {dimension_semantics = [#tpu.dimension_semantics<arbitrary>], iteration_bounds = array<i64: 10>, scalar_prefetch = 0 : i64, scratch_operands = 0 : i64, tpu.core_type = #tpu.core_type<tc>, window_params = [{transform_indices = @transform_0, window_bounds = array<i64: 2, 1000, 128>}, {transform_indices = @transform_1, window_bounds = array<i64: 2, 1000, 16>}, {pipeline_mode = #tpu.pipeline_mode<synchronous>, transform_indices = @transform_2, window_bounds = array<i64: 128, 128>}, {pipeline_mode = #tpu.pipeline_mode<synchronous>, transform_indices = @transform_3, window_bounds = array<i64: 1, 128>}, {transform_indices = @transform_4, window_bounds = array<i64: 1000, 128>}]} {
    %get3A = arith.constant 0 : index
    %get3A_0 = arith.constant 0 : index
    %get3A_1 = arith.constant 0 : index
    %get3A_2 = vector.load %arg1[%get3A, %get3A_0, %get3A_1] : memref<2x1000x128xf32, #tpu.memory_space<vmem>>, vector<1x1000x128xf32>
    %get3A_3 = vector.shape_cast %get3A_2 : vector<1x1000x128xf32> to vector<1000x128xf32>
    %get3A_4 = arith.constant 1 : index
    %get3A_5 = arith.constant 0 : index
    %get3A_6 = arith.constant 0 : index
    %get3A_7 = vector.load %arg1[%get3A_4, %get3A_5, %get3A_6] : memref<2x1000x128xf32, #tpu.memory_space<vmem>>, vector<1x1000x128xf32>
    %get3A_8 = vector.shape_cast %get3A_7 : vector<1x1000x128xf32> to vector<1000x128xf32>
    %add3A = arith.addf %get3A_3, %get3A_8 : vector<1000x128xf32>
    %get3A_9 = arith.constant 0 : index
    %get3A_10 = arith.constant 0 : index
    %get3A_11 = arith.constant 0 : index
    %get3A_12 = vector.load %arg2[%get3A_9, %get3A_10, %get3A_11] : memref<2x1000x16xf32, #tpu.memory_space<vmem>>, vector<1x1000x16xf32>
    %get3A_13 = vector.shape_cast %get3A_12 : vector<1x1000x16xf32> to vector<1000x16xf32>
    %get3A_14 = arith.constant 1 : index
    %get3A_15 = arith.constant 0 : index
    %get3A_16 = arith.constant 0 : index
    %get3A_17 = vector.load %arg2[%get3A_14, %get3A_15, %get3A_16] : memref<2x1000x16xf32, #tpu.memory_space<vmem>>, vector<1x1000x16xf32>
    %get3A_18 = vector.shape_cast %get3A_17 : vector<1x1000x16xf32> to vector<1000x16xf32>
    %add3A_19 = arith.addf %get3A_13, %get3A_18 : vector<1000x16xf32>
    %slice3A = vector.extract_strided_slice %add3A_19 {offsets = [0, 0], sizes = [1000, 1], strides = [1, 1]} : vector<1000x16xf32> to vector<1000x1xf32>
    %max3A = arith.constant 1.000000e+00 : f32
    %max3A_20 = vector.broadcast %max3A : f32 to vector<1000x1xf32>
    %max3A_21 = arith.maximumf %slice3A, %max3A_20 : vector<1000x1xf32>
    %div3A = arith.constant 1.000000e+00 : f32
    %div3A_22 = vector.broadcast %div3A : f32 to vector<1000x1xf32>
    %div3A_23 = arith.divf %div3A_22, %max3A_21 : vector<1000x1xf32>
    %mul3A = vector.broadcast %div3A_23 : vector<1000x1xf32> to vector<1000x128xf32>
    %mul3A_24 = arith.mulf %add3A, %mul3A : vector<1000x128xf32>
    %get3A_25 = arith.constant 0 : index
    %get3A_26 = arith.constant 0 : index
    %get3A_27 = vector.load %arg3[%get3A_25, %get3A_26] : memref<128x128xf32, #tpu.memory_space<vmem>>, vector<128x128xf32>
    %dot_general3A = arith.constant dense<0.000000e+00> : vector<1000x128xf32>
    %dot_general3A_28 = tpu.matmul %mul3A_24, %get3A_27, %dot_general3A {dimension_numbers = #tpu.dot_dimension_numbers<[1], [0], [0], [1], [0, 0, 1, 1], [], []>, transpose_lhs_hint = false} : vector<1000x128xf32>, vector<128x128xf32>, vector<1000x128xf32> -> vector<1000x128xf32>
    %get3A_29 = arith.constant 0 : index
    %get3A_30 = arith.constant 0 : index
    %get3A_31 = vector.load %arg4[%get3A_29, %get3A_30] : memref<1x128xf32, #tpu.memory_space<vmem>>, vector<1x128xf32>
    %add3A_32 = vector.broadcast %get3A_31 : vector<1x128xf32> to vector<1000x128xf32>
    %add3A_33 = arith.addf %dot_general3A_28, %add3A_32 : vector<1000x128xf32>
    %max3A_34 = arith.constant 0.000000e+00 : f32
    %max3A_35 = vector.broadcast %max3A_34 : f32 to vector<1000x128xf32>
    %max3A_36 = arith.maximumf %add3A_33, %max3A_35 : vector<1000x128xf32>
    %swap3A = arith.constant 0 : index
    %swap3A_37 = arith.constant 0 : index
    %swap3A_38 = vector.load %arg5[%swap3A, %swap3A_37] : memref<1000x128xf32, #tpu.memory_space<vmem>>, vector<1000x128xf32>
    tpu.vector_store %arg5[%swap3A, %swap3A_37], %max3A_36 {strides = array<i32>} : memref<1000x128xf32, #tpu.memory_space<vmem>>, vector<1000x128xf32>,
    return
  }
  func.func @transform_0(%arg0: i32) -> (i32, i32, i32) {
    %c0_i32 = arith.constant 0 : i32
    %c0_i32_0 = arith.constant 0 : i32
    %c0_i32_1 = arith.constant 0 : i32
    return %c0_i32, %arg0, %c0_i32_0 : i32, i32, i32
  }
  func.func @transform_1(%arg0: i32) -> (i32, i32, i32) {
    %c0_i32 = arith.constant 0 : i32
    %c0_i32_0 = arith.constant 0 : i32
    %c0_i32_1 = arith.constant 0 : i32
    return %c0_i32, %arg0, %c0_i32_0 : i32, i32, i32
  }
  func.func @transform_2(%arg0: i32) -> (i32, i32) {
    %c0_i32 = arith.constant 0 : i32
    %c0_i32_0 = arith.constant 0 : i32
    %c0_i32_1 = arith.constant 0 : i32
    return %c0_i32, %c0_i32_0 : i32, i32
  }
  func.func @transform_3(%arg0: i32) -> (i32, i32) {
    %c0_i32 = arith.constant 0 : i32
    %c0_i32_0 = arith.constant 0 : i32
    %c0_i32_1 = arith.constant 0 : i32
    return %c0_i32, %c0_i32_0 : i32, i32
  }
  func.func @transform_4(%arg0: i32) -> (i32, i32) {
    %c0_i32 = arith.constant 0 : i32
    %c0_i32_0 = arith.constant 0 : i32
    return %arg0, %c0_i32 : i32, i32
  }
}

module attributes {stable_mosaic.version = 14 : i64} {
  func.func @_mlp_body(%arg0: i32, %arg1: memref<1000x128xf32, #tpu.memory_space<vmem>>, %arg2: memref<128x128xf32, #tpu.memory_space<vmem>>, %arg3: memref<1x128xf32, #tpu.memory_space<vmem>>, %arg4: memref<128x128xf32, #tpu.memory_space<vmem>>, %arg5: memref<1x128xf32, #tpu.memory_space<vmem>>, %arg6: memref<1000x128xf32, #tpu.memory_space<vmem>>) attributes {dimension_semantics = [#tpu.dimension_semantics<arbitrary>], iteration_bounds = array<i64: 10>, scalar_prefetch = 0 : i64, scratch_operands = 0 : i64, tpu.core_type = #tpu.core_type<tc>, window_params = [{transform_indices = @transform_0, window_bounds = array<i64: 1000, 128>}, {pipeline_mode = #tpu.pipeline_mode<synchronous>, transform_indices = @transform_1, window_bounds = array<i64: 128, 128>}, {pipeline_mode = #tpu.pipeline_mode<synchronous>, transform_indices = @transform_2, window_bounds = array<i64: 1, 128>}, {pipeline_mode = #tpu.pipeline_mode<synchronous>, transform_indices = @transform_3, window_bounds = array<i64: 128, 128>}, {pipeline_mode = #tpu.pipeline_mode<synchronous>, transform_indices = @transform_4, window_bounds = array<i64: 1, 128>}, {transform_indices = @transform_5, window_bounds = array<i64: 1000, 128>}]} {
    %get3A = arith.constant 0 : index
    %get3A_0 = arith.constant 0 : index
    %get3A_1 = vector.load %arg1[%get3A, %get3A_0] : memref<1000x128xf32, #tpu.memory_space<vmem>>, vector<1000x128xf32>
    %get3A_2 = arith.constant 0 : index
    %get3A_3 = arith.constant 0 : index
    %get3A_4 = vector.load %arg2[%get3A_2, %get3A_3] : memref<128x128xf32, #tpu.memory_space<vmem>>, vector<128x128xf32>
    %dot_general3A = arith.constant dense<0.000000e+00> : vector<1000x128xf32>
    %dot_general3A_5 = tpu.matmul %get3A_1, %get3A_4, %dot_general3A {dimension_numbers = #tpu.dot_dimension_numbers<[1], [0], [0], [1], [0, 0, 1, 1], [], []>, transpose_lhs_hint = false} : vector<1000x128xf32>, vector<128x128xf32>, vector<1000x128xf32> -> vector<1000x128xf32>
    %get3A_6 = arith.constant 0 : index
    %get3A_7 = arith.constant 0 : index
    %get3A_8 = vector.load %arg3[%get3A_6, %get3A_7] : memref<1x128xf32, #tpu.memory_space<vmem>>, vector<1x128xf32>
    %add3A = vector.broadcast %get3A_8 : vector<1x128xf32> to vector<1000x128xf32>
    %add3A_9 = arith.addf %dot_general3A_5, %add3A : vector<1000x128xf32>
    %max3A = arith.constant 0.000000e+00 : f32
    %max3A_10 = vector.broadcast %max3A : f32 to vector<1000x128xf32>
    %max3A_11 = arith.maximumf %add3A_9, %max3A_10 : vector<1000x128xf32>
    %get3A_12 = arith.constant 0 : index
    %get3A_13 = arith.constant 0 : index
    %get3A_14 = vector.load %arg4[%get3A_12, %get3A_13] : memref<128x128xf32, #tpu.memory_space<vmem>>, vector<128x128xf32>
    %dot_general3A_15 = arith.constant dense<0.000000e+00> : vector<1000x128xf32>
    %dot_general3A_16 = tpu.matmul %max3A_11, %get3A_14, %dot_general3A_15 {dimension_numbers = #tpu.dot_dimension_numbers<[1], [0], [0], [1], [0, 0, 1, 1], [], []>, transpose_lhs_hint = false} : vector<1000x128xf32>, vector<128x128xf32>, vector<1000x128xf32> -> vector<1000x128xf32>
    %get3A_17 = arith.constant 0 : index
    %get3A_18 = arith.constant 0 : index
    %get3A_19 = vector.load %arg5[%get3A_17, %get3A_18] : memref<1x128xf32, #tpu.memory_space<vmem>>, vector<1x128xf32>
    %add3A_20 = vector.broadcast %get3A_19 : vector<1x128xf32> to vector<1000x128xf32>
    %add3A_21 = arith.addf %dot_general3A_16, %add3A_20 : vector<1000x128xf32>
    %swap3A = arith.constant 0 : index
    %swap3A_22 = arith.constant 0 : index
    %swap3A_23 = vector.load %arg6[%swap3A, %swap3A_22] : memref<1000x128xf32, #tpu.memory_space<vmem>>, vector<1000x128xf32>
    tpu.vector_store %arg6[%swap3A, %swap3A_22], %add3A_21 {strides = array<i32>} : memref<1000x128xf32, #tpu.memory_space<vmem>>, vector<1000x128xf32>,
    return
  }
  func.func @transform_0(%arg0: i32) -> (i32, i32) {
    %c0_i32 = arith.constant 0 : i32
    %c0_i32_0 = arith.constant 0 : i32
    return %arg0, %c0_i32 : i32, i32
  }
  func.func @transform_1(%arg0: i32) -> (i32, i32) {
    %c0_i32 = arith.constant 0 : i32
    %c0_i32_0 = arith.constant 0 : i32
    %c0_i32_1 = arith.constant 0 : i32
    return %c0_i32, %c0_i32_0 : i32, i32
  }
  func.func @transform_2(%arg0: i32) -> (i32, i32) {
    %c0_i32 = arith.constant 0 : i32
    %c0_i32_0 = arith.constant 0 : i32
    %c0_i32_1 = arith.constant 0 : i32
    return %c0_i32, %c0_i32_0 : i32, i32
  }
  func.func @transform_3(%arg0: i32) -> (i32, i32) {
    %c0_i32 = arith.constant 0 : i32
    %c0_i32_0 = arith.constant 0 : i32
    %c0_i32_1 = arith.constant 0 : i32
    return %c0_i32, %c0_i32_0 : i32, i32
  }
  func.func @transform_4(%arg0: i32) -> (i32, i32) {
    %c0_i32 = arith.constant 0 : i32
    %c0_i32_0 = arith.constant 0 : i32
    %c0_i32_1 = arith.constant 0 : i32
    return %c0_i32, %c0_i32_0 : i32, i32
  }
  func.func @transform_5(%arg0: i32) -> (i32, i32) {
    %c0_i32 = arith.constant 0 : i32
    %c0_i32_0 = arith.constant 0 : i32
    return %arg0, %c0_i32 : i32, i32
  }
}

module attributes {stable_mosaic.version = 14 : i64} {
  func.func @_finish_mlp_body(%arg0: i32, %arg1: memref<2x1000x128xf32, #tpu.memory_space<vmem>>, %arg2: memref<2x1000x16xf32, #tpu.memory_space<vmem>>, %arg3: memref<128x128xf32, #tpu.memory_space<vmem>>, %arg4: memref<1x128xf32, #tpu.memory_space<vmem>>, %arg5: memref<128x128xf32, #tpu.memory_space<vmem>>, %arg6: memref<1x128xf32, #tpu.memory_space<vmem>>, %arg7: memref<1000x128xf32, #tpu.memory_space<vmem>>) attributes {dimension_semantics = [#tpu.dimension_semantics<arbitrary>], iteration_bounds = array<i64: 10>, scalar_prefetch = 0 : i64, scratch_operands = 0 : i64, tpu.core_type = #tpu.core_type<tc>, window_params = [{transform_indices = @transform_0, window_bounds = array<i64: 2, 1000, 128>}, {transform_indices = @transform_1, window_bounds = array<i64: 2, 1000, 16>}, {pipeline_mode = #tpu.pipeline_mode<synchronous>, transform_indices = @transform_2, window_bounds = array<i64: 128, 128>}, {pipeline_mode = #tpu.pipeline_mode<synchronous>, transform_indices = @transform_3, window_bounds = array<i64: 1, 128>}, {pipeline_mode = #tpu.pipeline_mode<synchronous>, transform_indices = @transform_4, window_bounds = array<i64: 128, 128>}, {pipeline_mode = #tpu.pipeline_mode<synchronous>, transform_indices = @transform_5, window_bounds = array<i64: 1, 128>}, {transform_indices = @transform_6, window_bounds = array<i64: 1000, 128>}]} {
    %get3A = arith.constant 0 : index
    %get3A_0 = arith.constant 0 : index
    %get3A_1 = arith.constant 0 : index
    %get3A_2 = vector.load %arg1[%get3A, %get3A_0, %get3A_1] : memref<2x1000x128xf32, #tpu.memory_space<vmem>>, vector<1x1000x128xf32>
    %get3A_3 = vector.shape_cast %get3A_2 : vector<1x1000x128xf32> to vector<1000x128xf32>
    %get3A_4 = arith.constant 1 : index
    %get3A_5 = arith.constant 0 : index
    %get3A_6 = arith.constant 0 : index
    %get3A_7 = vector.load %arg1[%get3A_4, %get3A_5, %get3A_6] : memref<2x1000x128xf32, #tpu.memory_space<vmem>>, vector<1x1000x128xf32>
    %get3A_8 = vector.shape_cast %get3A_7 : vector<1x1000x128xf32> to vector<1000x128xf32>
    %add3A = arith.addf %get3A_3, %get3A_8 : vector<1000x128xf32>
    %get3A_9 = arith.constant 0 : index
    %get3A_10 = arith.constant 0 : index
    %get3A_11 = arith.constant 0 : index
    %get3A_12 = vector.load %arg2[%get3A_9, %get3A_10, %get3A_11] : memref<2x1000x16xf32, #tpu.memory_space<vmem>>, vector<1x1000x16xf32>
    %get3A_13 = vector.shape_cast %get3A_12 : vector<1x1000x16xf32> to vector<1000x16xf32>
    %get3A_14 = arith.constant 1 : index
    %get3A_15 = arith.constant 0 : index
    %get3A_16 = arith.constant 0 : index
    %get3A_17 = vector.load %arg2[%get3A_14, %get3A_15, %get3A_16] : memref<2x1000x16xf32, #tpu.memory_space<vmem>>, vector<1x1000x16xf32>
    %get3A_18 = vector.shape_cast %get3A_17 : vector<1x1000x16xf32> to vector<1000x16xf32>
    %add3A_19 = arith.addf %get3A_13, %get3A_18 : vector<1000x16xf32>
    %slice3A = vector.extract_strided_slice %add3A_19 {offsets = [0, 0], sizes = [1000, 1], strides = [1, 1]} : vector<1000x16xf32> to vector<1000x1xf32>
    %max3A = arith.constant 1.000000e+00 : f32
    %max3A_20 = vector.broadcast %max3A : f32 to vector<1000x1xf32>
    %max3A_21 = arith.maximumf %slice3A, %max3A_20 : vector<1000x1xf32>
    %div3A = arith.constant 1.000000e+00 : f32
    %div3A_22 = vector.broadcast %div3A : f32 to vector<1000x1xf32>
    %div3A_23 = arith.divf %div3A_22, %max3A_21 : vector<1000x1xf32>
    %mul3A = vector.broadcast %div3A_23 : vector<1000x1xf32> to vector<1000x128xf32>
    %mul3A_24 = arith.mulf %add3A, %mul3A : vector<1000x128xf32>
    %get3A_25 = arith.constant 0 : index
    %get3A_26 = arith.constant 0 : index
    %get3A_27 = vector.load %arg3[%get3A_25, %get3A_26] : memref<128x128xf32, #tpu.memory_space<vmem>>, vector<128x128xf32>
    %dot_general3A = arith.constant dense<0.000000e+00> : vector<1000x128xf32>
    %dot_general3A_28 = tpu.matmul %mul3A_24, %get3A_27, %dot_general3A {dimension_numbers = #tpu.dot_dimension_numbers<[1], [0], [0], [1], [0, 0, 1, 1], [], []>, transpose_lhs_hint = false} : vector<1000x128xf32>, vector<128x128xf32>, vector<1000x128xf32> -> vector<1000x128xf32>
    %get3A_29 = arith.constant 0 : index
    %get3A_30 = arith.constant 0 : index
    %get3A_31 = vector.load %arg4[%get3A_29, %get3A_30] : memref<1x128xf32, #tpu.memory_space<vmem>>, vector<1x128xf32>
    %add3A_32 = vector.broadcast %get3A_31 : vector<1x128xf32> to vector<1000x128xf32>
    %add3A_33 = arith.addf %dot_general3A_28, %add3A_32 : vector<1000x128xf32>
    %max3A_34 = arith.constant 0.000000e+00 : f32
    %max3A_35 = vector.broadcast %max3A_34 : f32 to vector<1000x128xf32>
    %max3A_36 = arith.maximumf %add3A_33, %max3A_35 : vector<1000x128xf32>
    %get3A_37 = arith.constant 0 : index
    %get3A_38 = arith.constant 0 : index
    %get3A_39 = vector.load %arg5[%get3A_37, %get3A_38] : memref<128x128xf32, #tpu.memory_space<vmem>>, vector<128x128xf32>
    %dot_general3A_40 = arith.constant dense<0.000000e+00> : vector<1000x128xf32>
    %dot_general3A_41 = tpu.matmul %max3A_36, %get3A_39, %dot_general3A_40 {dimension_numbers = #tpu.dot_dimension_numbers<[1], [0], [0], [1], [0, 0, 1, 1], [], []>, transpose_lhs_hint = false} : vector<1000x128xf32>, vector<128x128xf32>, vector<1000x128xf32> -> vector<1000x128xf32>
    %get3A_42 = arith.constant 0 : index
    %get3A_43 = arith.constant 0 : index
    %get3A_44 = vector.load %arg6[%get3A_42, %get3A_43] : memref<1x128xf32, #tpu.memory_space<vmem>>, vector<1x128xf32>
    %add3A_45 = vector.broadcast %get3A_44 : vector<1x128xf32> to vector<1000x128xf32>
    %add3A_46 = arith.addf %dot_general3A_41, %add3A_45 : vector<1000x128xf32>
    %swap3A = arith.constant 0 : index
    %swap3A_47 = arith.constant 0 : index
    %swap3A_48 = vector.load %arg7[%swap3A, %swap3A_47] : memref<1000x128xf32, #tpu.memory_space<vmem>>, vector<1000x128xf32>
    tpu.vector_store %arg7[%swap3A, %swap3A_47], %add3A_46 {strides = array<i32>} : memref<1000x128xf32, #tpu.memory_space<vmem>>, vector<1000x128xf32>,
    return
  }
  func.func @transform_0(%arg0: i32) -> (i32, i32, i32) {
    %c0_i32 = arith.constant 0 : i32
    %c0_i32_0 = arith.constant 0 : i32
    %c0_i32_1 = arith.constant 0 : i32
    return %c0_i32, %arg0, %c0_i32_0 : i32, i32, i32
  }
  func.func @transform_1(%arg0: i32) -> (i32, i32, i32) {
    %c0_i32 = arith.constant 0 : i32
    %c0_i32_0 = arith.constant 0 : i32
    %c0_i32_1 = arith.constant 0 : i32
    return %c0_i32, %arg0, %c0_i32_0 : i32, i32, i32
  }
  func.func @transform_2(%arg0: i32) -> (i32, i32) {
    %c0_i32 = arith.constant 0 : i32
    %c0_i32_0 = arith.constant 0 : i32
    %c0_i32_1 = arith.constant 0 : i32
    return %c0_i32, %c0_i32_0 : i32, i32
  }
  func.func @transform_3(%arg0: i32) -> (i32, i32) {
    %c0_i32 = arith.constant 0 : i32
    %c0_i32_0 = arith.constant 0 : i32
    %c0_i32_1 = arith.constant 0 : i32
    return %c0_i32, %c0_i32_0 : i32, i32
  }
  func.func @transform_4(%arg0: i32) -> (i32, i32) {
    %c0_i32 = arith.constant 0 : i32
    %c0_i32_0 = arith.constant 0 : i32
    %c0_i32_1 = arith.constant 0 : i32
    return %c0_i32, %c0_i32_0 : i32, i32
  }
  func.func @transform_5(%arg0: i32) -> (i32, i32) {
    %c0_i32 = arith.constant 0 : i32
    %c0_i32_0 = arith.constant 0 : i32
    %c0_i32_1 = arith.constant 0 : i32
    return %c0_i32, %c0_i32_0 : i32, i32
  }
  func.func @transform_6(%arg0: i32) -> (i32, i32) {
    %c0_i32 = arith.constant 0 : i32
    %c0_i32_0 = arith.constant 0 : i32
    return %arg0, %c0_i32 : i32, i32
  }
}

</mosaic_0001>

<sc_bundles>
// kernel: kernel.11.cloned.1.call-start
scs
__scs_entry_jumppad:
0x0: {  	(pc) =	sbr.rel $0x88, $3  }
0x1: {  	(tag) =	ssettag $0x0;
	lr =	simm.s32 $0x1  }
0x2: {  	[smem:$0x3F95] =	sst lr;
	_ =	strace $0xD0000000  }
0x3: {  	_ = 	snop  }
0x4: {  	_ = 	snop  }
0x5: {  	_ = 	snop  }
0x6: {  	_ = 	snop  }
0x7: {  	_ = 	snop  }
__scs_overlays_trampoline_lowered:
0x8: {  	[smem:$0x3FA4] =	sst s0  }
0x9: {  	[smem:$0x3FA5] =	sst s1  }
0xa: {  	[smem:$0x3FA6] =	sst s2  }
0xb: {  	[smem:$0x3FA7] =	sst s3  }
0xc: {  	[smem:$0x3FA8] =	sst s4  }
0xd: {  	[smem:$0x3FA9] =	sst s5  }
0xe: {  	[smem:$0x3FAA] =	sst s6  }
0xf: {  	[smem:$0x3FAB] =	sst s7  }
0x10: {  	[smem:$0x3FAC] =	sst s8  }
0x11: {  	[smem:$0x3FAD] =	sst s9;
	s0 =	simm.s32 @!p0 $0x0  }
0x12: {  	s1 =	sld [smem:$0x3F93];
	s0 =	simm.s32 @p0 $0x1  }
0x13: {  	[smem:$0x3FAE] =	sst s0;
	s0 =	simm.s32 @!p1 $0x0  }
0x14: {  	s2 =	sld [smem:$0x3F92];
	s0 =	simm.s32 @p1 $0x1  }
0x15: {  	[smem:$0x3FAF] =	sst s0;
	s0 =	simm.s32 @!p2 $0x0  }
0x16: {  	s3 =	sld [smem:$0x3FDB];
	s0 =	simm.s32 @p2 $0x1  }
0x17: {  	s4 =	simm.s32 $0x1BF5;
	[smem:$0x3FB1] =	sst s0  }
0x18: {  	s0 =	sld [smem:$0x3F94];
	_ =	swait.ge [sflag:s4], $0x0  }
0x19: {  	s7 =	sld [smem:$0x3F95]  }
0x1a: {  	s8 =	sadd.s32 $0xFFFFE003, lr  }
0x1b: {  	s9 =	sadd.s32 $0xFFFFFEF7, lr;
	s5 =	simm.s32 $0xFFFFFFFF;
	p2 =	slt.u32 s8, $0xFFFFF086  }
0x1c: {  	p1 =	slt.u32 s9, $0xF7A;
	s5 =	simm.s32 @!p2 $0x0  }
0x1d: {  	s5 =	simm.s32 @p1 $0x1;
	p0 =	seq.s32 s7, s2  }
0x1e: {  	s7 =	smul.u32 @!p0 $0xF7A, s2;
	p2 =	seq.s32 @!p0 s5, $0x0  }
0x1f: {  	s9 =	smul.u32 $0xF7A, s1;
	s8 =	simm.s32 @!p0 $0x1BF5;
	p2 =	por !p2, p0  }
0x20: {  	[sflag:s8] =	ssyncset.s32 @!p0 $0xFFFFF086;
	s6 =	sadd.s32 @!p0 s3, s7;
	s7 =	simm.s32 @!p0 $0x108  }
0x21: {  	s3 =	sadd.s32 s3, s9;
	s6 =	sadd.s32 @!p0 $0x88, s6;
	s7 =	simm.s32 @p2 $0x1082  }
0x22: {  	[simem:s7], [sflag:s8] =	dma.local @!p0 [hbm:s6], $0xF7A  }
0x23: {  	s9 =	sor.u32 $0xD0000000, s2;
	s6 =	simm.s32 $0x108;
	_ =	swait.ge @!p0 [sflag:s8], $0x0  }
0x24: {  	s3 =	sadd.s32 $0x88, s3;
	s6 =	simm.s32 @!p1 $0x1082;
	[sflag:s4] =	ssyncset.s32 $0xFFFFF086  }
0x25: {  	[simem:s6], [sflag:s4] =	dma.local [hbm:s3], $0xF7A  }
0x26: {  	[smem:$0x3F95] =	sst s1;
	(tag) =	ssettag s2;
	_ =	strace s9  }
0x27: {  	s1 =	sld [smem:$0x3FA5]  }
0x28: {  	s2 =	sld [smem:$0x3FA6]  }
0x29: {  	s4 =	sld [smem:$0x3FA8]  }
0x2a: {  	p0 =	seq.s32 s5, $0x0;
	s5 =	sld [smem:$0x3FA9]  }
0x2b: {  	s6 =	sld [smem:$0x3FAA]  }
0x2c: {  	s7 =	sld [smem:$0x3FAB]  }
0x2d: {  	s3 =	simm.s32 $0x108;
	s8 =	sld [smem:$0x3FAC]  }
0x2e: {  	s3 =	simm.s32 @!p0 $0x1082;
	s9 =	sld [smem:$0x3FAD]  }
0x2f: {  	lr =	sadd.s32 s0, s3;
	s0 =	sld [smem:$0x3FA4]  }
0x30: {  	s3 =	sld [smem:$0x3FA7]  }
0x31: {  	[smem:$0x3FB0] =	sst s10  }
0x32: {  	s10 =	sld [smem:$0x3FAE];
	_ =	sdelay $0x3  }
0x33: {  	p0 =	seq.s32 s10, $0x1;
	s10 =	sld [smem:$0x3FB0];
	_ =	sdelay $0x3  }
0x34: {  	[smem:$0x3FB0] =	sst s10  }
0x35: {  	s10 =	sld [smem:$0x3FAF];
	_ =	sdelay $0x3  }
0x36: {  	p1 =	seq.s32 s10, $0x1;
	s10 =	sld [smem:$0x3FB0];
	_ =	sdelay $0x3  }
0x37: {  	[smem:$0x3FB0] =	sst s10  }
0x38: {  	s10 =	sld [smem:$0x3FB1]  }
0x39: {  	_ = 	snop;
	(pc) =	sbr.ind lr, $3  }
0x3a: {  	_ = 	snop  }
0x3b: {  	_ = 	snop  }
0x3c: {  	p2 =	seq.s32 s10, $0x1;
	s10 =	sld [smem:$0x3FB0]  }
0x3d: {  	_ =	shalt  }
0x3e: {  	_ =	shalt  }
0x3f: {  	_ =	shalt  }
0x40: {  	_ =	shalt  }
0x41: {  	_ =	shalt  }
0x42: {  	_ =	shalt  }
0x43: {  	_ =	shalt  }
0x44: {  	_ =	shalt  }
0x45: {  	_ =	shalt  }
0x46: {  	_ =	shalt  }
0x47: {  	_ =	shalt  }
0x48: {  	_ =	shalt  }
0x49: {  	_ =	shalt  }
0x4a: {  	_ =	shalt  }
0x4b: {  	_ =	shalt  }
0x4c: {  	_ =	shalt  }
0x4d: {  	_ =	shalt  }
0x4e: {  	_ =	shalt  }
0x4f: {  	_ =	shalt  }
0x50: {  	_ =	shalt  }
0x51: {  	_ =	shalt  }
0x52: {  	_ =	shalt  }
0x53: {  	_ =	shalt  }
0x54: {  	_ =	shalt  }
0x55: {  	_ =	shalt  }
0x56: {  	_ =	shalt  }
0x57: {  	_ =	shalt  }
0x58: {  	_ =	shalt  }
0x59: {  	_ =	shalt  }
0x5a: {  	_ =	shalt  }
0x5b: {  	_ =	shalt  }
0x5c: {  	_ =	shalt  }
0x5d: {  	_ =	shalt  }
0x5e: {  	_ =	shalt  }
0x5f: {  	_ =	shalt  }
0x60: {  	_ =	shalt  }
0x61: {  	_ =	shalt  }
0x62: {  	_ =	shalt  }
0x63: {  	_ =	shalt  }
0x64: {  	_ =	shalt  }
0x65: {  	_ =	shalt  }
0x66: {  	_ =	shalt  }
0x67: {  	_ =	shalt  }
0x68: {  	_ =	shalt  }
0x69: {  	_ =	shalt  }
0x6a: {  	_ =	shalt  }
0x6b: {  	_ =	shalt  }
0x6c: {  	_ =	shalt  }
0x6d: {  	_ =	shalt  }
0x6e: {  	_ =	shalt  }
0x6f: {  	_ =	shalt  }
0x70: {  	_ =	shalt  }
0x71: {  	_ =	shalt  }
0x72: {  	_ =	shalt  }
0x73: {  	_ =	shalt  }
0x74: {  	_ =	shalt  }
0x75: {  	_ =	shalt  }
0x76: {  	_ =	shalt  }
0x77: {  	_ =	shalt  }
0x78: {  	_ =	shalt  }
0x79: {  	_ =	shalt  }
0x7a: {  	_ =	shalt  }
0x7b: {  	_ =	shalt  }
0x7c: {  	_ =	shalt  }
0x7d: {  	_ =	shalt  }
0x7e: {  	_ =	shalt  }
0x7f: {  	_ =	shalt  }
0x80: {  	_ =	shalt  }
0x81: {  	_ =	shalt  }
0x82: {  	_ =	shalt  }
0x83: {  	_ =	shalt  }
0x84: {  	_ =	shalt  }
0x85: {  	_ =	shalt  }
0x86: {  	_ =	shalt  }
0x87: {  	_ =	shalt  }
.Lfunc_end0:
.L_simem_size_0:
called_computation.1_lowered:
.L_overlay_start_0:
0x88: {  	s2 =	sld [smem:$0x3FD9]  }
0x89: {  	s3 =	sld [smem:$0x3FFE];
	_ =	sdelay $0x1  }
0x8a: {  	s1 =	srdreg.scid  }
0x8b: {  	s0 =	sand.u32 $0x1, s1  }
0x8c: {  	s15 =	sshll.u32 s0, $0xA;
	s2 =	sadd.s32 s3, s2  }
0x8d: {  	s2 =	sadd.s32 s2, s15  }
0x8e: {  	[smem:$0x3FBC] =	sst s2  }
0x8f: {  	_ = 	snop  }
0x90: {  	s2 =	sld [smem:$0x3FD0];
	_ =	sdelay $0x2  }
0x91: {  	s4 =	simm.s32 $0xB;
	s5 =	simm.s32 $0x10;
	s16 =	sld [smem:$0x3FC9]  }
0x92: {  	[smem:s5], [sflag:s4] =	dma.local [hbm:s2], $0x1  }
0x93: {  	_ =	swait.eq [sflag:s4], $0x1  }
0x94: {  	[sflag:s4] =	ssyncset.done $0x0  }
0x95: {  	[sflag:s4] =	ssyncadd.s32 $0xFFFFFFFF  }
0x96: {  	s17 =	sld [smem:$0x12];
	(tm) =	ssettm $0x1  }
0x97: {  	s18 =	sld [smem:$0x3FFB];
	_ =	sdelay $0x3  }
0x98: {  	_ =	strace s18  }
0x99: {  	s2 =	sld [smem:$0x3FFC];
	_ =	sdelay $0x3  }
0x9a: {  	_ =	strace s2  }
0x9b: {  	s2 =	sld [smem:$0x3FFD];
	_ =	sdelay $0x3  }
0x9c: {  	_ =	strace s2  }
0x9d: {  	_ =	strace $0x8FFFFFFF  }
0x9e: {  	s19 =	sld [smem:$0x3FDB];
	_ =	sdelay $0x1  }
0x9f: {  	s20 =	simm.s32 $_scs_section_size  }
0xa0: {  	s6 =	simm.s32 $_size__tile_overlayer_lowered;
	s7 =	simm.s32 $_tile_overlayer_lowered  }
0xa1: {  	s8 =	simm.s32 $0x1BFF;
	s21 =	sshll.u32 s7, $0x1;
	s5 =	sadd.s32 s20, s19  }
0xa2: {  	s22 =	simm.s32 $0x0;
	s6 =	sshll.u32 s6, $0x1;
	s7 =	sadd.s32 s21, s5  }
0xa3: {  	[timem:s22], [sflag:s8] =	dma.local [hbm:s7], s6  }
0xa4: {  	_ =	swait.ge [sflag:s8], s6  }
0xa5: {  	s6 =	ssub.s32 $0x0, s6;
	[sflag:s8] =	ssyncset.done $0x0  }
0xa6: {  	[sflag:s8] =	ssyncadd.s32 s6;
	_ =	sdelay $0x1  }
0xa7: {  	s23 =	simm.s32 $0x1B8B  }
0xa8: {  	_ =	swait.ge [sflag:s23], $0x1  }
0xa9: {  	[sflag:s23] =	ssyncset.done $0x0  }
0xaa: {  	[sflag:s23] =	ssyncadd.s32 $0xFFFFFFFF  }
0xab: {  	s6 =	sld [smem:$0x0]  }
0xac: {  	s7 =	sand.u32 $0xFFFFFFFE, s1  }
0xad: {  	p0 =	sne.s32 s1, s7  }
0xae: {  	s7 =	sshll.u32 @p0 s7, $0xE  }
0xaf: {  	s7 =	sadd.s32 @p0 $0x11B8D, s7;
	s8 =	sshll.u32 @p0 s6, $0x11  }
0xb0: {  	s7 =	sor.u32 @p0 s8, s7  }
0xb1: {  	[sflag:s7] =	ssyncadd.remote.s32 @p0 $0x1;
	_ =	sdelay $0x1  }
0xb2: {  	s7 =	simm.s32 @p0 $0x1B8D  }
0xb3: {  	_ =	swait.eq @p0 [sflag:s7], $0x1  }
0xb4: {  	[sflag:s7] =	ssyncadd.s32 @p0 $0xFFFFFFFF  }
0xb5: {  	s8 =	sshll.u32 @!p0 s1, $0xE  }
0xb6: {  	s8 =	sor.u32 @!p0 $0x4000, s8;
	s7 =	simm.s32 @!p0 $0x1B8D  }
0xb7: {  	s6 =	sshll.u32 @!p0 s6, $0x11;
	s8 =	sadd.s32 @!p0 $0x11B8D, s8;
	_ =	swait.eq @!p0 [sflag:s7], $0x1  }
0xb8: {  	s6 =	sor.u32 @!p0 s6, s8;
	[sflag:s7] =	ssyncadd.s32 @!p0 $0xFFFFFFFF  }
0xb9: {  	s25 =	simm.s32 $0x1B8E;
	s24 =	sld [smem:$0x3FFE];
	[sflag:s6] =	ssyncadd.remote.s32 @!p0 $0x1  }
0xba: {  	s26 =	simm.s32 $execute0_lowered;
	[smem:$0x3FD2] =	sst s25  }
0xbb: {  	s7 =	sshll.u32 s26, $0x1;
	_ =	strace $0x80000049;
	[dreg:$0x1] =	wrdreg $0xFFFFFFFF  }
0xbc: {  	s28 =	simm.s32 $_size_execute0_lowered;
	s5 =	sadd.s32 s5, s7;
	[dreg:$0x0] =	wrdreg $0x0  }
0xbd: {  	s7 =	sshll.u32 s28, $0x1;
	[dreg:$0x2] =	wrdreg s5  }
0xbe: {  	[dreg:$0x3] =	wrdreg s7  }
0xbf: {  	[dreg:$0x4] =	wrdreg $0xC0  }
0xc0: {  	_ =	task [dreg:s22], $0x5FFFF  }
0xc1: {  	[dreg:$0x1] =	wrdreg $0xFFFFFFFF  }
0xc2: {  	[dreg:$0x0] =	wrdreg $0x60  }
0xc3: {  	[dreg:$0x2] =	wrdreg s16  }
0xc4: {  	[dreg:$0x3] =	wrdreg s17  }
0xc5: {  	[dreg:$0x4] =	wrdreg s24  }
0xc6: {  	[dreg:$0x5] =	wrdreg $0xB0000  }
0xc7: {  	[dreg:$0x6] =	wrdreg $0xA  }
0xc8: {  	_ =	task.clear_ibuf [dreg:s22], $0x7FFFF;
	_ =	strace $0x90000049  }
0xc9: {  	s29 =	simm.s32 $0xA;
	_ =	strace $0x8000004B  }
0xca: {  	_ =	swait.ge [sflag:s29], $0x1  }
0xcb: {  	[sflag:s29] =	ssyncadd.s32 $0xFFFFFFFF  }
0xcc: {  	_ =	strace $0x9000004B  }
0xcd: {  	_ =	sfence  }
0xce: {  	s30 =	sld [smem:$0x0];
	_ =	sdelay $0x2  }
0xcf: {  	s31 =	sshll.u32 s1, $0xD;
	s1 =	sshrl.u32 s1, $0x2  }
0xd0: {  	s4 =	sand.u32 $0x4000, s31;
	s1 =	sadd.s32 s1, s30  }
0xd1: {  	s0 =	sor.u32 s4, s0;
	s1 =	sshll.u32 s1, $0x11  }
0xd2: {  	s0 =	sor.u32 s1, s0  }
0xd3: {  	s0 =	sadd.s32 $0x8F2B, s0  }
0xd4: {  	[sflag:s0] =	ssyncadd.remote.s32 $0x1  }
0xd5: {  	_ =	sfence.sel $0xFFFF  }
0xd6: {  	[dreg:$0x0] =	wrdreg $0xFFFFFFFF;
	(pc) =	sbr.abs _section_cstart, $3  }
0xd7: {  	[dreg:$0x1] =	wrdreg $0xFFFFFFFF  }
0xd8: {  	_ =	task.clear_ibuf [dreg:s22], $0x2FFFF;
	_ =	strace $0x9FFFFFFF  }
0xd9: {  	(tm) =	ssettm $0x7FFFFFFF  }
tec
execute0_lowered:
.L_overlay_start_1:
0x0: {  	(tag) =	ssettag $0x1  }
0x1: {  	s1 =	rddreg [dreg:$0x0]  }
0x2: {  	s8 =	rddreg [dreg:$0x1]  }
0x3: {  	s5 =	rddreg [dreg:$0x2]  }
0x4: {  	s2 =	rddreg [dreg:$0x3];
	s3 =	srdreg.scid  }
0x5: {  	s0 =	rddreg [dreg:$0x4];
	s4 =	simm.s32 $0x0;
	s16 =	simm.s32 $0x80  }
0x6: {  	s17 =	simm.s32 $0x2800;
	s18 =	simm.s32 $0x6800;
	s19 =	simm.s32 $0x1  }
0x7: {  	s20 =	simm.s32 $0x2;
	s6 =	sand.u32 $0x1, s3;
	s3 =	stileid.u32  }
0x8: {  	s21 =	simm.s32 $0x1380;
	s22 =	simm.s32 $0x2700;
	s9 =	smul.u32 $0x50000, s3  }
0x9: {  	[smem:$0x7FF] =	sst s4;
	s10 =	sadd.s32 $0x2400, s5;
	s25 =	smul.u32 $0x138800, s6  }
0xa: {  	s13 =	sadd.s32 $0xC400, s5;
	s7 =	sshll.u32 s6, $0x4;
	s15 =	smul.u32 $0x13C00, s3  }
0xb: {  	s11 =	ssub.s32 $0x2, s6;
	s29 =	smul.u32 $0x4F000, s3;
	s7 =	sor.u32 s3, s7  }
0xc: {  	_ =	strace $0x8000004A;
	s23 =	sshrl.u32 s11, $0x1;
	s12 =	smul.u32 $0x500, s7  }
0xd: {  	p0 =	seq.s32 s3, $0xF;
	s7 =	smul.u32 $0x2800, s7;
	s14 =	ssub.s32 s11, s23  }
0xe: {  	s24 =	sshrl.u32 s9, $0x2;
	s28 =	sadd.s32 s15, s25;
	s11 =	sshrl.u32 s25, $0x3  }
0xf: {  	s31 =	sshrl.u32 s29, $0x2;
	s15 =	simm.s32 $0x1400;
	s23 =	simm.s32 $0x2780  }
0x10: {  	s5 =	sadd.s32 s24, s2;
	s30 =	sshrl.u32 s28, $0x3;
	s11 =	sadd.s32 s13, s11  }
0x11: {  	s25 =	sadd.s32 s31, s2;
	s24 =	sadd.s32 $0x128400, s2;
	s26 =	sshrl.u32 s7, $0x3  }
0x12: {  	s6 =	sadd.s32 s8, s12;
	s7 =	sadd.s32 s10, s12;
	s11 =	sadd.s32 $0x25080, s11  }
0x13: {  	s12 =	smax.u32 s14, $0x1;
	s14 =	simm.s32 $0x3;
	s9 =	sadd.s32 $0x280, s26  }
0x14: {  	s24 =	sshrl.u32 @p0 s24, $0x3;
	s25 =	sshrl.u32 @!p0 s25, $0x3;
	s8 =	sadd.s32 s8, s9  }
0x15: {  	v0 =	vimm.f32 $0.0e+00;
	s9 =	sadd.s32 s10, s9;
	s10 =	sadd.s32 s13, s30;
	s13 =	simm.s32 $0xA800  }
.LBB2_1:
0x16: {  	[tilespmem:$0xA800] =	vst v0  }
0x17: {  	[tilespmem:$0xA810] =	vst v0  }
0x18: {  	[tilespmem:$0xA820] =	vst v0  }
0x19: {  	[tilespmem:$0xA830] =	vst v0  }
0x1a: {  	[tilespmem:$0xA840] =	vst v0  }
0x1b: {  	[tilespmem:$0xA850] =	vst v0  }
0x1c: {  	[tilespmem:$0xA860] =	vst v0  }
0x1d: {  	[tilespmem:$0xA870] =	vst v0  }
0x1e: {  	[tilespmem:$0xA880] =	vst v0  }
0x1f: {  	[tilespmem:$0xA890] =	vst v0  }
0x20: {  	[tilespmem:$0xA8A0] =	vst v0  }
0x21: {  	[tilespmem:$0xA8B0] =	vst v0  }
0x22: {  	[tilespmem:$0xA8C0] =	vst v0  }
0x23: {  	[tilespmem:$0xA8D0] =	vst v0  }
0x24: {  	[tilespmem:$0xA8E0] =	vst v0  }
0x25: {  	[tilespmem:$0xA8F0] =	vst v0  }
0x26: {  	[tilespmem:$0xA900] =	vst v0  }
0x27: {  	[tilespmem:$0xA910] =	vst v0  }
0x28: {  	[tilespmem:$0xA920] =	vst v0  }
0x29: {  	[tilespmem:$0xA930] =	vst v0  }
0x2a: {  	[tilespmem:$0xA940] =	vst v0  }
0x2b: {  	[tilespmem:$0xA950] =	vst v0  }
0x2c: {  	[tilespmem:$0xA960] =	vst v0  }
0x2d: {  	[tilespmem:$0xA970] =	vst v0  }
0x2e: {  	[tilespmem:$0xA980] =	vst v0  }
0x2f: {  	[tilespmem:$0xA990] =	vst v0  }
0x30: {  	[tilespmem:$0xA9A0] =	vst v0  }
0x31: {  	[tilespmem:$0xA9B0] =	vst v0  }
0x32: {  	[tilespmem:$0xA9C0] =	vst v0  }
0x33: {  	[tilespmem:$0xA9D0] =	vst v0  }
0x34: {  	[tilespmem:$0xA9E0] =	vst v0  }
0x35: {  	[tilespmem:$0xA9F0] =	vst v0  }
0x36: {  	[tilespmem:$0xAA00] =	vst v0  }
0x37: {  	[tilespmem:$0xAA10] =	vst v0  }
0x38: {  	[tilespmem:$0xAA20] =	vst v0  }
0x39: {  	[tilespmem:$0xAA30] =	vst v0  }
0x3a: {  	[tilespmem:$0xAA40] =	vst v0  }
0x3b: {  	[tilespmem:$0xAA50] =	vst v0  }
0x3c: {  	[tilespmem:$0xAA60] =	vst v0  }
0x3d: {  	[tilespmem:$0xAA70] =	vst v0  }
0x3e: {  	[tilespmem:$0xAA80] =	vst v0  }
0x3f: {  	[tilespmem:$0xAA90] =	vst v0  }
0x40: {  	[tilespmem:$0xAAA0] =	vst v0  }
0x41: {  	[tilespmem:$0xAAB0] =	vst v0  }
0x42: {  	[tilespmem:$0xAAC0] =	vst v0  }
0x43: {  	[tilespmem:$0xAAD0] =	vst v0  }
0x44: {  	[tilespmem:$0xAAE0] =	vst v0  }
0x45: {  	[tilespmem:$0xAAF0] =	vst v0  }
0x46: {  	[tilespmem:$0xAB00] =	vst v0  }
0x47: {  	[tilespmem:$0xAB10] =	vst v0  }
0x48: {  	[tilespmem:$0xAB20] =	vst v0  }
0x49: {  	[tilespmem:$0xAB30] =	vst v0  }
0x4a: {  	[tilespmem:$0xAB40] =	vst v0  }
0x4b: {  	[tilespmem:$0xAB50] =	vst v0  }
0x4c: {  	[tilespmem:$0xAB60] =	vst v0  }
0x4d: {  	[tilespmem:$0xAB70] =	vst v0  }
0x4e: {  	[tilespmem:$0xAB80] =	vst v0  }
0x4f: {  	[tilespmem:$0xAB90] =	vst v0  }
0x50: {  	[tilespmem:$0xABA0] =	vst v0  }
0x51: {  	[tilespmem:$0xABB0] =	vst v0  }
0x52: {  	[tilespmem:$0xABC0] =	vst v0  }
0x53: {  	[tilespmem:$0xABD0] =	vst v0  }
0x54: {  	[tilespmem:$0xABE0] =	vst v0  }
0x55: {  	[tilespmem:$0xABF0] =	vst v0  }
0x56: {  	[tilespmem:$0xAC00] =	vst v0  }
0x57: {  	[tilespmem:$0xAC10] =	vst v0  }
0x58: {  	[tilespmem:$0xAC20] =	vst v0  }
0x59: {  	[tilespmem:$0xAC30] =	vst v0  }
0x5a: {  	[tilespmem:$0xAC40] =	vst v0  }
0x5b: {  	[tilespmem:$0xAC50] =	vst v0  }
0x5c: {  	[tilespmem:$0xAC60] =	vst v0  }
0x5d: {  	[tilespmem:$0xAC70] =	vst v0  }
0x5e: {  	[tilespmem:$0xAC80] =	vst v0  }
0x5f: {  	[tilespmem:$0xAC90] =	vst v0  }
0x60: {  	[tilespmem:$0xACA0] =	vst v0  }
0x61: {  	[tilespmem:$0xACB0] =	vst v0  }
0x62: {  	[tilespmem:$0xACC0] =	vst v0  }
0x63: {  	[tilespmem:$0xACD0] =	vst v0  }
0x64: {  	[tilespmem:$0xACE0] =	vst v0  }
0x65: {  	[tilespmem:$0xACF0] =	vst v0  }
0x66: {  	[tilespmem:$0xAD00] =	vst v0  }
0x67: {  	[tilespmem:$0xAD10] =	vst v0  }
0x68: {  	[tilespmem:$0xAD20] =	vst v0  }
0x69: {  	[tilespmem:$0xAD30] =	vst v0  }
0x6a: {  	[tilespmem:$0xAD40] =	vst v0  }
0x6b: {  	[tilespmem:$0xAD50] =	vst v0  }
0x6c: {  	[tilespmem:$0xAD60] =	vst v0  }
0x6d: {  	[tilespmem:$0xAD70] =	vst v0  }
0x6e: {  	[tilespmem:$0xAD80] =	vst v0  }
0x6f: {  	[tilespmem:$0xAD90] =	vst v0  }
0x70: {  	[tilespmem:$0xADA0] =	vst v0  }
0x71: {  	[tilespmem:$0xADB0] =	vst v0  }
0x72: {  	[tilespmem:$0xADC0] =	vst v0  }
0x73: {  	[tilespmem:$0xADD0] =	vst v0  }
0x74: {  	[tilespmem:$0xADE0] =	vst v0  }
0x75: {  	[tilespmem:$0xADF0] =	vst v0  }
0x76: {  	[tilespmem:$0xAE00] =	vst v0  }
0x77: {  	[tilespmem:$0xAE10] =	vst v0  }
0x78: {  	[tilespmem:$0xAE20] =	vst v0  }
0x79: {  	[tilespmem:$0xAE30] =	vst v0  }
0x7a: {  	[tilespmem:$0xAE40] =	vst v0  }
0x7b: {  	[tilespmem:$0xAE50] =	vst v0  }
0x7c: {  	[tilespmem:$0xAE60] =	vst v0  }
0x7d: {  	[tilespmem:$0xAE70] =	vst v0  }
0x7e: {  	[tilespmem:$0xAE80] =	vst v0  }
0x7f: {  	[tilespmem:$0xAE90] =	vst v0  }
0x80: {  	[tilespmem:$0xAEA0] =	vst v0  }
0x81: {  	[tilespmem:$0xAEB0] =	vst v0  }
0x82: {  	[tilespmem:$0xAEC0] =	vst v0  }
0x83: {  	[tilespmem:$0xAED0] =	vst v0  }
0x84: {  	[tilespmem:$0xAEE0] =	vst v0  }
0x85: {  	[tilespmem:$0xAEF0] =	vst v0  }
0x86: {  	[tilespmem:$0xAF00] =	vst v0  }
0x87: {  	[tilespmem:$0xAF10] =	vst v0  }
0x88: {  	[tilespmem:$0xAF20] =	vst v0  }
0x89: {  	[tilespmem:$0xAF30] =	vst v0  }
0x8a: {  	[tilespmem:$0xAF40] =	vst v0  }
0x8b: {  	[tilespmem:$0xAF50] =	vst v0  }
0x8c: {  	[tilespmem:$0xAF60] =	vst v0  }
0x8d: {  	[tilespmem:$0xAF70] =	vst v0  }
0x8e: {  	[tilespmem:$0xAF80] =	vst v0  }
0x8f: {  	[tilespmem:$0xAF90] =	vst v0  }
0x90: {  	[tilespmem:$0xAFA0] =	vst v0  }
0x91: {  	[tilespmem:$0xAFB0] =	vst v0  }
0x92: {  	[tilespmem:$0xAFC0] =	vst v0  }
0x93: {  	[tilespmem:$0xAFD0] =	vst v0  }
0x94: {  	[tilespmem:$0xAFE0] =	vst v0  }
0x95: {  	[tilespmem:$0xAFF0] =	vst v0;
	s26 =	sadd.s32 $0x0, s5  }
0x96: {  	[spmem:s26] =	stream.linear.scatter [tilespmem:s13], [sflag:$0x3], $0x800, $0x38;
	[tilespmem:$0x1F000] =	vst v63  }
0x97: {  	s26 =	simm.s32 $0x2000;
	_ =	swait.ge [sflag:s14], $0x800  }
.LBB2_2:
0x98: {  	s28 =	sshra.s32 s26, $0x2;
	[sflag:s14] =	ssyncset.done $0x0;
	p1 =	sne.s32 s26, $0x4E000  }
.Ltmp0:
0x99: {  	s28 =	sadd.s32 s28, s5;
	[sflag:s14] =	ssyncadd.s32 $0xFFFFF800;
	(pc) =	sbr.rel @p1 .LBB2_2-.Ltmp0, $3  }
0x9a: {  	[spmem:s28] =	stream.linear.scatter [tilespmem:s13], [sflag:$0x3], $0x800, $0x38;
	[tilespmem:$0x1F000] =	vst v63  }
0x9b: {  	s26 =	sadd.s32 $0x2000, s26;
	_ =	sdelay $0x1  }
0x9c: {  	_ =	swait.ge [sflag:s14], $0x800  }
0x9d: {  	[sflag:s14] =	ssyncset.done $0x0  }
0x9e: {  	[sflag:s14] =	ssyncadd.s32 $0xFFFFF800  }
0x9f: {  	s26 =	simm.s32 $0x0;
	[bflag:$0x0] =	sbarrier.arrive $0xFFFF  }
0xa0: {  	[tilespmem:s26], [sflag:$0x3] =	stream.linear.gather [hbm4b:s6+s26], $0x1400, $0x38;
	[tilespmem:$0x1F000] =	vst v63  }
0xa1: {  	_ =	swait.ge [sflag:s14], $0x1400  }
0xa2: {  	[sflag:s14] =	ssyncset.done $0x0  }
0xa3: {  	[sflag:s14] =	ssyncadd.s32 $0xFFFFEC00  }
0xa4: {  	[tilespmem:s15], [sflag:$0x3] =	stream.linear.gather [hbm4b:s7+s26], $0x1400, $0x38;
	[tilespmem:$0x1F000] =	vst v63  }
0xa5: {  	_ =	swait.ge [sflag:s14], $0x1400  }
0xa6: {  	[sflag:s14] =	ssyncset.done $0x0  }
0xa7: {  	[sflag:s14] =	ssyncadd.s32 $0xFFFFEC00  }
0xa8: {  	[tilespmem:s17], [sflag:$0x1] =	stream.indirect.gather [hbm4b:s1+s16], $0x80, s26, s16, $0xb8;
	[tilespmem:$0x1F000] =	vst v63  }
0xa9: {  	s31 =	simm.s32 $0x80  }
0xaa: {  	[tilespmem:s18], [sflag:$0x2] =	stream.indirect.gather [hbm4b:s1+s16], $0x80, s31, s16, $0xb8;
	[tilespmem:$0x1F000] =	vst v63  }
0xab: {  	_ =	swait.ge [sflag:s19], $0x4000  }
0xac: {  	[sflag:s19] =	ssyncset.done $0x0  }
0xad: {  	s29 =	simm.s32 $0x1400;
	[sflag:s19] =	ssyncadd.s32 $0xFFFFC000  }
0xae: {  	[spmem:s2] =	stream.indirect.scatter.add.f32 [tilespmem:s17], [sflag:$0x3], $0x80, s29, s16, $0xb8;
	[tilespmem:$0x1F000] =	vst v63  }
0xaf: {  	_ =	swait.ge [sflag:s14], $0x4000  }
0xb0: {  	[sflag:s14] =	ssyncset.done $0x0  }
0xb1: {  	s30 =	simm.s32 $0x100;
	[sflag:s14] =	ssyncadd.s32 $0xFFFFC000  }
0xb2: {  	[tilespmem:s17], [sflag:$0x1] =	stream.indirect.gather [hbm4b:s1+s16], $0x80, s30, s16, $0xb8;
	[tilespmem:$0x1F000] =	vst v63  }
0xb3: {  	_ =	swait.ge [sflag:s20], $0x4000  }
0xb4: {  	[sflag:s20] =	ssyncset.done $0x0  }
0xb5: {  	s31 =	simm.s32 $0x1480;
	[sflag:s20] =	ssyncadd.s32 $0xFFFFC000  }
0xb6: {  	[spmem:s2] =	stream.indirect.scatter.add.f32 [tilespmem:s18], [sflag:$0x3], $0x80, s31, s16, $0xb8;
	[tilespmem:$0x1F000] =	vst v63  }
0xb7: {  	_ =	swait.ge [sflag:s14], $0x4000  }
0xb8: {  	s28 =	simm.s32 $0x800;
	s26 =	simm.s32 $0x100;
	[sflag:s14] =	ssyncset.done $0x0  }
.LBB2_4:
0xb9: {  	s29 =	sadd.s32 $0x80, s26  }
0xba: {  	[sflag:s14] =	ssyncadd.s32 $0xFFFFC000;
	s30 =	smov.u32 s28;
	s31 =	sadd.s32 $0x400, s28  }
0xbb: {  	[tilespmem:s18], [sflag:$0x2] =	stream.indirect.gather [hbm4b:s1+s16], $0x80, s29, s16, $0xb8;
	[tilespmem:$0x1F000] =	vst v63  }
0xbc: {  	p1 =	sne.s32 s28, $0x4800;
	_ =	swait.ge [sflag:s19], $0x4000  }
0xbd: {  	[sflag:s19] =	ssyncset.done $0x0  }
0xbe: {  	s28 =	sadd.s32 $0x1400, s26;
	[sflag:s19] =	ssyncadd.s32 $0xFFFFC000  }
0xbf: {  	[spmem:s2] =	stream.indirect.scatter.add.f32 [tilespmem:s17], [sflag:$0x3], $0x80, s28, s16, $0xb8;
	[tilespmem:$0x1F000] =	vst v63  }
0xc0: {  	_ =	swait.ge [sflag:s14], $0x4000  }
0xc1: {  	[sflag:s14] =	ssyncset.done $0x0  }
0xc2: {  	s28 =	sadd.s32 $0x100, s26;
	[sflag:s14] =	ssyncadd.s32 $0xFFFFC000  }
0xc3: {  	[tilespmem:s17], [sflag:$0x1] =	stream.indirect.gather [hbm4b:s1+s16], $0x80, s28, s16, $0xb8;
	[tilespmem:$0x1F000] =	vst v63  }
0xc4: {  	_ =	swait.ge [sflag:s20], $0x4000  }
.Ltmp1:
0xc5: {  	[sflag:s20] =	ssyncset.done $0x0;
	(pc) =	sbr.rel @p1 .LBB2_4-.Ltmp1, $4  }
0xc6: {  	s26 =	sadd.s32 $0x1480, s26;
	[sflag:s20] =	ssyncadd.s32 $0xFFFFC000  }
0xc7: {  	[spmem:s2] =	stream.indirect.scatter.add.f32 [tilespmem:s18], [sflag:$0x3], $0x80, s26, s16, $0xb8;
	[tilespmem:$0x1F000] =	vst v63  }
0xc8: {  	_ =	swait.ge [sflag:s14], $0x4000  }
0xc9: {  	s28 =	smov.u32 s31;
	s26 =	sshra.s32 s30, $0x2;
	[sflag:s14] =	ssyncset.done $0x0  }
0xca: {  	s28 =	sadd.s32 $0x80, s26;
	[sflag:s14] =	ssyncadd.s32 $0xFFFFC000  }
0xcb: {  	[tilespmem:s18], [sflag:$0x2] =	stream.indirect.gather [hbm4b:s1+s16], $0x80, s28, s16, $0xb8;
	[tilespmem:$0x1F000] =	vst v63  }
0xcc: {  	_ =	swait.ge [sflag:s19], $0x4000  }
0xcd: {  	[sflag:s19] =	ssyncset.done $0x0  }
0xce: {  	s28 =	sadd.s32 $0x1400, s26;
	[sflag:s19] =	ssyncadd.s32 $0xFFFFC000  }
0xcf: {  	[spmem:s2] =	stream.indirect.scatter.add.f32 [tilespmem:s17], [sflag:$0x3], $0x80, s28, s16, $0xb8;
	[tilespmem:$0x1F000] =	vst v63  }
0xd0: {  	_ =	swait.ge [sflag:s14], $0x4000  }
0xd1: {  	[sflag:s14] =	ssyncset.done $0x0  }
0xd2: {  	s28 =	sadd.s32 $0x100, s26;
	[sflag:s14] =	ssyncadd.s32 $0xFFFFC000  }
0xd3: {  	[tilespmem:s17], [sflag:$0x1] =	stream.indirect.gather [hbm4b:s1+s16], $0x80, s28, s16, $0xb8;
	[tilespmem:$0x1F000] =	vst v63  }
0xd4: {  	_ =	swait.ge [sflag:s20], $0x4000  }
0xd5: {  	[sflag:s20] =	ssyncset.done $0x0  }
0xd6: {  	s29 =	sadd.s32 $0x1480, s26;
	[sflag:s20] =	ssyncadd.s32 $0xFFFFC000  }
0xd7: {  	[spmem:s2] =	stream.indirect.scatter.add.f32 [tilespmem:s18], [sflag:$0x3], $0x80, s29, s16, $0xb8;
	[tilespmem:$0x1F000] =	vst v63  }
0xd8: {  	_ =	swait.ge [sflag:s14], $0x4000  }
0xd9: {  	[sflag:s14] =	ssyncset.done $0x0  }
0xda: {  	[sflag:s14] =	ssyncadd.s32 $0xFFFFC000  }
0xdb: {  	[tilespmem:s18], [sflag:$0x2] =	stream.indirect.gather [hbm4b:s1+s16], $0x80, s21, s16, $0xb8;
	[tilespmem:$0x1F000] =	vst v63  }
0xdc: {  	_ =	swait.ge [sflag:s19], $0x4000  }
0xdd: {  	[sflag:s19] =	ssyncset.done $0x0  }
0xde: {  	[sflag:s19] =	ssyncadd.s32 $0xFFFFC000  }
0xdf: {  	[spmem:s2] =	stream.indirect.scatter.add.f32 [tilespmem:s17], [sflag:$0x3], $0x80, s22, s16, $0xb8;
	[tilespmem:$0x1F000] =	vst v63  }
0xe0: {  	_ =	swait.ge [sflag:s14], $0x4000  }
0xe1: {  	[sflag:s14] =	ssyncset.done $0x0  }
0xe2: {  	[sflag:s14] =	ssyncadd.s32 $0xFFFFC000  }
0xe3: {  	[tilespmem:s17], [sflag:$0x1] =	stream.indirect.gather [hbm4b:s1+s16], $0x80, s21, s16, $0xb8;
	[tilespmem:$0x1F000] =	vst v63  }
0xe4: {  	_ =	swait.ge [sflag:s20], $0x4000  }
0xe5: {  	[sflag:s20] =	ssyncset.done $0x0  }
0xe6: {  	[sflag:s20] =	ssyncadd.s32 $0xFFFFC000  }
0xe7: {  	[spmem:s2] =	stream.indirect.scatter.add.f32 [tilespmem:s18], [sflag:$0x3], $0x80, s23, s16, $0xb8;
	[tilespmem:$0x1F000] =	vst v63  }
0xe8: {  	_ =	swait.ge [sflag:s14], $0x4000  }
0xe9: {  	[sflag:s14] =	ssyncset.done $0x0  }
0xea: {  	[sflag:s14] =	ssyncadd.s32 $0xFFFFC000  }
0xeb: {  	_ =	swait.ge [sflag:s19], $0x4000  }
0xec: {  	[sflag:s19] =	ssyncset.done $0x0  }
0xed: {  	s30 =	simm.s32 $0x0;
	[sflag:s19] =	ssyncadd.s32 $0xFFFFC000  }
0xee: {  	[tilespmem:s30], [sflag:$0x3] =	stream.linear.gather [hbm4b:s8+s30], $0x1400, $0x38;
	[tilespmem:$0x1F000] =	vst v63  }
0xef: {  	_ =	swait.ge [sflag:s14], $0x1400  }
0xf0: {  	[sflag:s14] =	ssyncset.done $0x0  }
0xf1: {  	[sflag:s14] =	ssyncadd.s32 $0xFFFFEC00  }
0xf2: {  	[tilespmem:s15], [sflag:$0x3] =	stream.linear.gather [hbm4b:s9+s30], $0x1400, $0x38;
	[tilespmem:$0x1F000] =	vst v63  }
0xf3: {  	_ =	swait.ge [sflag:s14], $0x1400  }
0xf4: {  	[sflag:s14] =	ssyncset.done $0x0  }
0xf5: {  	[sflag:s14] =	ssyncadd.s32 $0xFFFFEC00  }
0xf6: {  	[tilespmem:s17], [sflag:$0x1] =	stream.indirect.gather [hbm4b:s1+s16], $0x80, s30, s16, $0xb8;
	[tilespmem:$0x1F000] =	vst v63  }
0xf7: {  	s31 =	simm.s32 $0x80  }
0xf8: {  	[tilespmem:s18], [sflag:$0x2] =	stream.indirect.gather [hbm4b:s1+s16], $0x80, s31, s16, $0xb8;
	[tilespmem:$0x1F000] =	vst v63  }
0xf9: {  	_ =	swait.ge [sflag:s19], $0x4000  }
0xfa: {  	[sflag:s19] =	ssyncset.done $0x0  }
0xfb: {  	s29 =	simm.s32 $0x1400;
	[sflag:s19] =	ssyncadd.s32 $0xFFFFC000  }
0xfc: {  	[spmem:s2] =	stream.indirect.scatter.add.f32 [tilespmem:s17], [sflag:$0x3], $0x80, s29, s16, $0xb8;
	[tilespmem:$0x1F000] =	vst v63  }
0xfd: {  	_ =	swait.ge [sflag:s14], $0x4000  }
0xfe: {  	[sflag:s14] =	ssyncset.done $0x0  }
0xff: {  	s30 =	simm.s32 $0x100;
	[sflag:s14] =	ssyncadd.s32 $0xFFFFC000  }
0x100: {  	[tilespmem:s17], [sflag:$0x1] =	stream.indirect.gather [hbm4b:s1+s16], $0x80, s30, s16, $0xb8;
	[tilespmem:$0x1F000] =	vst v63  }
0x101: {  	_ =	swait.ge [sflag:s20], $0x4000  }
0x102: {  	[sflag:s20] =	ssyncset.done $0x0  }
0x103: {  	s31 =	simm.s32 $0x1480;
	[sflag:s20] =	ssyncadd.s32 $0xFFFFC000  }
0x104: {  	[spmem:s2] =	stream.indirect.scatter.add.f32 [tilespmem:s18], [sflag:$0x3], $0x80, s31, s16, $0xb8;
	[tilespmem:$0x1F000] =	vst v63  }
0x105: {  	_ =	swait.ge [sflag:s14], $0x4000  }
0x106: {  	s26 =	simm.s32 $0x100;
	s28 =	simm.s32 $0x800;
	[sflag:s14] =	ssyncset.done $0x0  }
.LBB2_6:
0x107: {  	s29 =	sadd.s32 $0x80, s26  }
0x108: {  	[sflag:s14] =	ssyncadd.s32 $0xFFFFC000;
	s30 =	smov.u32 s28;
	s31 =	sadd.s32 $0x400, s28  }
0x109: {  	[tilespmem:s18], [sflag:$0x2] =	stream.indirect.gather [hbm4b:s1+s16], $0x80, s29, s16, $0xb8;
	[tilespmem:$0x1F000] =	vst v63  }
0x10a: {  	p1 =	sne.s32 s28, $0x4800;
	_ =	swait.ge [sflag:s19], $0x4000  }
0x10b: {  	[sflag:s19] =	ssyncset.done $0x0  }
0x10c: {  	s28 =	sadd.s32 $0x1400, s26;
	[sflag:s19] =	ssyncadd.s32 $0xFFFFC000  }
0x10d: {  	[spmem:s2] =	stream.indirect.scatter.add.f32 [tilespmem:s17], [sflag:$0x3], $0x80, s28, s16, $0xb8;
	[tilespmem:$0x1F000] =	vst v63  }
0x10e: {  	_ =	swait.ge [sflag:s14], $0x4000  }
0x10f: {  	[sflag:s14] =	ssyncset.done $0x0  }
0x110: {  	s28 =	sadd.s32 $0x100, s26;
	[sflag:s14] =	ssyncadd.s32 $0xFFFFC000  }
0x111: {  	[tilespmem:s17], [sflag:$0x1] =	stream.indirect.gather [hbm4b:s1+s16], $0x80, s28, s16, $0xb8;
	[tilespmem:$0x1F000] =	vst v63  }
0x112: {  	_ =	swait.ge [sflag:s20], $0x4000  }
.Ltmp2:
0x113: {  	[sflag:s20] =	ssyncset.done $0x0;
	(pc) =	sbr.rel @p1 .LBB2_6-.Ltmp2, $4  }
0x114: {  	s26 =	sadd.s32 $0x1480, s26;
	[sflag:s20] =	ssyncadd.s32 $0xFFFFC000  }
0x115: {  	[spmem:s2] =	stream.indirect.scatter.add.f32 [tilespmem:s18], [sflag:$0x3], $0x80, s26, s16, $0xb8;
	[tilespmem:$0x1F000] =	vst v63  }
0x116: {  	_ =	swait.ge [sflag:s14], $0x4000  }
0x117: {  	s28 =	smov.u32 s31;
	s26 =	sshra.s32 s30, $0x2;
	[sflag:s14] =	ssyncset.done $0x0  }
0x118: {  	s28 =	sadd.s32 $0x80, s26;
	[sflag:s14] =	ssyncadd.s32 $0xFFFFC000  }
0x119: {  	[tilespmem:s18], [sflag:$0x2] =	stream.indirect.gather [hbm4b:s1+s16], $0x80, s28, s16, $0xb8;
	[tilespmem:$0x1F000] =	vst v63  }
0x11a: {  	_ =	swait.ge [sflag:s19], $0x4000  }
0x11b: {  	[sflag:s19] =	ssyncset.done $0x0  }
0x11c: {  	s29 =	sadd.s32 $0x1400, s26;
	[sflag:s19] =	ssyncadd.s32 $0xFFFFC000  }
0x11d: {  	[spmem:s2] =	stream.indirect.scatter.add.f32 [tilespmem:s17], [sflag:$0x3], $0x80, s29, s16, $0xb8;
	[tilespmem:$0x1F000] =	vst v63  }
0x11e: {  	_ =	swait.ge [sflag:s14], $0x4000  }
0x11f: {  	[sflag:s14] =	ssyncset.done $0x0  }
0x120: {  	s30 =	sadd.s32 $0x100, s26;
	[sflag:s14] =	ssyncadd.s32 $0xFFFFC000  }
0x121: {  	[tilespmem:s17], [sflag:$0x1] =	stream.indirect.gather [hbm4b:s1+s16], $0x80, s30, s16, $0xb8;
	[tilespmem:$0x1F000] =	vst v63  }
0x122: {  	_ =	swait.ge [sflag:s20], $0x4000  }
0x123: {  	[sflag:s20] =	ssyncset.done $0x0  }
0x124: {  	s31 =	sadd.s32 $0x1480, s26;
	[sflag:s20] =	ssyncadd.s32 $0xFFFFC000  }
0x125: {  	[spmem:s2] =	stream.indirect.scatter.add.f32 [tilespmem:s18], [sflag:$0x3], $0x80, s31, s16, $0xb8;
	[tilespmem:$0x1F000] =	vst v63  }
0x126: {  	_ =	swait.ge [sflag:s14], $0x4000  }
0x127: {  	[sflag:s14] =	ssyncset.done $0x0  }
0x128: {  	[sflag:s14] =	ssyncadd.s32 $0xFFFFC000  }
0x129: {  	[tilespmem:s18], [sflag:$0x2] =	stream.indirect.gather [hbm4b:s1+s16], $0x80, s21, s16, $0xb8;
	[tilespmem:$0x1F000] =	vst v63  }
0x12a: {  	_ =	swait.ge [sflag:s19], $0x4000  }
0x12b: {  	[sflag:s19] =	ssyncset.done $0x0  }
0x12c: {  	[sflag:s19] =	ssyncadd.s32 $0xFFFFC000  }
0x12d: {  	[spmem:s2] =	stream.indirect.scatter.add.f32 [tilespmem:s17], [sflag:$0x3], $0x80, s22, s16, $0xb8;
	[tilespmem:$0x1F000] =	vst v63  }
0x12e: {  	_ =	swait.ge [sflag:s14], $0x4000  }
0x12f: {  	[sflag:s14] =	ssyncset.done $0x0  }
0x130: {  	[sflag:s14] =	ssyncadd.s32 $0xFFFFC000  }
0x131: {  	[tilespmem:s17], [sflag:$0x1] =	stream.indirect.gather [hbm4b:s1+s16], $0x80, s21, s16, $0xb8;
	[tilespmem:$0x1F000] =	vst v63  }
0x132: {  	_ =	swait.ge [sflag:s20], $0x4000  }
0x133: {  	[sflag:s20] =	ssyncset.done $0x0  }
0x134: {  	[sflag:s20] =	ssyncadd.s32 $0xFFFFC000  }
0x135: {  	[spmem:s2] =	stream.indirect.scatter.add.f32 [tilespmem:s18], [sflag:$0x3], $0x80, s23, s16, $0xb8;
	[tilespmem:$0x1F000] =	vst v63  }
0x136: {  	_ =	swait.ge [sflag:s14], $0x4000  }
0x137: {  	[sflag:s14] =	ssyncset.done $0x0  }
0x138: {  	[sflag:s14] =	ssyncadd.s32 $0xFFFFC000  }
0x139: {  	_ =	swait.ge [sflag:s19], $0x4000  }
0x13a: {  	[sflag:s19] =	ssyncset.done $0x0  }
0x13b: {  	[sflag:s19] =	ssyncadd.s32 $0xFFFFC000  }
0x13c: {  	s26 =	simm.s32 @p0 $0x1FC3;
	[bflag:$0x0] =	sbarrier.arrive $0xFFFF  }
0x13d: {  	[hbm:s11], [sflag:s26] =	dma.local @p0 [spmem:s24], $0x2080  }
0x13e: {  	s26 =	simm.s32 @p0 $0x3  }
0x13f: {  	_ =	swait.ge @p0 [sflag:s26], $0x2080  }
0x140: {  	s4 =	sadd.s32 $0x1, s4;
	s28 =	sshll.u32 @!p0 s3, $0x6;
	[sflag:s26] =	ssyncset.done @p0 $0x0  }
0x141: {  	p1 =	sne.s32 s4, s12;
	[sflag:s26] =	ssyncadd.s32 @p0 $0xFFFFDF80;
	s26 =	sor.u32 @!p0 $0x1C03, s28  }
0x142: {  	[hbm:s10], [sflag:s26] =	dma.local @!p0 [spmem:s25], $0x2780  }
.Ltmp3:
0x143: {  	_ = 	snop;
	(pc) =	sbr.rel @p1 .LBB2_1-.Ltmp3, $4  }
0x144: {  	s26 =	simm.s32 @!p0 $0x3  }
0x145: {  	_ =	swait.ge @!p0 [sflag:s26], $0x2780  }
0x146: {  	[sflag:s26] =	ssyncset.done @!p0 $0x0  }
0x147: {  	[sflag:s26] =	ssyncadd.s32 @!p0 $0xFFFFD880  }
0x148: {  	_ =	sfence.sel $0x180000  }
0x149: {  	[bflag:$0x0] =	sbarrier.arrive $0xFFFF  }
0x14a: {  	p0 =	sne.s32 s3, $0x0;
	_ =	strace $0x9000004A  }
0x14b: {  	s0 =	sadd.s32 @!p0 $0x100000, s0;
	[bflag:$0x2] =	sbarrier.arrive $0xFFFF  }
0x14c: {  	[sflag:s0] =	ssyncadd.tile.s32 @!p0 $0x1;
	_ =	shalt  }
.Lfunc_end2:
_tile_overlayer_lowered:
.L_overlay_start_2:
0x14d: {  	(tag) =	ssettag $0x2  }
0x14e: {  	s0 =	rddreg [dreg:$0x0];
	s2 =	stileid.u32  }
0x14f: {  	s1 =	rddreg [dreg:$0x1];
	p0 =	sne.s32 s2, $0x0  }
0x150: {  	s3 =	rddreg [dreg:$0x2];
	[bflag:$0x3] =	sbarrier.arrive $0xFFFF;
	s2 =	simm.s32 @!p0 $0x1C03  }
0x151: {  	[timem:s3], [sflag:s2] =	dma.local @!p0 [hbm:s0], s1  }
0x152: {  	s0 =	simm.s32 @!p0 $0x3  }
0x153: {  	_ =	swait.ge @!p0 [sflag:s0], s1  }
0x154: {  	s1 =	ssub.s32 @!p0 $0x0, s1;
	[sflag:s0] =	ssyncset.done @!p0 $0x0  }
0x155: {  	[sflag:s0] =	ssyncadd.s32 @!p0 s1  }
0x156: {  	[bflag:$0x3] =	sbarrier.arrive $0xFFFF  }
0x157: {  	_ =	shalt  }

// kernel: kernel.14.cloned.1.call-start
scs
__scs_entry_jumppad:
0x0: {  	(pc) =	sbr.rel $0x88, $3  }
0x1: {  	(tag) =	ssettag $0x0;
	lr =	simm.s32 $0x1  }
0x2: {  	[smem:$0x3F95] =	sst lr;
	_ =	strace $0xD0000000  }
0x3: {  	_ = 	snop  }
0x4: {  	_ = 	snop  }
0x5: {  	_ = 	snop  }
0x6: {  	_ = 	snop  }
0x7: {  	_ = 	snop  }
__scs_overlays_trampoline_lowered:
0x8: {  	[smem:$0x3FA4] =	sst s0  }
0x9: {  	[smem:$0x3FA5] =	sst s1  }
0xa: {  	[smem:$0x3FA6] =	sst s2  }
0xb: {  	[smem:$0x3FA7] =	sst s3  }
0xc: {  	[smem:$0x3FA8] =	sst s4  }
0xd: {  	[smem:$0x3FA9] =	sst s5  }
0xe: {  	[smem:$0x3FAA] =	sst s6  }
0xf: {  	[smem:$0x3FAB] =	sst s7  }
0x10: {  	[smem:$0x3FAC] =	sst s8  }
0x11: {  	[smem:$0x3FAD] =	sst s9;
	s0 =	simm.s32 @!p0 $0x0  }
0x12: {  	s1 =	sld [smem:$0x3F93];
	s0 =	simm.s32 @p0 $0x1  }
0x13: {  	[smem:$0x3FAE] =	sst s0;
	s0 =	simm.s32 @!p1 $0x0  }
0x14: {  	s2 =	sld [smem:$0x3F92];
	s0 =	simm.s32 @p1 $0x1  }
0x15: {  	[smem:$0x3FAF] =	sst s0;
	s0 =	simm.s32 @!p2 $0x0  }
0x16: {  	s3 =	sld [smem:$0x3FDB];
	s0 =	simm.s32 @p2 $0x1  }
0x17: {  	s4 =	simm.s32 $0x1BF5;
	[smem:$0x3FB1] =	sst s0  }
0x18: {  	s0 =	sld [smem:$0x3F94];
	_ =	swait.ge [sflag:s4], $0x0  }
0x19: {  	s7 =	sld [smem:$0x3F95]  }
0x1a: {  	s8 =	sadd.s32 $0xFFFFE003, lr  }
0x1b: {  	s9 =	sadd.s32 $0xFFFFFEF7, lr;
	s5 =	simm.s32 $0xFFFFFFFF;
	p2 =	slt.u32 s8, $0xFFFFF086  }
0x1c: {  	p1 =	slt.u32 s9, $0xF7A;
	s5 =	simm.s32 @!p2 $0x0  }
0x1d: {  	s5 =	simm.s32 @p1 $0x1;
	p0 =	seq.s32 s7, s2  }
0x1e: {  	s7 =	smul.u32 @!p0 $0xF7A, s2;
	p2 =	seq.s32 @!p0 s5, $0x0  }
0x1f: {  	s9 =	smul.u32 $0xF7A, s1;
	s8 =	simm.s32 @!p0 $0x1BF5;
	p2 =	por !p2, p0  }
0x20: {  	[sflag:s8] =	ssyncset.s32 @!p0 $0xFFFFF086;
	s6 =	sadd.s32 @!p0 s3, s7;
	s7 =	simm.s32 @!p0 $0x108  }
0x21: {  	s3 =	sadd.s32 s3, s9;
	s6 =	sadd.s32 @!p0 $0x88, s6;
	s7 =	simm.s32 @p2 $0x1082  }
0x22: {  	[simem:s7], [sflag:s8] =	dma.local @!p0 [hbm:s6], $0xF7A  }
0x23: {  	s9 =	sor.u32 $0xD0000000, s2;
	s6 =	simm.s32 $0x108;
	_ =	swait.ge @!p0 [sflag:s8], $0x0  }
0x24: {  	s3 =	sadd.s32 $0x88, s3;
	s6 =	simm.s32 @!p1 $0x1082;
	[sflag:s4] =	ssyncset.s32 $0xFFFFF086  }
0x25: {  	[simem:s6], [sflag:s4] =	dma.local [hbm:s3], $0xF7A  }
0x26: {  	[smem:$0x3F95] =	sst s1;
	(tag) =	ssettag s2;
	_ =	strace s9  }
0x27: {  	s1 =	sld [smem:$0x3FA5]  }
0x28: {  	s2 =	sld [smem:$0x3FA6]  }
0x29: {  	s4 =	sld [smem:$0x3FA8]  }
0x2a: {  	p0 =	seq.s32 s5, $0x0;
	s5 =	sld [smem:$0x3FA9]  }
0x2b: {  	s6 =	sld [smem:$0x3FAA]  }
0x2c: {  	s7 =	sld [smem:$0x3FAB]  }
0x2d: {  	s3 =	simm.s32 $0x108;
	s8 =	sld [smem:$0x3FAC]  }
0x2e: {  	s3 =	simm.s32 @!p0 $0x1082;
	s9 =	sld [smem:$0x3FAD]  }
0x2f: {  	lr =	sadd.s32 s0, s3;
	s0 =	sld [smem:$0x3FA4]  }
0x30: {  	s3 =	sld [smem:$0x3FA7]  }
0x31: {  	[smem:$0x3FB0] =	sst s10  }
0x32: {  	s10 =	sld [smem:$0x3FAE];
	_ =	sdelay $0x3  }
0x33: {  	p0 =	seq.s32 s10, $0x1;
	s10 =	sld [smem:$0x3FB0];
	_ =	sdelay $0x3  }
0x34: {  	[smem:$0x3FB0] =	sst s10  }
0x35: {  	s10 =	sld [smem:$0x3FAF];
	_ =	sdelay $0x3  }
0x36: {  	p1 =	seq.s32 s10, $0x1;
	s10 =	sld [smem:$0x3FB0];
	_ =	sdelay $0x3  }
0x37: {  	[smem:$0x3FB0] =	sst s10  }
0x38: {  	s10 =	sld [smem:$0x3FB1]  }
0x39: {  	_ = 	snop;
	(pc) =	sbr.ind lr, $3  }
0x3a: {  	_ = 	snop  }
0x3b: {  	_ = 	snop  }
0x3c: {  	p2 =	seq.s32 s10, $0x1;
	s10 =	sld [smem:$0x3FB0]  }
0x3d: {  	_ =	shalt  }
0x3e: {  	_ =	shalt  }
0x3f: {  	_ =	shalt  }
0x40: {  	_ =	shalt  }
0x41: {  	_ =	shalt  }
0x42: {  	_ =	shalt  }
0x43: {  	_ =	shalt  }
0x44: {  	_ =	shalt  }
0x45: {  	_ =	shalt  }
0x46: {  	_ =	shalt  }
0x47: {  	_ =	shalt  }
0x48: {  	_ =	shalt  }
0x49: {  	_ =	shalt  }
0x4a: {  	_ =	shalt  }
0x4b: {  	_ =	shalt  }
0x4c: {  	_ =	shalt  }
0x4d: {  	_ =	shalt  }
0x4e: {  	_ =	shalt  }
0x4f: {  	_ =	shalt  }
0x50: {  	_ =	shalt  }
0x51: {  	_ =	shalt  }
0x52: {  	_ =	shalt  }
0x53: {  	_ =	shalt  }
0x54: {  	_ =	shalt  }
0x55: {  	_ =	shalt  }
0x56: {  	_ =	shalt  }
0x57: {  	_ =	shalt  }
0x58: {  	_ =	shalt  }
0x59: {  	_ =	shalt  }
0x5a: {  	_ =	shalt  }
0x5b: {  	_ =	shalt  }
0x5c: {  	_ =	shalt  }
0x5d: {  	_ =	shalt  }
0x5e: {  	_ =	shalt  }
0x5f: {  	_ =	shalt  }
0x60: {  	_ =	shalt  }
0x61: {  	_ =	shalt  }
0x62: {  	_ =	shalt  }
0x63: {  	_ =	shalt  }
0x64: {  	_ =	shalt  }
0x65: {  	_ =	shalt  }
0x66: {  	_ =	shalt  }
0x67: {  	_ =	shalt  }
0x68: {  	_ =	shalt  }
0x69: {  	_ =	shalt  }
0x6a: {  	_ =	shalt  }
0x6b: {  	_ =	shalt  }
0x6c: {  	_ =	shalt  }
0x6d: {  	_ =	shalt  }
0x6e: {  	_ =	shalt  }
0x6f: {  	_ =	shalt  }
0x70: {  	_ =	shalt  }
0x71: {  	_ =	shalt  }
0x72: {  	_ =	shalt  }
0x73: {  	_ =	shalt  }
0x74: {  	_ =	shalt  }
0x75: {  	_ =	shalt  }
0x76: {  	_ =	shalt  }
0x77: {  	_ =	shalt  }
0x78: {  	_ =	shalt  }
0x79: {  	_ =	shalt  }
0x7a: {  	_ =	shalt  }
0x7b: {  	_ =	shalt  }
0x7c: {  	_ =	shalt  }
0x7d: {  	_ =	shalt  }
0x7e: {  	_ =	shalt  }
0x7f: {  	_ =	shalt  }
0x80: {  	_ =	shalt  }
0x81: {  	_ =	shalt  }
0x82: {  	_ =	shalt  }
0x83: {  	_ =	shalt  }
0x84: {  	_ =	shalt  }
0x85: {  	_ =	shalt  }
0x86: {  	_ =	shalt  }
0x87: {  	_ =	shalt  }
.Lfunc_end0:
.L_simem_size_0:
called_computation.2_lowered:
.L_overlay_start_0:
0x88: {  	s2 =	sld [smem:$0x3FD9]  }
0x89: {  	s3 =	sld [smem:$0x3FFE];
	_ =	sdelay $0x1  }
0x8a: {  	s1 =	srdreg.scid  }
0x8b: {  	s0 =	sand.u32 $0x1, s1  }
0x8c: {  	s14 =	sshll.u32 s0, $0xA;
	s2 =	sadd.s32 s3, s2  }
0x8d: {  	s2 =	sadd.s32 s2, s14  }
0x8e: {  	[smem:$0x3FBC] =	sst s2  }
0x8f: {  	_ = 	snop  }
0x90: {  	s2 =	sld [smem:$0x3FD0];
	_ =	sdelay $0x2  }
0x91: {  	s15 =	simm.s32 $0xB;
	s4 =	simm.s32 $0x10  }
0x92: {  	[smem:s4], [sflag:s15] =	dma.local [hbm:s2], $0x1  }
0x93: {  	_ =	swait.eq [sflag:s15], $0x1  }
0x94: {  	[sflag:s15] =	ssyncset.done $0x0  }
0x95: {  	s16 =	sld [smem:$0x10];
	[sflag:s15] =	ssyncadd.s32 $0xFFFFFFFF  }
0x96: {  	s17 =	sld [smem:$0x12];
	(tm) =	ssettm $0x1  }
0x97: {  	s18 =	sld [smem:$0x3FFB];
	_ =	sdelay $0x3  }
0x98: {  	_ =	strace s18  }
0x99: {  	s4 =	sld [smem:$0x3FFC];
	_ =	sdelay $0x3  }
0x9a: {  	_ =	strace s4  }
0x9b: {  	s4 =	sld [smem:$0x3FFD];
	_ =	sdelay $0x3  }
0x9c: {  	_ =	strace s4  }
0x9d: {  	_ =	strace $0x8FFFFFFF  }
0x9e: {  	s19 =	sld [smem:$0x3FDB];
	_ =	sdelay $0x1  }
0x9f: {  	s5 =	simm.s32 $_scs_section_size  }
0xa0: {  	s6 =	simm.s32 $_size__tile_overlayer_lowered;
	s7 =	simm.s32 $_tile_overlayer_lowered  }
0xa1: {  	s22 =	simm.s32 $0x1BFF;
	s21 =	sshll.u32 s7, $0x1;
	s4 =	sadd.s32 s5, s19  }
0xa2: {  	s8 =	simm.s32 $0x0;
	s20 =	sshll.u32 s6, $0x1;
	s6 =	sadd.s32 s21, s4  }
0xa3: {  	[timem:s8], [sflag:s22] =	dma.local [hbm:s6], s20  }
0xa4: {  	_ =	swait.ge [sflag:s22], s20  }
0xa5: {  	s5 =	ssub.s32 $0x0, s20;
	[sflag:s22] =	ssyncset.done $0x0  }
0xa6: {  	[sflag:s22] =	ssyncadd.s32 s5;
	_ =	sdelay $0x1  }
0xa7: {  	s23 =	simm.s32 $0x1B8B  }
0xa8: {  	_ =	swait.ge [sflag:s23], $0x1  }
0xa9: {  	[sflag:s23] =	ssyncset.done $0x0  }
0xaa: {  	s25 =	simm.s32 $0x1B8E;
	s24 =	sld [smem:$0x3FFE];
	[sflag:s23] =	ssyncadd.s32 $0xFFFFFFFF  }
0xab: {  	s26 =	simm.s32 $execute0_lowered;
	[smem:$0x3FD2] =	sst s25  }
0xac: {  	s6 =	sshll.u32 s26, $0x1;
	_ =	strace $0x8000004C;
	[dreg:$0x1] =	wrdreg $0xFFFFFFFF  }
0xad: {  	s28 =	simm.s32 $_size_execute0_lowered;
	s4 =	sadd.s32 s4, s6;
	[dreg:$0x0] =	wrdreg $0x0  }
0xae: {  	s6 =	sshll.u32 s28, $0x1;
	[dreg:$0x2] =	wrdreg s4  }
0xaf: {  	[dreg:$0x3] =	wrdreg s6  }
0xb0: {  	[dreg:$0x4] =	wrdreg $0xC0  }
0xb1: {  	_ =	task [dreg:s8], $0x5FFFF  }
0xb2: {  	[dreg:$0x1] =	wrdreg $0xFFFFFFFF  }
0xb3: {  	[dreg:$0x0] =	wrdreg $0x60  }
0xb4: {  	[dreg:$0x2] =	wrdreg s16  }
0xb5: {  	[dreg:$0x3] =	wrdreg s17  }
0xb6: {  	[dreg:$0x4] =	wrdreg s24  }
0xb7: {  	[dreg:$0x5] =	wrdreg $0xB0000  }
0xb8: {  	[dreg:$0x6] =	wrdreg $0x9  }
0xb9: {  	_ =	task.clear_ibuf [dreg:s8], $0x7FFFF;
	_ =	strace $0x9000004C  }
0xba: {  	s29 =	simm.s32 $0x9;
	_ =	strace $0x8000004E  }
0xbb: {  	_ =	swait.ge [sflag:s29], $0x1  }
0xbc: {  	[sflag:s29] =	ssyncadd.s32 $0xFFFFFFFF  }
0xbd: {  	_ =	strace $0x9000004E  }
0xbe: {  	_ =	sfence  }
0xbf: {  	s30 =	sld [smem:$0x0];
	_ =	sdelay $0x2  }
0xc0: {  	s31 =	sshll.u32 s1, $0xD;
	s1 =	sshrl.u32 s1, $0x2  }
0xc1: {  	s3 =	sand.u32 $0x4000, s31;
	s1 =	sadd.s32 s1, s30  }
0xc2: {  	s0 =	sor.u32 s3, s0;
	s1 =	sshll.u32 s1, $0x11  }
0xc3: {  	s0 =	sor.u32 s1, s0  }
0xc4: {  	s0 =	sadd.s32 $0x8F2B, s0  }
0xc5: {  	[sflag:s0] =	ssyncadd.remote.s32 $0x1  }
0xc6: {  	_ =	sfence.sel $0xFFFF  }
0xc7: {  	[dreg:$0x0] =	wrdreg $0xFFFFFFFF;
	(pc) =	sbr.abs _section_cstart, $3  }
0xc8: {  	[dreg:$0x1] =	wrdreg $0xFFFFFFFF  }
0xc9: {  	_ =	task.clear_ibuf [dreg:s8], $0x2FFFF;
	_ =	strace $0x9FFFFFFF  }
0xca: {  	(tm) =	ssettm $0x7FFFFFFF  }
0xcb: {  	_ =	shalt  }
tec
execute0_lowered:
.L_overlay_start_1:
0x0: {  	(tag) =	ssettag $0x1  }
0x1: {  	s1 =	rddreg [dreg:$0x0]  }
0x2: {  	s8 =	rddreg [dreg:$0x1]  }
0x3: {  	s5 =	rddreg [dreg:$0x2]  }
0x4: {  	s2 =	rddreg [dreg:$0x3];
	s3 =	srdreg.scid  }
0x5: {  	s0 =	rddreg [dreg:$0x4];
	s4 =	simm.s32 $0x0;
	s16 =	simm.s32 $0x80  }
0x6: {  	s17 =	simm.s32 $0x2800;
	s18 =	simm.s32 $0x6800;
	s19 =	simm.s32 $0x1  }
0x7: {  	s20 =	simm.s32 $0x2;
	s6 =	sand.u32 $0x1, s3;
	s3 =	stileid.u32  }
0x8: {  	s21 =	simm.s32 $0x1380;
	s22 =	simm.s32 $0x2700;
	s9 =	smul.u32 $0x50000, s3  }
0x9: {  	[smem:$0x7FF] =	sst s4;
	s10 =	sadd.s32 $0x2400, s5;
	s25 =	smul.u32 $0x138800, s6  }
0xa: {  	s13 =	sadd.s32 $0xC400, s5;
	s7 =	sshll.u32 s6, $0x4;
	s15 =	smul.u32 $0x13C00, s3  }
0xb: {  	s11 =	ssub.s32 $0x2, s6;
	s29 =	smul.u32 $0x4F000, s3;
	s7 =	sor.u32 s3, s7  }
0xc: {  	_ =	strace $0x8000004D;
	s23 =	sshrl.u32 s11, $0x1;
	s12 =	smul.u32 $0x500, s7  }
0xd: {  	p0 =	seq.s32 s3, $0xF;
	s7 =	smul.u32 $0x2800, s7;
	s14 =	ssub.s32 s11, s23  }
0xe: {  	s24 =	sshrl.u32 s9, $0x2;
	s28 =	sadd.s32 s15, s25;
	s11 =	sshrl.u32 s25, $0x3  }
0xf: {  	s31 =	sshrl.u32 s29, $0x2;
	s15 =	simm.s32 $0x1400;
	s23 =	simm.s32 $0x2780  }
0x10: {  	s5 =	sadd.s32 s24, s2;
	s30 =	sshrl.u32 s28, $0x3;
	s11 =	sadd.s32 s13, s11  }
0x11: {  	s25 =	sadd.s32 s31, s2;
	s24 =	sadd.s32 $0x128400, s2;
	s26 =	sshrl.u32 s7, $0x3  }
0x12: {  	s6 =	sadd.s32 s8, s12;
	s7 =	sadd.s32 s10, s12;
	s11 =	sadd.s32 $0x25080, s11  }
0x13: {  	s12 =	smax.u32 s14, $0x1;
	s14 =	simm.s32 $0x3;
	s9 =	sadd.s32 $0x280, s26  }
0x14: {  	s24 =	sshrl.u32 @p0 s24, $0x3;
	s25 =	sshrl.u32 @!p0 s25, $0x3;
	s8 =	sadd.s32 s8, s9  }
0x15: {  	v0 =	vimm.f32 $0.0e+00;
	s9 =	sadd.s32 s10, s9;
	s10 =	sadd.s32 s13, s30;
	s13 =	simm.s32 $0xA800  }
.LBB2_1:
0x16: {  	[tilespmem:$0xA800] =	vst v0  }
0x17: {  	[tilespmem:$0xA810] =	vst v0  }
0x18: {  	[tilespmem:$0xA820] =	vst v0  }
0x19: {  	[tilespmem:$0xA830] =	vst v0  }
0x1a: {  	[tilespmem:$0xA840] =	vst v0  }
0x1b: {  	[tilespmem:$0xA850] =	vst v0  }
0x1c: {  	[tilespmem:$0xA860] =	vst v0  }
0x1d: {  	[tilespmem:$0xA870] =	vst v0  }
0x1e: {  	[tilespmem:$0xA880] =	vst v0  }
0x1f: {  	[tilespmem:$0xA890] =	vst v0  }
0x20: {  	[tilespmem:$0xA8A0] =	vst v0  }
0x21: {  	[tilespmem:$0xA8B0] =	vst v0  }
0x22: {  	[tilespmem:$0xA8C0] =	vst v0  }
0x23: {  	[tilespmem:$0xA8D0] =	vst v0  }
0x24: {  	[tilespmem:$0xA8E0] =	vst v0  }
0x25: {  	[tilespmem:$0xA8F0] =	vst v0  }
0x26: {  	[tilespmem:$0xA900] =	vst v0  }
0x27: {  	[tilespmem:$0xA910] =	vst v0  }
0x28: {  	[tilespmem:$0xA920] =	vst v0  }
0x29: {  	[tilespmem:$0xA930] =	vst v0  }
0x2a: {  	[tilespmem:$0xA940] =	vst v0  }
0x2b: {  	[tilespmem:$0xA950] =	vst v0  }
0x2c: {  	[tilespmem:$0xA960] =	vst v0  }
0x2d: {  	[tilespmem:$0xA970] =	vst v0  }
0x2e: {  	[tilespmem:$0xA980] =	vst v0  }
0x2f: {  	[tilespmem:$0xA990] =	vst v0  }
0x30: {  	[tilespmem:$0xA9A0] =	vst v0  }
0x31: {  	[tilespmem:$0xA9B0] =	vst v0  }
0x32: {  	[tilespmem:$0xA9C0] =	vst v0  }
0x33: {  	[tilespmem:$0xA9D0] =	vst v0  }
0x34: {  	[tilespmem:$0xA9E0] =	vst v0  }
0x35: {  	[tilespmem:$0xA9F0] =	vst v0  }
0x36: {  	[tilespmem:$0xAA00] =	vst v0  }
0x37: {  	[tilespmem:$0xAA10] =	vst v0  }
0x38: {  	[tilespmem:$0xAA20] =	vst v0  }
0x39: {  	[tilespmem:$0xAA30] =	vst v0  }
0x3a: {  	[tilespmem:$0xAA40] =	vst v0  }
0x3b: {  	[tilespmem:$0xAA50] =	vst v0  }
0x3c: {  	[tilespmem:$0xAA60] =	vst v0  }
0x3d: {  	[tilespmem:$0xAA70] =	vst v0  }
0x3e: {  	[tilespmem:$0xAA80] =	vst v0  }
0x3f: {  	[tilespmem:$0xAA90] =	vst v0  }
0x40: {  	[tilespmem:$0xAAA0] =	vst v0  }
0x41: {  	[tilespmem:$0xAAB0] =	vst v0  }
0x42: {  	[tilespmem:$0xAAC0] =	vst v0  }
0x43: {  	[tilespmem:$0xAAD0] =	vst v0  }
0x44: {  	[tilespmem:$0xAAE0] =	vst v0  }
0x45: {  	[tilespmem:$0xAAF0] =	vst v0  }
0x46: {  	[tilespmem:$0xAB00] =	vst v0  }
0x47: {  	[tilespmem:$0xAB10] =	vst v0  }
0x48: {  	[tilespmem:$0xAB20] =	vst v0  }
0x49: {  	[tilespmem:$0xAB30] =	vst v0  }
0x4a: {  	[tilespmem:$0xAB40] =	vst v0  }
0x4b: {  	[tilespmem:$0xAB50] =	vst v0  }
0x4c: {  	[tilespmem:$0xAB60] =	vst v0  }
0x4d: {  	[tilespmem:$0xAB70] =	vst v0  }
0x4e: {  	[tilespmem:$0xAB80] =	vst v0  }
0x4f: {  	[tilespmem:$0xAB90] =	vst v0  }
0x50: {  	[tilespmem:$0xABA0] =	vst v0  }
0x51: {  	[tilespmem:$0xABB0] =	vst v0  }
0x52: {  	[tilespmem:$0xABC0] =	vst v0  }
0x53: {  	[tilespmem:$0xABD0] =	vst v0  }
0x54: {  	[tilespmem:$0xABE0] =	vst v0  }
0x55: {  	[tilespmem:$0xABF0] =	vst v0  }
0x56: {  	[tilespmem:$0xAC00] =	vst v0  }
0x57: {  	[tilespmem:$0xAC10] =	vst v0  }
0x58: {  	[tilespmem:$0xAC20] =	vst v0  }
0x59: {  	[tilespmem:$0xAC30] =	vst v0  }
0x5a: {  	[tilespmem:$0xAC40] =	vst v0  }
0x5b: {  	[tilespmem:$0xAC50] =	vst v0  }
0x5c: {  	[tilespmem:$0xAC60] =	vst v0  }
0x5d: {  	[tilespmem:$0xAC70] =	vst v0  }
0x5e: {  	[tilespmem:$0xAC80] =	vst v0  }
0x5f: {  	[tilespmem:$0xAC90] =	vst v0  }
0x60: {  	[tilespmem:$0xACA0] =	vst v0  }
0x61: {  	[tilespmem:$0xACB0] =	vst v0  }
0x62: {  	[tilespmem:$0xACC0] =	vst v0  }
0x63: {  	[tilespmem:$0xACD0] =	vst v0  }
0x64: {  	[tilespmem:$0xACE0] =	vst v0  }
0x65: {  	[tilespmem:$0xACF0] =	vst v0  }
0x66: {  	[tilespmem:$0xAD00] =	vst v0  }
0x67: {  	[tilespmem:$0xAD10] =	vst v0  }
0x68: {  	[tilespmem:$0xAD20] =	vst v0  }
0x69: {  	[tilespmem:$0xAD30] =	vst v0  }
0x6a: {  	[tilespmem:$0xAD40] =	vst v0  }
0x6b: {  	[tilespmem:$0xAD50] =	vst v0  }
0x6c: {  	[tilespmem:$0xAD60] =	vst v0  }
0x6d: {  	[tilespmem:$0xAD70] =	vst v0  }
0x6e: {  	[tilespmem:$0xAD80] =	vst v0  }
0x6f: {  	[tilespmem:$0xAD90] =	vst v0  }
0x70: {  	[tilespmem:$0xADA0] =	vst v0  }
0x71: {  	[tilespmem:$0xADB0] =	vst v0  }
0x72: {  	[tilespmem:$0xADC0] =	vst v0  }
0x73: {  	[tilespmem:$0xADD0] =	vst v0  }
0x74: {  	[tilespmem:$0xADE0] =	vst v0  }
0x75: {  	[tilespmem:$0xADF0] =	vst v0  }
0x76: {  	[tilespmem:$0xAE00] =	vst v0  }
0x77: {  	[tilespmem:$0xAE10] =	vst v0  }
0x78: {  	[tilespmem:$0xAE20] =	vst v0  }
0x79: {  	[tilespmem:$0xAE30] =	vst v0  }
0x7a: {  	[tilespmem:$0xAE40] =	vst v0  }
0x7b: {  	[tilespmem:$0xAE50] =	vst v0  }
0x7c: {  	[tilespmem:$0xAE60] =	vst v0  }
0x7d: {  	[tilespmem:$0xAE70] =	vst v0  }
0x7e: {  	[tilespmem:$0xAE80] =	vst v0  }
0x7f: {  	[tilespmem:$0xAE90] =	vst v0  }
0x80: {  	[tilespmem:$0xAEA0] =	vst v0  }
0x81: {  	[tilespmem:$0xAEB0] =	vst v0  }
0x82: {  	[tilespmem:$0xAEC0] =	vst v0  }
0x83: {  	[tilespmem:$0xAED0] =	vst v0  }
0x84: {  	[tilespmem:$0xAEE0] =	vst v0  }
0x85: {  	[tilespmem:$0xAEF0] =	vst v0  }
0x86: {  	[tilespmem:$0xAF00] =	vst v0  }
0x87: {  	[tilespmem:$0xAF10] =	vst v0  }
0x88: {  	[tilespmem:$0xAF20] =	vst v0  }
0x89: {  	[tilespmem:$0xAF30] =	vst v0  }
0x8a: {  	[tilespmem:$0xAF40] =	vst v0  }
0x8b: {  	[tilespmem:$0xAF50] =	vst v0  }
0x8c: {  	[tilespmem:$0xAF60] =	vst v0  }
0x8d: {  	[tilespmem:$0xAF70] =	vst v0  }
0x8e: {  	[tilespmem:$0xAF80] =	vst v0  }
0x8f: {  	[tilespmem:$0xAF90] =	vst v0  }
0x90: {  	[tilespmem:$0xAFA0] =	vst v0  }
0x91: {  	[tilespmem:$0xAFB0] =	vst v0  }
0x92: {  	[tilespmem:$0xAFC0] =	vst v0  }
0x93: {  	[tilespmem:$0xAFD0] =	vst v0  }
0x94: {  	[tilespmem:$0xAFE0] =	vst v0  }
0x95: {  	[tilespmem:$0xAFF0] =	vst v0;
	s26 =	sadd.s32 $0x0, s5  }
0x96: {  	[spmem:s26] =	stream.linear.scatter [tilespmem:s13], [sflag:$0x3], $0x800, $0x38;
	[tilespmem:$0x1F000] =	vst v63  }
0x97: {  	s26 =	simm.s32 $0x2000;
	_ =	swait.ge [sflag:s14], $0x800  }
.LBB2_2:
0x98: {  	s28 =	sshra.s32 s26, $0x2;
	[sflag:s14] =	ssyncset.done $0x0;
	p1 =	sne.s32 s26, $0x4E000  }
.Ltmp0:
0x99: {  	s28 =	sadd.s32 s28, s5;
	[sflag:s14] =	ssyncadd.s32 $0xFFFFF800;
	(pc) =	sbr.rel @p1 .LBB2_2-.Ltmp0, $3  }
0x9a: {  	[spmem:s28] =	stream.linear.scatter [tilespmem:s13], [sflag:$0x3], $0x800, $0x38;
	[tilespmem:$0x1F000] =	vst v63  }
0x9b: {  	s26 =	sadd.s32 $0x2000, s26;
	_ =	sdelay $0x1  }
0x9c: {  	_ =	swait.ge [sflag:s14], $0x800  }
0x9d: {  	[sflag:s14] =	ssyncset.done $0x0  }
0x9e: {  	[sflag:s14] =	ssyncadd.s32 $0xFFFFF800  }
0x9f: {  	s26 =	simm.s32 $0x0;
	[bflag:$0x0] =	sbarrier.arrive $0xFFFF  }
0xa0: {  	[tilespmem:s26], [sflag:$0x3] =	stream.linear.gather [hbm4b:s6+s26], $0x1400, $0x38;
	[tilespmem:$0x1F000] =	vst v63  }
0xa1: {  	_ =	swait.ge [sflag:s14], $0x1400  }
0xa2: {  	[sflag:s14] =	ssyncset.done $0x0  }
0xa3: {  	[sflag:s14] =	ssyncadd.s32 $0xFFFFEC00  }
0xa4: {  	[tilespmem:s15], [sflag:$0x3] =	stream.linear.gather [hbm4b:s7+s26], $0x1400, $0x38;
	[tilespmem:$0x1F000] =	vst v63  }
0xa5: {  	_ =	swait.ge [sflag:s14], $0x1400  }
0xa6: {  	[sflag:s14] =	ssyncset.done $0x0  }
0xa7: {  	[sflag:s14] =	ssyncadd.s32 $0xFFFFEC00  }
0xa8: {  	[tilespmem:s17], [sflag:$0x1] =	stream.indirect.gather [hbm4b:s1+s16], $0x80, s26, s16, $0xb8;
	[tilespmem:$0x1F000] =	vst v63  }
0xa9: {  	s31 =	simm.s32 $0x80  }
0xaa: {  	[tilespmem:s18], [sflag:$0x2] =	stream.indirect.gather [hbm4b:s1+s16], $0x80, s31, s16, $0xb8;
	[tilespmem:$0x1F000] =	vst v63  }
0xab: {  	_ =	swait.ge [sflag:s19], $0x4000  }
0xac: {  	[sflag:s19] =	ssyncset.done $0x0  }
0xad: {  	s29 =	simm.s32 $0x1400;
	[sflag:s19] =	ssyncadd.s32 $0xFFFFC000  }
0xae: {  	[spmem:s2] =	stream.indirect.scatter.add.f32 [tilespmem:s17], [sflag:$0x3], $0x80, s29, s16, $0xb8;
	[tilespmem:$0x1F000] =	vst v63  }
0xaf: {  	_ =	swait.ge [sflag:s14], $0x4000  }
0xb0: {  	[sflag:s14] =	ssyncset.done $0x0  }
0xb1: {  	s30 =	simm.s32 $0x100;
	[sflag:s14] =	ssyncadd.s32 $0xFFFFC000  }
0xb2: {  	[tilespmem:s17], [sflag:$0x1] =	stream.indirect.gather [hbm4b:s1+s16], $0x80, s30, s16, $0xb8;
	[tilespmem:$0x1F000] =	vst v63  }
0xb3: {  	_ =	swait.ge [sflag:s20], $0x4000  }
0xb4: {  	[sflag:s20] =	ssyncset.done $0x0  }
0xb5: {  	s31 =	simm.s32 $0x1480;
	[sflag:s20] =	ssyncadd.s32 $0xFFFFC000  }
0xb6: {  	[spmem:s2] =	stream.indirect.scatter.add.f32 [tilespmem:s18], [sflag:$0x3], $0x80, s31, s16, $0xb8;
	[tilespmem:$0x1F000] =	vst v63  }
0xb7: {  	_ =	swait.ge [sflag:s14], $0x4000  }
0xb8: {  	s28 =	simm.s32 $0x800;
	s26 =	simm.s32 $0x100;
	[sflag:s14] =	ssyncset.done $0x0  }
.LBB2_4:
0xb9: {  	s29 =	sadd.s32 $0x80, s26  }
0xba: {  	[sflag:s14] =	ssyncadd.s32 $0xFFFFC000;
	s30 =	smov.u32 s28;
	s31 =	sadd.s32 $0x400, s28  }
0xbb: {  	[tilespmem:s18], [sflag:$0x2] =	stream.indirect.gather [hbm4b:s1+s16], $0x80, s29, s16, $0xb8;
	[tilespmem:$0x1F000] =	vst v63  }
0xbc: {  	p1 =	sne.s32 s28, $0x4800;
	_ =	swait.ge [sflag:s19], $0x4000  }
0xbd: {  	[sflag:s19] =	ssyncset.done $0x0  }
0xbe: {  	s28 =	sadd.s32 $0x1400, s26;
	[sflag:s19] =	ssyncadd.s32 $0xFFFFC000  }
0xbf: {  	[spmem:s2] =	stream.indirect.scatter.add.f32 [tilespmem:s17], [sflag:$0x3], $0x80, s28, s16, $0xb8;
	[tilespmem:$0x1F000] =	vst v63  }
0xc0: {  	_ =	swait.ge [sflag:s14], $0x4000  }
0xc1: {  	[sflag:s14] =	ssyncset.done $0x0  }
0xc2: {  	s28 =	sadd.s32 $0x100, s26;
	[sflag:s14] =	ssyncadd.s32 $0xFFFFC000  }
0xc3: {  	[tilespmem:s17], [sflag:$0x1] =	stream.indirect.gather [hbm4b:s1+s16], $0x80, s28, s16, $0xb8;
	[tilespmem:$0x1F000] =	vst v63  }
0xc4: {  	_ =	swait.ge [sflag:s20], $0x4000  }
.Ltmp1:
0xc5: {  	[sflag:s20] =	ssyncset.done $0x0;
	(pc) =	sbr.rel @p1 .LBB2_4-.Ltmp1, $4  }
0xc6: {  	s26 =	sadd.s32 $0x1480, s26;
	[sflag:s20] =	ssyncadd.s32 $0xFFFFC000  }
0xc7: {  	[spmem:s2] =	stream.indirect.scatter.add.f32 [tilespmem:s18], [sflag:$0x3], $0x80, s26, s16, $0xb8;
	[tilespmem:$0x1F000] =	vst v63  }
0xc8: {  	_ =	swait.ge [sflag:s14], $0x4000  }
0xc9: {  	s28 =	smov.u32 s31;
	s26 =	sshra.s32 s30, $0x2;
	[sflag:s14] =	ssyncset.done $0x0  }
0xca: {  	s28 =	sadd.s32 $0x80, s26;
	[sflag:s14] =	ssyncadd.s32 $0xFFFFC000  }
0xcb: {  	[tilespmem:s18], [sflag:$0x2] =	stream.indirect.gather [hbm4b:s1+s16], $0x80, s28, s16, $0xb8;
	[tilespmem:$0x1F000] =	vst v63  }
0xcc: {  	_ =	swait.ge [sflag:s19], $0x4000  }
0xcd: {  	[sflag:s19] =	ssyncset.done $0x0  }
0xce: {  	s28 =	sadd.s32 $0x1400, s26;
	[sflag:s19] =	ssyncadd.s32 $0xFFFFC000  }
0xcf: {  	[spmem:s2] =	stream.indirect.scatter.add.f32 [tilespmem:s17], [sflag:$0x3], $0x80, s28, s16, $0xb8;
	[tilespmem:$0x1F000] =	vst v63  }
0xd0: {  	_ =	swait.ge [sflag:s14], $0x4000  }
0xd1: {  	[sflag:s14] =	ssyncset.done $0x0  }
0xd2: {  	s28 =	sadd.s32 $0x100, s26;
	[sflag:s14] =	ssyncadd.s32 $0xFFFFC000  }
0xd3: {  	[tilespmem:s17], [sflag:$0x1] =	stream.indirect.gather [hbm4b:s1+s16], $0x80, s28, s16, $0xb8;
	[tilespmem:$0x1F000] =	vst v63  }
0xd4: {  	_ =	swait.ge [sflag:s20], $0x4000  }
0xd5: {  	[sflag:s20] =	ssyncset.done $0x0  }
0xd6: {  	s29 =	sadd.s32 $0x1480, s26;
	[sflag:s20] =	ssyncadd.s32 $0xFFFFC000  }
0xd7: {  	[spmem:s2] =	stream.indirect.scatter.add.f32 [tilespmem:s18], [sflag:$0x3], $0x80, s29, s16, $0xb8;
	[tilespmem:$0x1F000] =	vst v63  }
0xd8: {  	_ =	swait.ge [sflag:s14], $0x4000  }
0xd9: {  	[sflag:s14] =	ssyncset.done $0x0  }
0xda: {  	[sflag:s14] =	ssyncadd.s32 $0xFFFFC000  }
0xdb: {  	[tilespmem:s18], [sflag:$0x2] =	stream.indirect.gather [hbm4b:s1+s16], $0x80, s21, s16, $0xb8;
	[tilespmem:$0x1F000] =	vst v63  }
0xdc: {  	_ =	swait.ge [sflag:s19], $0x4000  }
0xdd: {  	[sflag:s19] =	ssyncset.done $0x0  }
0xde: {  	[sflag:s19] =	ssyncadd.s32 $0xFFFFC000  }
0xdf: {  	[spmem:s2] =	stream.indirect.scatter.add.f32 [tilespmem:s17], [sflag:$0x3], $0x80, s22, s16, $0xb8;
	[tilespmem:$0x1F000] =	vst v63  }
0xe0: {  	_ =	swait.ge [sflag:s14], $0x4000  }
0xe1: {  	[sflag:s14] =	ssyncset.done $0x0  }
0xe2: {  	[sflag:s14] =	ssyncadd.s32 $0xFFFFC000  }
0xe3: {  	[tilespmem:s17], [sflag:$0x1] =	stream.indirect.gather [hbm4b:s1+s16], $0x80, s21, s16, $0xb8;
	[tilespmem:$0x1F000] =	vst v63  }
0xe4: {  	_ =	swait.ge [sflag:s20], $0x4000  }
0xe5: {  	[sflag:s20] =	ssyncset.done $0x0  }
0xe6: {  	[sflag:s20] =	ssyncadd.s32 $0xFFFFC000  }
0xe7: {  	[spmem:s2] =	stream.indirect.scatter.add.f32 [tilespmem:s18], [sflag:$0x3], $0x80, s23, s16, $0xb8;
	[tilespmem:$0x1F000] =	vst v63  }
0xe8: {  	_ =	swait.ge [sflag:s14], $0x4000  }
0xe9: {  	[sflag:s14] =	ssyncset.done $0x0  }
0xea: {  	[sflag:s14] =	ssyncadd.s32 $0xFFFFC000  }
0xeb: {  	_ =	swait.ge [sflag:s19], $0x4000  }
0xec: {  	[sflag:s19] =	ssyncset.done $0x0  }
0xed: {  	s30 =	simm.s32 $0x0;
	[sflag:s19] =	ssyncadd.s32 $0xFFFFC000  }
0xee: {  	[tilespmem:s30], [sflag:$0x3] =	stream.linear.gather [hbm4b:s8+s30], $0x1400, $0x38;
	[tilespmem:$0x1F000] =	vst v63  }
0xef: {  	_ =	swait.ge [sflag:s14], $0x1400  }
0xf0: {  	[sflag:s14] =	ssyncset.done $0x0  }
0xf1: {  	[sflag:s14] =	ssyncadd.s32 $0xFFFFEC00  }
0xf2: {  	[tilespmem:s15], [sflag:$0x3] =	stream.linear.gather [hbm4b:s9+s30], $0x1400, $0x38;
	[tilespmem:$0x1F000] =	vst v63  }
0xf3: {  	_ =	swait.ge [sflag:s14], $0x1400  }
0xf4: {  	[sflag:s14] =	ssyncset.done $0x0  }
0xf5: {  	[sflag:s14] =	ssyncadd.s32 $0xFFFFEC00  }
0xf6: {  	[tilespmem:s17], [sflag:$0x1] =	stream.indirect.gather [hbm4b:s1+s16], $0x80, s30, s16, $0xb8;
	[tilespmem:$0x1F000] =	vst v63  }
0xf7: {  	s31 =	simm.s32 $0x80  }
0xf8: {  	[tilespmem:s18], [sflag:$0x2] =	stream.indirect.gather [hbm4b:s1+s16], $0x80, s31, s16, $0xb8;
	[tilespmem:$0x1F000] =	vst v63  }
0xf9: {  	_ =	swait.ge [sflag:s19], $0x4000  }
0xfa: {  	[sflag:s19] =	ssyncset.done $0x0  }
0xfb: {  	s29 =	simm.s32 $0x1400;
	[sflag:s19] =	ssyncadd.s32 $0xFFFFC000  }
0xfc: {  	[spmem:s2] =	stream.indirect.scatter.add.f32 [tilespmem:s17], [sflag:$0x3], $0x80, s29, s16, $0xb8;
	[tilespmem:$0x1F000] =	vst v63  }
0xfd: {  	_ =	swait.ge [sflag:s14], $0x4000  }
0xfe: {  	[sflag:s14] =	ssyncset.done $0x0  }
0xff: {  	s30 =	simm.s32 $0x100;
	[sflag:s14] =	ssyncadd.s32 $0xFFFFC000  }
0x100: {  	[tilespmem:s17], [sflag:$0x1] =	stream.indirect.gather [hbm4b:s1+s16], $0x80, s30, s16, $0xb8;
	[tilespmem:$0x1F000] =	vst v63  }
0x101: {  	_ =	swait.ge [sflag:s20], $0x4000  }
0x102: {  	[sflag:s20] =	ssyncset.done $0x0  }
0x103: {  	s31 =	simm.s32 $0x1480;
	[sflag:s20] =	ssyncadd.s32 $0xFFFFC000  }
0x104: {  	[spmem:s2] =	stream.indirect.scatter.add.f32 [tilespmem:s18], [sflag:$0x3], $0x80, s31, s16, $0xb8;
	[tilespmem:$0x1F000] =	vst v63  }
0x105: {  	_ =	swait.ge [sflag:s14], $0x4000  }
0x106: {  	s26 =	simm.s32 $0x100;
	s28 =	simm.s32 $0x800;
	[sflag:s14] =	ssyncset.done $0x0  }
.LBB2_6:
0x107: {  	s29 =	sadd.s32 $0x80, s26  }
0x108: {  	[sflag:s14] =	ssyncadd.s32 $0xFFFFC000;
	s30 =	smov.u32 s28;
	s31 =	sadd.s32 $0x400, s28  }
0x109: {  	[tilespmem:s18], [sflag:$0x2] =	stream.indirect.gather [hbm4b:s1+s16], $0x80, s29, s16, $0xb8;
	[tilespmem:$0x1F000] =	vst v63  }
0x10a: {  	p1 =	sne.s32 s28, $0x4800;
	_ =	swait.ge [sflag:s19], $0x4000  }
0x10b: {  	[sflag:s19] =	ssyncset.done $0x0  }
0x10c: {  	s28 =	sadd.s32 $0x1400, s26;
	[sflag:s19] =	ssyncadd.s32 $0xFFFFC000  }
0x10d: {  	[spmem:s2] =	stream.indirect.scatter.add.f32 [tilespmem:s17], [sflag:$0x3], $0x80, s28, s16, $0xb8;
	[tilespmem:$0x1F000] =	vst v63  }
0x10e: {  	_ =	swait.ge [sflag:s14], $0x4000  }
0x10f: {  	[sflag:s14] =	ssyncset.done $0x0  }
0x110: {  	s28 =	sadd.s32 $0x100, s26;
	[sflag:s14] =	ssyncadd.s32 $0xFFFFC000  }
0x111: {  	[tilespmem:s17], [sflag:$0x1] =	stream.indirect.gather [hbm4b:s1+s16], $0x80, s28, s16, $0xb8;
	[tilespmem:$0x1F000] =	vst v63  }
0x112: {  	_ =	swait.ge [sflag:s20], $0x4000  }
.Ltmp2:
0x113: {  	[sflag:s20] =	ssyncset.done $0x0;
	(pc) =	sbr.rel @p1 .LBB2_6-.Ltmp2, $4  }
0x114: {  	s26 =	sadd.s32 $0x1480, s26;
	[sflag:s20] =	ssyncadd.s32 $0xFFFFC000  }
0x115: {  	[spmem:s2] =	stream.indirect.scatter.add.f32 [tilespmem:s18], [sflag:$0x3], $0x80, s26, s16, $0xb8;
	[tilespmem:$0x1F000] =	vst v63  }
0x116: {  	_ =	swait.ge [sflag:s14], $0x4000  }
0x117: {  	s28 =	smov.u32 s31;
	s26 =	sshra.s32 s30, $0x2;
	[sflag:s14] =	ssyncset.done $0x0  }
0x118: {  	s28 =	sadd.s32 $0x80, s26;
	[sflag:s14] =	ssyncadd.s32 $0xFFFFC000  }
0x119: {  	[tilespmem:s18], [sflag:$0x2] =	stream.indirect.gather [hbm4b:s1+s16], $0x80, s28, s16, $0xb8;
	[tilespmem:$0x1F000] =	vst v63  }
0x11a: {  	_ =	swait.ge [sflag:s19], $0x4000  }
0x11b: {  	[sflag:s19] =	ssyncset.done $0x0  }
0x11c: {  	s29 =	sadd.s32 $0x1400, s26;
	[sflag:s19] =	ssyncadd.s32 $0xFFFFC000  }
0x11d: {  	[spmem:s2] =	stream.indirect.scatter.add.f32 [tilespmem:s17], [sflag:$0x3], $0x80, s29, s16, $0xb8;
	[tilespmem:$0x1F000] =	vst v63  }
0x11e: {  	_ =	swait.ge [sflag:s14], $0x4000  }
0x11f: {  	[sflag:s14] =	ssyncset.done $0x0  }
0x120: {  	s30 =	sadd.s32 $0x100, s26;
	[sflag:s14] =	ssyncadd.s32 $0xFFFFC000  }
0x121: {  	[tilespmem:s17], [sflag:$0x1] =	stream.indirect.gather [hbm4b:s1+s16], $0x80, s30, s16, $0xb8;
	[tilespmem:$0x1F000] =	vst v63  }
0x122: {  	_ =	swait.ge [sflag:s20], $0x4000  }
0x123: {  	[sflag:s20] =	ssyncset.done $0x0  }
0x124: {  	s31 =	sadd.s32 $0x1480, s26;
	[sflag:s20] =	ssyncadd.s32 $0xFFFFC000  }
0x125: {  	[spmem:s2] =	stream.indirect.scatter.add.f32 [tilespmem:s18], [sflag:$0x3], $0x80, s31, s16, $0xb8;
	[tilespmem:$0x1F000] =	vst v63  }
0x126: {  	_ =	swait.ge [sflag:s14], $0x4000  }
0x127: {  	[sflag:s14] =	ssyncset.done $0x0  }
0x128: {  	[sflag:s14] =	ssyncadd.s32 $0xFFFFC000  }
0x129: {  	[tilespmem:s18], [sflag:$0x2] =	stream.indirect.gather [hbm4b:s1+s16], $0x80, s21, s16, $0xb8;
	[tilespmem:$0x1F000] =	vst v63  }
0x12a: {  	_ =	swait.ge [sflag:s19], $0x4000  }
0x12b: {  	[sflag:s19] =	ssyncset.done $0x0  }
0x12c: {  	[sflag:s19] =	ssyncadd.s32 $0xFFFFC000  }
0x12d: {  	[spmem:s2] =	stream.indirect.scatter.add.f32 [tilespmem:s17], [sflag:$0x3], $0x80, s22, s16, $0xb8;
	[tilespmem:$0x1F000] =	vst v63  }
0x12e: {  	_ =	swait.ge [sflag:s14], $0x4000  }
0x12f: {  	[sflag:s14] =	ssyncset.done $0x0  }
0x130: {  	[sflag:s14] =	ssyncadd.s32 $0xFFFFC000  }
0x131: {  	[tilespmem:s17], [sflag:$0x1] =	stream.indirect.gather [hbm4b:s1+s16], $0x80, s21, s16, $0xb8;
	[tilespmem:$0x1F000] =	vst v63  }
0x132: {  	_ =	swait.ge [sflag:s20], $0x4000  }
0x133: {  	[sflag:s20] =	ssyncset.done $0x0  }
0x134: {  	[sflag:s20] =	ssyncadd.s32 $0xFFFFC000  }
0x135: {  	[spmem:s2] =	stream.indirect.scatter.add.f32 [tilespmem:s18], [sflag:$0x3], $0x80, s23, s16, $0xb8;
	[tilespmem:$0x1F000] =	vst v63  }
0x136: {  	_ =	swait.ge [sflag:s14], $0x4000  }
0x137: {  	[sflag:s14] =	ssyncset.done $0x0  }
0x138: {  	[sflag:s14] =	ssyncadd.s32 $0xFFFFC000  }
0x139: {  	_ =	swait.ge [sflag:s19], $0x4000  }
0x13a: {  	[sflag:s19] =	ssyncset.done $0x0  }
0x13b: {  	[sflag:s19] =	ssyncadd.s32 $0xFFFFC000  }
0x13c: {  	s26 =	simm.s32 @p0 $0x1FC3;
	[bflag:$0x0] =	sbarrier.arrive $0xFFFF  }
0x13d: {  	[hbm:s11], [sflag:s26] =	dma.local @p0 [spmem:s24], $0x2080  }
0x13e: {  	s26 =	simm.s32 @p0 $0x3  }
0x13f: {  	_ =	swait.ge @p0 [sflag:s26], $0x2080  }
0x140: {  	s4 =	sadd.s32 $0x1, s4;
	s28 =	sshll.u32 @!p0 s3, $0x6;
	[sflag:s26] =	ssyncset.done @p0 $0x0  }
0x141: {  	p1 =	sne.s32 s4, s12;
	[sflag:s26] =	ssyncadd.s32 @p0 $0xFFFFDF80;
	s26 =	sor.u32 @!p0 $0x1C03, s28  }
0x142: {  	[hbm:s10], [sflag:s26] =	dma.local @!p0 [spmem:s25], $0x2780  }
.Ltmp3:
0x143: {  	_ = 	snop;
	(pc) =	sbr.rel @p1 .LBB2_1-.Ltmp3, $4  }
0x144: {  	s26 =	simm.s32 @!p0 $0x3  }
0x145: {  	_ =	swait.ge @!p0 [sflag:s26], $0x2780  }
0x146: {  	[sflag:s26] =	ssyncset.done @!p0 $0x0  }
0x147: {  	[sflag:s26] =	ssyncadd.s32 @!p0 $0xFFFFD880  }
0x148: {  	_ =	sfence.sel $0x180000  }
0x149: {  	[bflag:$0x0] =	sbarrier.arrive $0xFFFF  }
0x14a: {  	p0 =	sne.s32 s3, $0x0;
	_ =	strace $0x9000004D  }
0x14b: {  	s0 =	sadd.s32 @!p0 $0x100000, s0;
	[bflag:$0x2] =	sbarrier.arrive $0xFFFF  }
0x14c: {  	[sflag:s0] =	ssyncadd.tile.s32 @!p0 $0x1;
	_ =	shalt  }
.Lfunc_end2:
_tile_overlayer_lowered:
.L_overlay_start_2:
0x14d: {  	(tag) =	ssettag $0x2  }
0x14e: {  	s0 =	rddreg [dreg:$0x0];
	s2 =	stileid.u32  }
0x14f: {  	s1 =	rddreg [dreg:$0x1];
	p0 =	sne.s32 s2, $0x0  }
0x150: {  	s3 =	rddreg [dreg:$0x2];
	[bflag:$0x3] =	sbarrier.arrive $0xFFFF;
	s2 =	simm.s32 @!p0 $0x1C03  }
0x151: {  	[timem:s3], [sflag:s2] =	dma.local @!p0 [hbm:s0], s1  }
0x152: {  	s0 =	simm.s32 @!p0 $0x3  }
0x153: {  	_ =	swait.ge @!p0 [sflag:s0], s1  }
0x154: {  	s1 =	ssub.s32 @!p0 $0x0, s1;
	[sflag:s0] =	ssyncset.done @!p0 $0x0  }
0x155: {  	[sflag:s0] =	ssyncadd.s32 @!p0 s1  }
0x156: {  	[bflag:$0x3] =	sbarrier.arrive $0xFFFF  }
0x157: {  	_ =	shalt  }

// kernel: kernel.8.cloned.1.call-start
scs
__scs_entry_jumppad:
0x0: {  	(pc) =	sbr.rel $0x88, $3  }
0x1: {  	(tag) =	ssettag $0x0;
	lr =	simm.s32 $0x1  }
0x2: {  	[smem:$0x3F95] =	sst lr;
	_ =	strace $0xD0000000  }
0x3: {  	_ = 	snop  }
0x4: {  	_ = 	snop  }
0x5: {  	_ = 	snop  }
0x6: {  	_ = 	snop  }
0x7: {  	_ = 	snop  }
__scs_overlays_trampoline_lowered:
0x8: {  	[smem:$0x3FA4] =	sst s0  }
0x9: {  	[smem:$0x3FA5] =	sst s1  }
0xa: {  	[smem:$0x3FA6] =	sst s2  }
0xb: {  	[smem:$0x3FA7] =	sst s3  }
0xc: {  	[smem:$0x3FA8] =	sst s4  }
0xd: {  	[smem:$0x3FA9] =	sst s5  }
0xe: {  	[smem:$0x3FAA] =	sst s6  }
0xf: {  	[smem:$0x3FAB] =	sst s7  }
0x10: {  	[smem:$0x3FAC] =	sst s8  }
0x11: {  	[smem:$0x3FAD] =	sst s9;
	s0 =	simm.s32 @!p0 $0x0  }
0x12: {  	s1 =	sld [smem:$0x3F93];
	s0 =	simm.s32 @p0 $0x1  }
0x13: {  	[smem:$0x3FAE] =	sst s0;
	s0 =	simm.s32 @!p1 $0x0  }
0x14: {  	s2 =	sld [smem:$0x3F92];
	s0 =	simm.s32 @p1 $0x1  }
0x15: {  	[smem:$0x3FAF] =	sst s0;
	s0 =	simm.s32 @!p2 $0x0  }
0x16: {  	s3 =	sld [smem:$0x3FDB];
	s0 =	simm.s32 @p2 $0x1  }
0x17: {  	s4 =	simm.s32 $0x1BF5;
	[smem:$0x3FB1] =	sst s0  }
0x18: {  	s0 =	sld [smem:$0x3F94];
	_ =	swait.ge [sflag:s4], $0x0  }
0x19: {  	s7 =	sld [smem:$0x3F95]  }
0x1a: {  	s8 =	sadd.s32 $0xFFFFE003, lr  }
0x1b: {  	s9 =	sadd.s32 $0xFFFFFEF7, lr;
	s5 =	simm.s32 $0xFFFFFFFF;
	p2 =	slt.u32 s8, $0xFFFFF086  }
0x1c: {  	p1 =	slt.u32 s9, $0xF7A;
	s5 =	simm.s32 @!p2 $0x0  }
0x1d: {  	s5 =	simm.s32 @p1 $0x1;
	p0 =	seq.s32 s7, s2  }
0x1e: {  	s7 =	smul.u32 @!p0 $0xF7A, s2;
	p2 =	seq.s32 @!p0 s5, $0x0  }
0x1f: {  	s9 =	smul.u32 $0xF7A, s1;
	s8 =	simm.s32 @!p0 $0x1BF5;
	p2 =	por !p2, p0  }
0x20: {  	[sflag:s8] =	ssyncset.s32 @!p0 $0xFFFFF086;
	s6 =	sadd.s32 @!p0 s3, s7;
	s7 =	simm.s32 @!p0 $0x108  }
0x21: {  	s3 =	sadd.s32 s3, s9;
	s6 =	sadd.s32 @!p0 $0x88, s6;
	s7 =	simm.s32 @p2 $0x1082  }
0x22: {  	[simem:s7], [sflag:s8] =	dma.local @!p0 [hbm:s6], $0xF7A  }
0x23: {  	s9 =	sor.u32 $0xD0000000, s2;
	s6 =	simm.s32 $0x108;
	_ =	swait.ge @!p0 [sflag:s8], $0x0  }
0x24: {  	s3 =	sadd.s32 $0x88, s3;
	s6 =	simm.s32 @!p1 $0x1082;
	[sflag:s4] =	ssyncset.s32 $0xFFFFF086  }
0x25: {  	[simem:s6], [sflag:s4] =	dma.local [hbm:s3], $0xF7A  }
0x26: {  	[smem:$0x3F95] =	sst s1;
	(tag) =	ssettag s2;
	_ =	strace s9  }
0x27: {  	s1 =	sld [smem:$0x3FA5]  }
0x28: {  	s2 =	sld [smem:$0x3FA6]  }
0x29: {  	s4 =	sld [smem:$0x3FA8]  }
0x2a: {  	p0 =	seq.s32 s5, $0x0;
	s5 =	sld [smem:$0x3FA9]  }
0x2b: {  	s6 =	sld [smem:$0x3FAA]  }
0x2c: {  	s7 =	sld [smem:$0x3FAB]  }
0x2d: {  	s3 =	simm.s32 $0x108;
	s8 =	sld [smem:$0x3FAC]  }
0x2e: {  	s3 =	simm.s32 @!p0 $0x1082;
	s9 =	sld [smem:$0x3FAD]  }
0x2f: {  	lr =	sadd.s32 s0, s3;
	s0 =	sld [smem:$0x3FA4]  }
0x30: {  	s3 =	sld [smem:$0x3FA7]  }
0x31: {  	[smem:$0x3FB0] =	sst s10  }
0x32: {  	s10 =	sld [smem:$0x3FAE];
	_ =	sdelay $0x3  }
0x33: {  	p0 =	seq.s32 s10, $0x1;
	s10 =	sld [smem:$0x3FB0];
	_ =	sdelay $0x3  }
0x34: {  	[smem:$0x3FB0] =	sst s10  }
0x35: {  	s10 =	sld [smem:$0x3FAF];
	_ =	sdelay $0x3  }
0x36: {  	p1 =	seq.s32 s10, $0x1;
	s10 =	sld [smem:$0x3FB0];
	_ =	sdelay $0x3  }
0x37: {  	[smem:$0x3FB0] =	sst s10  }
0x38: {  	s10 =	sld [smem:$0x3FB1]  }
0x39: {  	_ = 	snop;
	(pc) =	sbr.ind lr, $3  }
0x3a: {  	_ = 	snop  }
0x3b: {  	_ = 	snop  }
0x3c: {  	p2 =	seq.s32 s10, $0x1;
	s10 =	sld [smem:$0x3FB0]  }
0x3d: {  	_ =	shalt  }
0x3e: {  	_ =	shalt  }
0x3f: {  	_ =	shalt  }
0x40: {  	_ =	shalt  }
0x41: {  	_ =	shalt  }
0x42: {  	_ =	shalt  }
0x43: {  	_ =	shalt  }
0x44: {  	_ =	shalt  }
0x45: {  	_ =	shalt  }
0x46: {  	_ =	shalt  }
0x47: {  	_ =	shalt  }
0x48: {  	_ =	shalt  }
0x49: {  	_ =	shalt  }
0x4a: {  	_ =	shalt  }
0x4b: {  	_ =	shalt  }
0x4c: {  	_ =	shalt  }
0x4d: {  	_ =	shalt  }
0x4e: {  	_ =	shalt  }
0x4f: {  	_ =	shalt  }
0x50: {  	_ =	shalt  }
0x51: {  	_ =	shalt  }
0x52: {  	_ =	shalt  }
0x53: {  	_ =	shalt  }
0x54: {  	_ =	shalt  }
0x55: {  	_ =	shalt  }
0x56: {  	_ =	shalt  }
0x57: {  	_ =	shalt  }
0x58: {  	_ =	shalt  }
0x59: {  	_ =	shalt  }
0x5a: {  	_ =	shalt  }
0x5b: {  	_ =	shalt  }
0x5c: {  	_ =	shalt  }
0x5d: {  	_ =	shalt  }
0x5e: {  	_ =	shalt  }
0x5f: {  	_ =	shalt  }
0x60: {  	_ =	shalt  }
0x61: {  	_ =	shalt  }
0x62: {  	_ =	shalt  }
0x63: {  	_ =	shalt  }
0x64: {  	_ =	shalt  }
0x65: {  	_ =	shalt  }
0x66: {  	_ =	shalt  }
0x67: {  	_ =	shalt  }
0x68: {  	_ =	shalt  }
0x69: {  	_ =	shalt  }
0x6a: {  	_ =	shalt  }
0x6b: {  	_ =	shalt  }
0x6c: {  	_ =	shalt  }
0x6d: {  	_ =	shalt  }
0x6e: {  	_ =	shalt  }
0x6f: {  	_ =	shalt  }
0x70: {  	_ =	shalt  }
0x71: {  	_ =	shalt  }
0x72: {  	_ =	shalt  }
0x73: {  	_ =	shalt  }
0x74: {  	_ =	shalt  }
0x75: {  	_ =	shalt  }
0x76: {  	_ =	shalt  }
0x77: {  	_ =	shalt  }
0x78: {  	_ =	shalt  }
0x79: {  	_ =	shalt  }
0x7a: {  	_ =	shalt  }
0x7b: {  	_ =	shalt  }
0x7c: {  	_ =	shalt  }
0x7d: {  	_ =	shalt  }
0x7e: {  	_ =	shalt  }
0x7f: {  	_ =	shalt  }
0x80: {  	_ =	shalt  }
0x81: {  	_ =	shalt  }
0x82: {  	_ =	shalt  }
0x83: {  	_ =	shalt  }
0x84: {  	_ =	shalt  }
0x85: {  	_ =	shalt  }
0x86: {  	_ =	shalt  }
0x87: {  	_ =	shalt  }
.Lfunc_end0:
.L_simem_size_0:
called_computation_lowered:
.L_overlay_start_0:
0x88: {  	s2 =	sld [smem:$0x3FD9]  }
0x89: {  	s3 =	sld [smem:$0x3FFE];
	_ =	sdelay $0x1  }
0x8a: {  	s1 =	srdreg.scid  }
0x8b: {  	s0 =	sand.u32 $0x1, s1  }
0x8c: {  	s15 =	sshll.u32 s0, $0xA;
	s2 =	sadd.s32 s3, s2  }
0x8d: {  	s2 =	sadd.s32 s2, s15  }
0x8e: {  	[smem:$0x3FBC] =	sst s2  }
0x8f: {  	_ = 	snop  }
0x90: {  	s2 =	sld [smem:$0x3FD0];
	_ =	sdelay $0x2  }
0x91: {  	s16 =	simm.s32 $0xB;
	s4 =	simm.s32 $0x10  }
0x92: {  	[smem:s4], [sflag:s16] =	dma.local [hbm:s2], $0x1  }
0x93: {  	_ =	swait.eq [sflag:s16], $0x1  }
0x94: {  	[sflag:s16] =	ssyncset.done $0x0  }
0x95: {  	s17 =	sld [smem:$0x10];
	[sflag:s16] =	ssyncadd.s32 $0xFFFFFFFF  }
0x96: {  	s18 =	sld [smem:$0x11];
	(tm) =	ssettm $0x1  }
0x97: {  	s19 =	sld [smem:$0x3FFB];
	_ =	sdelay $0x3  }
0x98: {  	_ =	strace s19  }
0x99: {  	s4 =	sld [smem:$0x3FFC];
	_ =	sdelay $0x3  }
0x9a: {  	_ =	strace s4  }
0x9b: {  	s4 =	sld [smem:$0x3FFD];
	_ =	sdelay $0x3  }
0x9c: {  	_ =	strace s4  }
0x9d: {  	_ =	strace $0x8FFFFFFF  }
0x9e: {  	s20 =	sld [smem:$0x3FDB];
	_ =	sdelay $0x1  }
0x9f: {  	s5 =	simm.s32 $_scs_section_size  }
0xa0: {  	s6 =	simm.s32 $_size__tile_overlayer_lowered;
	s7 =	simm.s32 $_tile_overlayer_lowered  }
0xa1: {  	s23 =	simm.s32 $0x1BFF;
	s22 =	sshll.u32 s7, $0x1;
	s4 =	sadd.s32 s5, s20  }
0xa2: {  	s8 =	simm.s32 $0x0;
	s21 =	sshll.u32 s6, $0x1;
	s6 =	sadd.s32 s22, s4  }
0xa3: {  	[timem:s8], [sflag:s23] =	dma.local [hbm:s6], s21  }
0xa4: {  	_ =	swait.ge [sflag:s23], s21  }
0xa5: {  	s5 =	ssub.s32 $0x0, s21;
	[sflag:s23] =	ssyncset.done $0x0  }
0xa6: {  	[sflag:s23] =	ssyncadd.s32 s5;
	_ =	sdelay $0x1  }
0xa7: {  	s24 =	simm.s32 $0x1B8B  }
0xa8: {  	_ =	swait.ge [sflag:s24], $0x1  }
0xa9: {  	[sflag:s24] =	ssyncset.done $0x0  }
0xaa: {  	s25 =	simm.s32 $0x1B8E;
	[sflag:s24] =	ssyncadd.s32 $0xFFFFFFFF  }
0xab: {  	s26 =	simm.s32 $execute0_lowered;
	[smem:$0x3FD2] =	sst s25  }
0xac: {  	s5 =	sshll.u32 s26, $0x1;
	_ =	strace $0x80000046;
	[dreg:$0x1] =	wrdreg $0xFFFFFFFF  }
0xad: {  	s28 =	simm.s32 $_size_execute0_lowered;
	s4 =	sadd.s32 s4, s5;
	[dreg:$0x0] =	wrdreg $0x0  }
0xae: {  	s5 =	sshll.u32 s28, $0x1;
	[dreg:$0x2] =	wrdreg s4  }
0xaf: {  	[dreg:$0x3] =	wrdreg s5  }
0xb0: {  	[dreg:$0x4] =	wrdreg $0xC0  }
0xb1: {  	_ =	task [dreg:s8], $0x5FFFF  }
0xb2: {  	[dreg:$0x1] =	wrdreg $0xFFFFFFFF  }
0xb3: {  	[dreg:$0x0] =	wrdreg $0x60  }
0xb4: {  	[dreg:$0x2] =	wrdreg s18  }
0xb5: {  	[dreg:$0x3] =	wrdreg s17  }
0xb6: {  	[dreg:$0x4] =	wrdreg $0x31000  }
0xb7: {  	[dreg:$0x5] =	wrdreg $0x9  }
0xb8: {  	_ =	task.clear_ibuf [dreg:s8], $0x6FFFF;
	_ =	strace $0x90000046  }
0xb9: {  	s29 =	simm.s32 $0x9;
	_ =	strace $0x80000048  }
0xba: {  	_ =	swait.ge [sflag:s29], $0x1  }
0xbb: {  	[sflag:s29] =	ssyncadd.s32 $0xFFFFFFFF  }
0xbc: {  	_ =	strace $0x90000048  }
0xbd: {  	_ =	sfence  }
0xbe: {  	s30 =	sld [smem:$0x0];
	_ =	sdelay $0x2  }
0xbf: {  	s31 =	sshll.u32 s1, $0xD;
	s1 =	sshrl.u32 s1, $0x2  }
0xc0: {  	s3 =	sand.u32 $0x4000, s31;
	s1 =	sadd.s32 s1, s30  }
0xc1: {  	s0 =	sor.u32 s3, s0;
	s1 =	sshll.u32 s1, $0x11  }
0xc2: {  	s0 =	sor.u32 s1, s0  }
0xc3: {  	s0 =	sadd.s32 $0x8F2B, s0  }
0xc4: {  	[sflag:s0] =	ssyncadd.remote.s32 $0x1  }
0xc5: {  	_ =	sfence.sel $0xFFFF  }
0xc6: {  	[dreg:$0x0] =	wrdreg $0xFFFFFFFF;
	(pc) =	sbr.abs _section_cstart, $3  }
0xc7: {  	[dreg:$0x1] =	wrdreg $0xFFFFFFFF  }
0xc8: {  	_ =	task.clear_ibuf [dreg:s8], $0x2FFFF;
	_ =	strace $0x9FFFFFFF  }
0xc9: {  	(tm) =	ssettm $0x7FFFFFFF  }
tec
execute0_lowered:
.L_overlay_start_1:
0x0: {  	(tag) =	ssettag $0x1  }
0x1: {  	s5 =	rddreg [dreg:$0x0]  }
0x2: {  	s6 =	rddreg [dreg:$0x1]  }
0x3: {  	s1 =	rddreg [dreg:$0x2]  }
0x4: {  	s0 =	rddreg [dreg:$0x3];
	s3 =	simm.s32 $0x0;
	s2 =	srdreg.scid  }
0x5: {  	[smem:$0x7FF] =	sst s3;
	s4 =	sand.u32 $0x1, s2  }
0x6: {  	s2 =	stileid.u32;
	s7 =	smul.u32 $0x27100, s4  }
0x7: {  	_ =	strace $0x80000047;
	s8 =	sshll.u32 s4, $0x4;
	s9 =	smul.u32 $0x2710, s2  }
0x8: {  	s4 =	ssub.s32 $0x2, s4;
	s10 =	smul.u32 $0xA000, s2;
	s12 =	sshll.u32 s2, $0x6  }
0x9: {  	s8 =	sor.u32 s2, s8;
	s11 =	sshrl.u32 s4, $0x1;
	s12 =	sor.u32 $0x1C01, s12  }
0xa: {  	s8 =	smul.u32 $0x500, s8;
	s7 =	sadd.s32 s9, s7;
	s11 =	ssub.s32 s4, s11  }
0xb: {  	s31 =	sshrl.u32 s10, $0x2;
	s13 =	sadd.s32 s9, s1;
	s9 =	simm.s32 $0x1  }
0xc: {  	s10 =	simm.s32 $0x80;
	s7 =	sshrl.u32 s7, $0x3;
	s4 =	sadd.s32 s31, s1  }
0xd: {  	v0 =	vimm.f32 $0.0e+00;
	vm0 =	vcmask $0x300;
	s13 =	sshrl.u32 s13, $0x3;
	s5 =	sadd.s32 s5, s8;
	s6 =	sadd.s32 s6, s7  }
0xe: {  	v1 =	vsel vm0, $0x3F800000, v0;
	s7 =	smax.u32 s11, $0x1;
	s8 =	simm.s32 $0x3000;
	s11 =	simm.s32 $0x2800  }
.LBB2_1:
0xf: {  	[tilespmem:$0x3000] =	vst v0  }
0x10: {  	[tilespmem:$0x3010] =	vst v0  }
0x11: {  	[tilespmem:$0x3020] =	vst v0  }
0x12: {  	[tilespmem:$0x3030] =	vst v0  }
0x13: {  	[tilespmem:$0x3040] =	vst v0  }
0x14: {  	[tilespmem:$0x3050] =	vst v0  }
0x15: {  	[tilespmem:$0x3060] =	vst v0  }
0x16: {  	[tilespmem:$0x3070] =	vst v0  }
0x17: {  	[tilespmem:$0x3080] =	vst v0  }
0x18: {  	[tilespmem:$0x3090] =	vst v0  }
0x19: {  	[tilespmem:$0x30A0] =	vst v0  }
0x1a: {  	[tilespmem:$0x30B0] =	vst v0  }
0x1b: {  	[tilespmem:$0x30C0] =	vst v0  }
0x1c: {  	[tilespmem:$0x30D0] =	vst v0  }
0x1d: {  	[tilespmem:$0x30E0] =	vst v0  }
0x1e: {  	[tilespmem:$0x30F0] =	vst v0;
	s14 =	sadd.s32 $0x0, s4  }
0x1f: {  	[spmem:s14] =	stream.linear.scatter [tilespmem:s8], [sflag:$0x1], $0x100, $0x38;
	[tilespmem:$0x5900] =	vst v63  }
0x20: {  	s14 =	simm.s32 $0x400;
	_ =	swait.ge [sflag:s9], $0x100  }
.LBB2_2:
0x21: {  	s15 =	sshra.s32 s14, $0x2;
	[sflag:s9] =	ssyncset.done $0x0;
	p0 =	sne.s32 s14, $0x9C00  }
.Ltmp0:
0x22: {  	s15 =	sadd.s32 s15, s4;
	[sflag:s9] =	ssyncadd.s32 $0xFFFFFF00;
	(pc) =	sbr.rel @p0 .LBB2_2-.Ltmp0, $3  }
0x23: {  	[spmem:s15] =	stream.linear.scatter [tilespmem:s8], [sflag:$0x1], $0x100, $0x38;
	[tilespmem:$0x5900] =	vst v63  }
0x24: {  	s14 =	sadd.s32 $0x400, s14;
	_ =	sdelay $0x1  }
0x25: {  	_ =	swait.ge [sflag:s9], $0x100  }
0x26: {  	[sflag:s9] =	ssyncset.done $0x0  }
0x27: {  	[sflag:s9] =	ssyncadd.s32 $0xFFFFFF00  }
0x28: {  	[tilespmem:$0x2800] =	vst v1  }
0x29: {  	[tilespmem:$0x2810] =	vst v1  }
0x2a: {  	[tilespmem:$0x2820] =	vst v1  }
0x2b: {  	[tilespmem:$0x2830] =	vst v1  }
0x2c: {  	[tilespmem:$0x2840] =	vst v1  }
0x2d: {  	[tilespmem:$0x2850] =	vst v1  }
0x2e: {  	[tilespmem:$0x2860] =	vst v1  }
0x2f: {  	[tilespmem:$0x2870] =	vst v1  }
0x30: {  	[tilespmem:$0x2880] =	vst v1  }
0x31: {  	[tilespmem:$0x2890] =	vst v1  }
0x32: {  	[tilespmem:$0x28A0] =	vst v1  }
0x33: {  	[tilespmem:$0x28B0] =	vst v1  }
0x34: {  	[tilespmem:$0x28C0] =	vst v1  }
0x35: {  	[tilespmem:$0x28D0] =	vst v1  }
0x36: {  	[tilespmem:$0x28E0] =	vst v1  }
0x37: {  	[tilespmem:$0x28F0] =	vst v1  }
0x38: {  	[tilespmem:$0x2900] =	vst v1  }
0x39: {  	[tilespmem:$0x2910] =	vst v1  }
0x3a: {  	[tilespmem:$0x2920] =	vst v1  }
0x3b: {  	[tilespmem:$0x2930] =	vst v1  }
0x3c: {  	[tilespmem:$0x2940] =	vst v1  }
0x3d: {  	[tilespmem:$0x2950] =	vst v1  }
0x3e: {  	[tilespmem:$0x2960] =	vst v1  }
0x3f: {  	[tilespmem:$0x2970] =	vst v1  }
0x40: {  	[tilespmem:$0x2980] =	vst v1  }
0x41: {  	[tilespmem:$0x2990] =	vst v1  }
0x42: {  	[tilespmem:$0x29A0] =	vst v1  }
0x43: {  	[tilespmem:$0x29B0] =	vst v1  }
0x44: {  	[tilespmem:$0x29C0] =	vst v1  }
0x45: {  	[tilespmem:$0x29D0] =	vst v1  }
0x46: {  	[tilespmem:$0x29E0] =	vst v1  }
0x47: {  	[tilespmem:$0x29F0] =	vst v1  }
0x48: {  	[tilespmem:$0x2A00] =	vst v1  }
0x49: {  	[tilespmem:$0x2A10] =	vst v1  }
0x4a: {  	[tilespmem:$0x2A20] =	vst v1  }
0x4b: {  	[tilespmem:$0x2A30] =	vst v1  }
0x4c: {  	[tilespmem:$0x2A40] =	vst v1  }
0x4d: {  	[tilespmem:$0x2A50] =	vst v1  }
0x4e: {  	[tilespmem:$0x2A60] =	vst v1  }
0x4f: {  	[tilespmem:$0x2A70] =	vst v1  }
0x50: {  	[tilespmem:$0x2A80] =	vst v1  }
0x51: {  	[tilespmem:$0x2A90] =	vst v1  }
0x52: {  	[tilespmem:$0x2AA0] =	vst v1  }
0x53: {  	[tilespmem:$0x2AB0] =	vst v1  }
0x54: {  	[tilespmem:$0x2AC0] =	vst v1  }
0x55: {  	[tilespmem:$0x2AD0] =	vst v1  }
0x56: {  	[tilespmem:$0x2AE0] =	vst v1  }
0x57: {  	[tilespmem:$0x2AF0] =	vst v1  }
0x58: {  	[tilespmem:$0x2B00] =	vst v1  }
0x59: {  	[tilespmem:$0x2B10] =	vst v1  }
0x5a: {  	[tilespmem:$0x2B20] =	vst v1  }
0x5b: {  	[tilespmem:$0x2B30] =	vst v1  }
0x5c: {  	[tilespmem:$0x2B40] =	vst v1  }
0x5d: {  	[tilespmem:$0x2B50] =	vst v1  }
0x5e: {  	[tilespmem:$0x2B60] =	vst v1  }
0x5f: {  	[tilespmem:$0x2B70] =	vst v1  }
0x60: {  	[tilespmem:$0x2B80] =	vst v1  }
0x61: {  	[tilespmem:$0x2B90] =	vst v1  }
0x62: {  	[tilespmem:$0x2BA0] =	vst v1  }
0x63: {  	[tilespmem:$0x2BB0] =	vst v1  }
0x64: {  	[tilespmem:$0x2BC0] =	vst v1  }
0x65: {  	[tilespmem:$0x2BD0] =	vst v1  }
0x66: {  	[tilespmem:$0x2BE0] =	vst v1  }
0x67: {  	[tilespmem:$0x2BF0] =	vst v1  }
0x68: {  	[tilespmem:$0x2C00] =	vst v1  }
0x69: {  	[tilespmem:$0x2C10] =	vst v1  }
0x6a: {  	[tilespmem:$0x2C20] =	vst v1  }
0x6b: {  	[tilespmem:$0x2C30] =	vst v1  }
0x6c: {  	[tilespmem:$0x2C40] =	vst v1  }
0x6d: {  	[tilespmem:$0x2C50] =	vst v1  }
0x6e: {  	[tilespmem:$0x2C60] =	vst v1  }
0x6f: {  	[tilespmem:$0x2C70] =	vst v1  }
0x70: {  	[tilespmem:$0x2C80] =	vst v1  }
0x71: {  	[tilespmem:$0x2C90] =	vst v1  }
0x72: {  	[tilespmem:$0x2CA0] =	vst v1  }
0x73: {  	[tilespmem:$0x2CB0] =	vst v1  }
0x74: {  	[tilespmem:$0x2CC0] =	vst v1  }
0x75: {  	[tilespmem:$0x2CD0] =	vst v1  }
0x76: {  	[tilespmem:$0x2CE0] =	vst v1  }
0x77: {  	[tilespmem:$0x2CF0] =	vst v1  }
0x78: {  	[tilespmem:$0x2D00] =	vst v1  }
0x79: {  	[tilespmem:$0x2D10] =	vst v1  }
0x7a: {  	[tilespmem:$0x2D20] =	vst v1  }
0x7b: {  	[tilespmem:$0x2D30] =	vst v1  }
0x7c: {  	[tilespmem:$0x2D40] =	vst v1  }
0x7d: {  	[tilespmem:$0x2D50] =	vst v1  }
0x7e: {  	[tilespmem:$0x2D60] =	vst v1  }
0x7f: {  	[tilespmem:$0x2D70] =	vst v1  }
0x80: {  	[tilespmem:$0x2D80] =	vst v1  }
0x81: {  	[tilespmem:$0x2D90] =	vst v1  }
0x82: {  	[tilespmem:$0x2DA0] =	vst v1  }
0x83: {  	[tilespmem:$0x2DB0] =	vst v1  }
0x84: {  	[tilespmem:$0x2DC0] =	vst v1  }
0x85: {  	[tilespmem:$0x2DD0] =	vst v1  }
0x86: {  	[tilespmem:$0x2DE0] =	vst v1  }
0x87: {  	[tilespmem:$0x2DF0] =	vst v1  }
0x88: {  	[tilespmem:$0x2E00] =	vst v1  }
0x89: {  	[tilespmem:$0x2E10] =	vst v1  }
0x8a: {  	[tilespmem:$0x2E20] =	vst v1  }
0x8b: {  	[tilespmem:$0x2E30] =	vst v1  }
0x8c: {  	[tilespmem:$0x2E40] =	vst v1  }
0x8d: {  	[tilespmem:$0x2E50] =	vst v1  }
0x8e: {  	[tilespmem:$0x2E60] =	vst v1  }
0x8f: {  	[tilespmem:$0x2E70] =	vst v1  }
0x90: {  	[tilespmem:$0x2E80] =	vst v1  }
0x91: {  	[tilespmem:$0x2E90] =	vst v1  }
0x92: {  	[tilespmem:$0x2EA0] =	vst v1  }
0x93: {  	[tilespmem:$0x2EB0] =	vst v1  }
0x94: {  	[tilespmem:$0x2EC0] =	vst v1  }
0x95: {  	[tilespmem:$0x2ED0] =	vst v1  }
0x96: {  	[tilespmem:$0x2EE0] =	vst v1  }
0x97: {  	[tilespmem:$0x2EF0] =	vst v1  }
0x98: {  	[tilespmem:$0x2F00] =	vst v1  }
0x99: {  	[tilespmem:$0x2F10] =	vst v1  }
0x9a: {  	[tilespmem:$0x2F20] =	vst v1  }
0x9b: {  	[tilespmem:$0x2F30] =	vst v1  }
0x9c: {  	[tilespmem:$0x2F40] =	vst v1  }
0x9d: {  	[tilespmem:$0x2F50] =	vst v1  }
0x9e: {  	[tilespmem:$0x2F60] =	vst v1  }
0x9f: {  	[tilespmem:$0x2F70] =	vst v1  }
0xa0: {  	[tilespmem:$0x2F80] =	vst v1  }
0xa1: {  	[tilespmem:$0x2F90] =	vst v1  }
0xa2: {  	[tilespmem:$0x2FA0] =	vst v1  }
0xa3: {  	[tilespmem:$0x2FB0] =	vst v1  }
0xa4: {  	[tilespmem:$0x2FC0] =	vst v1  }
0xa5: {  	[tilespmem:$0x2FD0] =	vst v1  }
0xa6: {  	[tilespmem:$0x2FE0] =	vst v1  }
0xa7: {  	[tilespmem:$0x2FF0] =	vst v1  }
0xa8: {  	s14 =	simm.s32 $0x0;
	[bflag:$0x0] =	sbarrier.arrive $0xFFFF  }
0xa9: {  	[tilespmem:s14], [sflag:$0x1] =	stream.linear.gather [hbm4b:s5+s14], $0x2800, $0x38;
	[tilespmem:$0x5900] =	vst v63  }
0xaa: {  	_ =	swait.ge [sflag:s9], $0x2800  }
0xab: {  	[sflag:s9] =	ssyncset.done $0x0  }
0xac: {  	s31 =	simm.s32 $0x0;
	[sflag:s9] =	ssyncadd.s32 $0xFFFFD800  }
0xad: {  	[spmem:s1] =	stream.indirect.scatter.add.f32 [tilespmem:s11], [sflag:$0x1], $0x10, s31, s10, $0xb8;
	[tilespmem:$0x5900] =	vst v63  }
0xae: {  	_ =	swait.ge [sflag:s9], $0x800  }
0xaf: {  	s14 =	simm.s32 $0x200;
	[sflag:s9] =	ssyncset.done $0x0  }
.LBB2_4:
0xb0: {  	s15 =	sshra.s32 s14, $0x2;
	[sflag:s9] =	ssyncadd.s32 $0xFFFFF800;
	p0 =	sne.s32 s14, $0x9E00  }
0xb1: {  	[spmem:s1] =	stream.indirect.scatter.add.f32 [tilespmem:s11], [sflag:$0x1], $0x10, s15, s10, $0xb8;
	[tilespmem:$0x5900] =	vst v63  }
.Ltmp1:
0xb2: {  	_ = 	snop;
	(pc) =	sbr.rel @p0 .LBB2_4-.Ltmp1, $4  }
0xb3: {  	_ = 	snop  }
0xb4: {  	s14 =	sadd.s32 $0x200, s14  }
0xb5: {  	_ =	swait.ge [sflag:s9], $0x800  }
0xb6: {  	[sflag:s9] =	ssyncset.done $0x0  }
0xb7: {  	s3 =	sadd.s32 $0x1, s3  }
0xb8: {  	[sflag:s9] =	ssyncadd.s32 $0xFFFFF800;
	p0 =	sne.s32 s3, s7  }
.Ltmp2:
0xb9: {  	[bflag:$0x0] =	sbarrier.arrive $0xFFFF;
	(pc) =	sbr.rel @p0 .LBB2_1-.Ltmp2, $4  }
0xba: {  	[hbm:s6], [sflag:s12] =	dma.local [spmem:s13], $0x4E2  }
0xbb: {  	_ =	swait.ge [sflag:s9], $0x4E2  }
0xbc: {  	[sflag:s9] =	ssyncset.done $0x0  }
0xbd: {  	[sflag:s9] =	ssyncadd.s32 $0xFFFFFB1E  }
0xbe: {  	_ =	sfence.sel $0x180000  }
0xbf: {  	[bflag:$0x0] =	sbarrier.arrive $0xFFFF  }
0xc0: {  	p0 =	sne.s32 s2, $0x0;
	_ =	strace $0x90000047  }
0xc1: {  	s0 =	sadd.s32 @!p0 $0x100000, s0;
	[bflag:$0x2] =	sbarrier.arrive $0xFFFF  }
0xc2: {  	[sflag:s0] =	ssyncadd.tile.s32 @!p0 $0x1;
	_ =	shalt  }
.Lfunc_end2:
_tile_overlayer_lowered:
.L_overlay_start_2:
0xc3: {  	(tag) =	ssettag $0x2  }
0xc4: {  	s0 =	rddreg [dreg:$0x0];
	s2 =	stileid.u32  }
0xc5: {  	s1 =	rddreg [dreg:$0x1];
	p0 =	sne.s32 s2, $0x0  }
0xc6: {  	s3 =	rddreg [dreg:$0x2];
	[bflag:$0x3] =	sbarrier.arrive $0xFFFF;
	s2 =	simm.s32 @!p0 $0x1C01  }
0xc7: {  	[timem:s3], [sflag:s2] =	dma.local @!p0 [hbm:s0], s1  }
0xc8: {  	s0 =	simm.s32 @!p0 $0x1  }
0xc9: {  	_ =	swait.ge @!p0 [sflag:s0], s1  }
0xca: {  	s1 =	ssub.s32 @!p0 $0x0, s1;
	[sflag:s0] =	ssyncset.done @!p0 $0x0  }
0xcb: {  	[sflag:s0] =	ssyncadd.s32 @!p0 s1  }
0xcc: {  	[bflag:$0x3] =	sbarrier.arrive $0xFFFF  }
0xcd: {  	_ =	shalt  }

</sc_bundles>
